<compile_context>
chip_gen: v7x
topology: tpu7x:2x2x1
jax: 0.10.2.dev20260603
libtpu: 0.0.44.dev20260713+nightly
codegen_flags: <defaults>
</compile_context>

<pallas_src>
import functools
import jax
import jax.numpy as jnp
from jax import lax
from jax.experimental import pallas as pl
from jax.experimental.pallas import tpu as pltpu
from jax.experimental.pallas import tpu_sc as plsc

N = 10000
E = 320000
D = 128
NC = 2
NS = 16
NW = NC * NS
CH = 128
NCHT = 2560
EPAD = NCHT * CH
EPW = EPAD // NW
M0 = 144
M1 = 16
PH = 16
NPAD = 10240
RPT = NPAD // NS
RB = 512
NG = NPAD // RB

_mesh = plsc.VectorSubcoreMesh(core_axis_name="c", subcore_axis_name="s")


@functools.partial(
    pl.kernel,
    out_type=jax.ShapeDtypeStruct((NC, NPAD), jnp.float32),
    mesh=_mesh,
    compiler_params=pltpu.CompilerParams(needs_layout_passes=False),
    scratch_types=[
        pltpu.VMEM((EPW,), jnp.int32),
        pltpu.VMEM((EPW,), jnp.float32),
        pltpu.VMEM((NPAD,), jnp.float32),
        pltpu.VMEM((NS, RPT), jnp.float32),
        pltpu.VMEM((RPT,), jnp.float32),
        pltpu.VMEM_SHARED((NS, NPAD), jnp.float32),
    ],
)
def _deg_kernel(dst_f, ew_f, degp, dstv, eww, degv, redv, outv, shared):
    c = lax.axis_index("c")
    s = lax.axis_index("s")
    wid = c * NS + s
    pltpu.sync_copy(dst_f.at[wid], dstv)
    pltpu.sync_copy(ew_f.at[wid], eww)

    zero16 = jnp.zeros((16,), jnp.float32)

    def _zero(i, _):
        degv[pl.ds(i * 16, 16)] = zero16
        return 0

    lax.fori_loop(0, NPAD // 16, _zero, 0)

    def _acc(i, _):
        d16 = dstv[pl.ds(i * 16, 16)]
        w16 = eww[pl.ds(i * 16, 16)]
        plsc.addupdate_scatter(degv, [d16], w16)
        return 0

    lax.fori_loop(0, EPW // 16, _acc, 0)

    pltpu.sync_copy(degv, shared.at[s])
    plsc.subcore_barrier()

    for p in range(NS):
        pltpu.sync_copy(shared.at[p, pl.ds(s * RPT, RPT)], redv.at[p])

    def _red(j, _):
        sl = pl.ds(j * 16, 16)
        acc = redv[0, sl]
        for p in range(1, NS):
            acc = acc + redv[p, sl]
        outv[sl] = acc
        return 0

    lax.fori_loop(0, RPT // 16, _red, 0)
    pltpu.sync_copy(outv, degp.at[c, pl.ds(s * RPT, RPT)])


@functools.partial(
    pl.kernel,
    out_type=jax.ShapeDtypeStruct((NC, NPAD, D), jnp.float32),
    mesh=_mesh,
    compiler_params=pltpu.CompilerParams(needs_layout_passes=False),
    scratch_types=[
        pltpu.VMEM((PH, CH), jnp.int32),
        pltpu.VMEM((PH, CH), jnp.int32),
        pltpu.VMEM((PH, CH), jnp.float32),
        pltpu.VMEM((CH, D), jnp.float32),
        pltpu.VMEM((CH, D), jnp.float32),
        pltpu.VMEM_SHARED((NPAD, D), jnp.float32),
        pltpu.SemaphoreType.DMA,
        pltpu.SemaphoreType.DMA,
        pltpu.SemaphoreType.DMA,
        pltpu.SemaphoreType.DMA,
    ],
)
def _agg(src_c, dst_c, ew_c, y, part, srcv, dstv, eww, rows0, rows1,
         shared, g0, g1, s0, s1):
    c = lax.axis_index("c")
    s = lax.axis_index("s")

    zero16 = jnp.zeros((16,), jnp.float32)

    def _zrow(r, _):
        for k in range(D // 16):
            rows0[r, pl.ds(k * 16, 16)] = zero16
        return 0

    lax.fori_loop(0, CH, _zrow, 0)
    for t in range(RPT // CH):
        pltpu.sync_copy(rows0, shared.at[pl.ds(s * RPT + t * CH, CH)])
    plsc.subcore_barrier()

    def _scale(rows_b, ci):
        @plsc.parallel_loop(0, CH, 1, unroll=2)
        def _row(r):
            w = plsc.load_gather(eww.at[ci], [jnp.full((16,), r, jnp.int32)])
            for k in range(D // 16):
                sl = pl.ds(k * 16, 16)
                rows_b[r, sl] = rows_b[r, sl] * w

    start = jnp.where(c == 0, s * M0, NS * M0 + s * M1)
    nph = jnp.where(c == 0, M0 // PH, M1 // PH)

    def _phase(p, _):
        base = start + p * PH
        pltpu.sync_copy(src_c.at[pl.ds(base, PH)], srcv)
        pltpu.sync_copy(dst_c.at[pl.ds(base, PH)], dstv)
        pltpu.sync_copy(ew_c.at[pl.ds(base, PH)], eww)
        pltpu.async_copy(y.at[srcv.at[0]], rows0, g0)
        pltpu.async_copy(y.at[srcv.at[1]], rows1, g1)

        def _pair(j, _):
            i0 = 2 * j
            i1 = i0 + 1
            pltpu.make_async_copy(y.at[srcv.at[i0]], rows0, g0).wait()
            _scale(rows0, i0)
            pltpu.async_copy(rows0, shared.at[dstv.at[i0]], s0, add=True)
            pltpu.make_async_copy(y.at[srcv.at[i1]], rows1, g1).wait()
            _scale(rows1, i1)
            pltpu.async_copy(rows1, shared.at[dstv.at[i1]], s1, add=True)
            pltpu.make_async_copy(rows0, shared.at[dstv.at[i0]], s0).wait()

            @pl.when(i0 + 2 < PH)
            def _():
                pltpu.async_copy(y.at[srcv.at[i0 + 2]], rows0, g0)

            pltpu.make_async_copy(rows1, shared.at[dstv.at[i1]], s1).wait()

            @pl.when(i1 + 2 < PH)
            def _():
                pltpu.async_copy(y.at[srcv.at[i1 + 2]], rows1, g1)

            return 0

        lax.fori_loop(0, PH // 2, _pair, 0)
        return 0

    lax.fori_loop(0, nph, _phase, 0)

    plsc.subcore_barrier()
    pltpu.sync_copy(shared.at[pl.ds(s * RPT, RPT)],
                    part.at[c, pl.ds(s * RPT, RPT)])


def _tc1_body(x_ref, w_ref, d0_ref, d1_ref, y_ref):
    deg = d0_ref[...] + d1_ref[...] + 1.0
    dinv = lax.rsqrt(deg)
    y_ref[...] = jnp.dot(x_ref[...], w_ref[...],
                         preferred_element_type=jnp.float32) * dinv


def _tc2_body(p0_ref, p1_ref, y1_ref, d0_ref, d1_ref, b_ref, w_ref, y2_ref):
    deg = d0_ref[...] + d1_ref[...] + 1.0
    dinv = lax.rsqrt(deg)
    h = jnp.maximum(dinv * (p0_ref[...] + p1_ref[...] + y1_ref[...])
                    + b_ref[...], 0.0)
    y2_ref[...] = jnp.dot(h, w_ref[...],
                          preferred_element_type=jnp.float32) * dinv


def _tc3_body(q0_ref, q1_ref, y2_ref, d0_ref, d1_ref, b_ref, o_ref):
    deg = d0_ref[...] + d1_ref[...] + 1.0
    dinv = lax.rsqrt(deg)
    o_ref[...] = dinv * (q0_ref[...] + q1_ref[...] + y2_ref[...]) + b_ref[...]


_row = pl.BlockSpec((RB, D), lambda i: (i, 0))
_col = pl.BlockSpec((RB, 1), lambda i: (i, 0))
_full = pl.BlockSpec((D, D), lambda i: (0, 0))
_bias = pl.BlockSpec((1, D), lambda i: (0, 0))
_out128 = jax.ShapeDtypeStruct((NPAD, D), jnp.float32)

_tc1 = pl.pallas_call(
    _tc1_body, grid=(NG,),
    in_specs=[_row, _full, _col, _col],
    out_specs=_row, out_shape=_out128)

_tc2 = pl.pallas_call(
    _tc2_body, grid=(NG,),
    in_specs=[_row, _row, _row, _col, _col, _bias, _full],
    out_specs=_row, out_shape=_out128)

_tc3 = pl.pallas_call(
    _tc3_body, grid=(NG,),
    in_specs=[_row, _row, _row, _col, _col, _bias],
    out_specs=_row, out_shape=_out128)


@jax.jit
def kernel(x, edge_idx, edge_wt, W1, b1, W2, b2):
    pad = EPAD - E
    src = jnp.pad(edge_idx[0], (0, pad))
    dst = jnp.pad(edge_idx[1], (0, pad))
    ew = jnp.pad(edge_wt, (0, pad))
    src_c = src.reshape(NCHT, CH)
    dst_c = dst.reshape(NCHT, CH)
    ew_c = ew.reshape(NCHT, CH)
    dst_f = dst.reshape(NW, EPW)
    ew_f = ew.reshape(NW, EPW)

    x_pad = jnp.pad(x, ((0, NPAD - N), (0, 0)))
    b1r = b1.reshape(1, D)
    b2r = b2.reshape(1, D)

    degp = _deg_kernel(dst_f, ew_f)
    d0 = degp[0].reshape(NPAD, 1)
    d1 = degp[1].reshape(NPAD, 1)

    y1 = _tc1(x_pad, W1, d0, d1)
    p = _agg(src_c, dst_c, ew_c, y1)
    y2 = _tc2(p[0], p[1], y1, d0, d1, b1r, W2)
    q = _agg(src_c, dst_c, ew_c, y2)
    out = _tc3(q[0], q[1], y2, d0, d1, b2r)
    return out[:N]

# --- scband reference (transcript-rebuilt; emitter-appended) ---
"""Pipeline reference for scband-weighted-gcnencoder-63642825392386 (READ-ONLY COPY).

The authoritative reference and input builder live on the scoring server;
editing this copy changes nothing except your own understanding.
"""

import jax, jax.numpy as jnp
import numpy as np

N = 10000
E = 320000
D_IN = 128
D_HID = 128
D_OUT = 128


def setup_inputs(seed: int = 0) -> dict:
    key = jax.random.key(seed)
    k1, k2, k3, k4, k5, k6, k7 = jax.random.split(key, 7)
    x = jax.random.normal(k1, (N, D_IN), dtype=jnp.float32)
    edge_idx = jax.random.randint(k2, (2, E), 0, N, dtype=jnp.int32)
    edge_wt = jax.random.uniform(k3, (E,), dtype=jnp.float32)
    # GCNConv params: lin (no bias) + separate bias added after aggregation
    W1 = jax.random.normal(k4, (D_IN, D_HID), dtype=jnp.float32) * (1.0 / np.sqrt(D_IN))
    b1 = jnp.zeros((D_HID,), dtype=jnp.float32)
    W2 = jax.random.normal(k5, (D_HID, D_OUT), dtype=jnp.float32) * (1.0 / np.sqrt(D_HID))
    b2 = jnp.zeros((D_OUT,), dtype=jnp.float32)
    return {"x": x, "edge_idx": edge_idx, "edge_wt": edge_wt,
            "W1": W1, "b1": b1, "W2": W2, "b2": b2}


def _gcn_conv(x, src, dst, ew, W, b):
    # symmetric normalization with edge weights (self-loops already appended)
    n = x.shape[0]
    deg = jnp.zeros((n,), dtype=x.dtype).at[dst].add(ew)
    deg_inv_sqrt = 1.0 / jnp.sqrt(deg)  # deg >= 1 due to self loops (weight 1)
    norm = deg_inv_sqrt[src] * ew * deg_inv_sqrt[dst]
    xw = x @ W
    msg = xw[src] * norm[:, None]
    out = jnp.zeros_like(xw).at[dst].add(msg)
    return out + b


def reference(x, edge_idx, edge_wt, W1, b1, W2, b2):
    n = x.shape[0]
    loop = jnp.arange(n, dtype=edge_idx.dtype)
    src = jnp.concatenate([edge_idx[0], loop])
    dst = jnp.concatenate([edge_idx[1], loop])
    ew = jnp.concatenate([edge_wt, jnp.ones((n,), dtype=x.dtype)])
    h = _gcn_conv(x, src, dst, ew, W1, b1)
    h = jax.nn.relu(h)
    # dropout: inference mode -> identity
    out = _gcn_conv(h, src, dst, ew, W2, b2)
    return out

if __name__ == "__main__":
    import jax
    _d = setup_inputs()
    print(jax.jit(kernel)(*tuple(_d.values())))

</pallas_src>

<mosaic_0001>
#map = affine_map<(d0, d1) -> (0, 0)>
#map1 = affine_map<(d0, d1) -> (0, 0, 0)>
module attributes {stable_mosaic.version = 14 : i64} {
  func.func @_agg(%arg0: i32, %arg1: i32, %arg2: memref<2560x128xi32, #tpu.memory_space<hbm>>, %arg3: memref<2560x128xi32, #tpu.memory_space<hbm>>, %arg4: memref<2560x128xf32, #tpu.memory_space<hbm>>, %arg5: memref<10240x128xf32, #tpu.memory_space<hbm>>, %arg6: memref<2x10240x128xf32, #tpu.memory_space<hbm>>, %arg7: memref<16x128xi32, #tpu.memory_space<vmem>>, %arg8: memref<16x128xi32, #tpu.memory_space<vmem>>, %arg9: memref<16x128xf32, #tpu.memory_space<vmem>>, %arg10: memref<128x128xf32, #tpu.memory_space<vmem>>, %arg11: memref<128x128xf32, #tpu.memory_space<vmem>>, %arg12: memref<10240x128xf32, #tpu.memory_space<vmem_shared>>, %arg13: memref<!tpu.dma_semaphore, #tpu.memory_space<semaphore_mem>>, %arg14: memref<!tpu.dma_semaphore, #tpu.memory_space<semaphore_mem>>, %arg15: memref<!tpu.dma_semaphore, #tpu.memory_space<semaphore_mem>>, %arg16: memref<!tpu.dma_semaphore, #tpu.memory_space<semaphore_mem>>) attributes {dimension_semantics = [#tpu.dimension_semantics<core_parallel>, #tpu.dimension_semantics<subcore_parallel>], iteration_bounds = array<i64: 2, 16>, scalar_prefetch = 0 : i64, scratch_operands = 10 : i64, tpu.core_type = #tpu.core_type<sc_vector_subcore>, window_params = [{transform_indices = #map}, {transform_indices = #map}, {transform_indices = #map}, {transform_indices = #map}, {transform_indices = #map1}]} {
    %broadcast_in_dim3A = arith.constant 0.000000e+00 : f32
    %broadcast_in_dim3A_0 = vector.broadcast %broadcast_in_dim3A : f32 to vector<16xf32>
    %scan3A = arith.constant 0 : i32
    %scan3A_1 = arith.constant 0 : i32
    %scan3A_2 = arith.constant 128 : i32
    %scan3A_3 = arith.addi %scan3A_1, %scan3A_2 : i32
    %scan3A_4 = arith.constant 1 : i32
    %scan3A_5 = scf.for %scan3A_52 = %scan3A_1 to %scan3A_3 step %scan3A_4 iter_args(%scan3A_53 = %scan3A) -> (i32)  : i32 {
      %swap3A = arith.index_cast %scan3A_52 : i32 to index
      %swap3A_54 = arith.constant 0 : index
      %swap3A_55 = tpu.vector_load %arg10[%swap3A, %swap3A_54] {strides = array<i32>} : memref<128x128xf32, #tpu.memory_space<vmem>>, vector<16xf32>,
      tpu.vector_store %arg10[%swap3A, %swap3A_54], %broadcast_in_dim3A_0 {strides = array<i32>} : memref<128x128xf32, #tpu.memory_space<vmem>>, vector<16xf32>,
      %swap3A_56 = arith.index_cast %scan3A_52 : i32 to index
      %swap3A_57 = arith.constant 16 : index
      %swap3A_58 = tpu.vector_load %arg10[%swap3A_56, %swap3A_57] {strides = array<i32>} : memref<128x128xf32, #tpu.memory_space<vmem>>, vector<16xf32>,
      tpu.vector_store %arg10[%swap3A_56, %swap3A_57], %broadcast_in_dim3A_0 {strides = array<i32>} : memref<128x128xf32, #tpu.memory_space<vmem>>, vector<16xf32>,
      %swap3A_59 = arith.index_cast %scan3A_52 : i32 to index
      %swap3A_60 = arith.constant 32 : index
      %swap3A_61 = tpu.vector_load %arg10[%swap3A_59, %swap3A_60] {strides = array<i32>} : memref<128x128xf32, #tpu.memory_space<vmem>>, vector<16xf32>,
      tpu.vector_store %arg10[%swap3A_59, %swap3A_60], %broadcast_in_dim3A_0 {strides = array<i32>} : memref<128x128xf32, #tpu.memory_space<vmem>>, vector<16xf32>,
      %swap3A_62 = arith.index_cast %scan3A_52 : i32 to index
      %swap3A_63 = arith.constant 48 : index
      %swap3A_64 = tpu.vector_load %arg10[%swap3A_62, %swap3A_63] {strides = array<i32>} : memref<128x128xf32, #tpu.memory_space<vmem>>, vector<16xf32>,
      tpu.vector_store %arg10[%swap3A_62, %swap3A_63], %broadcast_in_dim3A_0 {strides = array<i32>} : memref<128x128xf32, #tpu.memory_space<vmem>>, vector<16xf32>,
      %swap3A_65 = arith.index_cast %scan3A_52 : i32 to index
      %swap3A_66 = arith.constant 64 : index
      %swap3A_67 = tpu.vector_load %arg10[%swap3A_65, %swap3A_66] {strides = array<i32>} : memref<128x128xf32, #tpu.memory_space<vmem>>, vector<16xf32>,
      tpu.vector_store %arg10[%swap3A_65, %swap3A_66], %broadcast_in_dim3A_0 {strides = array<i32>} : memref<128x128xf32, #tpu.memory_space<vmem>>, vector<16xf32>,
      %swap3A_68 = arith.index_cast %scan3A_52 : i32 to index
      %swap3A_69 = arith.constant 80 : index
      %swap3A_70 = tpu.vector_load %arg10[%swap3A_68, %swap3A_69] {strides = array<i32>} : memref<128x128xf32, #tpu.memory_space<vmem>>, vector<16xf32>,
      tpu.vector_store %arg10[%swap3A_68, %swap3A_69], %broadcast_in_dim3A_0 {strides = array<i32>} : memref<128x128xf32, #tpu.memory_space<vmem>>, vector<16xf32>,
      %swap3A_71 = arith.index_cast %scan3A_52 : i32 to index
      %swap3A_72 = arith.constant 96 : index
      %swap3A_73 = tpu.vector_load %arg10[%swap3A_71, %swap3A_72] {strides = array<i32>} : memref<128x128xf32, #tpu.memory_space<vmem>>, vector<16xf32>,
      tpu.vector_store %arg10[%swap3A_71, %swap3A_72], %broadcast_in_dim3A_0 {strides = array<i32>} : memref<128x128xf32, #tpu.memory_space<vmem>>, vector<16xf32>,
      %swap3A_74 = arith.index_cast %scan3A_52 : i32 to index
      %swap3A_75 = arith.constant 112 : index
      %swap3A_76 = tpu.vector_load %arg10[%swap3A_74, %swap3A_75] {strides = array<i32>} : memref<128x128xf32, #tpu.memory_space<vmem>>, vector<16xf32>,
      tpu.vector_store %arg10[%swap3A_74, %swap3A_75], %broadcast_in_dim3A_0 {strides = array<i32>} : memref<128x128xf32, #tpu.memory_space<vmem>>, vector<16xf32>,
      %scan3A_77 = arith.constant 0 : i32
      scf.yield %scan3A_77 : i32
    }
    %scan3A_6 = arith.constant 128 : i32
    %mul3A = arith.constant 640 : i32
    %mul3A_7 = arith.muli %arg1, %mul3A : i32
    %add3A = arith.constant 0 : i32
    %add3A_8 = arith.addi %mul3A_7, %add3A : i32
    "tpu.region"() ({
      %run_scoped3A = tpu.sem_alloc : memref<!tpu.dma_semaphore, #tpu.memory_space<semaphore_mem>>
      %dma_start3A = arith.constant 0 : i32
      %dma_start3A_52 = tpu.memref_slice %arg12[%add3A_8, %dma_start3A] : memref<10240x128xf32, #tpu.memory_space<vmem_shared>> -> memref<128x128xf32, #tpu.memory_space<vmem_shared>>
      %dma_start3A_53 = arith.constant 0 : i32
      %dma_start3A_54 = tpu.memref_slice %arg12[%add3A_8, %dma_start3A_53] : memref<10240x128xf32, #tpu.memory_space<vmem_shared>> -> memref<128x128xf32, #tpu.memory_space<vmem_shared>>
      tpu.enqueue_dma source(%arg10 : memref<128x128xf32, #tpu.memory_space<vmem>>) target(%dma_start3A_54 : memref<128x128xf32, #tpu.memory_space<vmem_shared>>) target_semaphore(%run_scoped3A : memref<!tpu.dma_semaphore, #tpu.memory_space<semaphore_mem>>)
      %dma_wait3A = arith.constant 0 : i32
      %dma_wait3A_55 = tpu.memref_slice %arg12[%add3A_8, %dma_wait3A] : memref<10240x128xf32, #tpu.memory_space<vmem_shared>> -> memref<128x128xf32, #tpu.memory_space<vmem_shared>>
      %dma_wait3A_56 = arith.constant 0 : i32
      %dma_wait3A_57 = tpu.memref_slice %arg12[%add3A_8, %dma_wait3A_56] : memref<10240x128xf32, #tpu.memory_space<vmem_shared>> -> memref<128x128xf32, #tpu.memory_space<vmem_shared>>
      tpu.wait_dma2 semaphore(%run_scoped3A : memref<!tpu.dma_semaphore, #tpu.memory_space<semaphore_mem>>) src(%arg10 : memref<128x128xf32, #tpu.memory_space<vmem>>) dst(%dma_wait3A_57 : memref<128x128xf32, #tpu.memory_space<vmem_shared>>)
      tpu.yield
    }) : () -> ()
    %mul3A_9 = arith.constant 640 : i32
    %mul3A_10 = arith.muli %arg1, %mul3A_9 : i32
    %add3A_11 = arith.constant 128 : i32
    %add3A_12 = arith.addi %mul3A_10, %add3A_11 : i32
    "tpu.region"() ({
      %run_scoped3A = tpu.sem_alloc : memref<!tpu.dma_semaphore, #tpu.memory_space<semaphore_mem>>
      %dma_start3A = arith.constant 0 : i32
      %dma_start3A_52 = tpu.memref_slice %arg12[%add3A_12, %dma_start3A] : memref<10240x128xf32, #tpu.memory_space<vmem_shared>> -> memref<128x128xf32, #tpu.memory_space<vmem_shared>>
      %dma_start3A_53 = arith.constant 0 : i32
      %dma_start3A_54 = tpu.memref_slice %arg12[%add3A_12, %dma_start3A_53] : memref<10240x128xf32, #tpu.memory_space<vmem_shared>> -> memref<128x128xf32, #tpu.memory_space<vmem_shared>>
      tpu.enqueue_dma source(%arg10 : memref<128x128xf32, #tpu.memory_space<vmem>>) target(%dma_start3A_54 : memref<128x128xf32, #tpu.memory_space<vmem_shared>>) target_semaphore(%run_scoped3A : memref<!tpu.dma_semaphore, #tpu.memory_space<semaphore_mem>>)
      %dma_wait3A = arith.constant 0 : i32
      %dma_wait3A_55 = tpu.memref_slice %arg12[%add3A_12, %dma_wait3A] : memref<10240x128xf32, #tpu.memory_space<vmem_shared>> -> memref<128x128xf32, #tpu.memory_space<vmem_shared>>
      %dma_wait3A_56 = arith.constant 0 : i32
      %dma_wait3A_57 = tpu.memref_slice %arg12[%add3A_12, %dma_wait3A_56] : memref<10240x128xf32, #tpu.memory_space<vmem_shared>> -> memref<128x128xf32, #tpu.memory_space<vmem_shared>>
      tpu.wait_dma2 semaphore(%run_scoped3A : memref<!tpu.dma_semaphore, #tpu.memory_space<semaphore_mem>>) src(%arg10 : memref<128x128xf32, #tpu.memory_space<vmem>>) dst(%dma_wait3A_57 : memref<128x128xf32, #tpu.memory_space<vmem_shared>>)
      tpu.yield
    }) : () -> ()
    %mul3A_13 = arith.constant 640 : i32
    %mul3A_14 = arith.muli %arg1, %mul3A_13 : i32
    %add3A_15 = arith.constant 256 : i32
    %add3A_16 = arith.addi %mul3A_14, %add3A_15 : i32
    "tpu.region"() ({
      %run_scoped3A = tpu.sem_alloc : memref<!tpu.dma_semaphore, #tpu.memory_space<semaphore_mem>>
      %dma_start3A = arith.constant 0 : i32
      %dma_start3A_52 = tpu.memref_slice %arg12[%add3A_16, %dma_start3A] : memref<10240x128xf32, #tpu.memory_space<vmem_shared>> -> memref<128x128xf32, #tpu.memory_space<vmem_shared>>
      %dma_start3A_53 = arith.constant 0 : i32
      %dma_start3A_54 = tpu.memref_slice %arg12[%add3A_16, %dma_start3A_53] : memref<10240x128xf32, #tpu.memory_space<vmem_shared>> -> memref<128x128xf32, #tpu.memory_space<vmem_shared>>
      tpu.enqueue_dma source(%arg10 : memref<128x128xf32, #tpu.memory_space<vmem>>) target(%dma_start3A_54 : memref<128x128xf32, #tpu.memory_space<vmem_shared>>) target_semaphore(%run_scoped3A : memref<!tpu.dma_semaphore, #tpu.memory_space<semaphore_mem>>)
      %dma_wait3A = arith.constant 0 : i32
      %dma_wait3A_55 = tpu.memref_slice %arg12[%add3A_16, %dma_wait3A] : memref<10240x128xf32, #tpu.memory_space<vmem_shared>> -> memref<128x128xf32, #tpu.memory_space<vmem_shared>>
      %dma_wait3A_56 = arith.constant 0 : i32
      %dma_wait3A_57 = tpu.memref_slice %arg12[%add3A_16, %dma_wait3A_56] : memref<10240x128xf32, #tpu.memory_space<vmem_shared>> -> memref<128x128xf32, #tpu.memory_space<vmem_shared>>
      tpu.wait_dma2 semaphore(%run_scoped3A : memref<!tpu.dma_semaphore, #tpu.memory_space<semaphore_mem>>) src(%arg10 : memref<128x128xf32, #tpu.memory_space<vmem>>) dst(%dma_wait3A_57 : memref<128x128xf32, #tpu.memory_space<vmem_shared>>)
      tpu.yield
    }) : () -> ()
    %mul3A_17 = arith.constant 640 : i32
    %mul3A_18 = arith.muli %arg1, %mul3A_17 : i32
    %add3A_19 = arith.constant 384 : i32
    %add3A_20 = arith.addi %mul3A_18, %add3A_19 : i32
    "tpu.region"() ({
      %run_scoped3A = tpu.sem_alloc : memref<!tpu.dma_semaphore, #tpu.memory_space<semaphore_mem>>
      %dma_start3A = arith.constant 0 : i32
      %dma_start3A_52 = tpu.memref_slice %arg12[%add3A_20, %dma_start3A] : memref<10240x128xf32, #tpu.memory_space<vmem_shared>> -> memref<128x128xf32, #tpu.memory_space<vmem_shared>>
      %dma_start3A_53 = arith.constant 0 : i32
      %dma_start3A_54 = tpu.memref_slice %arg12[%add3A_20, %dma_start3A_53] : memref<10240x128xf32, #tpu.memory_space<vmem_shared>> -> memref<128x128xf32, #tpu.memory_space<vmem_shared>>
      tpu.enqueue_dma source(%arg10 : memref<128x128xf32, #tpu.memory_space<vmem>>) target(%dma_start3A_54 : memref<128x128xf32, #tpu.memory_space<vmem_shared>>) target_semaphore(%run_scoped3A : memref<!tpu.dma_semaphore, #tpu.memory_space<semaphore_mem>>)
      %dma_wait3A = arith.constant 0 : i32
      %dma_wait3A_55 = tpu.memref_slice %arg12[%add3A_20, %dma_wait3A] : memref<10240x128xf32, #tpu.memory_space<vmem_shared>> -> memref<128x128xf32, #tpu.memory_space<vmem_shared>>
      %dma_wait3A_56 = arith.constant 0 : i32
      %dma_wait3A_57 = tpu.memref_slice %arg12[%add3A_20, %dma_wait3A_56] : memref<10240x128xf32, #tpu.memory_space<vmem_shared>> -> memref<128x128xf32, #tpu.memory_space<vmem_shared>>
      tpu.wait_dma2 semaphore(%run_scoped3A : memref<!tpu.dma_semaphore, #tpu.memory_space<semaphore_mem>>) src(%arg10 : memref<128x128xf32, #tpu.memory_space<vmem>>) dst(%dma_wait3A_57 : memref<128x128xf32, #tpu.memory_space<vmem_shared>>)
      tpu.yield
    }) : () -> ()
    %mul3A_21 = arith.constant 640 : i32
    %mul3A_22 = arith.muli %arg1, %mul3A_21 : i32
    %add3A_23 = arith.constant 512 : i32
    %add3A_24 = arith.addi %mul3A_22, %add3A_23 : i32
    "tpu.region"() ({
      %run_scoped3A = tpu.sem_alloc : memref<!tpu.dma_semaphore, #tpu.memory_space<semaphore_mem>>
      %dma_start3A = arith.constant 0 : i32
      %dma_start3A_52 = tpu.memref_slice %arg12[%add3A_24, %dma_start3A] : memref<10240x128xf32, #tpu.memory_space<vmem_shared>> -> memref<128x128xf32, #tpu.memory_space<vmem_shared>>
      %dma_start3A_53 = arith.constant 0 : i32
      %dma_start3A_54 = tpu.memref_slice %arg12[%add3A_24, %dma_start3A_53] : memref<10240x128xf32, #tpu.memory_space<vmem_shared>> -> memref<128x128xf32, #tpu.memory_space<vmem_shared>>
      tpu.enqueue_dma source(%arg10 : memref<128x128xf32, #tpu.memory_space<vmem>>) target(%dma_start3A_54 : memref<128x128xf32, #tpu.memory_space<vmem_shared>>) target_semaphore(%run_scoped3A : memref<!tpu.dma_semaphore, #tpu.memory_space<semaphore_mem>>)
      %dma_wait3A = arith.constant 0 : i32
      %dma_wait3A_55 = tpu.memref_slice %arg12[%add3A_24, %dma_wait3A] : memref<10240x128xf32, #tpu.memory_space<vmem_shared>> -> memref<128x128xf32, #tpu.memory_space<vmem_shared>>
      %dma_wait3A_56 = arith.constant 0 : i32
      %dma_wait3A_57 = tpu.memref_slice %arg12[%add3A_24, %dma_wait3A_56] : memref<10240x128xf32, #tpu.memory_space<vmem_shared>> -> memref<128x128xf32, #tpu.memory_space<vmem_shared>>
      tpu.wait_dma2 semaphore(%run_scoped3A : memref<!tpu.dma_semaphore, #tpu.memory_space<semaphore_mem>>) src(%arg10 : memref<128x128xf32, #tpu.memory_space<vmem>>) dst(%dma_wait3A_57 : memref<128x128xf32, #tpu.memory_space<vmem_shared>>)
      tpu.yield
    }) : () -> ()
    %barrier3A = arith.constant 0 : index
    tpu.barrier barrier_id(%barrier3A)
    %eq3A = arith.constant 0 : i32
    %eq3A_25 = arith.cmpi eq, %arg0, %eq3A : i32
    %mul3A_26 = arith.constant 144 : i32
    %mul3A_27 = arith.muli %arg1, %mul3A_26 : i32
    %mul3A_28 = arith.constant 16 : i32
    %mul3A_29 = arith.muli %arg1, %mul3A_28 : i32
    %add3A_30 = arith.constant 2304 : i32
    %add3A_31 = arith.addi %add3A_30, %mul3A_29 : i32
    %select_n3A = arith.select %eq3A_25, %mul3A_27, %add3A_31 : i32
    %eq3A_32 = arith.constant 0 : i32
    %eq3A_33 = arith.cmpi eq, %arg0, %eq3A_32 : i32
    %jit3A = arith.constant 9 : i32
    %jit3A_34 = arith.constant 1 : i32
    %select_n3A_35 = arith.select %eq3A_33, %jit3A, %jit3A_34 : i32
    %while3A = arith.constant 0 : i32
    %while3A_36 = arith.constant 0 : i32
    %while3A_37 = arith.subi %select_n3A_35, %while3A : i32
    %while3A_38 = arith.addi %while3A, %while3A_37 : i32
    %while3A_39 = arith.constant 1 : i32
    %while3A_40 = arith.divsi %while3A_37, %while3A_39 : i32
    %while3A_41 = arith.muli %while3A_40, %while3A_39 : i32
    %while3A_42 = arith.addi %while3A, %while3A_41 : i32
    %while3A_43 = arith.constant 1 : i32
    %while3A_44 = scf.for %while3A_52 = %while3A to %while3A_42 step %while3A_43 iter_args(%while3A_53 = %while3A_36) -> (i32)  : i32 {
      %mul3A_54 = arith.constant 16 : i32
      %mul3A_55 = arith.muli %while3A_52, %mul3A_54 : i32
      %add3A_56 = arith.addi %select_n3A, %mul3A_55 : i32
      "tpu.region"() ({
        %run_scoped3A = tpu.sem_alloc : memref<!tpu.dma_semaphore, #tpu.memory_space<semaphore_mem>>
        %dma_start3A_78 = arith.constant 0 : i32
        %dma_start3A_79 = tpu.memref_slice %arg2[%add3A_56, %dma_start3A_78] : memref<2560x128xi32, #tpu.memory_space<hbm>> -> memref<16x128xi32, #tpu.memory_space<hbm>>
        %dma_start3A_80 = arith.constant 0 : i32
        %dma_start3A_81 = tpu.memref_slice %arg2[%add3A_56, %dma_start3A_80] : memref<2560x128xi32, #tpu.memory_space<hbm>> -> memref<16x128xi32, #tpu.memory_space<hbm>>
        tpu.enqueue_dma source(%dma_start3A_81 : memref<16x128xi32, #tpu.memory_space<hbm>>) target(%arg7 : memref<16x128xi32, #tpu.memory_space<vmem>>) target_semaphore(%run_scoped3A : memref<!tpu.dma_semaphore, #tpu.memory_space<semaphore_mem>>)
        %dma_wait3A = arith.constant 0 : i32
        %dma_wait3A_82 = tpu.memref_slice %arg2[%add3A_56, %dma_wait3A] : memref<2560x128xi32, #tpu.memory_space<hbm>> -> memref<16x128xi32, #tpu.memory_space<hbm>>
        %dma_wait3A_83 = arith.constant 0 : i32
        %dma_wait3A_84 = tpu.memref_slice %arg2[%add3A_56, %dma_wait3A_83] : memref<2560x128xi32, #tpu.memory_space<hbm>> -> memref<16x128xi32, #tpu.memory_space<hbm>>
        tpu.wait_dma2 semaphore(%run_scoped3A : memref<!tpu.dma_semaphore, #tpu.memory_space<semaphore_mem>>) src(%dma_wait3A_84 : memref<16x128xi32, #tpu.memory_space<hbm>>) dst(%arg7 : memref<16x128xi32, #tpu.memory_space<vmem>>)
        tpu.yield
      }) : () -> ()
      "tpu.region"() ({
        %run_scoped3A = tpu.sem_alloc : memref<!tpu.dma_semaphore, #tpu.memory_space<semaphore_mem>>
        %dma_start3A_78 = arith.constant 0 : i32
        %dma_start3A_79 = tpu.memref_slice %arg3[%add3A_56, %dma_start3A_78] : memref<2560x128xi32, #tpu.memory_space<hbm>> -> memref<16x128xi32, #tpu.memory_space<hbm>>
        %dma_start3A_80 = arith.constant 0 : i32
        %dma_start3A_81 = tpu.memref_slice %arg3[%add3A_56, %dma_start3A_80] : memref<2560x128xi32, #tpu.memory_space<hbm>> -> memref<16x128xi32, #tpu.memory_space<hbm>>
        tpu.enqueue_dma source(%dma_start3A_81 : memref<16x128xi32, #tpu.memory_space<hbm>>) target(%arg8 : memref<16x128xi32, #tpu.memory_space<vmem>>) target_semaphore(%run_scoped3A : memref<!tpu.dma_semaphore, #tpu.memory_space<semaphore_mem>>)
        %dma_wait3A = arith.constant 0 : i32
        %dma_wait3A_82 = tpu.memref_slice %arg3[%add3A_56, %dma_wait3A] : memref<2560x128xi32, #tpu.memory_space<hbm>> -> memref<16x128xi32, #tpu.memory_space<hbm>>
        %dma_wait3A_83 = arith.constant 0 : i32
        %dma_wait3A_84 = tpu.memref_slice %arg3[%add3A_56, %dma_wait3A_83] : memref<2560x128xi32, #tpu.memory_space<hbm>> -> memref<16x128xi32, #tpu.memory_space<hbm>>
        tpu.wait_dma2 semaphore(%run_scoped3A : memref<!tpu.dma_semaphore, #tpu.memory_space<semaphore_mem>>) src(%dma_wait3A_84 : memref<16x128xi32, #tpu.memory_space<hbm>>) dst(%arg8 : memref<16x128xi32, #tpu.memory_space<vmem>>)
        tpu.yield
      }) : () -> ()
      "tpu.region"() ({
        %run_scoped3A = tpu.sem_alloc : memref<!tpu.dma_semaphore, #tpu.memory_space<semaphore_mem>>
        %dma_start3A_78 = arith.constant 0 : i32
        %dma_start3A_79 = tpu.memref_slice %arg4[%add3A_56, %dma_start3A_78] : memref<2560x128xf32, #tpu.memory_space<hbm>> -> memref<16x128xf32, #tpu.memory_space<hbm>>
        %dma_start3A_80 = arith.constant 0 : i32
        %dma_start3A_81 = tpu.memref_slice %arg4[%add3A_56, %dma_start3A_80] : memref<2560x128xf32, #tpu.memory_space<hbm>> -> memref<16x128xf32, #tpu.memory_space<hbm>>
        tpu.enqueue_dma source(%dma_start3A_81 : memref<16x128xf32, #tpu.memory_space<hbm>>) target(%arg9 : memref<16x128xf32, #tpu.memory_space<vmem>>) target_semaphore(%run_scoped3A : memref<!tpu.dma_semaphore, #tpu.memory_space<semaphore_mem>>)
        %dma_wait3A = arith.constant 0 : i32
        %dma_wait3A_82 = tpu.memref_slice %arg4[%add3A_56, %dma_wait3A] : memref<2560x128xf32, #tpu.memory_space<hbm>> -> memref<16x128xf32, #tpu.memory_space<hbm>>
        %dma_wait3A_83 = arith.constant 0 : i32
        %dma_wait3A_84 = tpu.memref_slice %arg4[%add3A_56, %dma_wait3A_83] : memref<2560x128xf32, #tpu.memory_space<hbm>> -> memref<16x128xf32, #tpu.memory_space<hbm>>
        tpu.wait_dma2 semaphore(%run_scoped3A : memref<!tpu.dma_semaphore, #tpu.memory_space<semaphore_mem>>) src(%dma_wait3A_84 : memref<16x128xf32, #tpu.memory_space<hbm>>) dst(%arg9 : memref<16x128xf32, #tpu.memory_space<vmem>>)
        tpu.yield
      }) : () -> ()
      %dma_start3A = arith.constant 0 : i32
      %dma_start3A_57 = arith.constant 0 : i32
      %dma_start3A_58 = tpu.memref_slice %arg7[%dma_start3A, %dma_start3A_57] : memref<16x128xi32, #tpu.memory_space<vmem>> -> memref<1x128xi32, #tpu.memory_space<vmem>>
      %dma_start3A_59 = tpu.memref_squeeze %dma_start3A_58 : memref<1x128xi32, #tpu.memory_space<vmem>> -> memref<128xi32, #tpu.memory_space<vmem>>
      %dma_start3A_60 = arith.constant 0 : i32
      %dma_start3A_61 = arith.constant 0 : i32
      %dma_start3A_62 = tpu.memref_slice %arg5[%dma_start3A_60, %dma_start3A_61] : memref<10240x128xf32, #tpu.memory_space<hbm>> -> memref<10240x128xf32, #tpu.memory_space<hbm>>
      tpu.enqueue_indirect_dma source(%dma_start3A_62 : memref<10240x128xf32, #tpu.memory_space<hbm>>) target(%arg10 : memref<128x128xf32, #tpu.memory_space<vmem>>) offsets(%dma_start3A_59 : memref<128xi32, #tpu.memory_space<vmem>>) semaphore(%arg13 : memref<!tpu.dma_semaphore, #tpu.memory_space<semaphore_mem>>)
      %dma_start3A_63 = arith.constant 1 : i32
      %dma_start3A_64 = arith.constant 0 : i32
      %dma_start3A_65 = tpu.memref_slice %arg7[%dma_start3A_63, %dma_start3A_64] : memref<16x128xi32, #tpu.memory_space<vmem>> -> memref<1x128xi32, #tpu.memory_space<vmem>>
      %dma_start3A_66 = tpu.memref_squeeze %dma_start3A_65 : memref<1x128xi32, #tpu.memory_space<vmem>> -> memref<128xi32, #tpu.memory_space<vmem>>
      %dma_start3A_67 = arith.constant 0 : i32
      %dma_start3A_68 = arith.constant 0 : i32
      %dma_start3A_69 = tpu.memref_slice %arg5[%dma_start3A_67, %dma_start3A_68] : memref<10240x128xf32, #tpu.memory_space<hbm>> -> memref<10240x128xf32, #tpu.memory_space<hbm>>
      tpu.enqueue_indirect_dma source(%dma_start3A_69 : memref<10240x128xf32, #tpu.memory_space<hbm>>) target(%arg11 : memref<128x128xf32, #tpu.memory_space<vmem>>) offsets(%dma_start3A_66 : memref<128xi32, #tpu.memory_space<vmem>>) semaphore(%arg14 : memref<!tpu.dma_semaphore, #tpu.memory_space<semaphore_mem>>)
      %scan3A_70 = arith.constant 0 : i32
      %scan3A_71 = arith.constant 0 : i32
      %scan3A_72 = arith.constant 8 : i32
      %scan3A_73 = arith.addi %scan3A_71, %scan3A_72 : i32
      %scan3A_74 = arith.constant 1 : i32
      %scan3A_75 = scf.for %scan3A_78 = %scan3A_71 to %scan3A_73 step %scan3A_74 iter_args(%scan3A_79 = %scan3A_70) -> (i32)  : i32 {
        %mul3A_80 = arith.constant 2 : i32
        %mul3A_81 = arith.muli %mul3A_80, %scan3A_78 : i32
        %add3A_82 = arith.constant 1 : i32
        %add3A_83 = arith.addi %mul3A_81, %add3A_82 : i32
        %dma_wait3A = arith.constant 0 : i32
        %dma_wait3A_84 = tpu.memref_slice %arg7[%mul3A_81, %dma_wait3A] : memref<16x128xi32, #tpu.memory_space<vmem>> -> memref<1x128xi32, #tpu.memory_space<vmem>>
        %dma_wait3A_85 = tpu.memref_squeeze %dma_wait3A_84 : memref<1x128xi32, #tpu.memory_space<vmem>> -> memref<128xi32, #tpu.memory_space<vmem>>
        %dma_wait3A_86 = arith.constant 0 : i32
        %dma_wait3A_87 = arith.constant 0 : i32
        %dma_wait3A_88 = tpu.memref_slice %arg5[%dma_wait3A_86, %dma_wait3A_87] : memref<10240x128xf32, #tpu.memory_space<hbm>> -> memref<10240x128xf32, #tpu.memory_space<hbm>>
        tpu.wait_indirect_dma semaphore(%arg13 : memref<!tpu.dma_semaphore, #tpu.memory_space<semaphore_mem>>) src(%dma_wait3A_88 : memref<10240x128xf32, #tpu.memory_space<hbm>>) dst(%arg10 : memref<128x128xf32, #tpu.memory_space<vmem>>)
        %parallel_loop3A = arith.constant 0 : i32
        %parallel_loop3A_89 = arith.constant 128 : i32
        %parallel_loop3A_90 = arith.constant 1 : i32
        scf.for %parallel_loop3A_136 = %parallel_loop3A to %parallel_loop3A_89 step %parallel_loop3A_90  : i32 {
          %parallel_loop3A_137 = vector.broadcast %parallel_loop3A_136 : i32 to vector<16xi32>
          %parallel_loop3A_138 = arith.constant 0 : i32
          %parallel_loop3A_139 = tpu.memref_slice %arg9[%mul3A_81, %parallel_loop3A_138] : memref<16x128xf32, #tpu.memory_space<vmem>> -> memref<1x128xf32, #tpu.memory_space<vmem>>
          %parallel_loop3A_140 = tpu.memref_squeeze %parallel_loop3A_139 : memref<1x128xf32, #tpu.memory_space<vmem>> -> memref<128xf32, #tpu.memory_space<vmem>>
          %parallel_loop3A_141 = tpu.vector_load_idx %parallel_loop3A_140[%parallel_loop3A_137] : memref<128xf32, #tpu.memory_space<vmem>>[vector<16xi32>], vector<16xf32>,
          %parallel_loop3A_142 = arith.index_cast %parallel_loop3A_136 : i32 to index
          %parallel_loop3A_143 = arith.constant 0 : index
          %parallel_loop3A_144 = tpu.vector_load %arg10[%parallel_loop3A_142, %parallel_loop3A_143] {strides = array<i32>} : memref<128x128xf32, #tpu.memory_space<vmem>>, vector<16xf32>,
          %parallel_loop3A_145 = arith.mulf %parallel_loop3A_144, %parallel_loop3A_141 : vector<16xf32>
          %parallel_loop3A_146 = arith.index_cast %parallel_loop3A_136 : i32 to index
          %parallel_loop3A_147 = arith.constant 0 : index
          %parallel_loop3A_148 = tpu.vector_load %arg10[%parallel_loop3A_146, %parallel_loop3A_147] {strides = array<i32>} : memref<128x128xf32, #tpu.memory_space<vmem>>, vector<16xf32>,
          tpu.vector_store %arg10[%parallel_loop3A_146, %parallel_loop3A_147], %parallel_loop3A_145 {strides = array<i32>} : memref<128x128xf32, #tpu.memory_space<vmem>>, vector<16xf32>,
          %parallel_loop3A_149 = arith.index_cast %parallel_loop3A_136 : i32 to index
          %parallel_loop3A_150 = arith.constant 16 : index
          %parallel_loop3A_151 = tpu.vector_load %arg10[%parallel_loop3A_149, %parallel_loop3A_150] {strides = array<i32>} : memref<128x128xf32, #tpu.memory_space<vmem>>, vector<16xf32>,
          %parallel_loop3A_152 = arith.mulf %parallel_loop3A_151, %parallel_loop3A_141 : vector<16xf32>
          %parallel_loop3A_153 = arith.index_cast %parallel_loop3A_136 : i32 to index
          %parallel_loop3A_154 = arith.constant 16 : index
          %parallel_loop3A_155 = tpu.vector_load %arg10[%parallel_loop3A_153, %parallel_loop3A_154] {strides = array<i32>} : memref<128x128xf32, #tpu.memory_space<vmem>>, vector<16xf32>,
          tpu.vector_store %arg10[%parallel_loop3A_153, %parallel_loop3A_154], %parallel_loop3A_152 {strides = array<i32>} : memref<128x128xf32, #tpu.memory_space<vmem>>, vector<16xf32>,
          %parallel_loop3A_156 = arith.index_cast %parallel_loop3A_136 : i32 to index
          %parallel_loop3A_157 = arith.constant 32 : index
          %parallel_loop3A_158 = tpu.vector_load %arg10[%parallel_loop3A_156, %parallel_loop3A_157] {strides = array<i32>} : memref<128x128xf32, #tpu.memory_space<vmem>>, vector<16xf32>,
          %parallel_loop3A_159 = arith.mulf %parallel_loop3A_158, %parallel_loop3A_141 : vector<16xf32>
          %parallel_loop3A_160 = arith.index_cast %parallel_loop3A_136 : i32 to index
          %parallel_loop3A_161 = arith.constant 32 : index
          %parallel_loop3A_162 = tpu.vector_load %arg10[%parallel_loop3A_160, %parallel_loop3A_161] {strides = array<i32>} : memref<128x128xf32, #tpu.memory_space<vmem>>, vector<16xf32>,
          tpu.vector_store %arg10[%parallel_loop3A_160, %parallel_loop3A_161], %parallel_loop3A_159 {strides = array<i32>} : memref<128x128xf32, #tpu.memory_space<vmem>>, vector<16xf32>,
          %parallel_loop3A_163 = arith.index_cast %parallel_loop3A_136 : i32 to index
          %parallel_loop3A_164 = arith.constant 48 : index
          %parallel_loop3A_165 = tpu.vector_load %arg10[%parallel_loop3A_163, %parallel_loop3A_164] {strides = array<i32>} : memref<128x128xf32, #tpu.memory_space<vmem>>, vector<16xf32>,
          %parallel_loop3A_166 = arith.mulf %parallel_loop3A_165, %parallel_loop3A_141 : vector<16xf32>
          %parallel_loop3A_167 = arith.index_cast %parallel_loop3A_136 : i32 to index
          %parallel_loop3A_168 = arith.constant 48 : index
          %parallel_loop3A_169 = tpu.vector_load %arg10[%parallel_loop3A_167, %parallel_loop3A_168] {strides = array<i32>} : memref<128x128xf32, #tpu.memory_space<vmem>>, vector<16xf32>,
          tpu.vector_store %arg10[%parallel_loop3A_167, %parallel_loop3A_168], %parallel_loop3A_166 {strides = array<i32>} : memref<128x128xf32, #tpu.memory_space<vmem>>, vector<16xf32>,
          %parallel_loop3A_170 = arith.index_cast %parallel_loop3A_136 : i32 to index
          %parallel_loop3A_171 = arith.constant 64 : index
          %parallel_loop3A_172 = tpu.vector_load %arg10[%parallel_loop3A_170, %parallel_loop3A_171] {strides = array<i32>} : memref<128x128xf32, #tpu.memory_space<vmem>>, vector<16xf32>,
          %parallel_loop3A_173 = arith.mulf %parallel_loop3A_172, %parallel_loop3A_141 : vector<16xf32>
          %parallel_loop3A_174 = arith.index_cast %parallel_loop3A_136 : i32 to index
          %parallel_loop3A_175 = arith.constant 64 : index
          %parallel_loop3A_176 = tpu.vector_load %arg10[%parallel_loop3A_174, %parallel_loop3A_175] {strides = array<i32>} : memref<128x128xf32, #tpu.memory_space<vmem>>, vector<16xf32>,
          tpu.vector_store %arg10[%parallel_loop3A_174, %parallel_loop3A_175], %parallel_loop3A_173 {strides = array<i32>} : memref<128x128xf32, #tpu.memory_space<vmem>>, vector<16xf32>,
          %parallel_loop3A_177 = arith.index_cast %parallel_loop3A_136 : i32 to index
          %parallel_loop3A_178 = arith.constant 80 : index
          %parallel_loop3A_179 = tpu.vector_load %arg10[%parallel_loop3A_177, %parallel_loop3A_178] {strides = array<i32>} : memref<128x128xf32, #tpu.memory_space<vmem>>, vector<16xf32>,
          %parallel_loop3A_180 = arith.mulf %parallel_loop3A_179, %parallel_loop3A_141 : vector<16xf32>
          %parallel_loop3A_181 = arith.index_cast %parallel_loop3A_136 : i32 to index
          %parallel_loop3A_182 = arith.constant 80 : index
          %parallel_loop3A_183 = tpu.vector_load %arg10[%parallel_loop3A_181, %parallel_loop3A_182] {strides = array<i32>} : memref<128x128xf32, #tpu.memory_space<vmem>>, vector<16xf32>,
          tpu.vector_store %arg10[%parallel_loop3A_181, %parallel_loop3A_182], %parallel_loop3A_180 {strides = array<i32>} : memref<128x128xf32, #tpu.memory_space<vmem>>, vector<16xf32>,
          %parallel_loop3A_184 = arith.index_cast %parallel_loop3A_136 : i32 to index
          %parallel_loop3A_185 = arith.constant 96 : index
          %parallel_loop3A_186 = tpu.vector_load %arg10[%parallel_loop3A_184, %parallel_loop3A_185] {strides = array<i32>} : memref<128x128xf32, #tpu.memory_space<vmem>>, vector<16xf32>,
          %parallel_loop3A_187 = arith.mulf %parallel_loop3A_186, %parallel_loop3A_141 : vector<16xf32>
          %parallel_loop3A_188 = arith.index_cast %parallel_loop3A_136 : i32 to index
          %parallel_loop3A_189 = arith.constant 96 : index
          %parallel_loop3A_190 = tpu.vector_load %arg10[%parallel_loop3A_188, %parallel_loop3A_189] {strides = array<i32>} : memref<128x128xf32, #tpu.memory_space<vmem>>, vector<16xf32>,
          tpu.vector_store %arg10[%parallel_loop3A_188, %parallel_loop3A_189], %parallel_loop3A_187 {strides = array<i32>} : memref<128x128xf32, #tpu.memory_space<vmem>>, vector<16xf32>,
          %parallel_loop3A_191 = arith.index_cast %parallel_loop3A_136 : i32 to index
          %parallel_loop3A_192 = arith.constant 112 : index
          %parallel_loop3A_193 = tpu.vector_load %arg10[%parallel_loop3A_191, %parallel_loop3A_192] {strides = array<i32>} : memref<128x128xf32, #tpu.memory_space<vmem>>, vector<16xf32>,
          %parallel_loop3A_194 = arith.mulf %parallel_loop3A_193, %parallel_loop3A_141 : vector<16xf32>
          %parallel_loop3A_195 = arith.index_cast %parallel_loop3A_136 : i32 to index
          %parallel_loop3A_196 = arith.constant 112 : index
          %parallel_loop3A_197 = tpu.vector_load %arg10[%parallel_loop3A_195, %parallel_loop3A_196] {strides = array<i32>} : memref<128x128xf32, #tpu.memory_space<vmem>>, vector<16xf32>,
          tpu.vector_store %arg10[%parallel_loop3A_195, %parallel_loop3A_196], %parallel_loop3A_194 {strides = array<i32>} : memref<128x128xf32, #tpu.memory_space<vmem>>, vector<16xf32>,
        } {sc.loop_unroll_factor = 2 : i64, sc.parallel_access}
        %dma_start3A_91 = arith.constant 0 : i32
        %dma_start3A_92 = tpu.memref_slice %arg8[%mul3A_81, %dma_start3A_91] : memref<16x128xi32, #tpu.memory_space<vmem>> -> memref<1x128xi32, #tpu.memory_space<vmem>>
        %dma_start3A_93 = tpu.memref_squeeze %dma_start3A_92 : memref<1x128xi32, #tpu.memory_space<vmem>> -> memref<128xi32, #tpu.memory_space<vmem>>
        %dma_start3A_94 = arith.constant 0 : i32
        %dma_start3A_95 = arith.constant 0 : i32
        %dma_start3A_96 = tpu.memref_slice %arg12[%dma_start3A_94, %dma_start3A_95] : memref<10240x128xf32, #tpu.memory_space<vmem_shared>> -> memref<10240x128xf32, #tpu.memory_space<vmem_shared>>
        tpu.enqueue_indirect_dma source(%arg10 : memref<128x128xf32, #tpu.memory_space<vmem>>) target(%dma_start3A_96 : memref<10240x128xf32, #tpu.memory_space<vmem_shared>>) offsets(%dma_start3A_93 : memref<128xi32, #tpu.memory_space<vmem>>) semaphore(%arg15 : memref<!tpu.dma_semaphore, #tpu.memory_space<semaphore_mem>>) {add = true}
        %dma_wait3A_97 = arith.constant 0 : i32
        %dma_wait3A_98 = tpu.memref_slice %arg7[%add3A_83, %dma_wait3A_97] : memref<16x128xi32, #tpu.memory_space<vmem>> -> memref<1x128xi32, #tpu.memory_space<vmem>>
        %dma_wait3A_99 = tpu.memref_squeeze %dma_wait3A_98 : memref<1x128xi32, #tpu.memory_space<vmem>> -> memref<128xi32, #tpu.memory_space<vmem>>
        %dma_wait3A_100 = arith.constant 0 : i32
        %dma_wait3A_101 = arith.constant 0 : i32
        %dma_wait3A_102 = tpu.memref_slice %arg5[%dma_wait3A_100, %dma_wait3A_101] : memref<10240x128xf32, #tpu.memory_space<hbm>> -> memref<10240x128xf32, #tpu.memory_space<hbm>>
        tpu.wait_indirect_dma semaphore(%arg14 : memref<!tpu.dma_semaphore, #tpu.memory_space<semaphore_mem>>) src(%dma_wait3A_102 : memref<10240x128xf32, #tpu.memory_space<hbm>>) dst(%arg11 : memref<128x128xf32, #tpu.memory_space<vmem>>)
        %parallel_loop3A_103 = arith.constant 0 : i32
        %parallel_loop3A_104 = arith.constant 128 : i32
        %parallel_loop3A_105 = arith.constant 1 : i32
        scf.for %parallel_loop3A_136 = %parallel_loop3A_103 to %parallel_loop3A_104 step %parallel_loop3A_105  : i32 {
          %parallel_loop3A_137 = vector.broadcast %parallel_loop3A_136 : i32 to vector<16xi32>
          %parallel_loop3A_138 = arith.constant 0 : i32
          %parallel_loop3A_139 = tpu.memref_slice %arg9[%add3A_83, %parallel_loop3A_138] : memref<16x128xf32, #tpu.memory_space<vmem>> -> memref<1x128xf32, #tpu.memory_space<vmem>>
          %parallel_loop3A_140 = tpu.memref_squeeze %parallel_loop3A_139 : memref<1x128xf32, #tpu.memory_space<vmem>> -> memref<128xf32, #tpu.memory_space<vmem>>
          %parallel_loop3A_141 = tpu.vector_load_idx %parallel_loop3A_140[%parallel_loop3A_137] : memref<128xf32, #tpu.memory_space<vmem>>[vector<16xi32>], vector<16xf32>,
          %parallel_loop3A_142 = arith.index_cast %parallel_loop3A_136 : i32 to index
          %parallel_loop3A_143 = arith.constant 0 : index
          %parallel_loop3A_144 = tpu.vector_load %arg11[%parallel_loop3A_142, %parallel_loop3A_143] {strides = array<i32>} : memref<128x128xf32, #tpu.memory_space<vmem>>, vector<16xf32>,
          %parallel_loop3A_145 = arith.mulf %parallel_loop3A_144, %parallel_loop3A_141 : vector<16xf32>
          %parallel_loop3A_146 = arith.index_cast %parallel_loop3A_136 : i32 to index
          %parallel_loop3A_147 = arith.constant 0 : index
          %parallel_loop3A_148 = tpu.vector_load %arg11[%parallel_loop3A_146, %parallel_loop3A_147] {strides = array<i32>} : memref<128x128xf32, #tpu.memory_space<vmem>>, vector<16xf32>,
          tpu.vector_store %arg11[%parallel_loop3A_146, %parallel_loop3A_147], %parallel_loop3A_145 {strides = array<i32>} : memref<128x128xf32, #tpu.memory_space<vmem>>, vector<16xf32>,
          %parallel_loop3A_149 = arith.index_cast %parallel_loop3A_136 : i32 to index
          %parallel_loop3A_150 = arith.constant 16 : index
          %parallel_loop3A_151 = tpu.vector_load %arg11[%parallel_loop3A_149, %parallel_loop3A_150] {strides = array<i32>} : memref<128x128xf32, #tpu.memory_space<vmem>>, vector<16xf32>,
          %parallel_loop3A_152 = arith.mulf %parallel_loop3A_151, %parallel_loop3A_141 : vector<16xf32>
          %parallel_loop3A_153 = arith.index_cast %parallel_loop3A_136 : i32 to index
          %parallel_loop3A_154 = arith.constant 16 : index
          %parallel_loop3A_155 = tpu.vector_load %arg11[%parallel_loop3A_153, %parallel_loop3A_154] {strides = array<i32>} : memref<128x128xf32, #tpu.memory_space<vmem>>, vector<16xf32>,
          tpu.vector_store %arg11[%parallel_loop3A_153, %parallel_loop3A_154], %parallel_loop3A_152 {strides = array<i32>} : memref<128x128xf32, #tpu.memory_space<vmem>>, vector<16xf32>,
          %parallel_loop3A_156 = arith.index_cast %parallel_loop3A_136 : i32 to index
          %parallel_loop3A_157 = arith.constant 32 : index
          %parallel_loop3A_158 = tpu.vector_load %arg11[%parallel_loop3A_156, %parallel_loop3A_157] {strides = array<i32>} : memref<128x128xf32, #tpu.memory_space<vmem>>, vector<16xf32>,
          %parallel_loop3A_159 = arith.mulf %parallel_loop3A_158, %parallel_loop3A_141 : vector<16xf32>
          %parallel_loop3A_160 = arith.index_cast %parallel_loop3A_136 : i32 to index
          %parallel_loop3A_161 = arith.constant 32 : index
          %parallel_loop3A_162 = tpu.vector_load %arg11[%parallel_loop3A_160, %parallel_loop3A_161] {strides = array<i32>} : memref<128x128xf32, #tpu.memory_space<vmem>>, vector<16xf32>,
          tpu.vector_store %arg11[%parallel_loop3A_160, %parallel_loop3A_161], %parallel_loop3A_159 {strides = array<i32>} : memref<128x128xf32, #tpu.memory_space<vmem>>, vector<16xf32>,
          %parallel_loop3A_163 = arith.index_cast %parallel_loop3A_136 : i32 to index
          %parallel_loop3A_164 = arith.constant 48 : index
          %parallel_loop3A_165 = tpu.vector_load %arg11[%parallel_loop3A_163, %parallel_loop3A_164] {strides = array<i32>} : memref<128x128xf32, #tpu.memory_space<vmem>>, vector<16xf32>,
          %parallel_loop3A_166 = arith.mulf %parallel_loop3A_165, %parallel_loop3A_141 : vector<16xf32>
          %parallel_loop3A_167 = arith.index_cast %parallel_loop3A_136 : i32 to index
          %parallel_loop3A_168 = arith.constant 48 : index
          %parallel_loop3A_169 = tpu.vector_load %arg11[%parallel_loop3A_167, %parallel_loop3A_168] {strides = array<i32>} : memref<128x128xf32, #tpu.memory_space<vmem>>, vector<16xf32>,
          tpu.vector_store %arg11[%parallel_loop3A_167, %parallel_loop3A_168], %parallel_loop3A_166 {strides = array<i32>} : memref<128x128xf32, #tpu.memory_space<vmem>>, vector<16xf32>,
          %parallel_loop3A_170 = arith.index_cast %parallel_loop3A_136 : i32 to index
          %parallel_loop3A_171 = arith.constant 64 : index
          %parallel_loop3A_172 = tpu.vector_load %arg11[%parallel_loop3A_170, %parallel_loop3A_171] {strides = array<i32>} : memref<128x128xf32, #tpu.memory_space<vmem>>, vector<16xf32>,
          %parallel_loop3A_173 = arith.mulf %parallel_loop3A_172, %parallel_loop3A_141 : vector<16xf32>
          %parallel_loop3A_174 = arith.index_cast %parallel_loop3A_136 : i32 to index
          %parallel_loop3A_175 = arith.constant 64 : index
          %parallel_loop3A_176 = tpu.vector_load %arg11[%parallel_loop3A_174, %parallel_loop3A_175] {strides = array<i32>} : memref<128x128xf32, #tpu.memory_space<vmem>>, vector<16xf32>,
          tpu.vector_store %arg11[%parallel_loop3A_174, %parallel_loop3A_175], %parallel_loop3A_173 {strides = array<i32>} : memref<128x128xf32, #tpu.memory_space<vmem>>, vector<16xf32>,
          %parallel_loop3A_177 = arith.index_cast %parallel_loop3A_136 : i32 to index
          %parallel_loop3A_178 = arith.constant 80 : index
          %parallel_loop3A_179 = tpu.vector_load %arg11[%parallel_loop3A_177, %parallel_loop3A_178] {strides = array<i32>} : memref<128x128xf32, #tpu.memory_space<vmem>>, vector<16xf32>,
          %parallel_loop3A_180 = arith.mulf %parallel_loop3A_179, %parallel_loop3A_141 : vector<16xf32>
          %parallel_loop3A_181 = arith.index_cast %parallel_loop3A_136 : i32 to index
          %parallel_loop3A_182 = arith.constant 80 : index
          %parallel_loop3A_183 = tpu.vector_load %arg11[%parallel_loop3A_181, %parallel_loop3A_182] {strides = array<i32>} : memref<128x128xf32, #tpu.memory_space<vmem>>, vector<16xf32>,
          tpu.vector_store %arg11[%parallel_loop3A_181, %parallel_loop3A_182], %parallel_loop3A_180 {strides = array<i32>} : memref<128x128xf32, #tpu.memory_space<vmem>>, vector<16xf32>,
          %parallel_loop3A_184 = arith.index_cast %parallel_loop3A_136 : i32 to index
          %parallel_loop3A_185 = arith.constant 96 : index
          %parallel_loop3A_186 = tpu.vector_load %arg11[%parallel_loop3A_184, %parallel_loop3A_185] {strides = array<i32>} : memref<128x128xf32, #tpu.memory_space<vmem>>, vector<16xf32>,
          %parallel_loop3A_187 = arith.mulf %parallel_loop3A_186, %parallel_loop3A_141 : vector<16xf32>
          %parallel_loop3A_188 = arith.index_cast %parallel_loop3A_136 : i32 to index
          %parallel_loop3A_189 = arith.constant 96 : index
          %parallel_loop3A_190 = tpu.vector_load %arg11[%parallel_loop3A_188, %parallel_loop3A_189] {strides = array<i32>} : memref<128x128xf32, #tpu.memory_space<vmem>>, vector<16xf32>,
          tpu.vector_store %arg11[%parallel_loop3A_188, %parallel_loop3A_189], %parallel_loop3A_187 {strides = array<i32>} : memref<128x128xf32, #tpu.memory_space<vmem>>, vector<16xf32>,
          %parallel_loop3A_191 = arith.index_cast %parallel_loop3A_136 : i32 to index
          %parallel_loop3A_192 = arith.constant 112 : index
          %parallel_loop3A_193 = tpu.vector_load %arg11[%parallel_loop3A_191, %parallel_loop3A_192] {strides = array<i32>} : memref<128x128xf32, #tpu.memory_space<vmem>>, vector<16xf32>,
          %parallel_loop3A_194 = arith.mulf %parallel_loop3A_193, %parallel_loop3A_141 : vector<16xf32>
          %parallel_loop3A_195 = arith.index_cast %parallel_loop3A_136 : i32 to index
          %parallel_loop3A_196 = arith.constant 112 : index
          %parallel_loop3A_197 = tpu.vector_load %arg11[%parallel_loop3A_195, %parallel_loop3A_196] {strides = array<i32>} : memref<128x128xf32, #tpu.memory_space<vmem>>, vector<16xf32>,
          tpu.vector_store %arg11[%parallel_loop3A_195, %parallel_loop3A_196], %parallel_loop3A_194 {strides = array<i32>} : memref<128x128xf32, #tpu.memory_space<vmem>>, vector<16xf32>,
        } {sc.loop_unroll_factor = 2 : i64, sc.parallel_access}
        %dma_start3A_106 = arith.constant 0 : i32
        %dma_start3A_107 = tpu.memref_slice %arg8[%add3A_83, %dma_start3A_106] : memref<16x128xi32, #tpu.memory_space<vmem>> -> memref<1x128xi32, #tpu.memory_space<vmem>>
        %dma_start3A_108 = tpu.memref_squeeze %dma_start3A_107 : memref<1x128xi32, #tpu.memory_space<vmem>> -> memref<128xi32, #tpu.memory_space<vmem>>
        %dma_start3A_109 = arith.constant 0 : i32
        %dma_start3A_110 = arith.constant 0 : i32
        %dma_start3A_111 = tpu.memref_slice %arg12[%dma_start3A_109, %dma_start3A_110] : memref<10240x128xf32, #tpu.memory_space<vmem_shared>> -> memref<10240x128xf32, #tpu.memory_space<vmem_shared>>
        tpu.enqueue_indirect_dma source(%arg11 : memref<128x128xf32, #tpu.memory_space<vmem>>) target(%dma_start3A_111 : memref<10240x128xf32, #tpu.memory_space<vmem_shared>>) offsets(%dma_start3A_108 : memref<128xi32, #tpu.memory_space<vmem>>) semaphore(%arg16 : memref<!tpu.dma_semaphore, #tpu.memory_space<semaphore_mem>>) {add = true}
        %dma_wait3A_112 = arith.constant 0 : i32
        %dma_wait3A_113 = tpu.memref_slice %arg8[%mul3A_81, %dma_wait3A_112] : memref<16x128xi32, #tpu.memory_space<vmem>> -> memref<1x128xi32, #tpu.memory_space<vmem>>
        %dma_wait3A_114 = tpu.memref_squeeze %dma_wait3A_113 : memref<1x128xi32, #tpu.memory_space<vmem>> -> memref<128xi32, #tpu.memory_space<vmem>>
        %dma_wait3A_115 = arith.constant 0 : i32
        %dma_wait3A_116 = arith.constant 0 : i32
        %dma_wait3A_117 = tpu.memref_slice %arg12[%dma_wait3A_115, %dma_wait3A_116] : memref<10240x128xf32, #tpu.memory_space<vmem_shared>> -> memref<10240x128xf32, #tpu.memory_space<vmem_shared>>
        tpu.wait_indirect_dma semaphore(%arg15 : memref<!tpu.dma_semaphore, #tpu.memory_space<semaphore_mem>>) src(%arg10 : memref<128x128xf32, #tpu.memory_space<vmem>>) dst(%dma_wait3A_117 : memref<10240x128xf32, #tpu.memory_space<vmem_shared>>)
        %add3A_118 = arith.constant 2 : i32
        %add3A_119 = arith.addi %mul3A_81, %add3A_118 : i32
        %lt3A = arith.constant 16 : i32
        %lt3A_120 = arith.cmpi slt, %add3A_119, %lt3A : i32
        %convert_element_type3A = arith.extui %lt3A_120 : i1 to i32
        %cond3A = arith.constant 0 : i32
        %cond3A_121 = arith.cmpi ne, %convert_element_type3A, %cond3A : i32
        scf.if %cond3A_121 {
          %add3A_136 = arith.constant 2 : i32
          %add3A_137 = arith.addi %mul3A_81, %add3A_136 : i32
          %dma_start3A_138 = arith.constant 0 : i32
          %dma_start3A_139 = tpu.memref_slice %arg7[%add3A_137, %dma_start3A_138] : memref<16x128xi32, #tpu.memory_space<vmem>> -> memref<1x128xi32, #tpu.memory_space<vmem>>
          %dma_start3A_140 = tpu.memref_squeeze %dma_start3A_139 : memref<1x128xi32, #tpu.memory_space<vmem>> -> memref<128xi32, #tpu.memory_space<vmem>>
          %dma_start3A_141 = arith.constant 0 : i32
          %dma_start3A_142 = arith.constant 0 : i32
          %dma_start3A_143 = tpu.memref_slice %arg5[%dma_start3A_141, %dma_start3A_142] : memref<10240x128xf32, #tpu.memory_space<hbm>> -> memref<10240x128xf32, #tpu.memory_space<hbm>>
          tpu.enqueue_indirect_dma source(%dma_start3A_143 : memref<10240x128xf32, #tpu.memory_space<hbm>>) target(%arg10 : memref<128x128xf32, #tpu.memory_space<vmem>>) offsets(%dma_start3A_140 : memref<128xi32, #tpu.memory_space<vmem>>) semaphore(%arg13 : memref<!tpu.dma_semaphore, #tpu.memory_space<semaphore_mem>>)
        } else {
        }
        %dma_wait3A_122 = arith.constant 0 : i32
        %dma_wait3A_123 = tpu.memref_slice %arg8[%add3A_83, %dma_wait3A_122] : memref<16x128xi32, #tpu.memory_space<vmem>> -> memref<1x128xi32, #tpu.memory_space<vmem>>
        %dma_wait3A_124 = tpu.memref_squeeze %dma_wait3A_123 : memref<1x128xi32, #tpu.memory_space<vmem>> -> memref<128xi32, #tpu.memory_space<vmem>>
        %dma_wait3A_125 = arith.constant 0 : i32
        %dma_wait3A_126 = arith.constant 0 : i32
        %dma_wait3A_127 = tpu.memref_slice %arg12[%dma_wait3A_125, %dma_wait3A_126] : memref<10240x128xf32, #tpu.memory_space<vmem_shared>> -> memref<10240x128xf32, #tpu.memory_space<vmem_shared>>
        tpu.wait_indirect_dma semaphore(%arg16 : memref<!tpu.dma_semaphore, #tpu.memory_space<semaphore_mem>>) src(%arg11 : memref<128x128xf32, #tpu.memory_space<vmem>>) dst(%dma_wait3A_127 : memref<10240x128xf32, #tpu.memory_space<vmem_shared>>)
        %add3A_128 = arith.constant 2 : i32
        %add3A_129 = arith.addi %add3A_83, %add3A_128 : i32
        %lt3A_130 = arith.constant 16 : i32
        %lt3A_131 = arith.cmpi slt, %add3A_129, %lt3A_130 : i32
        %convert_element_type3A_132 = arith.extui %lt3A_131 : i1 to i32
        %cond3A_133 = arith.constant 0 : i32
        %cond3A_134 = arith.cmpi ne, %convert_element_type3A_132, %cond3A_133 : i32
        scf.if %cond3A_134 {
          %add3A_136 = arith.constant 2 : i32
          %add3A_137 = arith.addi %add3A_83, %add3A_136 : i32
          %dma_start3A_138 = arith.constant 0 : i32
          %dma_start3A_139 = tpu.memref_slice %arg7[%add3A_137, %dma_start3A_138] : memref<16x128xi32, #tpu.memory_space<vmem>> -> memref<1x128xi32, #tpu.memory_space<vmem>>
          %dma_start3A_140 = tpu.memref_squeeze %dma_start3A_139 : memref<1x128xi32, #tpu.memory_space<vmem>> -> memref<128xi32, #tpu.memory_space<vmem>>
          %dma_start3A_141 = arith.constant 0 : i32
          %dma_start3A_142 = arith.constant 0 : i32
          %dma_start3A_143 = tpu.memref_slice %arg5[%dma_start3A_141, %dma_start3A_142] : memref<10240x128xf32, #tpu.memory_space<hbm>> -> memref<10240x128xf32, #tpu.memory_space<hbm>>
          tpu.enqueue_indirect_dma source(%dma_start3A_143 : memref<10240x128xf32, #tpu.memory_space<hbm>>) target(%arg11 : memref<128x128xf32, #tpu.memory_space<vmem>>) offsets(%dma_start3A_140 : memref<128xi32, #tpu.memory_space<vmem>>) semaphore(%arg14 : memref<!tpu.dma_semaphore, #tpu.memory_space<semaphore_mem>>)
        } else {
        }
        %scan3A_135 = arith.constant 0 : i32
        scf.yield %scan3A_135 : i32
      }
      %scan3A_76 = arith.constant 8 : i32
      %while3A_77 = arith.constant 0 : i32
      scf.yield %while3A_77 : i32
    }
    %while3A_45 = arith.constant 1 : i32
    %while3A_46 = scf.for %while3A_52 = %while3A_42 to %while3A_38 step %while3A_45 iter_args(%while3A_53 = %while3A_44) -> (i32)  : i32 {
      %mul3A_54 = arith.constant 16 : i32
      %mul3A_55 = arith.muli %while3A_52, %mul3A_54 : i32
      %add3A_56 = arith.addi %select_n3A, %mul3A_55 : i32
      "tpu.region"() ({
        %run_scoped3A = tpu.sem_alloc : memref<!tpu.dma_semaphore, #tpu.memory_space<semaphore_mem>>
        %dma_start3A_78 = arith.constant 0 : i32
        %dma_start3A_79 = tpu.memref_slice %arg2[%add3A_56, %dma_start3A_78] : memref<2560x128xi32, #tpu.memory_space<hbm>> -> memref<16x128xi32, #tpu.memory_space<hbm>>
        %dma_start3A_80 = arith.constant 0 : i32
        %dma_start3A_81 = tpu.memref_slice %arg2[%add3A_56, %dma_start3A_80] : memref<2560x128xi32, #tpu.memory_space<hbm>> -> memref<16x128xi32, #tpu.memory_space<hbm>>
        tpu.enqueue_dma source(%dma_start3A_81 : memref<16x128xi32, #tpu.memory_space<hbm>>) target(%arg7 : memref<16x128xi32, #tpu.memory_space<vmem>>) target_semaphore(%run_scoped3A : memref<!tpu.dma_semaphore, #tpu.memory_space<semaphore_mem>>)
        %dma_wait3A = arith.constant 0 : i32
        %dma_wait3A_82 = tpu.memref_slice %arg2[%add3A_56, %dma_wait3A] : memref<2560x128xi32, #tpu.memory_space<hbm>> -> memref<16x128xi32, #tpu.memory_space<hbm>>
        %dma_wait3A_83 = arith.constant 0 : i32
        %dma_wait3A_84 = tpu.memref_slice %arg2[%add3A_56, %dma_wait3A_83] : memref<2560x128xi32, #tpu.memory_space<hbm>> -> memref<16x128xi32, #tpu.memory_space<hbm>>
        tpu.wait_dma2 semaphore(%run_scoped3A : memref<!tpu.dma_semaphore, #tpu.memory_space<semaphore_mem>>) src(%dma_wait3A_84 : memref<16x128xi32, #tpu.memory_space<hbm>>) dst(%arg7 : memref<16x128xi32, #tpu.memory_space<vmem>>)
        tpu.yield
      }) : () -> ()
      "tpu.region"() ({
        %run_scoped3A = tpu.sem_alloc : memref<!tpu.dma_semaphore, #tpu.memory_space<semaphore_mem>>
        %dma_start3A_78 = arith.constant 0 : i32
        %dma_start3A_79 = tpu.memref_slice %arg3[%add3A_56, %dma_start3A_78] : memref<2560x128xi32, #tpu.memory_space<hbm>> -> memref<16x128xi32, #tpu.memory_space<hbm>>
        %dma_start3A_80 = arith.constant 0 : i32
        %dma_start3A_81 = tpu.memref_slice %arg3[%add3A_56, %dma_start3A_80] : memref<2560x128xi32, #tpu.memory_space<hbm>> -> memref<16x128xi32, #tpu.memory_space<hbm>>
        tpu.enqueue_dma source(%dma_start3A_81 : memref<16x128xi32, #tpu.memory_space<hbm>>) target(%arg8 : memref<16x128xi32, #tpu.memory_space<vmem>>) target_semaphore(%run_scoped3A : memref<!tpu.dma_semaphore, #tpu.memory_space<semaphore_mem>>)
        %dma_wait3A = arith.constant 0 : i32
        %dma_wait3A_82 = tpu.memref_slice %arg3[%add3A_56, %dma_wait3A] : memref<2560x128xi32, #tpu.memory_space<hbm>> -> memref<16x128xi32, #tpu.memory_space<hbm>>
        %dma_wait3A_83 = arith.constant 0 : i32
        %dma_wait3A_84 = tpu.memref_slice %arg3[%add3A_56, %dma_wait3A_83] : memref<2560x128xi32, #tpu.memory_space<hbm>> -> memref<16x128xi32, #tpu.memory_space<hbm>>
        tpu.wait_dma2 semaphore(%run_scoped3A : memref<!tpu.dma_semaphore, #tpu.memory_space<semaphore_mem>>) src(%dma_wait3A_84 : memref<16x128xi32, #tpu.memory_space<hbm>>) dst(%arg8 : memref<16x128xi32, #tpu.memory_space<vmem>>)
        tpu.yield
      }) : () -> ()
      "tpu.region"() ({
        %run_scoped3A = tpu.sem_alloc : memref<!tpu.dma_semaphore, #tpu.memory_space<semaphore_mem>>
        %dma_start3A_78 = arith.constant 0 : i32
        %dma_start3A_79 = tpu.memref_slice %arg4[%add3A_56, %dma_start3A_78] : memref<2560x128xf32, #tpu.memory_space<hbm>> -> memref<16x128xf32, #tpu.memory_space<hbm>>
        %dma_start3A_80 = arith.constant 0 : i32
        %dma_start3A_81 = tpu.memref_slice %arg4[%add3A_56, %dma_start3A_80] : memref<2560x128xf32, #tpu.memory_space<hbm>> -> memref<16x128xf32, #tpu.memory_space<hbm>>
        tpu.enqueue_dma source(%dma_start3A_81 : memref<16x128xf32, #tpu.memory_space<hbm>>) target(%arg9 : memref<16x128xf32, #tpu.memory_space<vmem>>) target_semaphore(%run_scoped3A : memref<!tpu.dma_semaphore, #tpu.memory_space<semaphore_mem>>)
        %dma_wait3A = arith.constant 0 : i32
        %dma_wait3A_82 = tpu.memref_slice %arg4[%add3A_56, %dma_wait3A] : memref<2560x128xf32, #tpu.memory_space<hbm>> -> memref<16x128xf32, #tpu.memory_space<hbm>>
        %dma_wait3A_83 = arith.constant 0 : i32
        %dma_wait3A_84 = tpu.memref_slice %arg4[%add3A_56, %dma_wait3A_83] : memref<2560x128xf32, #tpu.memory_space<hbm>> -> memref<16x128xf32, #tpu.memory_space<hbm>>
        tpu.wait_dma2 semaphore(%run_scoped3A : memref<!tpu.dma_semaphore, #tpu.memory_space<semaphore_mem>>) src(%dma_wait3A_84 : memref<16x128xf32, #tpu.memory_space<hbm>>) dst(%arg9 : memref<16x128xf32, #tpu.memory_space<vmem>>)
        tpu.yield
      }) : () -> ()
      %dma_start3A = arith.constant 0 : i32
      %dma_start3A_57 = arith.constant 0 : i32
      %dma_start3A_58 = tpu.memref_slice %arg7[%dma_start3A, %dma_start3A_57] : memref<16x128xi32, #tpu.memory_space<vmem>> -> memref<1x128xi32, #tpu.memory_space<vmem>>
      %dma_start3A_59 = tpu.memref_squeeze %dma_start3A_58 : memref<1x128xi32, #tpu.memory_space<vmem>> -> memref<128xi32, #tpu.memory_space<vmem>>
      %dma_start3A_60 = arith.constant 0 : i32
      %dma_start3A_61 = arith.constant 0 : i32
      %dma_start3A_62 = tpu.memref_slice %arg5[%dma_start3A_60, %dma_start3A_61] : memref<10240x128xf32, #tpu.memory_space<hbm>> -> memref<10240x128xf32, #tpu.memory_space<hbm>>
      tpu.enqueue_indirect_dma source(%dma_start3A_62 : memref<10240x128xf32, #tpu.memory_space<hbm>>) target(%arg10 : memref<128x128xf32, #tpu.memory_space<vmem>>) offsets(%dma_start3A_59 : memref<128xi32, #tpu.memory_space<vmem>>) semaphore(%arg13 : memref<!tpu.dma_semaphore, #tpu.memory_space<semaphore_mem>>)
      %dma_start3A_63 = arith.constant 1 : i32
      %dma_start3A_64 = arith.constant 0 : i32
      %dma_start3A_65 = tpu.memref_slice %arg7[%dma_start3A_63, %dma_start3A_64] : memref<16x128xi32, #tpu.memory_space<vmem>> -> memref<1x128xi32, #tpu.memory_space<vmem>>
      %dma_start3A_66 = tpu.memref_squeeze %dma_start3A_65 : memref<1x128xi32, #tpu.memory_space<vmem>> -> memref<128xi32, #tpu.memory_space<vmem>>
      %dma_start3A_67 = arith.constant 0 : i32
      %dma_start3A_68 = arith.constant 0 : i32
      %dma_start3A_69 = tpu.memref_slice %arg5[%dma_start3A_67, %dma_start3A_68] : memref<10240x128xf32, #tpu.memory_space<hbm>> -> memref<10240x128xf32, #tpu.memory_space<hbm>>
      tpu.enqueue_indirect_dma source(%dma_start3A_69 : memref<10240x128xf32, #tpu.memory_space<hbm>>) target(%arg11 : memref<128x128xf32, #tpu.memory_space<vmem>>) offsets(%dma_start3A_66 : memref<128xi32, #tpu.memory_space<vmem>>) semaphore(%arg14 : memref<!tpu.dma_semaphore, #tpu.memory_space<semaphore_mem>>)
      %scan3A_70 = arith.constant 0 : i32
      %scan3A_71 = arith.constant 0 : i32
      %scan3A_72 = arith.constant 8 : i32
      %scan3A_73 = arith.addi %scan3A_71, %scan3A_72 : i32
      %scan3A_74 = arith.constant 1 : i32
      %scan3A_75 = scf.for %scan3A_78 = %scan3A_71 to %scan3A_73 step %scan3A_74 iter_args(%scan3A_79 = %scan3A_70) -> (i32)  : i32 {
        %mul3A_80 = arith.constant 2 : i32
        %mul3A_81 = arith.muli %mul3A_80, %scan3A_78 : i32
        %add3A_82 = arith.constant 1 : i32
        %add3A_83 = arith.addi %mul3A_81, %add3A_82 : i32
        %dma_wait3A = arith.constant 0 : i32
        %dma_wait3A_84 = tpu.memref_slice %arg7[%mul3A_81, %dma_wait3A] : memref<16x128xi32, #tpu.memory_space<vmem>> -> memref<1x128xi32, #tpu.memory_space<vmem>>
        %dma_wait3A_85 = tpu.memref_squeeze %dma_wait3A_84 : memref<1x128xi32, #tpu.memory_space<vmem>> -> memref<128xi32, #tpu.memory_space<vmem>>
        %dma_wait3A_86 = arith.constant 0 : i32
        %dma_wait3A_87 = arith.constant 0 : i32
        %dma_wait3A_88 = tpu.memref_slice %arg5[%dma_wait3A_86, %dma_wait3A_87] : memref<10240x128xf32, #tpu.memory_space<hbm>> -> memref<10240x128xf32, #tpu.memory_space<hbm>>
        tpu.wait_indirect_dma semaphore(%arg13 : memref<!tpu.dma_semaphore, #tpu.memory_space<semaphore_mem>>) src(%dma_wait3A_88 : memref<10240x128xf32, #tpu.memory_space<hbm>>) dst(%arg10 : memref<128x128xf32, #tpu.memory_space<vmem>>)
        %parallel_loop3A = arith.constant 0 : i32
        %parallel_loop3A_89 = arith.constant 128 : i32
        %parallel_loop3A_90 = arith.constant 1 : i32
        scf.for %parallel_loop3A_136 = %parallel_loop3A to %parallel_loop3A_89 step %parallel_loop3A_90  : i32 {
          %parallel_loop3A_137 = vector.broadcast %parallel_loop3A_136 : i32 to vector<16xi32>
          %parallel_loop3A_138 = arith.constant 0 : i32
          %parallel_loop3A_139 = tpu.memref_slice %arg9[%mul3A_81, %parallel_loop3A_138] : memref<16x128xf32, #tpu.memory_space<vmem>> -> memref<1x128xf32, #tpu.memory_space<vmem>>
          %parallel_loop3A_140 = tpu.memref_squeeze %parallel_loop3A_139 : memref<1x128xf32, #tpu.memory_space<vmem>> -> memref<128xf32, #tpu.memory_space<vmem>>
          %parallel_loop3A_141 = tpu.vector_load_idx %parallel_loop3A_140[%parallel_loop3A_137] : memref<128xf32, #tpu.memory_space<vmem>>[vector<16xi32>], vector<16xf32>,
          %parallel_loop3A_142 = arith.index_cast %parallel_loop3A_136 : i32 to index
          %parallel_loop3A_143 = arith.constant 0 : index
          %parallel_loop3A_144 = tpu.vector_load %arg10[%parallel_loop3A_142, %parallel_loop3A_143] {strides = array<i32>} : memref<128x128xf32, #tpu.memory_space<vmem>>, vector<16xf32>,
          %parallel_loop3A_145 = arith.mulf %parallel_loop3A_144, %parallel_loop3A_141 : vector<16xf32>
          %parallel_loop3A_146 = arith.index_cast %parallel_loop3A_136 : i32 to index
          %parallel_loop3A_147 = arith.constant 0 : index
          %parallel_loop3A_148 = tpu.vector_load %arg10[%parallel_loop3A_146, %parallel_loop3A_147] {strides = array<i32>} : memref<128x128xf32, #tpu.memory_space<vmem>>, vector<16xf32>,
          tpu.vector_store %arg10[%parallel_loop3A_146, %parallel_loop3A_147], %parallel_loop3A_145 {strides = array<i32>} : memref<128x128xf32, #tpu.memory_space<vmem>>, vector<16xf32>,
          %parallel_loop3A_149 = arith.index_cast %parallel_loop3A_136 : i32 to index
          %parallel_loop3A_150 = arith.constant 16 : index
          %parallel_loop3A_151 = tpu.vector_load %arg10[%parallel_loop3A_149, %parallel_loop3A_150] {strides = array<i32>} : memref<128x128xf32, #tpu.memory_space<vmem>>, vector<16xf32>,
          %parallel_loop3A_152 = arith.mulf %parallel_loop3A_151, %parallel_loop3A_141 : vector<16xf32>
          %parallel_loop3A_153 = arith.index_cast %parallel_loop3A_136 : i32 to index
          %parallel_loop3A_154 = arith.constant 16 : index
          %parallel_loop3A_155 = tpu.vector_load %arg10[%parallel_loop3A_153, %parallel_loop3A_154] {strides = array<i32>} : memref<128x128xf32, #tpu.memory_space<vmem>>, vector<16xf32>,
          tpu.vector_store %arg10[%parallel_loop3A_153, %parallel_loop3A_154], %parallel_loop3A_152 {strides = array<i32>} : memref<128x128xf32, #tpu.memory_space<vmem>>, vector<16xf32>,
          %parallel_loop3A_156 = arith.index_cast %parallel_loop3A_136 : i32 to index
          %parallel_loop3A_157 = arith.constant 32 : index
          %parallel_loop3A_158 = tpu.vector_load %arg10[%parallel_loop3A_156, %parallel_loop3A_157] {strides = array<i32>} : memref<128x128xf32, #tpu.memory_space<vmem>>, vector<16xf32>,
          %parallel_loop3A_159 = arith.mulf %parallel_loop3A_158, %parallel_loop3A_141 : vector<16xf32>
          %parallel_loop3A_160 = arith.index_cast %parallel_loop3A_136 : i32 to index
          %parallel_loop3A_161 = arith.constant 32 : index
          %parallel_loop3A_162 = tpu.vector_load %arg10[%parallel_loop3A_160, %parallel_loop3A_161] {strides = array<i32>} : memref<128x128xf32, #tpu.memory_space<vmem>>, vector<16xf32>,
          tpu.vector_store %arg10[%parallel_loop3A_160, %parallel_loop3A_161], %parallel_loop3A_159 {strides = array<i32>} : memref<128x128xf32, #tpu.memory_space<vmem>>, vector<16xf32>,
          %parallel_loop3A_163 = arith.index_cast %parallel_loop3A_136 : i32 to index
          %parallel_loop3A_164 = arith.constant 48 : index
          %parallel_loop3A_165 = tpu.vector_load %arg10[%parallel_loop3A_163, %parallel_loop3A_164] {strides = array<i32>} : memref<128x128xf32, #tpu.memory_space<vmem>>, vector<16xf32>,
          %parallel_loop3A_166 = arith.mulf %parallel_loop3A_165, %parallel_loop3A_141 : vector<16xf32>
          %parallel_loop3A_167 = arith.index_cast %parallel_loop3A_136 : i32 to index
          %parallel_loop3A_168 = arith.constant 48 : index
          %parallel_loop3A_169 = tpu.vector_load %arg10[%parallel_loop3A_167, %parallel_loop3A_168] {strides = array<i32>} : memref<128x128xf32, #tpu.memory_space<vmem>>, vector<16xf32>,
          tpu.vector_store %arg10[%parallel_loop3A_167, %parallel_loop3A_168], %parallel_loop3A_166 {strides = array<i32>} : memref<128x128xf32, #tpu.memory_space<vmem>>, vector<16xf32>,
          %parallel_loop3A_170 = arith.index_cast %parallel_loop3A_136 : i32 to index
          %parallel_loop3A_171 = arith.constant 64 : index
          %parallel_loop3A_172 = tpu.vector_load %arg10[%parallel_loop3A_170, %parallel_loop3A_171] {strides = array<i32>} : memref<128x128xf32, #tpu.memory_space<vmem>>, vector<16xf32>,
          %parallel_loop3A_173 = arith.mulf %parallel_loop3A_172, %parallel_loop3A_141 : vector<16xf32>
          %parallel_loop3A_174 = arith.index_cast %parallel_loop3A_136 : i32 to index
          %parallel_loop3A_175 = arith.constant 64 : index
          %parallel_loop3A_176 = tpu.vector_load %arg10[%parallel_loop3A_174, %parallel_loop3A_175] {strides = array<i32>} : memref<128x128xf32, #tpu.memory_space<vmem>>, vector<16xf32>,
          tpu.vector_store %arg10[%parallel_loop3A_174, %parallel_loop3A_175], %parallel_loop3A_173 {strides = array<i32>} : memref<128x128xf32, #tpu.memory_space<vmem>>, vector<16xf32>,
          %parallel_loop3A_177 = arith.index_cast %parallel_loop3A_136 : i32 to index
          %parallel_loop3A_178 = arith.constant 80 : index
          %parallel_loop3A_179 = tpu.vector_load %arg10[%parallel_loop3A_177, %parallel_loop3A_178] {strides = array<i32>} : memref<128x128xf32, #tpu.memory_space<vmem>>, vector<16xf32>,
          %parallel_loop3A_180 = arith.mulf %parallel_loop3A_179, %parallel_loop3A_141 : vector<16xf32>
          %parallel_loop3A_181 = arith.index_cast %parallel_loop3A_136 : i32 to index
          %parallel_loop3A_182 = arith.constant 80 : index
          %parallel_loop3A_183 = tpu.vector_load %arg10[%parallel_loop3A_181, %parallel_loop3A_182] {strides = array<i32>} : memref<128x128xf32, #tpu.memory_space<vmem>>, vector<16xf32>,
          tpu.vector_store %arg10[%parallel_loop3A_181, %parallel_loop3A_182], %parallel_loop3A_180 {strides = array<i32>} : memref<128x128xf32, #tpu.memory_space<vmem>>, vector<16xf32>,
          %parallel_loop3A_184 = arith.index_cast %parallel_loop3A_136 : i32 to index
          %parallel_loop3A_185 = arith.constant 96 : index
          %parallel_loop3A_186 = tpu.vector_load %arg10[%parallel_loop3A_184, %parallel_loop3A_185] {strides = array<i32>} : memref<128x128xf32, #tpu.memory_space<vmem>>, vector<16xf32>,
          %parallel_loop3A_187 = arith.mulf %parallel_loop3A_186, %parallel_loop3A_141 : vector<16xf32>
          %parallel_loop3A_188 = arith.index_cast %parallel_loop3A_136 : i32 to index
          %parallel_loop3A_189 = arith.constant 96 : index
          %parallel_loop3A_190 = tpu.vector_load %arg10[%parallel_loop3A_188, %parallel_loop3A_189] {strides = array<i32>} : memref<128x128xf32, #tpu.memory_space<vmem>>, vector<16xf32>,
          tpu.vector_store %arg10[%parallel_loop3A_188, %parallel_loop3A_189], %parallel_loop3A_187 {strides = array<i32>} : memref<128x128xf32, #tpu.memory_space<vmem>>, vector<16xf32>,
          %parallel_loop3A_191 = arith.index_cast %parallel_loop3A_136 : i32 to index
          %parallel_loop3A_192 = arith.constant 112 : index
          %parallel_loop3A_193 = tpu.vector_load %arg10[%parallel_loop3A_191, %parallel_loop3A_192] {strides = array<i32>} : memref<128x128xf32, #tpu.memory_space<vmem>>, vector<16xf32>,
          %parallel_loop3A_194 = arith.mulf %parallel_loop3A_193, %parallel_loop3A_141 : vector<16xf32>
          %parallel_loop3A_195 = arith.index_cast %parallel_loop3A_136 : i32 to index
          %parallel_loop3A_196 = arith.constant 112 : index
          %parallel_loop3A_197 = tpu.vector_load %arg10[%parallel_loop3A_195, %parallel_loop3A_196] {strides = array<i32>} : memref<128x128xf32, #tpu.memory_space<vmem>>, vector<16xf32>,
          tpu.vector_store %arg10[%parallel_loop3A_195, %parallel_loop3A_196], %parallel_loop3A_194 {strides = array<i32>} : memref<128x128xf32, #tpu.memory_space<vmem>>, vector<16xf32>,
        } {sc.loop_unroll_factor = 2 : i64, sc.parallel_access}
        %dma_start3A_91 = arith.constant 0 : i32
        %dma_start3A_92 = tpu.memref_slice %arg8[%mul3A_81, %dma_start3A_91] : memref<16x128xi32, #tpu.memory_space<vmem>> -> memref<1x128xi32, #tpu.memory_space<vmem>>
        %dma_start3A_93 = tpu.memref_squeeze %dma_start3A_92 : memref<1x128xi32, #tpu.memory_space<vmem>> -> memref<128xi32, #tpu.memory_space<vmem>>
        %dma_start3A_94 = arith.constant 0 : i32
        %dma_start3A_95 = arith.constant 0 : i32
        %dma_start3A_96 = tpu.memref_slice %arg12[%dma_start3A_94, %dma_start3A_95] : memref<10240x128xf32, #tpu.memory_space<vmem_shared>> -> memref<10240x128xf32, #tpu.memory_space<vmem_shared>>
        tpu.enqueue_indirect_dma source(%arg10 : memref<128x128xf32, #tpu.memory_space<vmem>>) target(%dma_start3A_96 : memref<10240x128xf32, #tpu.memory_space<vmem_shared>>) offsets(%dma_start3A_93 : memref<128xi32, #tpu.memory_space<vmem>>) semaphore(%arg15 : memref<!tpu.dma_semaphore, #tpu.memory_space<semaphore_mem>>) {add = true}
        %dma_wait3A_97 = arith.constant 0 : i32
        %dma_wait3A_98 = tpu.memref_slice %arg7[%add3A_83, %dma_wait3A_97] : memref<16x128xi32, #tpu.memory_space<vmem>> -> memref<1x128xi32, #tpu.memory_space<vmem>>
        %dma_wait3A_99 = tpu.memref_squeeze %dma_wait3A_98 : memref<1x128xi32, #tpu.memory_space<vmem>> -> memref<128xi32, #tpu.memory_space<vmem>>
        %dma_wait3A_100 = arith.constant 0 : i32
        %dma_wait3A_101 = arith.constant 0 : i32
        %dma_wait3A_102 = tpu.memref_slice %arg5[%dma_wait3A_100, %dma_wait3A_101] : memref<10240x128xf32, #tpu.memory_space<hbm>> -> memref<10240x128xf32, #tpu.memory_space<hbm>>
        tpu.wait_indirect_dma semaphore(%arg14 : memref<!tpu.dma_semaphore, #tpu.memory_space<semaphore_mem>>) src(%dma_wait3A_102 : memref<10240x128xf32, #tpu.memory_space<hbm>>) dst(%arg11 : memref<128x128xf32, #tpu.memory_space<vmem>>)
        %parallel_loop3A_103 = arith.constant 0 : i32
        %parallel_loop3A_104 = arith.constant 128 : i32
        %parallel_loop3A_105 = arith.constant 1 : i32
        scf.for %parallel_loop3A_136 = %parallel_loop3A_103 to %parallel_loop3A_104 step %parallel_loop3A_105  : i32 {
          %parallel_loop3A_137 = vector.broadcast %parallel_loop3A_136 : i32 to vector<16xi32>
          %parallel_loop3A_138 = arith.constant 0 : i32
          %parallel_loop3A_139 = tpu.memref_slice %arg9[%add3A_83, %parallel_loop3A_138] : memref<16x128xf32, #tpu.memory_space<vmem>> -> memref<1x128xf32, #tpu.memory_space<vmem>>
          %parallel_loop3A_140 = tpu.memref_squeeze %parallel_loop3A_139 : memref<1x128xf32, #tpu.memory_space<vmem>> -> memref<128xf32, #tpu.memory_space<vmem>>
          %parallel_loop3A_141 = tpu.vector_load_idx %parallel_loop3A_140[%parallel_loop3A_137] : memref<128xf32, #tpu.memory_space<vmem>>[vector<16xi32>], vector<16xf32>,
          %parallel_loop3A_142 = arith.index_cast %parallel_loop3A_136 : i32 to index
          %parallel_loop3A_143 = arith.constant 0 : index
          %parallel_loop3A_144 = tpu.vector_load %arg11[%parallel_loop3A_142, %parallel_loop3A_143] {strides = array<i32>} : memref<128x128xf32, #tpu.memory_space<vmem>>, vector<16xf32>,
          %parallel_loop3A_145 = arith.mulf %parallel_loop3A_144, %parallel_loop3A_141 : vector<16xf32>
          %parallel_loop3A_146 = arith.index_cast %parallel_loop3A_136 : i32 to index
          %parallel_loop3A_147 = arith.constant 0 : index
          %parallel_loop3A_148 = tpu.vector_load %arg11[%parallel_loop3A_146, %parallel_loop3A_147] {strides = array<i32>} : memref<128x128xf32, #tpu.memory_space<vmem>>, vector<16xf32>,
          tpu.vector_store %arg11[%parallel_loop3A_146, %parallel_loop3A_147], %parallel_loop3A_145 {strides = array<i32>} : memref<128x128xf32, #tpu.memory_space<vmem>>, vector<16xf32>,
          %parallel_loop3A_149 = arith.index_cast %parallel_loop3A_136 : i32 to index
          %parallel_loop3A_150 = arith.constant 16 : index
          %parallel_loop3A_151 = tpu.vector_load %arg11[%parallel_loop3A_149, %parallel_loop3A_150] {strides = array<i32>} : memref<128x128xf32, #tpu.memory_space<vmem>>, vector<16xf32>,
          %parallel_loop3A_152 = arith.mulf %parallel_loop3A_151, %parallel_loop3A_141 : vector<16xf32>
          %parallel_loop3A_153 = arith.index_cast %parallel_loop3A_136 : i32 to index
          %parallel_loop3A_154 = arith.constant 16 : index
          %parallel_loop3A_155 = tpu.vector_load %arg11[%parallel_loop3A_153, %parallel_loop3A_154] {strides = array<i32>} : memref<128x128xf32, #tpu.memory_space<vmem>>, vector<16xf32>,
          tpu.vector_store %arg11[%parallel_loop3A_153, %parallel_loop3A_154], %parallel_loop3A_152 {strides = array<i32>} : memref<128x128xf32, #tpu.memory_space<vmem>>, vector<16xf32>,
          %parallel_loop3A_156 = arith.index_cast %parallel_loop3A_136 : i32 to index
          %parallel_loop3A_157 = arith.constant 32 : index
          %parallel_loop3A_158 = tpu.vector_load %arg11[%parallel_loop3A_156, %parallel_loop3A_157] {strides = array<i32>} : memref<128x128xf32, #tpu.memory_space<vmem>>, vector<16xf32>,
          %parallel_loop3A_159 = arith.mulf %parallel_loop3A_158, %parallel_loop3A_141 : vector<16xf32>
          %parallel_loop3A_160 = arith.index_cast %parallel_loop3A_136 : i32 to index
          %parallel_loop3A_161 = arith.constant 32 : index
          %parallel_loop3A_162 = tpu.vector_load %arg11[%parallel_loop3A_160, %parallel_loop3A_161] {strides = array<i32>} : memref<128x128xf32, #tpu.memory_space<vmem>>, vector<16xf32>,
          tpu.vector_store %arg11[%parallel_loop3A_160, %parallel_loop3A_161], %parallel_loop3A_159 {strides = array<i32>} : memref<128x128xf32, #tpu.memory_space<vmem>>, vector<16xf32>,
          %parallel_loop3A_163 = arith.index_cast %parallel_loop3A_136 : i32 to index
          %parallel_loop3A_164 = arith.constant 48 : index
          %parallel_loop3A_165 = tpu.vector_load %arg11[%parallel_loop3A_163, %parallel_loop3A_164] {strides = array<i32>} : memref<128x128xf32, #tpu.memory_space<vmem>>, vector<16xf32>,
          %parallel_loop3A_166 = arith.mulf %parallel_loop3A_165, %parallel_loop3A_141 : vector<16xf32>
          %parallel_loop3A_167 = arith.index_cast %parallel_loop3A_136 : i32 to index
          %parallel_loop3A_168 = arith.constant 48 : index
          %parallel_loop3A_169 = tpu.vector_load %arg11[%parallel_loop3A_167, %parallel_loop3A_168] {strides = array<i32>} : memref<128x128xf32, #tpu.memory_space<vmem>>, vector<16xf32>,
          tpu.vector_store %arg11[%parallel_loop3A_167, %parallel_loop3A_168], %parallel_loop3A_166 {strides = array<i32>} : memref<128x128xf32, #tpu.memory_space<vmem>>, vector<16xf32>,
          %parallel_loop3A_170 = arith.index_cast %parallel_loop3A_136 : i32 to index
          %parallel_loop3A_171 = arith.constant 64 : index
          %parallel_loop3A_172 = tpu.vector_load %arg11[%parallel_loop3A_170, %parallel_loop3A_171] {strides = array<i32>} : memref<128x128xf32, #tpu.memory_space<vmem>>, vector<16xf32>,
          %parallel_loop3A_173 = arith.mulf %parallel_loop3A_172, %parallel_loop3A_141 : vector<16xf32>
          %parallel_loop3A_174 = arith.index_cast %parallel_loop3A_136 : i32 to index
          %parallel_loop3A_175 = arith.constant 64 : index
          %parallel_loop3A_176 = tpu.vector_load %arg11[%parallel_loop3A_174, %parallel_loop3A_175] {strides = array<i32>} : memref<128x128xf32, #tpu.memory_space<vmem>>, vector<16xf32>,
          tpu.vector_store %arg11[%parallel_loop3A_174, %parallel_loop3A_175], %parallel_loop3A_173 {strides = array<i32>} : memref<128x128xf32, #tpu.memory_space<vmem>>, vector<16xf32>,
          %parallel_loop3A_177 = arith.index_cast %parallel_loop3A_136 : i32 to index
          %parallel_loop3A_178 = arith.constant 80 : index
          %parallel_loop3A_179 = tpu.vector_load %arg11[%parallel_loop3A_177, %parallel_loop3A_178] {strides = array<i32>} : memref<128x128xf32, #tpu.memory_space<vmem>>, vector<16xf32>,
          %parallel_loop3A_180 = arith.mulf %parallel_loop3A_179, %parallel_loop3A_141 : vector<16xf32>
          %parallel_loop3A_181 = arith.index_cast %parallel_loop3A_136 : i32 to index
          %parallel_loop3A_182 = arith.constant 80 : index
          %parallel_loop3A_183 = tpu.vector_load %arg11[%parallel_loop3A_181, %parallel_loop3A_182] {strides = array<i32>} : memref<128x128xf32, #tpu.memory_space<vmem>>, vector<16xf32>,
          tpu.vector_store %arg11[%parallel_loop3A_181, %parallel_loop3A_182], %parallel_loop3A_180 {strides = array<i32>} : memref<128x128xf32, #tpu.memory_space<vmem>>, vector<16xf32>,
          %parallel_loop3A_184 = arith.index_cast %parallel_loop3A_136 : i32 to index
          %parallel_loop3A_185 = arith.constant 96 : index
          %parallel_loop3A_186 = tpu.vector_load %arg11[%parallel_loop3A_184, %parallel_loop3A_185] {strides = array<i32>} : memref<128x128xf32, #tpu.memory_space<vmem>>, vector<16xf32>,
          %parallel_loop3A_187 = arith.mulf %parallel_loop3A_186, %parallel_loop3A_141 : vector<16xf32>
          %parallel_loop3A_188 = arith.index_cast %parallel_loop3A_136 : i32 to index
          %parallel_loop3A_189 = arith.constant 96 : index
          %parallel_loop3A_190 = tpu.vector_load %arg11[%parallel_loop3A_188, %parallel_loop3A_189] {strides = array<i32>} : memref<128x128xf32, #tpu.memory_space<vmem>>, vector<16xf32>,
          tpu.vector_store %arg11[%parallel_loop3A_188, %parallel_loop3A_189], %parallel_loop3A_187 {strides = array<i32>} : memref<128x128xf32, #tpu.memory_space<vmem>>, vector<16xf32>,
          %parallel_loop3A_191 = arith.index_cast %parallel_loop3A_136 : i32 to index
          %parallel_loop3A_192 = arith.constant 112 : index
          %parallel_loop3A_193 = tpu.vector_load %arg11[%parallel_loop3A_191, %parallel_loop3A_192] {strides = array<i32>} : memref<128x128xf32, #tpu.memory_space<vmem>>, vector<16xf32>,
          %parallel_loop3A_194 = arith.mulf %parallel_loop3A_193, %parallel_loop3A_141 : vector<16xf32>
          %parallel_loop3A_195 = arith.index_cast %parallel_loop3A_136 : i32 to index
          %parallel_loop3A_196 = arith.constant 112 : index
          %parallel_loop3A_197 = tpu.vector_load %arg11[%parallel_loop3A_195, %parallel_loop3A_196] {strides = array<i32>} : memref<128x128xf32, #tpu.memory_space<vmem>>, vector<16xf32>,
          tpu.vector_store %arg11[%parallel_loop3A_195, %parallel_loop3A_196], %parallel_loop3A_194 {strides = array<i32>} : memref<128x128xf32, #tpu.memory_space<vmem>>, vector<16xf32>,
        } {sc.loop_unroll_factor = 2 : i64, sc.parallel_access}
        %dma_start3A_106 = arith.constant 0 : i32
        %dma_start3A_107 = tpu.memref_slice %arg8[%add3A_83, %dma_start3A_106] : memref<16x128xi32, #tpu.memory_space<vmem>> -> memref<1x128xi32, #tpu.memory_space<vmem>>
        %dma_start3A_108 = tpu.memref_squeeze %dma_start3A_107 : memref<1x128xi32, #tpu.memory_space<vmem>> -> memref<128xi32, #tpu.memory_space<vmem>>
        %dma_start3A_109 = arith.constant 0 : i32
        %dma_start3A_110 = arith.constant 0 : i32
        %dma_start3A_111 = tpu.memref_slice %arg12[%dma_start3A_109, %dma_start3A_110] : memref<10240x128xf32, #tpu.memory_space<vmem_shared>> -> memref<10240x128xf32, #tpu.memory_space<vmem_shared>>
        tpu.enqueue_indirect_dma source(%arg11 : memref<128x128xf32, #tpu.memory_space<vmem>>) target(%dma_start3A_111 : memref<10240x128xf32, #tpu.memory_space<vmem_shared>>) offsets(%dma_start3A_108 : memref<128xi32, #tpu.memory_space<vmem>>) semaphore(%arg16 : memref<!tpu.dma_semaphore, #tpu.memory_space<semaphore_mem>>) {add = true}
        %dma_wait3A_112 = arith.constant 0 : i32
        %dma_wait3A_113 = tpu.memref_slice %arg8[%mul3A_81, %dma_wait3A_112] : memref<16x128xi32, #tpu.memory_space<vmem>> -> memref<1x128xi32, #tpu.memory_space<vmem>>
        %dma_wait3A_114 = tpu.memref_squeeze %dma_wait3A_113 : memref<1x128xi32, #tpu.memory_space<vmem>> -> memref<128xi32, #tpu.memory_space<vmem>>
        %dma_wait3A_115 = arith.constant 0 : i32
        %dma_wait3A_116 = arith.constant 0 : i32
        %dma_wait3A_117 = tpu.memref_slice %arg12[%dma_wait3A_115, %dma_wait3A_116] : memref<10240x128xf32, #tpu.memory_space<vmem_shared>> -> memref<10240x128xf32, #tpu.memory_space<vmem_shared>>
        tpu.wait_indirect_dma semaphore(%arg15 : memref<!tpu.dma_semaphore, #tpu.memory_space<semaphore_mem>>) src(%arg10 : memref<128x128xf32, #tpu.memory_space<vmem>>) dst(%dma_wait3A_117 : memref<10240x128xf32, #tpu.memory_space<vmem_shared>>)
        %add3A_118 = arith.constant 2 : i32
        %add3A_119 = arith.addi %mul3A_81, %add3A_118 : i32
        %lt3A = arith.constant 16 : i32
        %lt3A_120 = arith.cmpi slt, %add3A_119, %lt3A : i32
        %convert_element_type3A = arith.extui %lt3A_120 : i1 to i32
        %cond3A = arith.constant 0 : i32
        %cond3A_121 = arith.cmpi ne, %convert_element_type3A, %cond3A : i32
        scf.if %cond3A_121 {
          %add3A_136 = arith.constant 2 : i32
          %add3A_137 = arith.addi %mul3A_81, %add3A_136 : i32
          %dma_start3A_138 = arith.constant 0 : i32
          %dma_start3A_139 = tpu.memref_slice %arg7[%add3A_137, %dma_start3A_138] : memref<16x128xi32, #tpu.memory_space<vmem>> -> memref<1x128xi32, #tpu.memory_space<vmem>>
          %dma_start3A_140 = tpu.memref_squeeze %dma_start3A_139 : memref<1x128xi32, #tpu.memory_space<vmem>> -> memref<128xi32, #tpu.memory_space<vmem>>
          %dma_start3A_141 = arith.constant 0 : i32
          %dma_start3A_142 = arith.constant 0 : i32
          %dma_start3A_143 = tpu.memref_slice %arg5[%dma_start3A_141, %dma_start3A_142] : memref<10240x128xf32, #tpu.memory_space<hbm>> -> memref<10240x128xf32, #tpu.memory_space<hbm>>
          tpu.enqueue_indirect_dma source(%dma_start3A_143 : memref<10240x128xf32, #tpu.memory_space<hbm>>) target(%arg10 : memref<128x128xf32, #tpu.memory_space<vmem>>) offsets(%dma_start3A_140 : memref<128xi32, #tpu.memory_space<vmem>>) semaphore(%arg13 : memref<!tpu.dma_semaphore, #tpu.memory_space<semaphore_mem>>)
        } else {
        }
        %dma_wait3A_122 = arith.constant 0 : i32
        %dma_wait3A_123 = tpu.memref_slice %arg8[%add3A_83, %dma_wait3A_122] : memref<16x128xi32, #tpu.memory_space<vmem>> -> memref<1x128xi32, #tpu.memory_space<vmem>>
        %dma_wait3A_124 = tpu.memref_squeeze %dma_wait3A_123 : memref<1x128xi32, #tpu.memory_space<vmem>> -> memref<128xi32, #tpu.memory_space<vmem>>
        %dma_wait3A_125 = arith.constant 0 : i32
        %dma_wait3A_126 = arith.constant 0 : i32
        %dma_wait3A_127 = tpu.memref_slice %arg12[%dma_wait3A_125, %dma_wait3A_126] : memref<10240x128xf32, #tpu.memory_space<vmem_shared>> -> memref<10240x128xf32, #tpu.memory_space<vmem_shared>>
        tpu.wait_indirect_dma semaphore(%arg16 : memref<!tpu.dma_semaphore, #tpu.memory_space<semaphore_mem>>) src(%arg11 : memref<128x128xf32, #tpu.memory_space<vmem>>) dst(%dma_wait3A_127 : memref<10240x128xf32, #tpu.memory_space<vmem_shared>>)
        %add3A_128 = arith.constant 2 : i32
        %add3A_129 = arith.addi %add3A_83, %add3A_128 : i32
        %lt3A_130 = arith.constant 16 : i32
        %lt3A_131 = arith.cmpi slt, %add3A_129, %lt3A_130 : i32
        %convert_element_type3A_132 = arith.extui %lt3A_131 : i1 to i32
        %cond3A_133 = arith.constant 0 : i32
        %cond3A_134 = arith.cmpi ne, %convert_element_type3A_132, %cond3A_133 : i32
        scf.if %cond3A_134 {
          %add3A_136 = arith.constant 2 : i32
          %add3A_137 = arith.addi %add3A_83, %add3A_136 : i32
          %dma_start3A_138 = arith.constant 0 : i32
          %dma_start3A_139 = tpu.memref_slice %arg7[%add3A_137, %dma_start3A_138] : memref<16x128xi32, #tpu.memory_space<vmem>> -> memref<1x128xi32, #tpu.memory_space<vmem>>
          %dma_start3A_140 = tpu.memref_squeeze %dma_start3A_139 : memref<1x128xi32, #tpu.memory_space<vmem>> -> memref<128xi32, #tpu.memory_space<vmem>>
          %dma_start3A_141 = arith.constant 0 : i32
          %dma_start3A_142 = arith.constant 0 : i32
          %dma_start3A_143 = tpu.memref_slice %arg5[%dma_start3A_141, %dma_start3A_142] : memref<10240x128xf32, #tpu.memory_space<hbm>> -> memref<10240x128xf32, #tpu.memory_space<hbm>>
          tpu.enqueue_indirect_dma source(%dma_start3A_143 : memref<10240x128xf32, #tpu.memory_space<hbm>>) target(%arg11 : memref<128x128xf32, #tpu.memory_space<vmem>>) offsets(%dma_start3A_140 : memref<128xi32, #tpu.memory_space<vmem>>) semaphore(%arg14 : memref<!tpu.dma_semaphore, #tpu.memory_space<semaphore_mem>>)
        } else {
        }
        %scan3A_135 = arith.constant 0 : i32
        scf.yield %scan3A_135 : i32
      }
      %scan3A_76 = arith.constant 8 : i32
      %while3A_77 = arith.constant 0 : i32
      scf.yield %while3A_77 : i32
    }
    %barrier3A_47 = arith.constant 0 : index
    tpu.barrier barrier_id(%barrier3A_47)
    %mul3A_48 = arith.constant 640 : i32
    %mul3A_49 = arith.muli %arg1, %mul3A_48 : i32
    %mul3A_50 = arith.constant 640 : i32
    %mul3A_51 = arith.muli %arg1, %mul3A_50 : i32
    "tpu.region"() ({
      %run_scoped3A = tpu.sem_alloc : memref<!tpu.dma_semaphore, #tpu.memory_space<semaphore_mem>>
      %dma_start3A = arith.constant 0 : i32
      %dma_start3A_52 = tpu.memref_slice %arg6[%arg0, %mul3A_51, %dma_start3A] : memref<2x10240x128xf32, #tpu.memory_space<hbm>> -> memref<1x640x128xf32, #tpu.memory_space<hbm>>
      %dma_start3A_53 = tpu.memref_squeeze %dma_start3A_52 : memref<1x640x128xf32, #tpu.memory_space<hbm>> -> memref<640x128xf32, #tpu.memory_space<hbm>>
      %dma_start3A_54 = arith.constant 0 : i32
      %dma_start3A_55 = tpu.memref_slice %arg12[%mul3A_49, %dma_start3A_54] : memref<10240x128xf32, #tpu.memory_space<vmem_shared>> -> memref<640x128xf32, #tpu.memory_space<vmem_shared>>
      tpu.enqueue_dma source(%dma_start3A_55 : memref<640x128xf32, #tpu.memory_space<vmem_shared>>) target(%dma_start3A_53 : memref<640x128xf32, #tpu.memory_space<hbm>>) target_semaphore(%run_scoped3A : memref<!tpu.dma_semaphore, #tpu.memory_space<semaphore_mem>>)
      %dma_wait3A = arith.constant 0 : i32
      %dma_wait3A_56 = tpu.memref_slice %arg6[%arg0, %mul3A_51, %dma_wait3A] : memref<2x10240x128xf32, #tpu.memory_space<hbm>> -> memref<1x640x128xf32, #tpu.memory_space<hbm>>
      %dma_wait3A_57 = tpu.memref_squeeze %dma_wait3A_56 : memref<1x640x128xf32, #tpu.memory_space<hbm>> -> memref<640x128xf32, #tpu.memory_space<hbm>>
      %dma_wait3A_58 = arith.constant 0 : i32
      %dma_wait3A_59 = tpu.memref_slice %arg12[%mul3A_49, %dma_wait3A_58] : memref<10240x128xf32, #tpu.memory_space<vmem_shared>> -> memref<640x128xf32, #tpu.memory_space<vmem_shared>>
      tpu.wait_dma2 semaphore(%run_scoped3A : memref<!tpu.dma_semaphore, #tpu.memory_space<semaphore_mem>>) src(%dma_wait3A_59 : memref<640x128xf32, #tpu.memory_space<vmem_shared>>) dst(%dma_wait3A_57 : memref<640x128xf32, #tpu.memory_space<hbm>>)
      tpu.yield
    }) : () -> ()
    return
  }
}

#map = affine_map<(d0, d1) -> (0, 0)>
module attributes {stable_mosaic.version = 14 : i64} {
  func.func @_deg_kernel(%arg0: i32, %arg1: i32, %arg2: memref<32x10240xi32, #tpu.memory_space<hbm>>, %arg3: memref<32x10240xf32, #tpu.memory_space<hbm>>, %arg4: memref<2x10240xf32, #tpu.memory_space<hbm>>, %arg5: memref<10240xi32, #tpu.memory_space<vmem>>, %arg6: memref<10240xf32, #tpu.memory_space<vmem>>, %arg7: memref<10240xf32, #tpu.memory_space<vmem>>, %arg8: memref<16x640xf32, #tpu.memory_space<vmem>>, %arg9: memref<640xf32, #tpu.memory_space<vmem>>, %arg10: memref<16x10240xf32, #tpu.memory_space<vmem_shared>>) attributes {dimension_semantics = [#tpu.dimension_semantics<core_parallel>, #tpu.dimension_semantics<subcore_parallel>], iteration_bounds = array<i64: 2, 16>, scalar_prefetch = 0 : i64, scratch_operands = 6 : i64, tpu.core_type = #tpu.core_type<sc_vector_subcore>, window_params = [{transform_indices = #map}, {transform_indices = #map}, {transform_indices = #map}]} {
    %mul3A = arith.constant 16 : i32
    %mul3A_0 = arith.muli %arg0, %mul3A : i32
    %add3A = arith.addi %mul3A_0, %arg1 : i32
    "tpu.region"() ({
      %run_scoped3A_87 = tpu.sem_alloc : memref<!tpu.dma_semaphore, #tpu.memory_space<semaphore_mem>>
      %dma_start3A = arith.constant 0 : i32
      %dma_start3A_88 = tpu.memref_slice %arg2[%add3A, %dma_start3A] : memref<32x10240xi32, #tpu.memory_space<hbm>> -> memref<1x10240xi32, #tpu.memory_space<hbm>>
      %dma_start3A_89 = tpu.memref_squeeze %dma_start3A_88 : memref<1x10240xi32, #tpu.memory_space<hbm>> -> memref<10240xi32, #tpu.memory_space<hbm>>
      %dma_start3A_90 = arith.constant 0 : i32
      %dma_start3A_91 = tpu.memref_slice %arg2[%add3A, %dma_start3A_90] : memref<32x10240xi32, #tpu.memory_space<hbm>> -> memref<1x10240xi32, #tpu.memory_space<hbm>>
      %dma_start3A_92 = tpu.memref_squeeze %dma_start3A_91 : memref<1x10240xi32, #tpu.memory_space<hbm>> -> memref<10240xi32, #tpu.memory_space<hbm>>
      tpu.enqueue_dma source(%dma_start3A_92 : memref<10240xi32, #tpu.memory_space<hbm>>) target(%arg5 : memref<10240xi32, #tpu.memory_space<vmem>>) target_semaphore(%run_scoped3A_87 : memref<!tpu.dma_semaphore, #tpu.memory_space<semaphore_mem>>)
      %dma_wait3A = arith.constant 0 : i32
      %dma_wait3A_93 = tpu.memref_slice %arg2[%add3A, %dma_wait3A] : memref<32x10240xi32, #tpu.memory_space<hbm>> -> memref<1x10240xi32, #tpu.memory_space<hbm>>
      %dma_wait3A_94 = tpu.memref_squeeze %dma_wait3A_93 : memref<1x10240xi32, #tpu.memory_space<hbm>> -> memref<10240xi32, #tpu.memory_space<hbm>>
      %dma_wait3A_95 = arith.constant 0 : i32
      %dma_wait3A_96 = tpu.memref_slice %arg2[%add3A, %dma_wait3A_95] : memref<32x10240xi32, #tpu.memory_space<hbm>> -> memref<1x10240xi32, #tpu.memory_space<hbm>>
      %dma_wait3A_97 = tpu.memref_squeeze %dma_wait3A_96 : memref<1x10240xi32, #tpu.memory_space<hbm>> -> memref<10240xi32, #tpu.memory_space<hbm>>
      tpu.wait_dma2 semaphore(%run_scoped3A_87 : memref<!tpu.dma_semaphore, #tpu.memory_space<semaphore_mem>>) src(%dma_wait3A_97 : memref<10240xi32, #tpu.memory_space<hbm>>) dst(%arg5 : memref<10240xi32, #tpu.memory_space<vmem>>)
      tpu.yield
    }) : () -> ()
    "tpu.region"() ({
      %run_scoped3A_87 = tpu.sem_alloc : memref<!tpu.dma_semaphore, #tpu.memory_space<semaphore_mem>>
      %dma_start3A = arith.constant 0 : i32
      %dma_start3A_88 = tpu.memref_slice %arg3[%add3A, %dma_start3A] : memref<32x10240xf32, #tpu.memory_space<hbm>> -> memref<1x10240xf32, #tpu.memory_space<hbm>>
      %dma_start3A_89 = tpu.memref_squeeze %dma_start3A_88 : memref<1x10240xf32, #tpu.memory_space<hbm>> -> memref<10240xf32, #tpu.memory_space<hbm>>
      %dma_start3A_90 = arith.constant 0 : i32
      %dma_start3A_91 = tpu.memref_slice %arg3[%add3A, %dma_start3A_90] : memref<32x10240xf32, #tpu.memory_space<hbm>> -> memref<1x10240xf32, #tpu.memory_space<hbm>>
      %dma_start3A_92 = tpu.memref_squeeze %dma_start3A_91 : memref<1x10240xf32, #tpu.memory_space<hbm>> -> memref<10240xf32, #tpu.memory_space<hbm>>
      tpu.enqueue_dma source(%dma_start3A_92 : memref<10240xf32, #tpu.memory_space<hbm>>) target(%arg6 : memref<10240xf32, #tpu.memory_space<vmem>>) target_semaphore(%run_scoped3A_87 : memref<!tpu.dma_semaphore, #tpu.memory_space<semaphore_mem>>)
      %dma_wait3A = arith.constant 0 : i32
      %dma_wait3A_93 = tpu.memref_slice %arg3[%add3A, %dma_wait3A] : memref<32x10240xf32, #tpu.memory_space<hbm>> -> memref<1x10240xf32, #tpu.memory_space<hbm>>
      %dma_wait3A_94 = tpu.memref_squeeze %dma_wait3A_93 : memref<1x10240xf32, #tpu.memory_space<hbm>> -> memref<10240xf32, #tpu.memory_space<hbm>>
      %dma_wait3A_95 = arith.constant 0 : i32
      %dma_wait3A_96 = tpu.memref_slice %arg3[%add3A, %dma_wait3A_95] : memref<32x10240xf32, #tpu.memory_space<hbm>> -> memref<1x10240xf32, #tpu.memory_space<hbm>>
      %dma_wait3A_97 = tpu.memref_squeeze %dma_wait3A_96 : memref<1x10240xf32, #tpu.memory_space<hbm>> -> memref<10240xf32, #tpu.memory_space<hbm>>
      tpu.wait_dma2 semaphore(%run_scoped3A_87 : memref<!tpu.dma_semaphore, #tpu.memory_space<semaphore_mem>>) src(%dma_wait3A_97 : memref<10240xf32, #tpu.memory_space<hbm>>) dst(%arg6 : memref<10240xf32, #tpu.memory_space<vmem>>)
      tpu.yield
    }) : () -> ()
    %broadcast_in_dim3A = arith.constant 0.000000e+00 : f32
    %broadcast_in_dim3A_1 = vector.broadcast %broadcast_in_dim3A : f32 to vector<16xf32>
    %scan3A = arith.constant 0 : i32
    %scan3A_2 = arith.constant 0 : i32
    %scan3A_3 = arith.constant 640 : i32
    %scan3A_4 = arith.addi %scan3A_2, %scan3A_3 : i32
    %scan3A_5 = arith.constant 1 : i32
    %scan3A_6 = scf.for %scan3A_87 = %scan3A_2 to %scan3A_4 step %scan3A_5 iter_args(%scan3A_88 = %scan3A) -> (i32)  : i32 {
      %mul3A_89 = arith.constant 16 : i32
      %mul3A_90 = arith.muli %scan3A_87, %mul3A_89 : i32
      %swap3A = arith.index_cast %mul3A_90 : i32 to index
      %swap3A_91 = tpu.vector_load %arg7[%swap3A] {strides = array<i32>} : memref<10240xf32, #tpu.memory_space<vmem>>, vector<16xf32>,
      tpu.vector_store %arg7[%swap3A], %broadcast_in_dim3A_1 {strides = array<i32>} : memref<10240xf32, #tpu.memory_space<vmem>>, vector<16xf32>,
      %scan3A_92 = arith.constant 0 : i32
      scf.yield %scan3A_92 : i32
    }
    %scan3A_7 = arith.constant 640 : i32
    %scan3A_8 = arith.constant 0 : i32
    %scan3A_9 = arith.constant 0 : i32
    %scan3A_10 = arith.constant 640 : i32
    %scan3A_11 = arith.addi %scan3A_9, %scan3A_10 : i32
    %scan3A_12 = arith.constant 1 : i32
    %scan3A_13 = scf.for %scan3A_87 = %scan3A_9 to %scan3A_11 step %scan3A_12 iter_args(%scan3A_88 = %scan3A_8) -> (i32)  : i32 {
      %mul3A_89 = arith.constant 16 : i32
      %mul3A_90 = arith.muli %scan3A_87, %mul3A_89 : i32
      %get3A = arith.index_cast %mul3A_90 : i32 to index
      %get3A_91 = tpu.vector_load %arg5[%get3A] {strides = array<i32>} : memref<10240xi32, #tpu.memory_space<vmem>>, vector<16xi32>,
      %mul3A_92 = arith.constant 16 : i32
      %mul3A_93 = arith.muli %scan3A_87, %mul3A_92 : i32
      %get3A_94 = arith.index_cast %mul3A_93 : i32 to index
      %get3A_95 = tpu.vector_load %arg6[%get3A_94] {strides = array<i32>} : memref<10240xf32, #tpu.memory_space<vmem>>, vector<16xf32>,
      tpu.vector_store_idx %arg7[%get3A_91], %get3A_95 {add = true} : memref<10240xf32, #tpu.memory_space<vmem>>[vector<16xi32>], vector<16xf32>,
      %scan3A_96 = arith.constant 0 : i32
      scf.yield %scan3A_96 : i32
    }
    %scan3A_14 = arith.constant 640 : i32
    "tpu.region"() ({
      %run_scoped3A_87 = tpu.sem_alloc : memref<!tpu.dma_semaphore, #tpu.memory_space<semaphore_mem>>
      %dma_start3A = arith.constant 0 : i32
      %dma_start3A_88 = tpu.memref_slice %arg10[%arg1, %dma_start3A] : memref<16x10240xf32, #tpu.memory_space<vmem_shared>> -> memref<1x10240xf32, #tpu.memory_space<vmem_shared>>
      %dma_start3A_89 = tpu.memref_squeeze %dma_start3A_88 : memref<1x10240xf32, #tpu.memory_space<vmem_shared>> -> memref<10240xf32, #tpu.memory_space<vmem_shared>>
      %dma_start3A_90 = arith.constant 0 : i32
      %dma_start3A_91 = tpu.memref_slice %arg10[%arg1, %dma_start3A_90] : memref<16x10240xf32, #tpu.memory_space<vmem_shared>> -> memref<1x10240xf32, #tpu.memory_space<vmem_shared>>
      %dma_start3A_92 = tpu.memref_squeeze %dma_start3A_91 : memref<1x10240xf32, #tpu.memory_space<vmem_shared>> -> memref<10240xf32, #tpu.memory_space<vmem_shared>>
      tpu.enqueue_dma source(%arg7 : memref<10240xf32, #tpu.memory_space<vmem>>) target(%dma_start3A_92 : memref<10240xf32, #tpu.memory_space<vmem_shared>>) target_semaphore(%run_scoped3A_87 : memref<!tpu.dma_semaphore, #tpu.memory_space<semaphore_mem>>)
      %dma_wait3A = arith.constant 0 : i32
      %dma_wait3A_93 = tpu.memref_slice %arg10[%arg1, %dma_wait3A] : memref<16x10240xf32, #tpu.memory_space<vmem_shared>> -> memref<1x10240xf32, #tpu.memory_space<vmem_shared>>
      %dma_wait3A_94 = tpu.memref_squeeze %dma_wait3A_93 : memref<1x10240xf32, #tpu.memory_space<vmem_shared>> -> memref<10240xf32, #tpu.memory_space<vmem_shared>>
      %dma_wait3A_95 = arith.constant 0 : i32
      %dma_wait3A_96 = tpu.memref_slice %arg10[%arg1, %dma_wait3A_95] : memref<16x10240xf32, #tpu.memory_space<vmem_shared>> -> memref<1x10240xf32, #tpu.memory_space<vmem_shared>>
      %dma_wait3A_97 = tpu.memref_squeeze %dma_wait3A_96 : memref<1x10240xf32, #tpu.memory_space<vmem_shared>> -> memref<10240xf32, #tpu.memory_space<vmem_shared>>
      tpu.wait_dma2 semaphore(%run_scoped3A_87 : memref<!tpu.dma_semaphore, #tpu.memory_space<semaphore_mem>>) src(%arg7 : memref<10240xf32, #tpu.memory_space<vmem>>) dst(%dma_wait3A_97 : memref<10240xf32, #tpu.memory_space<vmem_shared>>)
      tpu.yield
    }) : () -> ()
    %barrier3A = arith.constant 0 : index
    tpu.barrier barrier_id(%barrier3A)
    %mul3A_15 = arith.constant 640 : i32
    %mul3A_16 = arith.muli %arg1, %mul3A_15 : i32
    %run_scoped3A = arith.constant 0 : i32
    %run_scoped3A_17 = arith.constant 0 : i32
    "tpu.region"() ({
      %run_scoped3A_87 = tpu.sem_alloc : memref<!tpu.dma_semaphore, #tpu.memory_space<semaphore_mem>>
      %dma_start3A = arith.constant 0 : i32
      %dma_start3A_88 = tpu.memref_slice %arg8[%run_scoped3A_17, %dma_start3A] : memref<16x640xf32, #tpu.memory_space<vmem>> -> memref<1x640xf32, #tpu.memory_space<vmem>>
      %dma_start3A_89 = tpu.memref_squeeze %dma_start3A_88 : memref<1x640xf32, #tpu.memory_space<vmem>> -> memref<640xf32, #tpu.memory_space<vmem>>
      %dma_start3A_90 = tpu.memref_slice %arg10[%run_scoped3A, %mul3A_16] : memref<16x10240xf32, #tpu.memory_space<vmem_shared>> -> memref<1x640xf32, #tpu.memory_space<vmem_shared>>
      %dma_start3A_91 = tpu.memref_squeeze %dma_start3A_90 : memref<1x640xf32, #tpu.memory_space<vmem_shared>> -> memref<640xf32, #tpu.memory_space<vmem_shared>>
      %dma_start3A_92 = arith.constant 0 : i32
      %dma_start3A_93 = tpu.memref_slice %arg8[%run_scoped3A_17, %dma_start3A_92] : memref<16x640xf32, #tpu.memory_space<vmem>> -> memref<1x640xf32, #tpu.memory_space<vmem>>
      %dma_start3A_94 = tpu.memref_squeeze %dma_start3A_93 : memref<1x640xf32, #tpu.memory_space<vmem>> -> memref<640xf32, #tpu.memory_space<vmem>>
      %dma_start3A_95 = tpu.memref_slice %arg10[%run_scoped3A, %mul3A_16] : memref<16x10240xf32, #tpu.memory_space<vmem_shared>> -> memref<1x640xf32, #tpu.memory_space<vmem_shared>>
      %dma_start3A_96 = tpu.memref_squeeze %dma_start3A_95 : memref<1x640xf32, #tpu.memory_space<vmem_shared>> -> memref<640xf32, #tpu.memory_space<vmem_shared>>
      tpu.enqueue_dma source(%dma_start3A_96 : memref<640xf32, #tpu.memory_space<vmem_shared>>) target(%dma_start3A_94 : memref<640xf32, #tpu.memory_space<vmem>>) target_semaphore(%run_scoped3A_87 : memref<!tpu.dma_semaphore, #tpu.memory_space<semaphore_mem>>)
      %dma_wait3A = arith.constant 0 : i32
      %dma_wait3A_97 = tpu.memref_slice %arg8[%run_scoped3A_17, %dma_wait3A] : memref<16x640xf32, #tpu.memory_space<vmem>> -> memref<1x640xf32, #tpu.memory_space<vmem>>
      %dma_wait3A_98 = tpu.memref_squeeze %dma_wait3A_97 : memref<1x640xf32, #tpu.memory_space<vmem>> -> memref<640xf32, #tpu.memory_space<vmem>>
      %dma_wait3A_99 = tpu.memref_slice %arg10[%run_scoped3A, %mul3A_16] : memref<16x10240xf32, #tpu.memory_space<vmem_shared>> -> memref<1x640xf32, #tpu.memory_space<vmem_shared>>
      %dma_wait3A_100 = tpu.memref_squeeze %dma_wait3A_99 : memref<1x640xf32, #tpu.memory_space<vmem_shared>> -> memref<640xf32, #tpu.memory_space<vmem_shared>>
      %dma_wait3A_101 = arith.constant 0 : i32
      %dma_wait3A_102 = tpu.memref_slice %arg8[%run_scoped3A_17, %dma_wait3A_101] : memref<16x640xf32, #tpu.memory_space<vmem>> -> memref<1x640xf32, #tpu.memory_space<vmem>>
      %dma_wait3A_103 = tpu.memref_squeeze %dma_wait3A_102 : memref<1x640xf32, #tpu.memory_space<vmem>> -> memref<640xf32, #tpu.memory_space<vmem>>
      %dma_wait3A_104 = tpu.memref_slice %arg10[%run_scoped3A, %mul3A_16] : memref<16x10240xf32, #tpu.memory_space<vmem_shared>> -> memref<1x640xf32, #tpu.memory_space<vmem_shared>>
      %dma_wait3A_105 = tpu.memref_squeeze %dma_wait3A_104 : memref<1x640xf32, #tpu.memory_space<vmem_shared>> -> memref<640xf32, #tpu.memory_space<vmem_shared>>
      tpu.wait_dma2 semaphore(%run_scoped3A_87 : memref<!tpu.dma_semaphore, #tpu.memory_space<semaphore_mem>>) src(%dma_wait3A_105 : memref<640xf32, #tpu.memory_space<vmem_shared>>) dst(%dma_wait3A_103 : memref<640xf32, #tpu.memory_space<vmem>>)
      tpu.yield
    }) : () -> ()
    %mul3A_18 = arith.constant 640 : i32
    %mul3A_19 = arith.muli %arg1, %mul3A_18 : i32
    %run_scoped3A_20 = arith.constant 1 : i32
    %run_scoped3A_21 = arith.constant 1 : i32
    "tpu.region"() ({
      %run_scoped3A_87 = tpu.sem_alloc : memref<!tpu.dma_semaphore, #tpu.memory_space<semaphore_mem>>
      %dma_start3A = arith.constant 0 : i32
      %dma_start3A_88 = tpu.memref_slice %arg8[%run_scoped3A_21, %dma_start3A] : memref<16x640xf32, #tpu.memory_space<vmem>> -> memref<1x640xf32, #tpu.memory_space<vmem>>
      %dma_start3A_89 = tpu.memref_squeeze %dma_start3A_88 : memref<1x640xf32, #tpu.memory_space<vmem>> -> memref<640xf32, #tpu.memory_space<vmem>>
      %dma_start3A_90 = tpu.memref_slice %arg10[%run_scoped3A_20, %mul3A_19] : memref<16x10240xf32, #tpu.memory_space<vmem_shared>> -> memref<1x640xf32, #tpu.memory_space<vmem_shared>>
      %dma_start3A_91 = tpu.memref_squeeze %dma_start3A_90 : memref<1x640xf32, #tpu.memory_space<vmem_shared>> -> memref<640xf32, #tpu.memory_space<vmem_shared>>
      %dma_start3A_92 = arith.constant 0 : i32
      %dma_start3A_93 = tpu.memref_slice %arg8[%run_scoped3A_21, %dma_start3A_92] : memref<16x640xf32, #tpu.memory_space<vmem>> -> memref<1x640xf32, #tpu.memory_space<vmem>>
      %dma_start3A_94 = tpu.memref_squeeze %dma_start3A_93 : memref<1x640xf32, #tpu.memory_space<vmem>> -> memref<640xf32, #tpu.memory_space<vmem>>
      %dma_start3A_95 = tpu.memref_slice %arg10[%run_scoped3A_20, %mul3A_19] : memref<16x10240xf32, #tpu.memory_space<vmem_shared>> -> memref<1x640xf32, #tpu.memory_space<vmem_shared>>
      %dma_start3A_96 = tpu.memref_squeeze %dma_start3A_95 : memref<1x640xf32, #tpu.memory_space<vmem_shared>> -> memref<640xf32, #tpu.memory_space<vmem_shared>>
      tpu.enqueue_dma source(%dma_start3A_96 : memref<640xf32, #tpu.memory_space<vmem_shared>>) target(%dma_start3A_94 : memref<640xf32, #tpu.memory_space<vmem>>) target_semaphore(%run_scoped3A_87 : memref<!tpu.dma_semaphore, #tpu.memory_space<semaphore_mem>>)
      %dma_wait3A = arith.constant 0 : i32
      %dma_wait3A_97 = tpu.memref_slice %arg8[%run_scoped3A_21, %dma_wait3A] : memref<16x640xf32, #tpu.memory_space<vmem>> -> memref<1x640xf32, #tpu.memory_space<vmem>>
      %dma_wait3A_98 = tpu.memref_squeeze %dma_wait3A_97 : memref<1x640xf32, #tpu.memory_space<vmem>> -> memref<640xf32, #tpu.memory_space<vmem>>
      %dma_wait3A_99 = tpu.memref_slice %arg10[%run_scoped3A_20, %mul3A_19] : memref<16x10240xf32, #tpu.memory_space<vmem_shared>> -> memref<1x640xf32, #tpu.memory_space<vmem_shared>>
      %dma_wait3A_100 = tpu.memref_squeeze %dma_wait3A_99 : memref<1x640xf32, #tpu.memory_space<vmem_shared>> -> memref<640xf32, #tpu.memory_space<vmem_shared>>
      %dma_wait3A_101 = arith.constant 0 : i32
      %dma_wait3A_102 = tpu.memref_slice %arg8[%run_scoped3A_21, %dma_wait3A_101] : memref<16x640xf32, #tpu.memory_space<vmem>> -> memref<1x640xf32, #tpu.memory_space<vmem>>
      %dma_wait3A_103 = tpu.memref_squeeze %dma_wait3A_102 : memref<1x640xf32, #tpu.memory_space<vmem>> -> memref<640xf32, #tpu.memory_space<vmem>>
      %dma_wait3A_104 = tpu.memref_slice %arg10[%run_scoped3A_20, %mul3A_19] : memref<16x10240xf32, #tpu.memory_space<vmem_shared>> -> memref<1x640xf32, #tpu.memory_space<vmem_shared>>
      %dma_wait3A_105 = tpu.memref_squeeze %dma_wait3A_104 : memref<1x640xf32, #tpu.memory_space<vmem_shared>> -> memref<640xf32, #tpu.memory_space<vmem_shared>>
      tpu.wait_dma2 semaphore(%run_scoped3A_87 : memref<!tpu.dma_semaphore, #tpu.memory_space<semaphore_mem>>) src(%dma_wait3A_105 : memref<640xf32, #tpu.memory_space<vmem_shared>>) dst(%dma_wait3A_103 : memref<640xf32, #tpu.memory_space<vmem>>)
      tpu.yield
    }) : () -> ()
    %mul3A_22 = arith.constant 640 : i32
    %mul3A_23 = arith.muli %arg1, %mul3A_22 : i32
    %run_scoped3A_24 = arith.constant 2 : i32
    %run_scoped3A_25 = arith.constant 2 : i32
    "tpu.region"() ({
      %run_scoped3A_87 = tpu.sem_alloc : memref<!tpu.dma_semaphore, #tpu.memory_space<semaphore_mem>>
      %dma_start3A = arith.constant 0 : i32
      %dma_start3A_88 = tpu.memref_slice %arg8[%run_scoped3A_25, %dma_start3A] : memref<16x640xf32, #tpu.memory_space<vmem>> -> memref<1x640xf32, #tpu.memory_space<vmem>>
      %dma_start3A_89 = tpu.memref_squeeze %dma_start3A_88 : memref<1x640xf32, #tpu.memory_space<vmem>> -> memref<640xf32, #tpu.memory_space<vmem>>
      %dma_start3A_90 = tpu.memref_slice %arg10[%run_scoped3A_24, %mul3A_23] : memref<16x10240xf32, #tpu.memory_space<vmem_shared>> -> memref<1x640xf32, #tpu.memory_space<vmem_shared>>
      %dma_start3A_91 = tpu.memref_squeeze %dma_start3A_90 : memref<1x640xf32, #tpu.memory_space<vmem_shared>> -> memref<640xf32, #tpu.memory_space<vmem_shared>>
      %dma_start3A_92 = arith.constant 0 : i32
      %dma_start3A_93 = tpu.memref_slice %arg8[%run_scoped3A_25, %dma_start3A_92] : memref<16x640xf32, #tpu.memory_space<vmem>> -> memref<1x640xf32, #tpu.memory_space<vmem>>
      %dma_start3A_94 = tpu.memref_squeeze %dma_start3A_93 : memref<1x640xf32, #tpu.memory_space<vmem>> -> memref<640xf32, #tpu.memory_space<vmem>>
      %dma_start3A_95 = tpu.memref_slice %arg10[%run_scoped3A_24, %mul3A_23] : memref<16x10240xf32, #tpu.memory_space<vmem_shared>> -> memref<1x640xf32, #tpu.memory_space<vmem_shared>>
      %dma_start3A_96 = tpu.memref_squeeze %dma_start3A_95 : memref<1x640xf32, #tpu.memory_space<vmem_shared>> -> memref<640xf32, #tpu.memory_space<vmem_shared>>
      tpu.enqueue_dma source(%dma_start3A_96 : memref<640xf32, #tpu.memory_space<vmem_shared>>) target(%dma_start3A_94 : memref<640xf32, #tpu.memory_space<vmem>>) target_semaphore(%run_scoped3A_87 : memref<!tpu.dma_semaphore, #tpu.memory_space<semaphore_mem>>)
      %dma_wait3A = arith.constant 0 : i32
      %dma_wait3A_97 = tpu.memref_slice %arg8[%run_scoped3A_25, %dma_wait3A] : memref<16x640xf32, #tpu.memory_space<vmem>> -> memref<1x640xf32, #tpu.memory_space<vmem>>
      %dma_wait3A_98 = tpu.memref_squeeze %dma_wait3A_97 : memref<1x640xf32, #tpu.memory_space<vmem>> -> memref<640xf32, #tpu.memory_space<vmem>>
      %dma_wait3A_99 = tpu.memref_slice %arg10[%run_scoped3A_24, %mul3A_23] : memref<16x10240xf32, #tpu.memory_space<vmem_shared>> -> memref<1x640xf32, #tpu.memory_space<vmem_shared>>
      %dma_wait3A_100 = tpu.memref_squeeze %dma_wait3A_99 : memref<1x640xf32, #tpu.memory_space<vmem_shared>> -> memref<640xf32, #tpu.memory_space<vmem_shared>>
      %dma_wait3A_101 = arith.constant 0 : i32
      %dma_wait3A_102 = tpu.memref_slice %arg8[%run_scoped3A_25, %dma_wait3A_101] : memref<16x640xf32, #tpu.memory_space<vmem>> -> memref<1x640xf32, #tpu.memory_space<vmem>>
      %dma_wait3A_103 = tpu.memref_squeeze %dma_wait3A_102 : memref<1x640xf32, #tpu.memory_space<vmem>> -> memref<640xf32, #tpu.memory_space<vmem>>
      %dma_wait3A_104 = tpu.memref_slice %arg10[%run_scoped3A_24, %mul3A_23] : memref<16x10240xf32, #tpu.memory_space<vmem_shared>> -> memref<1x640xf32, #tpu.memory_space<vmem_shared>>
      %dma_wait3A_105 = tpu.memref_squeeze %dma_wait3A_104 : memref<1x640xf32, #tpu.memory_space<vmem_shared>> -> memref<640xf32, #tpu.memory_space<vmem_shared>>
      tpu.wait_dma2 semaphore(%run_scoped3A_87 : memref<!tpu.dma_semaphore, #tpu.memory_space<semaphore_mem>>) src(%dma_wait3A_105 : memref<640xf32, #tpu.memory_space<vmem_shared>>) dst(%dma_wait3A_103 : memref<640xf32, #tpu.memory_space<vmem>>)
      tpu.yield
    }) : () -> ()
    %mul3A_26 = arith.constant 640 : i32
    %mul3A_27 = arith.muli %arg1, %mul3A_26 : i32
    %run_scoped3A_28 = arith.constant 3 : i32
    %run_scoped3A_29 = arith.constant 3 : i32
    "tpu.region"() ({
      %run_scoped3A_87 = tpu.sem_alloc : memref<!tpu.dma_semaphore, #tpu.memory_space<semaphore_mem>>
      %dma_start3A = arith.constant 0 : i32
      %dma_start3A_88 = tpu.memref_slice %arg8[%run_scoped3A_29, %dma_start3A] : memref<16x640xf32, #tpu.memory_space<vmem>> -> memref<1x640xf32, #tpu.memory_space<vmem>>
      %dma_start3A_89 = tpu.memref_squeeze %dma_start3A_88 : memref<1x640xf32, #tpu.memory_space<vmem>> -> memref<640xf32, #tpu.memory_space<vmem>>
      %dma_start3A_90 = tpu.memref_slice %arg10[%run_scoped3A_28, %mul3A_27] : memref<16x10240xf32, #tpu.memory_space<vmem_shared>> -> memref<1x640xf32, #tpu.memory_space<vmem_shared>>
      %dma_start3A_91 = tpu.memref_squeeze %dma_start3A_90 : memref<1x640xf32, #tpu.memory_space<vmem_shared>> -> memref<640xf32, #tpu.memory_space<vmem_shared>>
      %dma_start3A_92 = arith.constant 0 : i32
      %dma_start3A_93 = tpu.memref_slice %arg8[%run_scoped3A_29, %dma_start3A_92] : memref<16x640xf32, #tpu.memory_space<vmem>> -> memref<1x640xf32, #tpu.memory_space<vmem>>
      %dma_start3A_94 = tpu.memref_squeeze %dma_start3A_93 : memref<1x640xf32, #tpu.memory_space<vmem>> -> memref<640xf32, #tpu.memory_space<vmem>>
      %dma_start3A_95 = tpu.memref_slice %arg10[%run_scoped3A_28, %mul3A_27] : memref<16x10240xf32, #tpu.memory_space<vmem_shared>> -> memref<1x640xf32, #tpu.memory_space<vmem_shared>>
      %dma_start3A_96 = tpu.memref_squeeze %dma_start3A_95 : memref<1x640xf32, #tpu.memory_space<vmem_shared>> -> memref<640xf32, #tpu.memory_space<vmem_shared>>
      tpu.enqueue_dma source(%dma_start3A_96 : memref<640xf32, #tpu.memory_space<vmem_shared>>) target(%dma_start3A_94 : memref<640xf32, #tpu.memory_space<vmem>>) target_semaphore(%run_scoped3A_87 : memref<!tpu.dma_semaphore, #tpu.memory_space<semaphore_mem>>)
      %dma_wait3A = arith.constant 0 : i32
      %dma_wait3A_97 = tpu.memref_slice %arg8[%run_scoped3A_29, %dma_wait3A] : memref<16x640xf32, #tpu.memory_space<vmem>> -> memref<1x640xf32, #tpu.memory_space<vmem>>
      %dma_wait3A_98 = tpu.memref_squeeze %dma_wait3A_97 : memref<1x640xf32, #tpu.memory_space<vmem>> -> memref<640xf32, #tpu.memory_space<vmem>>
      %dma_wait3A_99 = tpu.memref_slice %arg10[%run_scoped3A_28, %mul3A_27] : memref<16x10240xf32, #tpu.memory_space<vmem_shared>> -> memref<1x640xf32, #tpu.memory_space<vmem_shared>>
      %dma_wait3A_100 = tpu.memref_squeeze %dma_wait3A_99 : memref<1x640xf32, #tpu.memory_space<vmem_shared>> -> memref<640xf32, #tpu.memory_space<vmem_shared>>
      %dma_wait3A_101 = arith.constant 0 : i32
      %dma_wait3A_102 = tpu.memref_slice %arg8[%run_scoped3A_29, %dma_wait3A_101] : memref<16x640xf32, #tpu.memory_space<vmem>> -> memref<1x640xf32, #tpu.memory_space<vmem>>
      %dma_wait3A_103 = tpu.memref_squeeze %dma_wait3A_102 : memref<1x640xf32, #tpu.memory_space<vmem>> -> memref<640xf32, #tpu.memory_space<vmem>>
      %dma_wait3A_104 = tpu.memref_slice %arg10[%run_scoped3A_28, %mul3A_27] : memref<16x10240xf32, #tpu.memory_space<vmem_shared>> -> memref<1x640xf32, #tpu.memory_space<vmem_shared>>
      %dma_wait3A_105 = tpu.memref_squeeze %dma_wait3A_104 : memref<1x640xf32, #tpu.memory_space<vmem_shared>> -> memref<640xf32, #tpu.memory_space<vmem_shared>>
      tpu.wait_dma2 semaphore(%run_scoped3A_87 : memref<!tpu.dma_semaphore, #tpu.memory_space<semaphore_mem>>) src(%dma_wait3A_105 : memref<640xf32, #tpu.memory_space<vmem_shared>>) dst(%dma_wait3A_103 : memref<640xf32, #tpu.memory_space<vmem>>)
      tpu.yield
    }) : () -> ()
    %mul3A_30 = arith.constant 640 : i32
    %mul3A_31 = arith.muli %arg1, %mul3A_30 : i32
    %run_scoped3A_32 = arith.constant 4 : i32
    %run_scoped3A_33 = arith.constant 4 : i32
    "tpu.region"() ({
      %run_scoped3A_87 = tpu.sem_alloc : memref<!tpu.dma_semaphore, #tpu.memory_space<semaphore_mem>>
      %dma_start3A = arith.constant 0 : i32
      %dma_start3A_88 = tpu.memref_slice %arg8[%run_scoped3A_33, %dma_start3A] : memref<16x640xf32, #tpu.memory_space<vmem>> -> memref<1x640xf32, #tpu.memory_space<vmem>>
      %dma_start3A_89 = tpu.memref_squeeze %dma_start3A_88 : memref<1x640xf32, #tpu.memory_space<vmem>> -> memref<640xf32, #tpu.memory_space<vmem>>
      %dma_start3A_90 = tpu.memref_slice %arg10[%run_scoped3A_32, %mul3A_31] : memref<16x10240xf32, #tpu.memory_space<vmem_shared>> -> memref<1x640xf32, #tpu.memory_space<vmem_shared>>
      %dma_start3A_91 = tpu.memref_squeeze %dma_start3A_90 : memref<1x640xf32, #tpu.memory_space<vmem_shared>> -> memref<640xf32, #tpu.memory_space<vmem_shared>>
      %dma_start3A_92 = arith.constant 0 : i32
      %dma_start3A_93 = tpu.memref_slice %arg8[%run_scoped3A_33, %dma_start3A_92] : memref<16x640xf32, #tpu.memory_space<vmem>> -> memref<1x640xf32, #tpu.memory_space<vmem>>
      %dma_start3A_94 = tpu.memref_squeeze %dma_start3A_93 : memref<1x640xf32, #tpu.memory_space<vmem>> -> memref<640xf32, #tpu.memory_space<vmem>>
      %dma_start3A_95 = tpu.memref_slice %arg10[%run_scoped3A_32, %mul3A_31] : memref<16x10240xf32, #tpu.memory_space<vmem_shared>> -> memref<1x640xf32, #tpu.memory_space<vmem_shared>>
      %dma_start3A_96 = tpu.memref_squeeze %dma_start3A_95 : memref<1x640xf32, #tpu.memory_space<vmem_shared>> -> memref<640xf32, #tpu.memory_space<vmem_shared>>
      tpu.enqueue_dma source(%dma_start3A_96 : memref<640xf32, #tpu.memory_space<vmem_shared>>) target(%dma_start3A_94 : memref<640xf32, #tpu.memory_space<vmem>>) target_semaphore(%run_scoped3A_87 : memref<!tpu.dma_semaphore, #tpu.memory_space<semaphore_mem>>)
      %dma_wait3A = arith.constant 0 : i32
      %dma_wait3A_97 = tpu.memref_slice %arg8[%run_scoped3A_33, %dma_wait3A] : memref<16x640xf32, #tpu.memory_space<vmem>> -> memref<1x640xf32, #tpu.memory_space<vmem>>
      %dma_wait3A_98 = tpu.memref_squeeze %dma_wait3A_97 : memref<1x640xf32, #tpu.memory_space<vmem>> -> memref<640xf32, #tpu.memory_space<vmem>>
      %dma_wait3A_99 = tpu.memref_slice %arg10[%run_scoped3A_32, %mul3A_31] : memref<16x10240xf32, #tpu.memory_space<vmem_shared>> -> memref<1x640xf32, #tpu.memory_space<vmem_shared>>
      %dma_wait3A_100 = tpu.memref_squeeze %dma_wait3A_99 : memref<1x640xf32, #tpu.memory_space<vmem_shared>> -> memref<640xf32, #tpu.memory_space<vmem_shared>>
      %dma_wait3A_101 = arith.constant 0 : i32
      %dma_wait3A_102 = tpu.memref_slice %arg8[%run_scoped3A_33, %dma_wait3A_101] : memref<16x640xf32, #tpu.memory_space<vmem>> -> memref<1x640xf32, #tpu.memory_space<vmem>>
      %dma_wait3A_103 = tpu.memref_squeeze %dma_wait3A_102 : memref<1x640xf32, #tpu.memory_space<vmem>> -> memref<640xf32, #tpu.memory_space<vmem>>
      %dma_wait3A_104 = tpu.memref_slice %arg10[%run_scoped3A_32, %mul3A_31] : memref<16x10240xf32, #tpu.memory_space<vmem_shared>> -> memref<1x640xf32, #tpu.memory_space<vmem_shared>>
      %dma_wait3A_105 = tpu.memref_squeeze %dma_wait3A_104 : memref<1x640xf32, #tpu.memory_space<vmem_shared>> -> memref<640xf32, #tpu.memory_space<vmem_shared>>
      tpu.wait_dma2 semaphore(%run_scoped3A_87 : memref<!tpu.dma_semaphore, #tpu.memory_space<semaphore_mem>>) src(%dma_wait3A_105 : memref<640xf32, #tpu.memory_space<vmem_shared>>) dst(%dma_wait3A_103 : memref<640xf32, #tpu.memory_space<vmem>>)
      tpu.yield
    }) : () -> ()
    %mul3A_34 = arith.constant 640 : i32
    %mul3A_35 = arith.muli %arg1, %mul3A_34 : i32
    %run_scoped3A_36 = arith.constant 5 : i32
    %run_scoped3A_37 = arith.constant 5 : i32
    "tpu.region"() ({
      %run_scoped3A_87 = tpu.sem_alloc : memref<!tpu.dma_semaphore, #tpu.memory_space<semaphore_mem>>
      %dma_start3A = arith.constant 0 : i32
      %dma_start3A_88 = tpu.memref_slice %arg8[%run_scoped3A_37, %dma_start3A] : memref<16x640xf32, #tpu.memory_space<vmem>> -> memref<1x640xf32, #tpu.memory_space<vmem>>
      %dma_start3A_89 = tpu.memref_squeeze %dma_start3A_88 : memref<1x640xf32, #tpu.memory_space<vmem>> -> memref<640xf32, #tpu.memory_space<vmem>>
      %dma_start3A_90 = tpu.memref_slice %arg10[%run_scoped3A_36, %mul3A_35] : memref<16x10240xf32, #tpu.memory_space<vmem_shared>> -> memref<1x640xf32, #tpu.memory_space<vmem_shared>>
      %dma_start3A_91 = tpu.memref_squeeze %dma_start3A_90 : memref<1x640xf32, #tpu.memory_space<vmem_shared>> -> memref<640xf32, #tpu.memory_space<vmem_shared>>
      %dma_start3A_92 = arith.constant 0 : i32
      %dma_start3A_93 = tpu.memref_slice %arg8[%run_scoped3A_37, %dma_start3A_92] : memref<16x640xf32, #tpu.memory_space<vmem>> -> memref<1x640xf32, #tpu.memory_space<vmem>>
      %dma_start3A_94 = tpu.memref_squeeze %dma_start3A_93 : memref<1x640xf32, #tpu.memory_space<vmem>> -> memref<640xf32, #tpu.memory_space<vmem>>
      %dma_start3A_95 = tpu.memref_slice %arg10[%run_scoped3A_36, %mul3A_35] : memref<16x10240xf32, #tpu.memory_space<vmem_shared>> -> memref<1x640xf32, #tpu.memory_space<vmem_shared>>
      %dma_start3A_96 = tpu.memref_squeeze %dma_start3A_95 : memref<1x640xf32, #tpu.memory_space<vmem_shared>> -> memref<640xf32, #tpu.memory_space<vmem_shared>>
      tpu.enqueue_dma source(%dma_start3A_96 : memref<640xf32, #tpu.memory_space<vmem_shared>>) target(%dma_start3A_94 : memref<640xf32, #tpu.memory_space<vmem>>) target_semaphore(%run_scoped3A_87 : memref<!tpu.dma_semaphore, #tpu.memory_space<semaphore_mem>>)
      %dma_wait3A = arith.constant 0 : i32
      %dma_wait3A_97 = tpu.memref_slice %arg8[%run_scoped3A_37, %dma_wait3A] : memref<16x640xf32, #tpu.memory_space<vmem>> -> memref<1x640xf32, #tpu.memory_space<vmem>>
      %dma_wait3A_98 = tpu.memref_squeeze %dma_wait3A_97 : memref<1x640xf32, #tpu.memory_space<vmem>> -> memref<640xf32, #tpu.memory_space<vmem>>
      %dma_wait3A_99 = tpu.memref_slice %arg10[%run_scoped3A_36, %mul3A_35] : memref<16x10240xf32, #tpu.memory_space<vmem_shared>> -> memref<1x640xf32, #tpu.memory_space<vmem_shared>>
      %dma_wait3A_100 = tpu.memref_squeeze %dma_wait3A_99 : memref<1x640xf32, #tpu.memory_space<vmem_shared>> -> memref<640xf32, #tpu.memory_space<vmem_shared>>
      %dma_wait3A_101 = arith.constant 0 : i32
      %dma_wait3A_102 = tpu.memref_slice %arg8[%run_scoped3A_37, %dma_wait3A_101] : memref<16x640xf32, #tpu.memory_space<vmem>> -> memref<1x640xf32, #tpu.memory_space<vmem>>
      %dma_wait3A_103 = tpu.memref_squeeze %dma_wait3A_102 : memref<1x640xf32, #tpu.memory_space<vmem>> -> memref<640xf32, #tpu.memory_space<vmem>>
      %dma_wait3A_104 = tpu.memref_slice %arg10[%run_scoped3A_36, %mul3A_35] : memref<16x10240xf32, #tpu.memory_space<vmem_shared>> -> memref<1x640xf32, #tpu.memory_space<vmem_shared>>
      %dma_wait3A_105 = tpu.memref_squeeze %dma_wait3A_104 : memref<1x640xf32, #tpu.memory_space<vmem_shared>> -> memref<640xf32, #tpu.memory_space<vmem_shared>>
      tpu.wait_dma2 semaphore(%run_scoped3A_87 : memref<!tpu.dma_semaphore, #tpu.memory_space<semaphore_mem>>) src(%dma_wait3A_105 : memref<640xf32, #tpu.memory_space<vmem_shared>>) dst(%dma_wait3A_103 : memref<640xf32, #tpu.memory_space<vmem>>)
      tpu.yield
    }) : () -> ()
    %mul3A_38 = arith.constant 640 : i32
    %mul3A_39 = arith.muli %arg1, %mul3A_38 : i32
    %run_scoped3A_40 = arith.constant 6 : i32
    %run_scoped3A_41 = arith.constant 6 : i32
    "tpu.region"() ({
      %run_scoped3A_87 = tpu.sem_alloc : memref<!tpu.dma_semaphore, #tpu.memory_space<semaphore_mem>>
      %dma_start3A = arith.constant 0 : i32
      %dma_start3A_88 = tpu.memref_slice %arg8[%run_scoped3A_41, %dma_start3A] : memref<16x640xf32, #tpu.memory_space<vmem>> -> memref<1x640xf32, #tpu.memory_space<vmem>>
      %dma_start3A_89 = tpu.memref_squeeze %dma_start3A_88 : memref<1x640xf32, #tpu.memory_space<vmem>> -> memref<640xf32, #tpu.memory_space<vmem>>
      %dma_start3A_90 = tpu.memref_slice %arg10[%run_scoped3A_40, %mul3A_39] : memref<16x10240xf32, #tpu.memory_space<vmem_shared>> -> memref<1x640xf32, #tpu.memory_space<vmem_shared>>
      %dma_start3A_91 = tpu.memref_squeeze %dma_start3A_90 : memref<1x640xf32, #tpu.memory_space<vmem_shared>> -> memref<640xf32, #tpu.memory_space<vmem_shared>>
      %dma_start3A_92 = arith.constant 0 : i32
      %dma_start3A_93 = tpu.memref_slice %arg8[%run_scoped3A_41, %dma_start3A_92] : memref<16x640xf32, #tpu.memory_space<vmem>> -> memref<1x640xf32, #tpu.memory_space<vmem>>
      %dma_start3A_94 = tpu.memref_squeeze %dma_start3A_93 : memref<1x640xf32, #tpu.memory_space<vmem>> -> memref<640xf32, #tpu.memory_space<vmem>>
      %dma_start3A_95 = tpu.memref_slice %arg10[%run_scoped3A_40, %mul3A_39] : memref<16x10240xf32, #tpu.memory_space<vmem_shared>> -> memref<1x640xf32, #tpu.memory_space<vmem_shared>>
      %dma_start3A_96 = tpu.memref_squeeze %dma_start3A_95 : memref<1x640xf32, #tpu.memory_space<vmem_shared>> -> memref<640xf32, #tpu.memory_space<vmem_shared>>
      tpu.enqueue_dma source(%dma_start3A_96 : memref<640xf32, #tpu.memory_space<vmem_shared>>) target(%dma_start3A_94 : memref<640xf32, #tpu.memory_space<vmem>>) target_semaphore(%run_scoped3A_87 : memref<!tpu.dma_semaphore, #tpu.memory_space<semaphore_mem>>)
      %dma_wait3A = arith.constant 0 : i32
      %dma_wait3A_97 = tpu.memref_slice %arg8[%run_scoped3A_41, %dma_wait3A] : memref<16x640xf32, #tpu.memory_space<vmem>> -> memref<1x640xf32, #tpu.memory_space<vmem>>
      %dma_wait3A_98 = tpu.memref_squeeze %dma_wait3A_97 : memref<1x640xf32, #tpu.memory_space<vmem>> -> memref<640xf32, #tpu.memory_space<vmem>>
      %dma_wait3A_99 = tpu.memref_slice %arg10[%run_scoped3A_40, %mul3A_39] : memref<16x10240xf32, #tpu.memory_space<vmem_shared>> -> memref<1x640xf32, #tpu.memory_space<vmem_shared>>
      %dma_wait3A_100 = tpu.memref_squeeze %dma_wait3A_99 : memref<1x640xf32, #tpu.memory_space<vmem_shared>> -> memref<640xf32, #tpu.memory_space<vmem_shared>>
      %dma_wait3A_101 = arith.constant 0 : i32
      %dma_wait3A_102 = tpu.memref_slice %arg8[%run_scoped3A_41, %dma_wait3A_101] : memref<16x640xf32, #tpu.memory_space<vmem>> -> memref<1x640xf32, #tpu.memory_space<vmem>>
      %dma_wait3A_103 = tpu.memref_squeeze %dma_wait3A_102 : memref<1x640xf32, #tpu.memory_space<vmem>> -> memref<640xf32, #tpu.memory_space<vmem>>
      %dma_wait3A_104 = tpu.memref_slice %arg10[%run_scoped3A_40, %mul3A_39] : memref<16x10240xf32, #tpu.memory_space<vmem_shared>> -> memref<1x640xf32, #tpu.memory_space<vmem_shared>>
      %dma_wait3A_105 = tpu.memref_squeeze %dma_wait3A_104 : memref<1x640xf32, #tpu.memory_space<vmem_shared>> -> memref<640xf32, #tpu.memory_space<vmem_shared>>
      tpu.wait_dma2 semaphore(%run_scoped3A_87 : memref<!tpu.dma_semaphore, #tpu.memory_space<semaphore_mem>>) src(%dma_wait3A_105 : memref<640xf32, #tpu.memory_space<vmem_shared>>) dst(%dma_wait3A_103 : memref<640xf32, #tpu.memory_space<vmem>>)
      tpu.yield
    }) : () -> ()
    %mul3A_42 = arith.constant 640 : i32
    %mul3A_43 = arith.muli %arg1, %mul3A_42 : i32
    %run_scoped3A_44 = arith.constant 7 : i32
    %run_scoped3A_45 = arith.constant 7 : i32
    "tpu.region"() ({
      %run_scoped3A_87 = tpu.sem_alloc : memref<!tpu.dma_semaphore, #tpu.memory_space<semaphore_mem>>
      %dma_start3A = arith.constant 0 : i32
      %dma_start3A_88 = tpu.memref_slice %arg8[%run_scoped3A_45, %dma_start3A] : memref<16x640xf32, #tpu.memory_space<vmem>> -> memref<1x640xf32, #tpu.memory_space<vmem>>
      %dma_start3A_89 = tpu.memref_squeeze %dma_start3A_88 : memref<1x640xf32, #tpu.memory_space<vmem>> -> memref<640xf32, #tpu.memory_space<vmem>>
      %dma_start3A_90 = tpu.memref_slice %arg10[%run_scoped3A_44, %mul3A_43] : memref<16x10240xf32, #tpu.memory_space<vmem_shared>> -> memref<1x640xf32, #tpu.memory_space<vmem_shared>>
      %dma_start3A_91 = tpu.memref_squeeze %dma_start3A_90 : memref<1x640xf32, #tpu.memory_space<vmem_shared>> -> memref<640xf32, #tpu.memory_space<vmem_shared>>
      %dma_start3A_92 = arith.constant 0 : i32
      %dma_start3A_93 = tpu.memref_slice %arg8[%run_scoped3A_45, %dma_start3A_92] : memref<16x640xf32, #tpu.memory_space<vmem>> -> memref<1x640xf32, #tpu.memory_space<vmem>>
      %dma_start3A_94 = tpu.memref_squeeze %dma_start3A_93 : memref<1x640xf32, #tpu.memory_space<vmem>> -> memref<640xf32, #tpu.memory_space<vmem>>
      %dma_start3A_95 = tpu.memref_slice %arg10[%run_scoped3A_44, %mul3A_43] : memref<16x10240xf32, #tpu.memory_space<vmem_shared>> -> memref<1x640xf32, #tpu.memory_space<vmem_shared>>
      %dma_start3A_96 = tpu.memref_squeeze %dma_start3A_95 : memref<1x640xf32, #tpu.memory_space<vmem_shared>> -> memref<640xf32, #tpu.memory_space<vmem_shared>>
      tpu.enqueue_dma source(%dma_start3A_96 : memref<640xf32, #tpu.memory_space<vmem_shared>>) target(%dma_start3A_94 : memref<640xf32, #tpu.memory_space<vmem>>) target_semaphore(%run_scoped3A_87 : memref<!tpu.dma_semaphore, #tpu.memory_space<semaphore_mem>>)
      %dma_wait3A = arith.constant 0 : i32
      %dma_wait3A_97 = tpu.memref_slice %arg8[%run_scoped3A_45, %dma_wait3A] : memref<16x640xf32, #tpu.memory_space<vmem>> -> memref<1x640xf32, #tpu.memory_space<vmem>>
      %dma_wait3A_98 = tpu.memref_squeeze %dma_wait3A_97 : memref<1x640xf32, #tpu.memory_space<vmem>> -> memref<640xf32, #tpu.memory_space<vmem>>
      %dma_wait3A_99 = tpu.memref_slice %arg10[%run_scoped3A_44, %mul3A_43] : memref<16x10240xf32, #tpu.memory_space<vmem_shared>> -> memref<1x640xf32, #tpu.memory_space<vmem_shared>>
      %dma_wait3A_100 = tpu.memref_squeeze %dma_wait3A_99 : memref<1x640xf32, #tpu.memory_space<vmem_shared>> -> memref<640xf32, #tpu.memory_space<vmem_shared>>
      %dma_wait3A_101 = arith.constant 0 : i32
      %dma_wait3A_102 = tpu.memref_slice %arg8[%run_scoped3A_45, %dma_wait3A_101] : memref<16x640xf32, #tpu.memory_space<vmem>> -> memref<1x640xf32, #tpu.memory_space<vmem>>
      %dma_wait3A_103 = tpu.memref_squeeze %dma_wait3A_102 : memref<1x640xf32, #tpu.memory_space<vmem>> -> memref<640xf32, #tpu.memory_space<vmem>>
      %dma_wait3A_104 = tpu.memref_slice %arg10[%run_scoped3A_44, %mul3A_43] : memref<16x10240xf32, #tpu.memory_space<vmem_shared>> -> memref<1x640xf32, #tpu.memory_space<vmem_shared>>
      %dma_wait3A_105 = tpu.memref_squeeze %dma_wait3A_104 : memref<1x640xf32, #tpu.memory_space<vmem_shared>> -> memref<640xf32, #tpu.memory_space<vmem_shared>>
      tpu.wait_dma2 semaphore(%run_scoped3A_87 : memref<!tpu.dma_semaphore, #tpu.memory_space<semaphore_mem>>) src(%dma_wait3A_105 : memref<640xf32, #tpu.memory_space<vmem_shared>>) dst(%dma_wait3A_103 : memref<640xf32, #tpu.memory_space<vmem>>)
      tpu.yield
    }) : () -> ()
    %mul3A_46 = arith.constant 640 : i32
    %mul3A_47 = arith.muli %arg1, %mul3A_46 : i32
    %run_scoped3A_48 = arith.constant 8 : i32
    %run_scoped3A_49 = arith.constant 8 : i32
    "tpu.region"() ({
      %run_scoped3A_87 = tpu.sem_alloc : memref<!tpu.dma_semaphore, #tpu.memory_space<semaphore_mem>>
      %dma_start3A = arith.constant 0 : i32
      %dma_start3A_88 = tpu.memref_slice %arg8[%run_scoped3A_49, %dma_start3A] : memref<16x640xf32, #tpu.memory_space<vmem>> -> memref<1x640xf32, #tpu.memory_space<vmem>>
      %dma_start3A_89 = tpu.memref_squeeze %dma_start3A_88 : memref<1x640xf32, #tpu.memory_space<vmem>> -> memref<640xf32, #tpu.memory_space<vmem>>
      %dma_start3A_90 = tpu.memref_slice %arg10[%run_scoped3A_48, %mul3A_47] : memref<16x10240xf32, #tpu.memory_space<vmem_shared>> -> memref<1x640xf32, #tpu.memory_space<vmem_shared>>
      %dma_start3A_91 = tpu.memref_squeeze %dma_start3A_90 : memref<1x640xf32, #tpu.memory_space<vmem_shared>> -> memref<640xf32, #tpu.memory_space<vmem_shared>>
      %dma_start3A_92 = arith.constant 0 : i32
      %dma_start3A_93 = tpu.memref_slice %arg8[%run_scoped3A_49, %dma_start3A_92] : memref<16x640xf32, #tpu.memory_space<vmem>> -> memref<1x640xf32, #tpu.memory_space<vmem>>
      %dma_start3A_94 = tpu.memref_squeeze %dma_start3A_93 : memref<1x640xf32, #tpu.memory_space<vmem>> -> memref<640xf32, #tpu.memory_space<vmem>>
      %dma_start3A_95 = tpu.memref_slice %arg10[%run_scoped3A_48, %mul3A_47] : memref<16x10240xf32, #tpu.memory_space<vmem_shared>> -> memref<1x640xf32, #tpu.memory_space<vmem_shared>>
      %dma_start3A_96 = tpu.memref_squeeze %dma_start3A_95 : memref<1x640xf32, #tpu.memory_space<vmem_shared>> -> memref<640xf32, #tpu.memory_space<vmem_shared>>
      tpu.enqueue_dma source(%dma_start3A_96 : memref<640xf32, #tpu.memory_space<vmem_shared>>) target(%dma_start3A_94 : memref<640xf32, #tpu.memory_space<vmem>>) target_semaphore(%run_scoped3A_87 : memref<!tpu.dma_semaphore, #tpu.memory_space<semaphore_mem>>)
      %dma_wait3A = arith.constant 0 : i32
      %dma_wait3A_97 = tpu.memref_slice %arg8[%run_scoped3A_49, %dma_wait3A] : memref<16x640xf32, #tpu.memory_space<vmem>> -> memref<1x640xf32, #tpu.memory_space<vmem>>
      %dma_wait3A_98 = tpu.memref_squeeze %dma_wait3A_97 : memref<1x640xf32, #tpu.memory_space<vmem>> -> memref<640xf32, #tpu.memory_space<vmem>>
      %dma_wait3A_99 = tpu.memref_slice %arg10[%run_scoped3A_48, %mul3A_47] : memref<16x10240xf32, #tpu.memory_space<vmem_shared>> -> memref<1x640xf32, #tpu.memory_space<vmem_shared>>
      %dma_wait3A_100 = tpu.memref_squeeze %dma_wait3A_99 : memref<1x640xf32, #tpu.memory_space<vmem_shared>> -> memref<640xf32, #tpu.memory_space<vmem_shared>>
      %dma_wait3A_101 = arith.constant 0 : i32
      %dma_wait3A_102 = tpu.memref_slice %arg8[%run_scoped3A_49, %dma_wait3A_101] : memref<16x640xf32, #tpu.memory_space<vmem>> -> memref<1x640xf32, #tpu.memory_space<vmem>>
      %dma_wait3A_103 = tpu.memref_squeeze %dma_wait3A_102 : memref<1x640xf32, #tpu.memory_space<vmem>> -> memref<640xf32, #tpu.memory_space<vmem>>
      %dma_wait3A_104 = tpu.memref_slice %arg10[%run_scoped3A_48, %mul3A_47] : memref<16x10240xf32, #tpu.memory_space<vmem_shared>> -> memref<1x640xf32, #tpu.memory_space<vmem_shared>>
      %dma_wait3A_105 = tpu.memref_squeeze %dma_wait3A_104 : memref<1x640xf32, #tpu.memory_space<vmem_shared>> -> memref<640xf32, #tpu.memory_space<vmem_shared>>
      tpu.wait_dma2 semaphore(%run_scoped3A_87 : memref<!tpu.dma_semaphore, #tpu.memory_space<semaphore_mem>>) src(%dma_wait3A_105 : memref<640xf32, #tpu.memory_space<vmem_shared>>) dst(%dma_wait3A_103 : memref<640xf32, #tpu.memory_space<vmem>>)
      tpu.yield
    }) : () -> ()
    %mul3A_50 = arith.constant 640 : i32
    %mul3A_51 = arith.muli %arg1, %mul3A_50 : i32
    %run_scoped3A_52 = arith.constant 9 : i32
    %run_scoped3A_53 = arith.constant 9 : i32
    "tpu.region"() ({
      %run_scoped3A_87 = tpu.sem_alloc : memref<!tpu.dma_semaphore, #tpu.memory_space<semaphore_mem>>
      %dma_start3A = arith.constant 0 : i32
      %dma_start3A_88 = tpu.memref_slice %arg8[%run_scoped3A_53, %dma_start3A] : memref<16x640xf32, #tpu.memory_space<vmem>> -> memref<1x640xf32, #tpu.memory_space<vmem>>
      %dma_start3A_89 = tpu.memref_squeeze %dma_start3A_88 : memref<1x640xf32, #tpu.memory_space<vmem>> -> memref<640xf32, #tpu.memory_space<vmem>>
      %dma_start3A_90 = tpu.memref_slice %arg10[%run_scoped3A_52, %mul3A_51] : memref<16x10240xf32, #tpu.memory_space<vmem_shared>> -> memref<1x640xf32, #tpu.memory_space<vmem_shared>>
      %dma_start3A_91 = tpu.memref_squeeze %dma_start3A_90 : memref<1x640xf32, #tpu.memory_space<vmem_shared>> -> memref<640xf32, #tpu.memory_space<vmem_shared>>
      %dma_start3A_92 = arith.constant 0 : i32
      %dma_start3A_93 = tpu.memref_slice %arg8[%run_scoped3A_53, %dma_start3A_92] : memref<16x640xf32, #tpu.memory_space<vmem>> -> memref<1x640xf32, #tpu.memory_space<vmem>>
      %dma_start3A_94 = tpu.memref_squeeze %dma_start3A_93 : memref<1x640xf32, #tpu.memory_space<vmem>> -> memref<640xf32, #tpu.memory_space<vmem>>
      %dma_start3A_95 = tpu.memref_slice %arg10[%run_scoped3A_52, %mul3A_51] : memref<16x10240xf32, #tpu.memory_space<vmem_shared>> -> memref<1x640xf32, #tpu.memory_space<vmem_shared>>
      %dma_start3A_96 = tpu.memref_squeeze %dma_start3A_95 : memref<1x640xf32, #tpu.memory_space<vmem_shared>> -> memref<640xf32, #tpu.memory_space<vmem_shared>>
      tpu.enqueue_dma source(%dma_start3A_96 : memref<640xf32, #tpu.memory_space<vmem_shared>>) target(%dma_start3A_94 : memref<640xf32, #tpu.memory_space<vmem>>) target_semaphore(%run_scoped3A_87 : memref<!tpu.dma_semaphore, #tpu.memory_space<semaphore_mem>>)
      %dma_wait3A = arith.constant 0 : i32
      %dma_wait3A_97 = tpu.memref_slice %arg8[%run_scoped3A_53, %dma_wait3A] : memref<16x640xf32, #tpu.memory_space<vmem>> -> memref<1x640xf32, #tpu.memory_space<vmem>>
      %dma_wait3A_98 = tpu.memref_squeeze %dma_wait3A_97 : memref<1x640xf32, #tpu.memory_space<vmem>> -> memref<640xf32, #tpu.memory_space<vmem>>
      %dma_wait3A_99 = tpu.memref_slice %arg10[%run_scoped3A_52, %mul3A_51] : memref<16x10240xf32, #tpu.memory_space<vmem_shared>> -> memref<1x640xf32, #tpu.memory_space<vmem_shared>>
      %dma_wait3A_100 = tpu.memref_squeeze %dma_wait3A_99 : memref<1x640xf32, #tpu.memory_space<vmem_shared>> -> memref<640xf32, #tpu.memory_space<vmem_shared>>
      %dma_wait3A_101 = arith.constant 0 : i32
      %dma_wait3A_102 = tpu.memref_slice %arg8[%run_scoped3A_53, %dma_wait3A_101] : memref<16x640xf32, #tpu.memory_space<vmem>> -> memref<1x640xf32, #tpu.memory_space<vmem>>
      %dma_wait3A_103 = tpu.memref_squeeze %dma_wait3A_102 : memref<1x640xf32, #tpu.memory_space<vmem>> -> memref<640xf32, #tpu.memory_space<vmem>>
      %dma_wait3A_104 = tpu.memref_slice %arg10[%run_scoped3A_52, %mul3A_51] : memref<16x10240xf32, #tpu.memory_space<vmem_shared>> -> memref<1x640xf32, #tpu.memory_space<vmem_shared>>
      %dma_wait3A_105 = tpu.memref_squeeze %dma_wait3A_104 : memref<1x640xf32, #tpu.memory_space<vmem_shared>> -> memref<640xf32, #tpu.memory_space<vmem_shared>>
      tpu.wait_dma2 semaphore(%run_scoped3A_87 : memref<!tpu.dma_semaphore, #tpu.memory_space<semaphore_mem>>) src(%dma_wait3A_105 : memref<640xf32, #tpu.memory_space<vmem_shared>>) dst(%dma_wait3A_103 : memref<640xf32, #tpu.memory_space<vmem>>)
      tpu.yield
    }) : () -> ()
    %mul3A_54 = arith.constant 640 : i32
    %mul3A_55 = arith.muli %arg1, %mul3A_54 : i32
    %run_scoped3A_56 = arith.constant 10 : i32
    %run_scoped3A_57 = arith.constant 10 : i32
    "tpu.region"() ({
      %run_scoped3A_87 = tpu.sem_alloc : memref<!tpu.dma_semaphore, #tpu.memory_space<semaphore_mem>>
      %dma_start3A = arith.constant 0 : i32
      %dma_start3A_88 = tpu.memref_slice %arg8[%run_scoped3A_57, %dma_start3A] : memref<16x640xf32, #tpu.memory_space<vmem>> -> memref<1x640xf32, #tpu.memory_space<vmem>>
      %dma_start3A_89 = tpu.memref_squeeze %dma_start3A_88 : memref<1x640xf32, #tpu.memory_space<vmem>> -> memref<640xf32, #tpu.memory_space<vmem>>
      %dma_start3A_90 = tpu.memref_slice %arg10[%run_scoped3A_56, %mul3A_55] : memref<16x10240xf32, #tpu.memory_space<vmem_shared>> -> memref<1x640xf32, #tpu.memory_space<vmem_shared>>
      %dma_start3A_91 = tpu.memref_squeeze %dma_start3A_90 : memref<1x640xf32, #tpu.memory_space<vmem_shared>> -> memref<640xf32, #tpu.memory_space<vmem_shared>>
      %dma_start3A_92 = arith.constant 0 : i32
      %dma_start3A_93 = tpu.memref_slice %arg8[%run_scoped3A_57, %dma_start3A_92] : memref<16x640xf32, #tpu.memory_space<vmem>> -> memref<1x640xf32, #tpu.memory_space<vmem>>
      %dma_start3A_94 = tpu.memref_squeeze %dma_start3A_93 : memref<1x640xf32, #tpu.memory_space<vmem>> -> memref<640xf32, #tpu.memory_space<vmem>>
      %dma_start3A_95 = tpu.memref_slice %arg10[%run_scoped3A_56, %mul3A_55] : memref<16x10240xf32, #tpu.memory_space<vmem_shared>> -> memref<1x640xf32, #tpu.memory_space<vmem_shared>>
      %dma_start3A_96 = tpu.memref_squeeze %dma_start3A_95 : memref<1x640xf32, #tpu.memory_space<vmem_shared>> -> memref<640xf32, #tpu.memory_space<vmem_shared>>
      tpu.enqueue_dma source(%dma_start3A_96 : memref<640xf32, #tpu.memory_space<vmem_shared>>) target(%dma_start3A_94 : memref<640xf32, #tpu.memory_space<vmem>>) target_semaphore(%run_scoped3A_87 : memref<!tpu.dma_semaphore, #tpu.memory_space<semaphore_mem>>)
      %dma_wait3A = arith.constant 0 : i32
      %dma_wait3A_97 = tpu.memref_slice %arg8[%run_scoped3A_57, %dma_wait3A] : memref<16x640xf32, #tpu.memory_space<vmem>> -> memref<1x640xf32, #tpu.memory_space<vmem>>
      %dma_wait3A_98 = tpu.memref_squeeze %dma_wait3A_97 : memref<1x640xf32, #tpu.memory_space<vmem>> -> memref<640xf32, #tpu.memory_space<vmem>>
      %dma_wait3A_99 = tpu.memref_slice %arg10[%run_scoped3A_56, %mul3A_55] : memref<16x10240xf32, #tpu.memory_space<vmem_shared>> -> memref<1x640xf32, #tpu.memory_space<vmem_shared>>
      %dma_wait3A_100 = tpu.memref_squeeze %dma_wait3A_99 : memref<1x640xf32, #tpu.memory_space<vmem_shared>> -> memref<640xf32, #tpu.memory_space<vmem_shared>>
      %dma_wait3A_101 = arith.constant 0 : i32
      %dma_wait3A_102 = tpu.memref_slice %arg8[%run_scoped3A_57, %dma_wait3A_101] : memref<16x640xf32, #tpu.memory_space<vmem>> -> memref<1x640xf32, #tpu.memory_space<vmem>>
      %dma_wait3A_103 = tpu.memref_squeeze %dma_wait3A_102 : memref<1x640xf32, #tpu.memory_space<vmem>> -> memref<640xf32, #tpu.memory_space<vmem>>
      %dma_wait3A_104 = tpu.memref_slice %arg10[%run_scoped3A_56, %mul3A_55] : memref<16x10240xf32, #tpu.memory_space<vmem_shared>> -> memref<1x640xf32, #tpu.memory_space<vmem_shared>>
      %dma_wait3A_105 = tpu.memref_squeeze %dma_wait3A_104 : memref<1x640xf32, #tpu.memory_space<vmem_shared>> -> memref<640xf32, #tpu.memory_space<vmem_shared>>
      tpu.wait_dma2 semaphore(%run_scoped3A_87 : memref<!tpu.dma_semaphore, #tpu.memory_space<semaphore_mem>>) src(%dma_wait3A_105 : memref<640xf32, #tpu.memory_space<vmem_shared>>) dst(%dma_wait3A_103 : memref<640xf32, #tpu.memory_space<vmem>>)
      tpu.yield
    }) : () -> ()
    %mul3A_58 = arith.constant 640 : i32
    %mul3A_59 = arith.muli %arg1, %mul3A_58 : i32
    %run_scoped3A_60 = arith.constant 11 : i32
    %run_scoped3A_61 = arith.constant 11 : i32
    "tpu.region"() ({
      %run_scoped3A_87 = tpu.sem_alloc : memref<!tpu.dma_semaphore, #tpu.memory_space<semaphore_mem>>
      %dma_start3A = arith.constant 0 : i32
      %dma_start3A_88 = tpu.memref_slice %arg8[%run_scoped3A_61, %dma_start3A] : memref<16x640xf32, #tpu.memory_space<vmem>> -> memref<1x640xf32, #tpu.memory_space<vmem>>
      %dma_start3A_89 = tpu.memref_squeeze %dma_start3A_88 : memref<1x640xf32, #tpu.memory_space<vmem>> -> memref<640xf32, #tpu.memory_space<vmem>>
      %dma_start3A_90 = tpu.memref_slice %arg10[%run_scoped3A_60, %mul3A_59] : memref<16x10240xf32, #tpu.memory_space<vmem_shared>> -> memref<1x640xf32, #tpu.memory_space<vmem_shared>>
      %dma_start3A_91 = tpu.memref_squeeze %dma_start3A_90 : memref<1x640xf32, #tpu.memory_space<vmem_shared>> -> memref<640xf32, #tpu.memory_space<vmem_shared>>
      %dma_start3A_92 = arith.constant 0 : i32
      %dma_start3A_93 = tpu.memref_slice %arg8[%run_scoped3A_61, %dma_start3A_92] : memref<16x640xf32, #tpu.memory_space<vmem>> -> memref<1x640xf32, #tpu.memory_space<vmem>>
      %dma_start3A_94 = tpu.memref_squeeze %dma_start3A_93 : memref<1x640xf32, #tpu.memory_space<vmem>> -> memref<640xf32, #tpu.memory_space<vmem>>
      %dma_start3A_95 = tpu.memref_slice %arg10[%run_scoped3A_60, %mul3A_59] : memref<16x10240xf32, #tpu.memory_space<vmem_shared>> -> memref<1x640xf32, #tpu.memory_space<vmem_shared>>
      %dma_start3A_96 = tpu.memref_squeeze %dma_start3A_95 : memref<1x640xf32, #tpu.memory_space<vmem_shared>> -> memref<640xf32, #tpu.memory_space<vmem_shared>>
      tpu.enqueue_dma source(%dma_start3A_96 : memref<640xf32, #tpu.memory_space<vmem_shared>>) target(%dma_start3A_94 : memref<640xf32, #tpu.memory_space<vmem>>) target_semaphore(%run_scoped3A_87 : memref<!tpu.dma_semaphore, #tpu.memory_space<semaphore_mem>>)
      %dma_wait3A = arith.constant 0 : i32
      %dma_wait3A_97 = tpu.memref_slice %arg8[%run_scoped3A_61, %dma_wait3A] : memref<16x640xf32, #tpu.memory_space<vmem>> -> memref<1x640xf32, #tpu.memory_space<vmem>>
      %dma_wait3A_98 = tpu.memref_squeeze %dma_wait3A_97 : memref<1x640xf32, #tpu.memory_space<vmem>> -> memref<640xf32, #tpu.memory_space<vmem>>
      %dma_wait3A_99 = tpu.memref_slice %arg10[%run_scoped3A_60, %mul3A_59] : memref<16x10240xf32, #tpu.memory_space<vmem_shared>> -> memref<1x640xf32, #tpu.memory_space<vmem_shared>>
      %dma_wait3A_100 = tpu.memref_squeeze %dma_wait3A_99 : memref<1x640xf32, #tpu.memory_space<vmem_shared>> -> memref<640xf32, #tpu.memory_space<vmem_shared>>
      %dma_wait3A_101 = arith.constant 0 : i32
      %dma_wait3A_102 = tpu.memref_slice %arg8[%run_scoped3A_61, %dma_wait3A_101] : memref<16x640xf32, #tpu.memory_space<vmem>> -> memref<1x640xf32, #tpu.memory_space<vmem>>
      %dma_wait3A_103 = tpu.memref_squeeze %dma_wait3A_102 : memref<1x640xf32, #tpu.memory_space<vmem>> -> memref<640xf32, #tpu.memory_space<vmem>>
      %dma_wait3A_104 = tpu.memref_slice %arg10[%run_scoped3A_60, %mul3A_59] : memref<16x10240xf32, #tpu.memory_space<vmem_shared>> -> memref<1x640xf32, #tpu.memory_space<vmem_shared>>
      %dma_wait3A_105 = tpu.memref_squeeze %dma_wait3A_104 : memref<1x640xf32, #tpu.memory_space<vmem_shared>> -> memref<640xf32, #tpu.memory_space<vmem_shared>>
      tpu.wait_dma2 semaphore(%run_scoped3A_87 : memref<!tpu.dma_semaphore, #tpu.memory_space<semaphore_mem>>) src(%dma_wait3A_105 : memref<640xf32, #tpu.memory_space<vmem_shared>>) dst(%dma_wait3A_103 : memref<640xf32, #tpu.memory_space<vmem>>)
      tpu.yield
    }) : () -> ()
    %mul3A_62 = arith.constant 640 : i32
    %mul3A_63 = arith.muli %arg1, %mul3A_62 : i32
    %run_scoped3A_64 = arith.constant 12 : i32
    %run_scoped3A_65 = arith.constant 12 : i32
    "tpu.region"() ({
      %run_scoped3A_87 = tpu.sem_alloc : memref<!tpu.dma_semaphore, #tpu.memory_space<semaphore_mem>>
      %dma_start3A = arith.constant 0 : i32
      %dma_start3A_88 = tpu.memref_slice %arg8[%run_scoped3A_65, %dma_start3A] : memref<16x640xf32, #tpu.memory_space<vmem>> -> memref<1x640xf32, #tpu.memory_space<vmem>>
      %dma_start3A_89 = tpu.memref_squeeze %dma_start3A_88 : memref<1x640xf32, #tpu.memory_space<vmem>> -> memref<640xf32, #tpu.memory_space<vmem>>
      %dma_start3A_90 = tpu.memref_slice %arg10[%run_scoped3A_64, %mul3A_63] : memref<16x10240xf32, #tpu.memory_space<vmem_shared>> -> memref<1x640xf32, #tpu.memory_space<vmem_shared>>
      %dma_start3A_91 = tpu.memref_squeeze %dma_start3A_90 : memref<1x640xf32, #tpu.memory_space<vmem_shared>> -> memref<640xf32, #tpu.memory_space<vmem_shared>>
      %dma_start3A_92 = arith.constant 0 : i32
      %dma_start3A_93 = tpu.memref_slice %arg8[%run_scoped3A_65, %dma_start3A_92] : memref<16x640xf32, #tpu.memory_space<vmem>> -> memref<1x640xf32, #tpu.memory_space<vmem>>
      %dma_start3A_94 = tpu.memref_squeeze %dma_start3A_93 : memref<1x640xf32, #tpu.memory_space<vmem>> -> memref<640xf32, #tpu.memory_space<vmem>>
      %dma_start3A_95 = tpu.memref_slice %arg10[%run_scoped3A_64, %mul3A_63] : memref<16x10240xf32, #tpu.memory_space<vmem_shared>> -> memref<1x640xf32, #tpu.memory_space<vmem_shared>>
      %dma_start3A_96 = tpu.memref_squeeze %dma_start3A_95 : memref<1x640xf32, #tpu.memory_space<vmem_shared>> -> memref<640xf32, #tpu.memory_space<vmem_shared>>
      tpu.enqueue_dma source(%dma_start3A_96 : memref<640xf32, #tpu.memory_space<vmem_shared>>) target(%dma_start3A_94 : memref<640xf32, #tpu.memory_space<vmem>>) target_semaphore(%run_scoped3A_87 : memref<!tpu.dma_semaphore, #tpu.memory_space<semaphore_mem>>)
      %dma_wait3A = arith.constant 0 : i32
      %dma_wait3A_97 = tpu.memref_slice %arg8[%run_scoped3A_65, %dma_wait3A] : memref<16x640xf32, #tpu.memory_space<vmem>> -> memref<1x640xf32, #tpu.memory_space<vmem>>
      %dma_wait3A_98 = tpu.memref_squeeze %dma_wait3A_97 : memref<1x640xf32, #tpu.memory_space<vmem>> -> memref<640xf32, #tpu.memory_space<vmem>>
      %dma_wait3A_99 = tpu.memref_slice %arg10[%run_scoped3A_64, %mul3A_63] : memref<16x10240xf32, #tpu.memory_space<vmem_shared>> -> memref<1x640xf32, #tpu.memory_space<vmem_shared>>
      %dma_wait3A_100 = tpu.memref_squeeze %dma_wait3A_99 : memref<1x640xf32, #tpu.memory_space<vmem_shared>> -> memref<640xf32, #tpu.memory_space<vmem_shared>>
      %dma_wait3A_101 = arith.constant 0 : i32
      %dma_wait3A_102 = tpu.memref_slice %arg8[%run_scoped3A_65, %dma_wait3A_101] : memref<16x640xf32, #tpu.memory_space<vmem>> -> memref<1x640xf32, #tpu.memory_space<vmem>>
      %dma_wait3A_103 = tpu.memref_squeeze %dma_wait3A_102 : memref<1x640xf32, #tpu.memory_space<vmem>> -> memref<640xf32, #tpu.memory_space<vmem>>
      %dma_wait3A_104 = tpu.memref_slice %arg10[%run_scoped3A_64, %mul3A_63] : memref<16x10240xf32, #tpu.memory_space<vmem_shared>> -> memref<1x640xf32, #tpu.memory_space<vmem_shared>>
      %dma_wait3A_105 = tpu.memref_squeeze %dma_wait3A_104 : memref<1x640xf32, #tpu.memory_space<vmem_shared>> -> memref<640xf32, #tpu.memory_space<vmem_shared>>
      tpu.wait_dma2 semaphore(%run_scoped3A_87 : memref<!tpu.dma_semaphore, #tpu.memory_space<semaphore_mem>>) src(%dma_wait3A_105 : memref<640xf32, #tpu.memory_space<vmem_shared>>) dst(%dma_wait3A_103 : memref<640xf32, #tpu.memory_space<vmem>>)
      tpu.yield
    }) : () -> ()
    %mul3A_66 = arith.constant 640 : i32
    %mul3A_67 = arith.muli %arg1, %mul3A_66 : i32
    %run_scoped3A_68 = arith.constant 13 : i32
    %run_scoped3A_69 = arith.constant 13 : i32
    "tpu.region"() ({
      %run_scoped3A_87 = tpu.sem_alloc : memref<!tpu.dma_semaphore, #tpu.memory_space<semaphore_mem>>
      %dma_start3A = arith.constant 0 : i32
      %dma_start3A_88 = tpu.memref_slice %arg8[%run_scoped3A_69, %dma_start3A] : memref<16x640xf32, #tpu.memory_space<vmem>> -> memref<1x640xf32, #tpu.memory_space<vmem>>
      %dma_start3A_89 = tpu.memref_squeeze %dma_start3A_88 : memref<1x640xf32, #tpu.memory_space<vmem>> -> memref<640xf32, #tpu.memory_space<vmem>>
      %dma_start3A_90 = tpu.memref_slice %arg10[%run_scoped3A_68, %mul3A_67] : memref<16x10240xf32, #tpu.memory_space<vmem_shared>> -> memref<1x640xf32, #tpu.memory_space<vmem_shared>>
      %dma_start3A_91 = tpu.memref_squeeze %dma_start3A_90 : memref<1x640xf32, #tpu.memory_space<vmem_shared>> -> memref<640xf32, #tpu.memory_space<vmem_shared>>
      %dma_start3A_92 = arith.constant 0 : i32
      %dma_start3A_93 = tpu.memref_slice %arg8[%run_scoped3A_69, %dma_start3A_92] : memref<16x640xf32, #tpu.memory_space<vmem>> -> memref<1x640xf32, #tpu.memory_space<vmem>>
      %dma_start3A_94 = tpu.memref_squeeze %dma_start3A_93 : memref<1x640xf32, #tpu.memory_space<vmem>> -> memref<640xf32, #tpu.memory_space<vmem>>
      %dma_start3A_95 = tpu.memref_slice %arg10[%run_scoped3A_68, %mul3A_67] : memref<16x10240xf32, #tpu.memory_space<vmem_shared>> -> memref<1x640xf32, #tpu.memory_space<vmem_shared>>
      %dma_start3A_96 = tpu.memref_squeeze %dma_start3A_95 : memref<1x640xf32, #tpu.memory_space<vmem_shared>> -> memref<640xf32, #tpu.memory_space<vmem_shared>>
      tpu.enqueue_dma source(%dma_start3A_96 : memref<640xf32, #tpu.memory_space<vmem_shared>>) target(%dma_start3A_94 : memref<640xf32, #tpu.memory_space<vmem>>) target_semaphore(%run_scoped3A_87 : memref<!tpu.dma_semaphore, #tpu.memory_space<semaphore_mem>>)
      %dma_wait3A = arith.constant 0 : i32
      %dma_wait3A_97 = tpu.memref_slice %arg8[%run_scoped3A_69, %dma_wait3A] : memref<16x640xf32, #tpu.memory_space<vmem>> -> memref<1x640xf32, #tpu.memory_space<vmem>>
      %dma_wait3A_98 = tpu.memref_squeeze %dma_wait3A_97 : memref<1x640xf32, #tpu.memory_space<vmem>> -> memref<640xf32, #tpu.memory_space<vmem>>
      %dma_wait3A_99 = tpu.memref_slice %arg10[%run_scoped3A_68, %mul3A_67] : memref<16x10240xf32, #tpu.memory_space<vmem_shared>> -> memref<1x640xf32, #tpu.memory_space<vmem_shared>>
      %dma_wait3A_100 = tpu.memref_squeeze %dma_wait3A_99 : memref<1x640xf32, #tpu.memory_space<vmem_shared>> -> memref<640xf32, #tpu.memory_space<vmem_shared>>
      %dma_wait3A_101 = arith.constant 0 : i32
      %dma_wait3A_102 = tpu.memref_slice %arg8[%run_scoped3A_69, %dma_wait3A_101] : memref<16x640xf32, #tpu.memory_space<vmem>> -> memref<1x640xf32, #tpu.memory_space<vmem>>
      %dma_wait3A_103 = tpu.memref_squeeze %dma_wait3A_102 : memref<1x640xf32, #tpu.memory_space<vmem>> -> memref<640xf32, #tpu.memory_space<vmem>>
      %dma_wait3A_104 = tpu.memref_slice %arg10[%run_scoped3A_68, %mul3A_67] : memref<16x10240xf32, #tpu.memory_space<vmem_shared>> -> memref<1x640xf32, #tpu.memory_space<vmem_shared>>
      %dma_wait3A_105 = tpu.memref_squeeze %dma_wait3A_104 : memref<1x640xf32, #tpu.memory_space<vmem_shared>> -> memref<640xf32, #tpu.memory_space<vmem_shared>>
      tpu.wait_dma2 semaphore(%run_scoped3A_87 : memref<!tpu.dma_semaphore, #tpu.memory_space<semaphore_mem>>) src(%dma_wait3A_105 : memref<640xf32, #tpu.memory_space<vmem_shared>>) dst(%dma_wait3A_103 : memref<640xf32, #tpu.memory_space<vmem>>)
      tpu.yield
    }) : () -> ()
    %mul3A_70 = arith.constant 640 : i32
    %mul3A_71 = arith.muli %arg1, %mul3A_70 : i32
    %run_scoped3A_72 = arith.constant 14 : i32
    %run_scoped3A_73 = arith.constant 14 : i32
    "tpu.region"() ({
      %run_scoped3A_87 = tpu.sem_alloc : memref<!tpu.dma_semaphore, #tpu.memory_space<semaphore_mem>>
      %dma_start3A = arith.constant 0 : i32
      %dma_start3A_88 = tpu.memref_slice %arg8[%run_scoped3A_73, %dma_start3A] : memref<16x640xf32, #tpu.memory_space<vmem>> -> memref<1x640xf32, #tpu.memory_space<vmem>>
      %dma_start3A_89 = tpu.memref_squeeze %dma_start3A_88 : memref<1x640xf32, #tpu.memory_space<vmem>> -> memref<640xf32, #tpu.memory_space<vmem>>
      %dma_start3A_90 = tpu.memref_slice %arg10[%run_scoped3A_72, %mul3A_71] : memref<16x10240xf32, #tpu.memory_space<vmem_shared>> -> memref<1x640xf32, #tpu.memory_space<vmem_shared>>
      %dma_start3A_91 = tpu.memref_squeeze %dma_start3A_90 : memref<1x640xf32, #tpu.memory_space<vmem_shared>> -> memref<640xf32, #tpu.memory_space<vmem_shared>>
      %dma_start3A_92 = arith.constant 0 : i32
      %dma_start3A_93 = tpu.memref_slice %arg8[%run_scoped3A_73, %dma_start3A_92] : memref<16x640xf32, #tpu.memory_space<vmem>> -> memref<1x640xf32, #tpu.memory_space<vmem>>
      %dma_start3A_94 = tpu.memref_squeeze %dma_start3A_93 : memref<1x640xf32, #tpu.memory_space<vmem>> -> memref<640xf32, #tpu.memory_space<vmem>>
      %dma_start3A_95 = tpu.memref_slice %arg10[%run_scoped3A_72, %mul3A_71] : memref<16x10240xf32, #tpu.memory_space<vmem_shared>> -> memref<1x640xf32, #tpu.memory_space<vmem_shared>>
      %dma_start3A_96 = tpu.memref_squeeze %dma_start3A_95 : memref<1x640xf32, #tpu.memory_space<vmem_shared>> -> memref<640xf32, #tpu.memory_space<vmem_shared>>
      tpu.enqueue_dma source(%dma_start3A_96 : memref<640xf32, #tpu.memory_space<vmem_shared>>) target(%dma_start3A_94 : memref<640xf32, #tpu.memory_space<vmem>>) target_semaphore(%run_scoped3A_87 : memref<!tpu.dma_semaphore, #tpu.memory_space<semaphore_mem>>)
      %dma_wait3A = arith.constant 0 : i32
      %dma_wait3A_97 = tpu.memref_slice %arg8[%run_scoped3A_73, %dma_wait3A] : memref<16x640xf32, #tpu.memory_space<vmem>> -> memref<1x640xf32, #tpu.memory_space<vmem>>
      %dma_wait3A_98 = tpu.memref_squeeze %dma_wait3A_97 : memref<1x640xf32, #tpu.memory_space<vmem>> -> memref<640xf32, #tpu.memory_space<vmem>>
      %dma_wait3A_99 = tpu.memref_slice %arg10[%run_scoped3A_72, %mul3A_71] : memref<16x10240xf32, #tpu.memory_space<vmem_shared>> -> memref<1x640xf32, #tpu.memory_space<vmem_shared>>
      %dma_wait3A_100 = tpu.memref_squeeze %dma_wait3A_99 : memref<1x640xf32, #tpu.memory_space<vmem_shared>> -> memref<640xf32, #tpu.memory_space<vmem_shared>>
      %dma_wait3A_101 = arith.constant 0 : i32
      %dma_wait3A_102 = tpu.memref_slice %arg8[%run_scoped3A_73, %dma_wait3A_101] : memref<16x640xf32, #tpu.memory_space<vmem>> -> memref<1x640xf32, #tpu.memory_space<vmem>>
      %dma_wait3A_103 = tpu.memref_squeeze %dma_wait3A_102 : memref<1x640xf32, #tpu.memory_space<vmem>> -> memref<640xf32, #tpu.memory_space<vmem>>
      %dma_wait3A_104 = tpu.memref_slice %arg10[%run_scoped3A_72, %mul3A_71] : memref<16x10240xf32, #tpu.memory_space<vmem_shared>> -> memref<1x640xf32, #tpu.memory_space<vmem_shared>>
      %dma_wait3A_105 = tpu.memref_squeeze %dma_wait3A_104 : memref<1x640xf32, #tpu.memory_space<vmem_shared>> -> memref<640xf32, #tpu.memory_space<vmem_shared>>
      tpu.wait_dma2 semaphore(%run_scoped3A_87 : memref<!tpu.dma_semaphore, #tpu.memory_space<semaphore_mem>>) src(%dma_wait3A_105 : memref<640xf32, #tpu.memory_space<vmem_shared>>) dst(%dma_wait3A_103 : memref<640xf32, #tpu.memory_space<vmem>>)
      tpu.yield
    }) : () -> ()
    %mul3A_74 = arith.constant 640 : i32
    %mul3A_75 = arith.muli %arg1, %mul3A_74 : i32
    %run_scoped3A_76 = arith.constant 15 : i32
    %run_scoped3A_77 = arith.constant 15 : i32
    "tpu.region"() ({
      %run_scoped3A_87 = tpu.sem_alloc : memref<!tpu.dma_semaphore, #tpu.memory_space<semaphore_mem>>
      %dma_start3A = arith.constant 0 : i32
      %dma_start3A_88 = tpu.memref_slice %arg8[%run_scoped3A_77, %dma_start3A] : memref<16x640xf32, #tpu.memory_space<vmem>> -> memref<1x640xf32, #tpu.memory_space<vmem>>
      %dma_start3A_89 = tpu.memref_squeeze %dma_start3A_88 : memref<1x640xf32, #tpu.memory_space<vmem>> -> memref<640xf32, #tpu.memory_space<vmem>>
      %dma_start3A_90 = tpu.memref_slice %arg10[%run_scoped3A_76, %mul3A_75] : memref<16x10240xf32, #tpu.memory_space<vmem_shared>> -> memref<1x640xf32, #tpu.memory_space<vmem_shared>>
      %dma_start3A_91 = tpu.memref_squeeze %dma_start3A_90 : memref<1x640xf32, #tpu.memory_space<vmem_shared>> -> memref<640xf32, #tpu.memory_space<vmem_shared>>
      %dma_start3A_92 = arith.constant 0 : i32
      %dma_start3A_93 = tpu.memref_slice %arg8[%run_scoped3A_77, %dma_start3A_92] : memref<16x640xf32, #tpu.memory_space<vmem>> -> memref<1x640xf32, #tpu.memory_space<vmem>>
      %dma_start3A_94 = tpu.memref_squeeze %dma_start3A_93 : memref<1x640xf32, #tpu.memory_space<vmem>> -> memref<640xf32, #tpu.memory_space<vmem>>
      %dma_start3A_95 = tpu.memref_slice %arg10[%run_scoped3A_76, %mul3A_75] : memref<16x10240xf32, #tpu.memory_space<vmem_shared>> -> memref<1x640xf32, #tpu.memory_space<vmem_shared>>
      %dma_start3A_96 = tpu.memref_squeeze %dma_start3A_95 : memref<1x640xf32, #tpu.memory_space<vmem_shared>> -> memref<640xf32, #tpu.memory_space<vmem_shared>>
      tpu.enqueue_dma source(%dma_start3A_96 : memref<640xf32, #tpu.memory_space<vmem_shared>>) target(%dma_start3A_94 : memref<640xf32, #tpu.memory_space<vmem>>) target_semaphore(%run_scoped3A_87 : memref<!tpu.dma_semaphore, #tpu.memory_space<semaphore_mem>>)
      %dma_wait3A = arith.constant 0 : i32
      %dma_wait3A_97 = tpu.memref_slice %arg8[%run_scoped3A_77, %dma_wait3A] : memref<16x640xf32, #tpu.memory_space<vmem>> -> memref<1x640xf32, #tpu.memory_space<vmem>>
      %dma_wait3A_98 = tpu.memref_squeeze %dma_wait3A_97 : memref<1x640xf32, #tpu.memory_space<vmem>> -> memref<640xf32, #tpu.memory_space<vmem>>
      %dma_wait3A_99 = tpu.memref_slice %arg10[%run_scoped3A_76, %mul3A_75] : memref<16x10240xf32, #tpu.memory_space<vmem_shared>> -> memref<1x640xf32, #tpu.memory_space<vmem_shared>>
      %dma_wait3A_100 = tpu.memref_squeeze %dma_wait3A_99 : memref<1x640xf32, #tpu.memory_space<vmem_shared>> -> memref<640xf32, #tpu.memory_space<vmem_shared>>
      %dma_wait3A_101 = arith.constant 0 : i32
      %dma_wait3A_102 = tpu.memref_slice %arg8[%run_scoped3A_77, %dma_wait3A_101] : memref<16x640xf32, #tpu.memory_space<vmem>> -> memref<1x640xf32, #tpu.memory_space<vmem>>
      %dma_wait3A_103 = tpu.memref_squeeze %dma_wait3A_102 : memref<1x640xf32, #tpu.memory_space<vmem>> -> memref<640xf32, #tpu.memory_space<vmem>>
      %dma_wait3A_104 = tpu.memref_slice %arg10[%run_scoped3A_76, %mul3A_75] : memref<16x10240xf32, #tpu.memory_space<vmem_shared>> -> memref<1x640xf32, #tpu.memory_space<vmem_shared>>
      %dma_wait3A_105 = tpu.memref_squeeze %dma_wait3A_104 : memref<1x640xf32, #tpu.memory_space<vmem_shared>> -> memref<640xf32, #tpu.memory_space<vmem_shared>>
      tpu.wait_dma2 semaphore(%run_scoped3A_87 : memref<!tpu.dma_semaphore, #tpu.memory_space<semaphore_mem>>) src(%dma_wait3A_105 : memref<640xf32, #tpu.memory_space<vmem_shared>>) dst(%dma_wait3A_103 : memref<640xf32, #tpu.memory_space<vmem>>)
      tpu.yield
    }) : () -> ()
    %scan3A_78 = arith.constant 0 : i32
    %scan3A_79 = arith.constant 0 : i32
    %scan3A_80 = arith.constant 40 : i32
    %scan3A_81 = arith.addi %scan3A_79, %scan3A_80 : i32
    %scan3A_82 = arith.constant 1 : i32
    %scan3A_83 = scf.for %scan3A_87 = %scan3A_79 to %scan3A_81 step %scan3A_82 iter_args(%scan3A_88 = %scan3A_78) -> (i32)  : i32 {
      %mul3A_89 = arith.constant 16 : i32
      %mul3A_90 = arith.muli %scan3A_87, %mul3A_89 : i32
      %get3A = arith.constant 0 : i32
      %get3A_91 = arith.index_cast %get3A : i32 to index
      %get3A_92 = arith.index_cast %mul3A_90 : i32 to index
      %get3A_93 = tpu.vector_load %arg8[%get3A_91, %get3A_92] {strides = array<i32>} : memref<16x640xf32, #tpu.memory_space<vmem>>, vector<16xf32>,
      %get3A_94 = arith.constant 1 : i32
      %get3A_95 = arith.index_cast %get3A_94 : i32 to index
      %get3A_96 = arith.index_cast %mul3A_90 : i32 to index
      %get3A_97 = tpu.vector_load %arg8[%get3A_95, %get3A_96] {strides = array<i32>} : memref<16x640xf32, #tpu.memory_space<vmem>>, vector<16xf32>,
      %add3A_98 = arith.addf %get3A_93, %get3A_97 : vector<16xf32>
      %get3A_99 = arith.constant 2 : i32
      %get3A_100 = arith.index_cast %get3A_99 : i32 to index
      %get3A_101 = arith.index_cast %mul3A_90 : i32 to index
      %get3A_102 = tpu.vector_load %arg8[%get3A_100, %get3A_101] {strides = array<i32>} : memref<16x640xf32, #tpu.memory_space<vmem>>, vector<16xf32>,
      %add3A_103 = arith.addf %add3A_98, %get3A_102 : vector<16xf32>
      %get3A_104 = arith.constant 3 : i32
      %get3A_105 = arith.index_cast %get3A_104 : i32 to index
      %get3A_106 = arith.index_cast %mul3A_90 : i32 to index
      %get3A_107 = tpu.vector_load %arg8[%get3A_105, %get3A_106] {strides = array<i32>} : memref<16x640xf32, #tpu.memory_space<vmem>>, vector<16xf32>,
      %add3A_108 = arith.addf %add3A_103, %get3A_107 : vector<16xf32>
      %get3A_109 = arith.constant 4 : i32
      %get3A_110 = arith.index_cast %get3A_109 : i32 to index
      %get3A_111 = arith.index_cast %mul3A_90 : i32 to index
      %get3A_112 = tpu.vector_load %arg8[%get3A_110, %get3A_111] {strides = array<i32>} : memref<16x640xf32, #tpu.memory_space<vmem>>, vector<16xf32>,
      %add3A_113 = arith.addf %add3A_108, %get3A_112 : vector<16xf32>
      %get3A_114 = arith.constant 5 : i32
      %get3A_115 = arith.index_cast %get3A_114 : i32 to index
      %get3A_116 = arith.index_cast %mul3A_90 : i32 to index
      %get3A_117 = tpu.vector_load %arg8[%get3A_115, %get3A_116] {strides = array<i32>} : memref<16x640xf32, #tpu.memory_space<vmem>>, vector<16xf32>,
      %add3A_118 = arith.addf %add3A_113, %get3A_117 : vector<16xf32>
      %get3A_119 = arith.constant 6 : i32
      %get3A_120 = arith.index_cast %get3A_119 : i32 to index
      %get3A_121 = arith.index_cast %mul3A_90 : i32 to index
      %get3A_122 = tpu.vector_load %arg8[%get3A_120, %get3A_121] {strides = array<i32>} : memref<16x640xf32, #tpu.memory_space<vmem>>, vector<16xf32>,
      %add3A_123 = arith.addf %add3A_118, %get3A_122 : vector<16xf32>
      %get3A_124 = arith.constant 7 : i32
      %get3A_125 = arith.index_cast %get3A_124 : i32 to index
      %get3A_126 = arith.index_cast %mul3A_90 : i32 to index
      %get3A_127 = tpu.vector_load %arg8[%get3A_125, %get3A_126] {strides = array<i32>} : memref<16x640xf32, #tpu.memory_space<vmem>>, vector<16xf32>,
      %add3A_128 = arith.addf %add3A_123, %get3A_127 : vector<16xf32>
      %get3A_129 = arith.constant 8 : i32
      %get3A_130 = arith.index_cast %get3A_129 : i32 to index
      %get3A_131 = arith.index_cast %mul3A_90 : i32 to index
      %get3A_132 = tpu.vector_load %arg8[%get3A_130, %get3A_131] {strides = array<i32>} : memref<16x640xf32, #tpu.memory_space<vmem>>, vector<16xf32>,
      %add3A_133 = arith.addf %add3A_128, %get3A_132 : vector<16xf32>
      %get3A_134 = arith.constant 9 : i32
      %get3A_135 = arith.index_cast %get3A_134 : i32 to index
      %get3A_136 = arith.index_cast %mul3A_90 : i32 to index
      %get3A_137 = tpu.vector_load %arg8[%get3A_135, %get3A_136] {strides = array<i32>} : memref<16x640xf32, #tpu.memory_space<vmem>>, vector<16xf32>,
      %add3A_138 = arith.addf %add3A_133, %get3A_137 : vector<16xf32>
      %get3A_139 = arith.constant 10 : i32
      %get3A_140 = arith.index_cast %get3A_139 : i32 to index
      %get3A_141 = arith.index_cast %mul3A_90 : i32 to index
      %get3A_142 = tpu.vector_load %arg8[%get3A_140, %get3A_141] {strides = array<i32>} : memref<16x640xf32, #tpu.memory_space<vmem>>, vector<16xf32>,
      %add3A_143 = arith.addf %add3A_138, %get3A_142 : vector<16xf32>
      %get3A_144 = arith.constant 11 : i32
      %get3A_145 = arith.index_cast %get3A_144 : i32 to index
      %get3A_146 = arith.index_cast %mul3A_90 : i32 to index
      %get3A_147 = tpu.vector_load %arg8[%get3A_145, %get3A_146] {strides = array<i32>} : memref<16x640xf32, #tpu.memory_space<vmem>>, vector<16xf32>,
      %add3A_148 = arith.addf %add3A_143, %get3A_147 : vector<16xf32>
      %get3A_149 = arith.constant 12 : i32
      %get3A_150 = arith.index_cast %get3A_149 : i32 to index
      %get3A_151 = arith.index_cast %mul3A_90 : i32 to index
      %get3A_152 = tpu.vector_load %arg8[%get3A_150, %get3A_151] {strides = array<i32>} : memref<16x640xf32, #tpu.memory_space<vmem>>, vector<16xf32>,
      %add3A_153 = arith.addf %add3A_148, %get3A_152 : vector<16xf32>
      %get3A_154 = arith.constant 13 : i32
      %get3A_155 = arith.index_cast %get3A_154 : i32 to index
      %get3A_156 = arith.index_cast %mul3A_90 : i32 to index
      %get3A_157 = tpu.vector_load %arg8[%get3A_155, %get3A_156] {strides = array<i32>} : memref<16x640xf32, #tpu.memory_space<vmem>>, vector<16xf32>,
      %add3A_158 = arith.addf %add3A_153, %get3A_157 : vector<16xf32>
      %get3A_159 = arith.constant 14 : i32
      %get3A_160 = arith.index_cast %get3A_159 : i32 to index
      %get3A_161 = arith.index_cast %mul3A_90 : i32 to index
      %get3A_162 = tpu.vector_load %arg8[%get3A_160, %get3A_161] {strides = array<i32>} : memref<16x640xf32, #tpu.memory_space<vmem>>, vector<16xf32>,
      %add3A_163 = arith.addf %add3A_158, %get3A_162 : vector<16xf32>
      %get3A_164 = arith.constant 15 : i32
      %get3A_165 = arith.index_cast %get3A_164 : i32 to index
      %get3A_166 = arith.index_cast %mul3A_90 : i32 to index
      %get3A_167 = tpu.vector_load %arg8[%get3A_165, %get3A_166] {strides = array<i32>} : memref<16x640xf32, #tpu.memory_space<vmem>>, vector<16xf32>,
      %add3A_168 = arith.addf %add3A_163, %get3A_167 : vector<16xf32>
      %swap3A = arith.index_cast %mul3A_90 : i32 to index
      %swap3A_169 = tpu.vector_load %arg9[%swap3A] {strides = array<i32>} : memref<640xf32, #tpu.memory_space<vmem>>, vector<16xf32>,
      tpu.vector_store %arg9[%swap3A], %add3A_168 {strides = array<i32>} : memref<640xf32, #tpu.memory_space<vmem>>, vector<16xf32>,
      %scan3A_170 = arith.constant 0 : i32
      scf.yield %scan3A_170 : i32
    }
    %scan3A_84 = arith.constant 40 : i32
    %mul3A_85 = arith.constant 640 : i32
    %mul3A_86 = arith.muli %arg1, %mul3A_85 : i32
    "tpu.region"() ({
      %run_scoped3A_87 = tpu.sem_alloc : memref<!tpu.dma_semaphore, #tpu.memory_space<semaphore_mem>>
      %dma_start3A = tpu.memref_slice %arg4[%arg0, %mul3A_86] : memref<2x10240xf32, #tpu.memory_space<hbm>> -> memref<1x640xf32, #tpu.memory_space<hbm>>
      %dma_start3A_88 = tpu.memref_squeeze %dma_start3A : memref<1x640xf32, #tpu.memory_space<hbm>> -> memref<640xf32, #tpu.memory_space<hbm>>
      %dma_start3A_89 = tpu.memref_slice %arg4[%arg0, %mul3A_86] : memref<2x10240xf32, #tpu.memory_space<hbm>> -> memref<1x640xf32, #tpu.memory_space<hbm>>
      %dma_start3A_90 = tpu.memref_squeeze %dma_start3A_89 : memref<1x640xf32, #tpu.memory_space<hbm>> -> memref<640xf32, #tpu.memory_space<hbm>>
      tpu.enqueue_dma source(%arg9 : memref<640xf32, #tpu.memory_space<vmem>>) target(%dma_start3A_90 : memref<640xf32, #tpu.memory_space<hbm>>) target_semaphore(%run_scoped3A_87 : memref<!tpu.dma_semaphore, #tpu.memory_space<semaphore_mem>>)
      %dma_wait3A = tpu.memref_slice %arg4[%arg0, %mul3A_86] : memref<2x10240xf32, #tpu.memory_space<hbm>> -> memref<1x640xf32, #tpu.memory_space<hbm>>
      %dma_wait3A_91 = tpu.memref_squeeze %dma_wait3A : memref<1x640xf32, #tpu.memory_space<hbm>> -> memref<640xf32, #tpu.memory_space<hbm>>
      %dma_wait3A_92 = tpu.memref_slice %arg4[%arg0, %mul3A_86] : memref<2x10240xf32, #tpu.memory_space<hbm>> -> memref<1x640xf32, #tpu.memory_space<hbm>>
      %dma_wait3A_93 = tpu.memref_squeeze %dma_wait3A_92 : memref<1x640xf32, #tpu.memory_space<hbm>> -> memref<640xf32, #tpu.memory_space<hbm>>
      tpu.wait_dma2 semaphore(%run_scoped3A_87 : memref<!tpu.dma_semaphore, #tpu.memory_space<semaphore_mem>>) src(%arg9 : memref<640xf32, #tpu.memory_space<vmem>>) dst(%dma_wait3A_93 : memref<640xf32, #tpu.memory_space<hbm>>)
      tpu.yield
    }) : () -> ()
    return
  }
}

#map = affine_map<(d0, d1) -> (0, 0)>
#map1 = affine_map<(d0, d1) -> (0, 0, 0)>
module attributes {stable_mosaic.version = 14 : i64} {
  func.func @_agg(%arg0: i32, %arg1: i32, %arg2: memref<2560x128xi32, #tpu.memory_space<hbm>>, %arg3: memref<2560x128xi32, #tpu.memory_space<hbm>>, %arg4: memref<2560x128xf32, #tpu.memory_space<hbm>>, %arg5: memref<10240x128xf32, #tpu.memory_space<hbm>>, %arg6: memref<2x10240x128xf32, #tpu.memory_space<hbm>>, %arg7: memref<16x128xi32, #tpu.memory_space<vmem>>, %arg8: memref<16x128xi32, #tpu.memory_space<vmem>>, %arg9: memref<16x128xf32, #tpu.memory_space<vmem>>, %arg10: memref<128x128xf32, #tpu.memory_space<vmem>>, %arg11: memref<128x128xf32, #tpu.memory_space<vmem>>, %arg12: memref<10240x128xf32, #tpu.memory_space<vmem_shared>>, %arg13: memref<!tpu.dma_semaphore, #tpu.memory_space<semaphore_mem>>, %arg14: memref<!tpu.dma_semaphore, #tpu.memory_space<semaphore_mem>>, %arg15: memref<!tpu.dma_semaphore, #tpu.memory_space<semaphore_mem>>, %arg16: memref<!tpu.dma_semaphore, #tpu.memory_space<semaphore_mem>>) attributes {dimension_semantics = [#tpu.dimension_semantics<core_parallel>, #tpu.dimension_semantics<subcore_parallel>], iteration_bounds = array<i64: 2, 16>, scalar_prefetch = 0 : i64, scratch_operands = 10 : i64, tpu.core_type = #tpu.core_type<sc_vector_subcore>, window_params = [{transform_indices = #map}, {transform_indices = #map}, {transform_indices = #map}, {transform_indices = #map}, {transform_indices = #map1}]} {
    %broadcast_in_dim3A = arith.constant 0.000000e+00 : f32
    %broadcast_in_dim3A_0 = vector.broadcast %broadcast_in_dim3A : f32 to vector<16xf32>
    %scan3A = arith.constant 0 : i32
    %scan3A_1 = arith.constant 0 : i32
    %scan3A_2 = arith.constant 128 : i32
    %scan3A_3 = arith.addi %scan3A_1, %scan3A_2 : i32
    %scan3A_4 = arith.constant 1 : i32
    %scan3A_5 = scf.for %scan3A_52 = %scan3A_1 to %scan3A_3 step %scan3A_4 iter_args(%scan3A_53 = %scan3A) -> (i32)  : i32 {
      %swap3A = arith.index_cast %scan3A_52 : i32 to index
      %swap3A_54 = arith.constant 0 : index
      %swap3A_55 = tpu.vector_load %arg10[%swap3A, %swap3A_54] {strides = array<i32>} : memref<128x128xf32, #tpu.memory_space<vmem>>, vector<16xf32>,
      tpu.vector_store %arg10[%swap3A, %swap3A_54], %broadcast_in_dim3A_0 {strides = array<i32>} : memref<128x128xf32, #tpu.memory_space<vmem>>, vector<16xf32>,
      %swap3A_56 = arith.index_cast %scan3A_52 : i32 to index
      %swap3A_57 = arith.constant 16 : index
      %swap3A_58 = tpu.vector_load %arg10[%swap3A_56, %swap3A_57] {strides = array<i32>} : memref<128x128xf32, #tpu.memory_space<vmem>>, vector<16xf32>,
      tpu.vector_store %arg10[%swap3A_56, %swap3A_57], %broadcast_in_dim3A_0 {strides = array<i32>} : memref<128x128xf32, #tpu.memory_space<vmem>>, vector<16xf32>,
      %swap3A_59 = arith.index_cast %scan3A_52 : i32 to index
      %swap3A_60 = arith.constant 32 : index
      %swap3A_61 = tpu.vector_load %arg10[%swap3A_59, %swap3A_60] {strides = array<i32>} : memref<128x128xf32, #tpu.memory_space<vmem>>, vector<16xf32>,
      tpu.vector_store %arg10[%swap3A_59, %swap3A_60], %broadcast_in_dim3A_0 {strides = array<i32>} : memref<128x128xf32, #tpu.memory_space<vmem>>, vector<16xf32>,
      %swap3A_62 = arith.index_cast %scan3A_52 : i32 to index
      %swap3A_63 = arith.constant 48 : index
      %swap3A_64 = tpu.vector_load %arg10[%swap3A_62, %swap3A_63] {strides = array<i32>} : memref<128x128xf32, #tpu.memory_space<vmem>>, vector<16xf32>,
      tpu.vector_store %arg10[%swap3A_62, %swap3A_63], %broadcast_in_dim3A_0 {strides = array<i32>} : memref<128x128xf32, #tpu.memory_space<vmem>>, vector<16xf32>,
      %swap3A_65 = arith.index_cast %scan3A_52 : i32 to index
      %swap3A_66 = arith.constant 64 : index
      %swap3A_67 = tpu.vector_load %arg10[%swap3A_65, %swap3A_66] {strides = array<i32>} : memref<128x128xf32, #tpu.memory_space<vmem>>, vector<16xf32>,
      tpu.vector_store %arg10[%swap3A_65, %swap3A_66], %broadcast_in_dim3A_0 {strides = array<i32>} : memref<128x128xf32, #tpu.memory_space<vmem>>, vector<16xf32>,
      %swap3A_68 = arith.index_cast %scan3A_52 : i32 to index
      %swap3A_69 = arith.constant 80 : index
      %swap3A_70 = tpu.vector_load %arg10[%swap3A_68, %swap3A_69] {strides = array<i32>} : memref<128x128xf32, #tpu.memory_space<vmem>>, vector<16xf32>,
      tpu.vector_store %arg10[%swap3A_68, %swap3A_69], %broadcast_in_dim3A_0 {strides = array<i32>} : memref<128x128xf32, #tpu.memory_space<vmem>>, vector<16xf32>,
      %swap3A_71 = arith.index_cast %scan3A_52 : i32 to index
      %swap3A_72 = arith.constant 96 : index
      %swap3A_73 = tpu.vector_load %arg10[%swap3A_71, %swap3A_72] {strides = array<i32>} : memref<128x128xf32, #tpu.memory_space<vmem>>, vector<16xf32>,
      tpu.vector_store %arg10[%swap3A_71, %swap3A_72], %broadcast_in_dim3A_0 {strides = array<i32>} : memref<128x128xf32, #tpu.memory_space<vmem>>, vector<16xf32>,
      %swap3A_74 = arith.index_cast %scan3A_52 : i32 to index
      %swap3A_75 = arith.constant 112 : index
      %swap3A_76 = tpu.vector_load %arg10[%swap3A_74, %swap3A_75] {strides = array<i32>} : memref<128x128xf32, #tpu.memory_space<vmem>>, vector<16xf32>,
      tpu.vector_store %arg10[%swap3A_74, %swap3A_75], %broadcast_in_dim3A_0 {strides = array<i32>} : memref<128x128xf32, #tpu.memory_space<vmem>>, vector<16xf32>,
      %scan3A_77 = arith.constant 0 : i32
      scf.yield %scan3A_77 : i32
    }
    %scan3A_6 = arith.constant 128 : i32
    %mul3A = arith.constant 640 : i32
    %mul3A_7 = arith.muli %arg1, %mul3A : i32
    %add3A = arith.constant 0 : i32
    %add3A_8 = arith.addi %mul3A_7, %add3A : i32
    "tpu.region"() ({
      %run_scoped3A = tpu.sem_alloc : memref<!tpu.dma_semaphore, #tpu.memory_space<semaphore_mem>>
      %dma_start3A = arith.constant 0 : i32
      %dma_start3A_52 = tpu.memref_slice %arg12[%add3A_8, %dma_start3A] : memref<10240x128xf32, #tpu.memory_space<vmem_shared>> -> memref<128x128xf32, #tpu.memory_space<vmem_shared>>
      %dma_start3A_53 = arith.constant 0 : i32
      %dma_start3A_54 = tpu.memref_slice %arg12[%add3A_8, %dma_start3A_53] : memref<10240x128xf32, #tpu.memory_space<vmem_shared>> -> memref<128x128xf32, #tpu.memory_space<vmem_shared>>
      tpu.enqueue_dma source(%arg10 : memref<128x128xf32, #tpu.memory_space<vmem>>) target(%dma_start3A_54 : memref<128x128xf32, #tpu.memory_space<vmem_shared>>) target_semaphore(%run_scoped3A : memref<!tpu.dma_semaphore, #tpu.memory_space<semaphore_mem>>)
      %dma_wait3A = arith.constant 0 : i32
      %dma_wait3A_55 = tpu.memref_slice %arg12[%add3A_8, %dma_wait3A] : memref<10240x128xf32, #tpu.memory_space<vmem_shared>> -> memref<128x128xf32, #tpu.memory_space<vmem_shared>>
      %dma_wait3A_56 = arith.constant 0 : i32
      %dma_wait3A_57 = tpu.memref_slice %arg12[%add3A_8, %dma_wait3A_56] : memref<10240x128xf32, #tpu.memory_space<vmem_shared>> -> memref<128x128xf32, #tpu.memory_space<vmem_shared>>
      tpu.wait_dma2 semaphore(%run_scoped3A : memref<!tpu.dma_semaphore, #tpu.memory_space<semaphore_mem>>) src(%arg10 : memref<128x128xf32, #tpu.memory_space<vmem>>) dst(%dma_wait3A_57 : memref<128x128xf32, #tpu.memory_space<vmem_shared>>)
      tpu.yield
    }) : () -> ()
    %mul3A_9 = arith.constant 640 : i32
    %mul3A_10 = arith.muli %arg1, %mul3A_9 : i32
    %add3A_11 = arith.constant 128 : i32
    %add3A_12 = arith.addi %mul3A_10, %add3A_11 : i32
    "tpu.region"() ({
      %run_scoped3A = tpu.sem_alloc : memref<!tpu.dma_semaphore, #tpu.memory_space<semaphore_mem>>
      %dma_start3A = arith.constant 0 : i32
      %dma_start3A_52 = tpu.memref_slice %arg12[%add3A_12, %dma_start3A] : memref<10240x128xf32, #tpu.memory_space<vmem_shared>> -> memref<128x128xf32, #tpu.memory_space<vmem_shared>>
      %dma_start3A_53 = arith.constant 0 : i32
      %dma_start3A_54 = tpu.memref_slice %arg12[%add3A_12, %dma_start3A_53] : memref<10240x128xf32, #tpu.memory_space<vmem_shared>> -> memref<128x128xf32, #tpu.memory_space<vmem_shared>>
      tpu.enqueue_dma source(%arg10 : memref<128x128xf32, #tpu.memory_space<vmem>>) target(%dma_start3A_54 : memref<128x128xf32, #tpu.memory_space<vmem_shared>>) target_semaphore(%run_scoped3A : memref<!tpu.dma_semaphore, #tpu.memory_space<semaphore_mem>>)
      %dma_wait3A = arith.constant 0 : i32
      %dma_wait3A_55 = tpu.memref_slice %arg12[%add3A_12, %dma_wait3A] : memref<10240x128xf32, #tpu.memory_space<vmem_shared>> -> memref<128x128xf32, #tpu.memory_space<vmem_shared>>
      %dma_wait3A_56 = arith.constant 0 : i32
      %dma_wait3A_57 = tpu.memref_slice %arg12[%add3A_12, %dma_wait3A_56] : memref<10240x128xf32, #tpu.memory_space<vmem_shared>> -> memref<128x128xf32, #tpu.memory_space<vmem_shared>>
      tpu.wait_dma2 semaphore(%run_scoped3A : memref<!tpu.dma_semaphore, #tpu.memory_space<semaphore_mem>>) src(%arg10 : memref<128x128xf32, #tpu.memory_space<vmem>>) dst(%dma_wait3A_57 : memref<128x128xf32, #tpu.memory_space<vmem_shared>>)
      tpu.yield
    }) : () -> ()
    %mul3A_13 = arith.constant 640 : i32
    %mul3A_14 = arith.muli %arg1, %mul3A_13 : i32
    %add3A_15 = arith.constant 256 : i32
    %add3A_16 = arith.addi %mul3A_14, %add3A_15 : i32
    "tpu.region"() ({
      %run_scoped3A = tpu.sem_alloc : memref<!tpu.dma_semaphore, #tpu.memory_space<semaphore_mem>>
      %dma_start3A = arith.constant 0 : i32
      %dma_start3A_52 = tpu.memref_slice %arg12[%add3A_16, %dma_start3A] : memref<10240x128xf32, #tpu.memory_space<vmem_shared>> -> memref<128x128xf32, #tpu.memory_space<vmem_shared>>
      %dma_start3A_53 = arith.constant 0 : i32
      %dma_start3A_54 = tpu.memref_slice %arg12[%add3A_16, %dma_start3A_53] : memref<10240x128xf32, #tpu.memory_space<vmem_shared>> -> memref<128x128xf32, #tpu.memory_space<vmem_shared>>
      tpu.enqueue_dma source(%arg10 : memref<128x128xf32, #tpu.memory_space<vmem>>) target(%dma_start3A_54 : memref<128x128xf32, #tpu.memory_space<vmem_shared>>) target_semaphore(%run_scoped3A : memref<!tpu.dma_semaphore, #tpu.memory_space<semaphore_mem>>)
      %dma_wait3A = arith.constant 0 : i32
      %dma_wait3A_55 = tpu.memref_slice %arg12[%add3A_16, %dma_wait3A] : memref<10240x128xf32, #tpu.memory_space<vmem_shared>> -> memref<128x128xf32, #tpu.memory_space<vmem_shared>>
      %dma_wait3A_56 = arith.constant 0 : i32
      %dma_wait3A_57 = tpu.memref_slice %arg12[%add3A_16, %dma_wait3A_56] : memref<10240x128xf32, #tpu.memory_space<vmem_shared>> -> memref<128x128xf32, #tpu.memory_space<vmem_shared>>
      tpu.wait_dma2 semaphore(%run_scoped3A : memref<!tpu.dma_semaphore, #tpu.memory_space<semaphore_mem>>) src(%arg10 : memref<128x128xf32, #tpu.memory_space<vmem>>) dst(%dma_wait3A_57 : memref<128x128xf32, #tpu.memory_space<vmem_shared>>)
      tpu.yield
    }) : () -> ()
    %mul3A_17 = arith.constant 640 : i32
    %mul3A_18 = arith.muli %arg1, %mul3A_17 : i32
    %add3A_19 = arith.constant 384 : i32
    %add3A_20 = arith.addi %mul3A_18, %add3A_19 : i32
    "tpu.region"() ({
      %run_scoped3A = tpu.sem_alloc : memref<!tpu.dma_semaphore, #tpu.memory_space<semaphore_mem>>
      %dma_start3A = arith.constant 0 : i32
      %dma_start3A_52 = tpu.memref_slice %arg12[%add3A_20, %dma_start3A] : memref<10240x128xf32, #tpu.memory_space<vmem_shared>> -> memref<128x128xf32, #tpu.memory_space<vmem_shared>>
      %dma_start3A_53 = arith.constant 0 : i32
      %dma_start3A_54 = tpu.memref_slice %arg12[%add3A_20, %dma_start3A_53] : memref<10240x128xf32, #tpu.memory_space<vmem_shared>> -> memref<128x128xf32, #tpu.memory_space<vmem_shared>>
      tpu.enqueue_dma source(%arg10 : memref<128x128xf32, #tpu.memory_space<vmem>>) target(%dma_start3A_54 : memref<128x128xf32, #tpu.memory_space<vmem_shared>>) target_semaphore(%run_scoped3A : memref<!tpu.dma_semaphore, #tpu.memory_space<semaphore_mem>>)
      %dma_wait3A = arith.constant 0 : i32
      %dma_wait3A_55 = tpu.memref_slice %arg12[%add3A_20, %dma_wait3A] : memref<10240x128xf32, #tpu.memory_space<vmem_shared>> -> memref<128x128xf32, #tpu.memory_space<vmem_shared>>
      %dma_wait3A_56 = arith.constant 0 : i32
      %dma_wait3A_57 = tpu.memref_slice %arg12[%add3A_20, %dma_wait3A_56] : memref<10240x128xf32, #tpu.memory_space<vmem_shared>> -> memref<128x128xf32, #tpu.memory_space<vmem_shared>>
      tpu.wait_dma2 semaphore(%run_scoped3A : memref<!tpu.dma_semaphore, #tpu.memory_space<semaphore_mem>>) src(%arg10 : memref<128x128xf32, #tpu.memory_space<vmem>>) dst(%dma_wait3A_57 : memref<128x128xf32, #tpu.memory_space<vmem_shared>>)
      tpu.yield
    }) : () -> ()
    %mul3A_21 = arith.constant 640 : i32
    %mul3A_22 = arith.muli %arg1, %mul3A_21 : i32
    %add3A_23 = arith.constant 512 : i32
    %add3A_24 = arith.addi %mul3A_22, %add3A_23 : i32
    "tpu.region"() ({
      %run_scoped3A = tpu.sem_alloc : memref<!tpu.dma_semaphore, #tpu.memory_space<semaphore_mem>>
      %dma_start3A = arith.constant 0 : i32
      %dma_start3A_52 = tpu.memref_slice %arg12[%add3A_24, %dma_start3A] : memref<10240x128xf32, #tpu.memory_space<vmem_shared>> -> memref<128x128xf32, #tpu.memory_space<vmem_shared>>
      %dma_start3A_53 = arith.constant 0 : i32
      %dma_start3A_54 = tpu.memref_slice %arg12[%add3A_24, %dma_start3A_53] : memref<10240x128xf32, #tpu.memory_space<vmem_shared>> -> memref<128x128xf32, #tpu.memory_space<vmem_shared>>
      tpu.enqueue_dma source(%arg10 : memref<128x128xf32, #tpu.memory_space<vmem>>) target(%dma_start3A_54 : memref<128x128xf32, #tpu.memory_space<vmem_shared>>) target_semaphore(%run_scoped3A : memref<!tpu.dma_semaphore, #tpu.memory_space<semaphore_mem>>)
      %dma_wait3A = arith.constant 0 : i32
      %dma_wait3A_55 = tpu.memref_slice %arg12[%add3A_24, %dma_wait3A] : memref<10240x128xf32, #tpu.memory_space<vmem_shared>> -> memref<128x128xf32, #tpu.memory_space<vmem_shared>>
      %dma_wait3A_56 = arith.constant 0 : i32
      %dma_wait3A_57 = tpu.memref_slice %arg12[%add3A_24, %dma_wait3A_56] : memref<10240x128xf32, #tpu.memory_space<vmem_shared>> -> memref<128x128xf32, #tpu.memory_space<vmem_shared>>
      tpu.wait_dma2 semaphore(%run_scoped3A : memref<!tpu.dma_semaphore, #tpu.memory_space<semaphore_mem>>) src(%arg10 : memref<128x128xf32, #tpu.memory_space<vmem>>) dst(%dma_wait3A_57 : memref<128x128xf32, #tpu.memory_space<vmem_shared>>)
      tpu.yield
    }) : () -> ()
    %barrier3A = arith.constant 0 : index
    tpu.barrier barrier_id(%barrier3A)
    %eq3A = arith.constant 0 : i32
    %eq3A_25 = arith.cmpi eq, %arg0, %eq3A : i32
    %mul3A_26 = arith.constant 144 : i32
    %mul3A_27 = arith.muli %arg1, %mul3A_26 : i32
    %mul3A_28 = arith.constant 16 : i32
    %mul3A_29 = arith.muli %arg1, %mul3A_28 : i32
    %add3A_30 = arith.constant 2304 : i32
    %add3A_31 = arith.addi %add3A_30, %mul3A_29 : i32
    %select_n3A = arith.select %eq3A_25, %mul3A_27, %add3A_31 : i32
    %eq3A_32 = arith.constant 0 : i32
    %eq3A_33 = arith.cmpi eq, %arg0, %eq3A_32 : i32
    %jit3A = arith.constant 9 : i32
    %jit3A_34 = arith.constant 1 : i32
    %select_n3A_35 = arith.select %eq3A_33, %jit3A, %jit3A_34 : i32
    %while3A = arith.constant 0 : i32
    %while3A_36 = arith.constant 0 : i32
    %while3A_37 = arith.subi %select_n3A_35, %while3A : i32
    %while3A_38 = arith.addi %while3A, %while3A_37 : i32
    %while3A_39 = arith.constant 1 : i32
    %while3A_40 = arith.divsi %while3A_37, %while3A_39 : i32
    %while3A_41 = arith.muli %while3A_40, %while3A_39 : i32
    %while3A_42 = arith.addi %while3A, %while3A_41 : i32
    %while3A_43 = arith.constant 1 : i32
    %while3A_44 = scf.for %while3A_52 = %while3A to %while3A_42 step %while3A_43 iter_args(%while3A_53 = %while3A_36) -> (i32)  : i32 {
      %mul3A_54 = arith.constant 16 : i32
      %mul3A_55 = arith.muli %while3A_52, %mul3A_54 : i32
      %add3A_56 = arith.addi %select_n3A, %mul3A_55 : i32
      "tpu.region"() ({
        %run_scoped3A = tpu.sem_alloc : memref<!tpu.dma_semaphore, #tpu.memory_space<semaphore_mem>>
        %dma_start3A_78 = arith.constant 0 : i32
        %dma_start3A_79 = tpu.memref_slice %arg2[%add3A_56, %dma_start3A_78] : memref<2560x128xi32, #tpu.memory_space<hbm>> -> memref<16x128xi32, #tpu.memory_space<hbm>>
        %dma_start3A_80 = arith.constant 0 : i32
        %dma_start3A_81 = tpu.memref_slice %arg2[%add3A_56, %dma_start3A_80] : memref<2560x128xi32, #tpu.memory_space<hbm>> -> memref<16x128xi32, #tpu.memory_space<hbm>>
        tpu.enqueue_dma source(%dma_start3A_81 : memref<16x128xi32, #tpu.memory_space<hbm>>) target(%arg7 : memref<16x128xi32, #tpu.memory_space<vmem>>) target_semaphore(%run_scoped3A : memref<!tpu.dma_semaphore, #tpu.memory_space<semaphore_mem>>)
        %dma_wait3A = arith.constant 0 : i32
        %dma_wait3A_82 = tpu.memref_slice %arg2[%add3A_56, %dma_wait3A] : memref<2560x128xi32, #tpu.memory_space<hbm>> -> memref<16x128xi32, #tpu.memory_space<hbm>>
        %dma_wait3A_83 = arith.constant 0 : i32
        %dma_wait3A_84 = tpu.memref_slice %arg2[%add3A_56, %dma_wait3A_83] : memref<2560x128xi32, #tpu.memory_space<hbm>> -> memref<16x128xi32, #tpu.memory_space<hbm>>
        tpu.wait_dma2 semaphore(%run_scoped3A : memref<!tpu.dma_semaphore, #tpu.memory_space<semaphore_mem>>) src(%dma_wait3A_84 : memref<16x128xi32, #tpu.memory_space<hbm>>) dst(%arg7 : memref<16x128xi32, #tpu.memory_space<vmem>>)
        tpu.yield
      }) : () -> ()
      "tpu.region"() ({
        %run_scoped3A = tpu.sem_alloc : memref<!tpu.dma_semaphore, #tpu.memory_space<semaphore_mem>>
        %dma_start3A_78 = arith.constant 0 : i32
        %dma_start3A_79 = tpu.memref_slice %arg3[%add3A_56, %dma_start3A_78] : memref<2560x128xi32, #tpu.memory_space<hbm>> -> memref<16x128xi32, #tpu.memory_space<hbm>>
        %dma_start3A_80 = arith.constant 0 : i32
        %dma_start3A_81 = tpu.memref_slice %arg3[%add3A_56, %dma_start3A_80] : memref<2560x128xi32, #tpu.memory_space<hbm>> -> memref<16x128xi32, #tpu.memory_space<hbm>>
        tpu.enqueue_dma source(%dma_start3A_81 : memref<16x128xi32, #tpu.memory_space<hbm>>) target(%arg8 : memref<16x128xi32, #tpu.memory_space<vmem>>) target_semaphore(%run_scoped3A : memref<!tpu.dma_semaphore, #tpu.memory_space<semaphore_mem>>)
        %dma_wait3A = arith.constant 0 : i32
        %dma_wait3A_82 = tpu.memref_slice %arg3[%add3A_56, %dma_wait3A] : memref<2560x128xi32, #tpu.memory_space<hbm>> -> memref<16x128xi32, #tpu.memory_space<hbm>>
        %dma_wait3A_83 = arith.constant 0 : i32
        %dma_wait3A_84 = tpu.memref_slice %arg3[%add3A_56, %dma_wait3A_83] : memref<2560x128xi32, #tpu.memory_space<hbm>> -> memref<16x128xi32, #tpu.memory_space<hbm>>
        tpu.wait_dma2 semaphore(%run_scoped3A : memref<!tpu.dma_semaphore, #tpu.memory_space<semaphore_mem>>) src(%dma_wait3A_84 : memref<16x128xi32, #tpu.memory_space<hbm>>) dst(%arg8 : memref<16x128xi32, #tpu.memory_space<vmem>>)
        tpu.yield
      }) : () -> ()
      "tpu.region"() ({
        %run_scoped3A = tpu.sem_alloc : memref<!tpu.dma_semaphore, #tpu.memory_space<semaphore_mem>>
        %dma_start3A_78 = arith.constant 0 : i32
        %dma_start3A_79 = tpu.memref_slice %arg4[%add3A_56, %dma_start3A_78] : memref<2560x128xf32, #tpu.memory_space<hbm>> -> memref<16x128xf32, #tpu.memory_space<hbm>>
        %dma_start3A_80 = arith.constant 0 : i32
        %dma_start3A_81 = tpu.memref_slice %arg4[%add3A_56, %dma_start3A_80] : memref<2560x128xf32, #tpu.memory_space<hbm>> -> memref<16x128xf32, #tpu.memory_space<hbm>>
        tpu.enqueue_dma source(%dma_start3A_81 : memref<16x128xf32, #tpu.memory_space<hbm>>) target(%arg9 : memref<16x128xf32, #tpu.memory_space<vmem>>) target_semaphore(%run_scoped3A : memref<!tpu.dma_semaphore, #tpu.memory_space<semaphore_mem>>)
        %dma_wait3A = arith.constant 0 : i32
        %dma_wait3A_82 = tpu.memref_slice %arg4[%add3A_56, %dma_wait3A] : memref<2560x128xf32, #tpu.memory_space<hbm>> -> memref<16x128xf32, #tpu.memory_space<hbm>>
        %dma_wait3A_83 = arith.constant 0 : i32
        %dma_wait3A_84 = tpu.memref_slice %arg4[%add3A_56, %dma_wait3A_83] : memref<2560x128xf32, #tpu.memory_space<hbm>> -> memref<16x128xf32, #tpu.memory_space<hbm>>
        tpu.wait_dma2 semaphore(%run_scoped3A : memref<!tpu.dma_semaphore, #tpu.memory_space<semaphore_mem>>) src(%dma_wait3A_84 : memref<16x128xf32, #tpu.memory_space<hbm>>) dst(%arg9 : memref<16x128xf32, #tpu.memory_space<vmem>>)
        tpu.yield
      }) : () -> ()
      %dma_start3A = arith.constant 0 : i32
      %dma_start3A_57 = arith.constant 0 : i32
      %dma_start3A_58 = tpu.memref_slice %arg7[%dma_start3A, %dma_start3A_57] : memref<16x128xi32, #tpu.memory_space<vmem>> -> memref<1x128xi32, #tpu.memory_space<vmem>>
      %dma_start3A_59 = tpu.memref_squeeze %dma_start3A_58 : memref<1x128xi32, #tpu.memory_space<vmem>> -> memref<128xi32, #tpu.memory_space<vmem>>
      %dma_start3A_60 = arith.constant 0 : i32
      %dma_start3A_61 = arith.constant 0 : i32
      %dma_start3A_62 = tpu.memref_slice %arg5[%dma_start3A_60, %dma_start3A_61] : memref<10240x128xf32, #tpu.memory_space<hbm>> -> memref<10240x128xf32, #tpu.memory_space<hbm>>
      tpu.enqueue_indirect_dma source(%dma_start3A_62 : memref<10240x128xf32, #tpu.memory_space<hbm>>) target(%arg10 : memref<128x128xf32, #tpu.memory_space<vmem>>) offsets(%dma_start3A_59 : memref<128xi32, #tpu.memory_space<vmem>>) semaphore(%arg13 : memref<!tpu.dma_semaphore, #tpu.memory_space<semaphore_mem>>)
      %dma_start3A_63 = arith.constant 1 : i32
      %dma_start3A_64 = arith.constant 0 : i32
      %dma_start3A_65 = tpu.memref_slice %arg7[%dma_start3A_63, %dma_start3A_64] : memref<16x128xi32, #tpu.memory_space<vmem>> -> memref<1x128xi32, #tpu.memory_space<vmem>>
      %dma_start3A_66 = tpu.memref_squeeze %dma_start3A_65 : memref<1x128xi32, #tpu.memory_space<vmem>> -> memref<128xi32, #tpu.memory_space<vmem>>
      %dma_start3A_67 = arith.constant 0 : i32
      %dma_start3A_68 = arith.constant 0 : i32
      %dma_start3A_69 = tpu.memref_slice %arg5[%dma_start3A_67, %dma_start3A_68] : memref<10240x128xf32, #tpu.memory_space<hbm>> -> memref<10240x128xf32, #tpu.memory_space<hbm>>
      tpu.enqueue_indirect_dma source(%dma_start3A_69 : memref<10240x128xf32, #tpu.memory_space<hbm>>) target(%arg11 : memref<128x128xf32, #tpu.memory_space<vmem>>) offsets(%dma_start3A_66 : memref<128xi32, #tpu.memory_space<vmem>>) semaphore(%arg14 : memref<!tpu.dma_semaphore, #tpu.memory_space<semaphore_mem>>)
      %scan3A_70 = arith.constant 0 : i32
      %scan3A_71 = arith.constant 0 : i32
      %scan3A_72 = arith.constant 8 : i32
      %scan3A_73 = arith.addi %scan3A_71, %scan3A_72 : i32
      %scan3A_74 = arith.constant 1 : i32
      %scan3A_75 = scf.for %scan3A_78 = %scan3A_71 to %scan3A_73 step %scan3A_74 iter_args(%scan3A_79 = %scan3A_70) -> (i32)  : i32 {
        %mul3A_80 = arith.constant 2 : i32
        %mul3A_81 = arith.muli %mul3A_80, %scan3A_78 : i32
        %add3A_82 = arith.constant 1 : i32
        %add3A_83 = arith.addi %mul3A_81, %add3A_82 : i32
        %dma_wait3A = arith.constant 0 : i32
        %dma_wait3A_84 = tpu.memref_slice %arg7[%mul3A_81, %dma_wait3A] : memref<16x128xi32, #tpu.memory_space<vmem>> -> memref<1x128xi32, #tpu.memory_space<vmem>>
        %dma_wait3A_85 = tpu.memref_squeeze %dma_wait3A_84 : memref<1x128xi32, #tpu.memory_space<vmem>> -> memref<128xi32, #tpu.memory_space<vmem>>
        %dma_wait3A_86 = arith.constant 0 : i32
        %dma_wait3A_87 = arith.constant 0 : i32
        %dma_wait3A_88 = tpu.memref_slice %arg5[%dma_wait3A_86, %dma_wait3A_87] : memref<10240x128xf32, #tpu.memory_space<hbm>> -> memref<10240x128xf32, #tpu.memory_space<hbm>>
        tpu.wait_indirect_dma semaphore(%arg13 : memref<!tpu.dma_semaphore, #tpu.memory_space<semaphore_mem>>) src(%dma_wait3A_88 : memref<10240x128xf32, #tpu.memory_space<hbm>>) dst(%arg10 : memref<128x128xf32, #tpu.memory_space<vmem>>)
        %parallel_loop3A = arith.constant 0 : i32
        %parallel_loop3A_89 = arith.constant 128 : i32
        %parallel_loop3A_90 = arith.constant 1 : i32
        scf.for %parallel_loop3A_136 = %parallel_loop3A to %parallel_loop3A_89 step %parallel_loop3A_90  : i32 {
          %parallel_loop3A_137 = vector.broadcast %parallel_loop3A_136 : i32 to vector<16xi32>
          %parallel_loop3A_138 = arith.constant 0 : i32
          %parallel_loop3A_139 = tpu.memref_slice %arg9[%mul3A_81, %parallel_loop3A_138] : memref<16x128xf32, #tpu.memory_space<vmem>> -> memref<1x128xf32, #tpu.memory_space<vmem>>
          %parallel_loop3A_140 = tpu.memref_squeeze %parallel_loop3A_139 : memref<1x128xf32, #tpu.memory_space<vmem>> -> memref<128xf32, #tpu.memory_space<vmem>>
          %parallel_loop3A_141 = tpu.vector_load_idx %parallel_loop3A_140[%parallel_loop3A_137] : memref<128xf32, #tpu.memory_space<vmem>>[vector<16xi32>], vector<16xf32>,
          %parallel_loop3A_142 = arith.index_cast %parallel_loop3A_136 : i32 to index
          %parallel_loop3A_143 = arith.constant 0 : index
          %parallel_loop3A_144 = tpu.vector_load %arg10[%parallel_loop3A_142, %parallel_loop3A_143] {strides = array<i32>} : memref<128x128xf32, #tpu.memory_space<vmem>>, vector<16xf32>,
          %parallel_loop3A_145 = arith.mulf %parallel_loop3A_144, %parallel_loop3A_141 : vector<16xf32>
          %parallel_loop3A_146 = arith.index_cast %parallel_loop3A_136 : i32 to index
          %parallel_loop3A_147 = arith.constant 0 : index
          %parallel_loop3A_148 = tpu.vector_load %arg10[%parallel_loop3A_146, %parallel_loop3A_147] {strides = array<i32>} : memref<128x128xf32, #tpu.memory_space<vmem>>, vector<16xf32>,
          tpu.vector_store %arg10[%parallel_loop3A_146, %parallel_loop3A_147], %parallel_loop3A_145 {strides = array<i32>} : memref<128x128xf32, #tpu.memory_space<vmem>>, vector<16xf32>,
          %parallel_loop3A_149 = arith.index_cast %parallel_loop3A_136 : i32 to index
          %parallel_loop3A_150 = arith.constant 16 : index
          %parallel_loop3A_151 = tpu.vector_load %arg10[%parallel_loop3A_149, %parallel_loop3A_150] {strides = array<i32>} : memref<128x128xf32, #tpu.memory_space<vmem>>, vector<16xf32>,
          %parallel_loop3A_152 = arith.mulf %parallel_loop3A_151, %parallel_loop3A_141 : vector<16xf32>
          %parallel_loop3A_153 = arith.index_cast %parallel_loop3A_136 : i32 to index
          %parallel_loop3A_154 = arith.constant 16 : index
          %parallel_loop3A_155 = tpu.vector_load %arg10[%parallel_loop3A_153, %parallel_loop3A_154] {strides = array<i32>} : memref<128x128xf32, #tpu.memory_space<vmem>>, vector<16xf32>,
          tpu.vector_store %arg10[%parallel_loop3A_153, %parallel_loop3A_154], %parallel_loop3A_152 {strides = array<i32>} : memref<128x128xf32, #tpu.memory_space<vmem>>, vector<16xf32>,
          %parallel_loop3A_156 = arith.index_cast %parallel_loop3A_136 : i32 to index
          %parallel_loop3A_157 = arith.constant 32 : index
          %parallel_loop3A_158 = tpu.vector_load %arg10[%parallel_loop3A_156, %parallel_loop3A_157] {strides = array<i32>} : memref<128x128xf32, #tpu.memory_space<vmem>>, vector<16xf32>,
          %parallel_loop3A_159 = arith.mulf %parallel_loop3A_158, %parallel_loop3A_141 : vector<16xf32>
          %parallel_loop3A_160 = arith.index_cast %parallel_loop3A_136 : i32 to index
          %parallel_loop3A_161 = arith.constant 32 : index
          %parallel_loop3A_162 = tpu.vector_load %arg10[%parallel_loop3A_160, %parallel_loop3A_161] {strides = array<i32>} : memref<128x128xf32, #tpu.memory_space<vmem>>, vector<16xf32>,
          tpu.vector_store %arg10[%parallel_loop3A_160, %parallel_loop3A_161], %parallel_loop3A_159 {strides = array<i32>} : memref<128x128xf32, #tpu.memory_space<vmem>>, vector<16xf32>,
          %parallel_loop3A_163 = arith.index_cast %parallel_loop3A_136 : i32 to index
          %parallel_loop3A_164 = arith.constant 48 : index
          %parallel_loop3A_165 = tpu.vector_load %arg10[%parallel_loop3A_163, %parallel_loop3A_164] {strides = array<i32>} : memref<128x128xf32, #tpu.memory_space<vmem>>, vector<16xf32>,
          %parallel_loop3A_166 = arith.mulf %parallel_loop3A_165, %parallel_loop3A_141 : vector<16xf32>
          %parallel_loop3A_167 = arith.index_cast %parallel_loop3A_136 : i32 to index
          %parallel_loop3A_168 = arith.constant 48 : index
          %parallel_loop3A_169 = tpu.vector_load %arg10[%parallel_loop3A_167, %parallel_loop3A_168] {strides = array<i32>} : memref<128x128xf32, #tpu.memory_space<vmem>>, vector<16xf32>,
          tpu.vector_store %arg10[%parallel_loop3A_167, %parallel_loop3A_168], %parallel_loop3A_166 {strides = array<i32>} : memref<128x128xf32, #tpu.memory_space<vmem>>, vector<16xf32>,
          %parallel_loop3A_170 = arith.index_cast %parallel_loop3A_136 : i32 to index
          %parallel_loop3A_171 = arith.constant 64 : index
          %parallel_loop3A_172 = tpu.vector_load %arg10[%parallel_loop3A_170, %parallel_loop3A_171] {strides = array<i32>} : memref<128x128xf32, #tpu.memory_space<vmem>>, vector<16xf32>,
          %parallel_loop3A_173 = arith.mulf %parallel_loop3A_172, %parallel_loop3A_141 : vector<16xf32>
          %parallel_loop3A_174 = arith.index_cast %parallel_loop3A_136 : i32 to index
          %parallel_loop3A_175 = arith.constant 64 : index
          %parallel_loop3A_176 = tpu.vector_load %arg10[%parallel_loop3A_174, %parallel_loop3A_175] {strides = array<i32>} : memref<128x128xf32, #tpu.memory_space<vmem>>, vector<16xf32>,
          tpu.vector_store %arg10[%parallel_loop3A_174, %parallel_loop3A_175], %parallel_loop3A_173 {strides = array<i32>} : memref<128x128xf32, #tpu.memory_space<vmem>>, vector<16xf32>,
          %parallel_loop3A_177 = arith.index_cast %parallel_loop3A_136 : i32 to index
          %parallel_loop3A_178 = arith.constant 80 : index
          %parallel_loop3A_179 = tpu.vector_load %arg10[%parallel_loop3A_177, %parallel_loop3A_178] {strides = array<i32>} : memref<128x128xf32, #tpu.memory_space<vmem>>, vector<16xf32>,
          %parallel_loop3A_180 = arith.mulf %parallel_loop3A_179, %parallel_loop3A_141 : vector<16xf32>
          %parallel_loop3A_181 = arith.index_cast %parallel_loop3A_136 : i32 to index
          %parallel_loop3A_182 = arith.constant 80 : index
          %parallel_loop3A_183 = tpu.vector_load %arg10[%parallel_loop3A_181, %parallel_loop3A_182] {strides = array<i32>} : memref<128x128xf32, #tpu.memory_space<vmem>>, vector<16xf32>,
          tpu.vector_store %arg10[%parallel_loop3A_181, %parallel_loop3A_182], %parallel_loop3A_180 {strides = array<i32>} : memref<128x128xf32, #tpu.memory_space<vmem>>, vector<16xf32>,
          %parallel_loop3A_184 = arith.index_cast %parallel_loop3A_136 : i32 to index
          %parallel_loop3A_185 = arith.constant 96 : index
          %parallel_loop3A_186 = tpu.vector_load %arg10[%parallel_loop3A_184, %parallel_loop3A_185] {strides = array<i32>} : memref<128x128xf32, #tpu.memory_space<vmem>>, vector<16xf32>,
          %parallel_loop3A_187 = arith.mulf %parallel_loop3A_186, %parallel_loop3A_141 : vector<16xf32>
          %parallel_loop3A_188 = arith.index_cast %parallel_loop3A_136 : i32 to index
          %parallel_loop3A_189 = arith.constant 96 : index
          %parallel_loop3A_190 = tpu.vector_load %arg10[%parallel_loop3A_188, %parallel_loop3A_189] {strides = array<i32>} : memref<128x128xf32, #tpu.memory_space<vmem>>, vector<16xf32>,
          tpu.vector_store %arg10[%parallel_loop3A_188, %parallel_loop3A_189], %parallel_loop3A_187 {strides = array<i32>} : memref<128x128xf32, #tpu.memory_space<vmem>>, vector<16xf32>,
          %parallel_loop3A_191 = arith.index_cast %parallel_loop3A_136 : i32 to index
          %parallel_loop3A_192 = arith.constant 112 : index
          %parallel_loop3A_193 = tpu.vector_load %arg10[%parallel_loop3A_191, %parallel_loop3A_192] {strides = array<i32>} : memref<128x128xf32, #tpu.memory_space<vmem>>, vector<16xf32>,
          %parallel_loop3A_194 = arith.mulf %parallel_loop3A_193, %parallel_loop3A_141 : vector<16xf32>
          %parallel_loop3A_195 = arith.index_cast %parallel_loop3A_136 : i32 to index
          %parallel_loop3A_196 = arith.constant 112 : index
          %parallel_loop3A_197 = tpu.vector_load %arg10[%parallel_loop3A_195, %parallel_loop3A_196] {strides = array<i32>} : memref<128x128xf32, #tpu.memory_space<vmem>>, vector<16xf32>,
          tpu.vector_store %arg10[%parallel_loop3A_195, %parallel_loop3A_196], %parallel_loop3A_194 {strides = array<i32>} : memref<128x128xf32, #tpu.memory_space<vmem>>, vector<16xf32>,
        } {sc.loop_unroll_factor = 2 : i64, sc.parallel_access}
        %dma_start3A_91 = arith.constant 0 : i32
        %dma_start3A_92 = tpu.memref_slice %arg8[%mul3A_81, %dma_start3A_91] : memref<16x128xi32, #tpu.memory_space<vmem>> -> memref<1x128xi32, #tpu.memory_space<vmem>>
        %dma_start3A_93 = tpu.memref_squeeze %dma_start3A_92 : memref<1x128xi32, #tpu.memory_space<vmem>> -> memref<128xi32, #tpu.memory_space<vmem>>
        %dma_start3A_94 = arith.constant 0 : i32
        %dma_start3A_95 = arith.constant 0 : i32
        %dma_start3A_96 = tpu.memref_slice %arg12[%dma_start3A_94, %dma_start3A_95] : memref<10240x128xf32, #tpu.memory_space<vmem_shared>> -> memref<10240x128xf32, #tpu.memory_space<vmem_shared>>
        tpu.enqueue_indirect_dma source(%arg10 : memref<128x128xf32, #tpu.memory_space<vmem>>) target(%dma_start3A_96 : memref<10240x128xf32, #tpu.memory_space<vmem_shared>>) offsets(%dma_start3A_93 : memref<128xi32, #tpu.memory_space<vmem>>) semaphore(%arg15 : memref<!tpu.dma_semaphore, #tpu.memory_space<semaphore_mem>>) {add = true}
        %dma_wait3A_97 = arith.constant 0 : i32
        %dma_wait3A_98 = tpu.memref_slice %arg7[%add3A_83, %dma_wait3A_97] : memref<16x128xi32, #tpu.memory_space<vmem>> -> memref<1x128xi32, #tpu.memory_space<vmem>>
        %dma_wait3A_99 = tpu.memref_squeeze %dma_wait3A_98 : memref<1x128xi32, #tpu.memory_space<vmem>> -> memref<128xi32, #tpu.memory_space<vmem>>
        %dma_wait3A_100 = arith.constant 0 : i32
        %dma_wait3A_101 = arith.constant 0 : i32
        %dma_wait3A_102 = tpu.memref_slice %arg5[%dma_wait3A_100, %dma_wait3A_101] : memref<10240x128xf32, #tpu.memory_space<hbm>> -> memref<10240x128xf32, #tpu.memory_space<hbm>>
        tpu.wait_indirect_dma semaphore(%arg14 : memref<!tpu.dma_semaphore, #tpu.memory_space<semaphore_mem>>) src(%dma_wait3A_102 : memref<10240x128xf32, #tpu.memory_space<hbm>>) dst(%arg11 : memref<128x128xf32, #tpu.memory_space<vmem>>)
        %parallel_loop3A_103 = arith.constant 0 : i32
        %parallel_loop3A_104 = arith.constant 128 : i32
        %parallel_loop3A_105 = arith.constant 1 : i32
        scf.for %parallel_loop3A_136 = %parallel_loop3A_103 to %parallel_loop3A_104 step %parallel_loop3A_105  : i32 {
          %parallel_loop3A_137 = vector.broadcast %parallel_loop3A_136 : i32 to vector<16xi32>
          %parallel_loop3A_138 = arith.constant 0 : i32
          %parallel_loop3A_139 = tpu.memref_slice %arg9[%add3A_83, %parallel_loop3A_138] : memref<16x128xf32, #tpu.memory_space<vmem>> -> memref<1x128xf32, #tpu.memory_space<vmem>>
          %parallel_loop3A_140 = tpu.memref_squeeze %parallel_loop3A_139 : memref<1x128xf32, #tpu.memory_space<vmem>> -> memref<128xf32, #tpu.memory_space<vmem>>
          %parallel_loop3A_141 = tpu.vector_load_idx %parallel_loop3A_140[%parallel_loop3A_137] : memref<128xf32, #tpu.memory_space<vmem>>[vector<16xi32>], vector<16xf32>,
          %parallel_loop3A_142 = arith.index_cast %parallel_loop3A_136 : i32 to index
          %parallel_loop3A_143 = arith.constant 0 : index
          %parallel_loop3A_144 = tpu.vector_load %arg11[%parallel_loop3A_142, %parallel_loop3A_143] {strides = array<i32>} : memref<128x128xf32, #tpu.memory_space<vmem>>, vector<16xf32>,
          %parallel_loop3A_145 = arith.mulf %parallel_loop3A_144, %parallel_loop3A_141 : vector<16xf32>
          %parallel_loop3A_146 = arith.index_cast %parallel_loop3A_136 : i32 to index
          %parallel_loop3A_147 = arith.constant 0 : index
          %parallel_loop3A_148 = tpu.vector_load %arg11[%parallel_loop3A_146, %parallel_loop3A_147] {strides = array<i32>} : memref<128x128xf32, #tpu.memory_space<vmem>>, vector<16xf32>,
          tpu.vector_store %arg11[%parallel_loop3A_146, %parallel_loop3A_147], %parallel_loop3A_145 {strides = array<i32>} : memref<128x128xf32, #tpu.memory_space<vmem>>, vector<16xf32>,
          %parallel_loop3A_149 = arith.index_cast %parallel_loop3A_136 : i32 to index
          %parallel_loop3A_150 = arith.constant 16 : index
          %parallel_loop3A_151 = tpu.vector_load %arg11[%parallel_loop3A_149, %parallel_loop3A_150] {strides = array<i32>} : memref<128x128xf32, #tpu.memory_space<vmem>>, vector<16xf32>,
          %parallel_loop3A_152 = arith.mulf %parallel_loop3A_151, %parallel_loop3A_141 : vector<16xf32>
          %parallel_loop3A_153 = arith.index_cast %parallel_loop3A_136 : i32 to index
          %parallel_loop3A_154 = arith.constant 16 : index
          %parallel_loop3A_155 = tpu.vector_load %arg11[%parallel_loop3A_153, %parallel_loop3A_154] {strides = array<i32>} : memref<128x128xf32, #tpu.memory_space<vmem>>, vector<16xf32>,
          tpu.vector_store %arg11[%parallel_loop3A_153, %parallel_loop3A_154], %parallel_loop3A_152 {strides = array<i32>} : memref<128x128xf32, #tpu.memory_space<vmem>>, vector<16xf32>,
          %parallel_loop3A_156 = arith.index_cast %parallel_loop3A_136 : i32 to index
          %parallel_loop3A_157 = arith.constant 32 : index
          %parallel_loop3A_158 = tpu.vector_load %arg11[%parallel_loop3A_156, %parallel_loop3A_157] {strides = array<i32>} : memref<128x128xf32, #tpu.memory_space<vmem>>, vector<16xf32>,
          %parallel_loop3A_159 = arith.mulf %parallel_loop3A_158, %parallel_loop3A_141 : vector<16xf32>
          %parallel_loop3A_160 = arith.index_cast %parallel_loop3A_136 : i32 to index
          %parallel_loop3A_161 = arith.constant 32 : index
          %parallel_loop3A_162 = tpu.vector_load %arg11[%parallel_loop3A_160, %parallel_loop3A_161] {strides = array<i32>} : memref<128x128xf32, #tpu.memory_space<vmem>>, vector<16xf32>,
          tpu.vector_store %arg11[%parallel_loop3A_160, %parallel_loop3A_161], %parallel_loop3A_159 {strides = array<i32>} : memref<128x128xf32, #tpu.memory_space<vmem>>, vector<16xf32>,
          %parallel_loop3A_163 = arith.index_cast %parallel_loop3A_136 : i32 to index
          %parallel_loop3A_164 = arith.constant 48 : index
          %parallel_loop3A_165 = tpu.vector_load %arg11[%parallel_loop3A_163, %parallel_loop3A_164] {strides = array<i32>} : memref<128x128xf32, #tpu.memory_space<vmem>>, vector<16xf32>,
          %parallel_loop3A_166 = arith.mulf %parallel_loop3A_165, %parallel_loop3A_141 : vector<16xf32>
          %parallel_loop3A_167 = arith.index_cast %parallel_loop3A_136 : i32 to index
          %parallel_loop3A_168 = arith.constant 48 : index
          %parallel_loop3A_169 = tpu.vector_load %arg11[%parallel_loop3A_167, %parallel_loop3A_168] {strides = array<i32>} : memref<128x128xf32, #tpu.memory_space<vmem>>, vector<16xf32>,
          tpu.vector_store %arg11[%parallel_loop3A_167, %parallel_loop3A_168], %parallel_loop3A_166 {strides = array<i32>} : memref<128x128xf32, #tpu.memory_space<vmem>>, vector<16xf32>,
          %parallel_loop3A_170 = arith.index_cast %parallel_loop3A_136 : i32 to index
          %parallel_loop3A_171 = arith.constant 64 : index
          %parallel_loop3A_172 = tpu.vector_load %arg11[%parallel_loop3A_170, %parallel_loop3A_171] {strides = array<i32>} : memref<128x128xf32, #tpu.memory_space<vmem>>, vector<16xf32>,
          %parallel_loop3A_173 = arith.mulf %parallel_loop3A_172, %parallel_loop3A_141 : vector<16xf32>
          %parallel_loop3A_174 = arith.index_cast %parallel_loop3A_136 : i32 to index
          %parallel_loop3A_175 = arith.constant 64 : index
          %parallel_loop3A_176 = tpu.vector_load %arg11[%parallel_loop3A_174, %parallel_loop3A_175] {strides = array<i32>} : memref<128x128xf32, #tpu.memory_space<vmem>>, vector<16xf32>,
          tpu.vector_store %arg11[%parallel_loop3A_174, %parallel_loop3A_175], %parallel_loop3A_173 {strides = array<i32>} : memref<128x128xf32, #tpu.memory_space<vmem>>, vector<16xf32>,
          %parallel_loop3A_177 = arith.index_cast %parallel_loop3A_136 : i32 to index
          %parallel_loop3A_178 = arith.constant 80 : index
          %parallel_loop3A_179 = tpu.vector_load %arg11[%parallel_loop3A_177, %parallel_loop3A_178] {strides = array<i32>} : memref<128x128xf32, #tpu.memory_space<vmem>>, vector<16xf32>,
          %parallel_loop3A_180 = arith.mulf %parallel_loop3A_179, %parallel_loop3A_141 : vector<16xf32>
          %parallel_loop3A_181 = arith.index_cast %parallel_loop3A_136 : i32 to index
          %parallel_loop3A_182 = arith.constant 80 : index
          %parallel_loop3A_183 = tpu.vector_load %arg11[%parallel_loop3A_181, %parallel_loop3A_182] {strides = array<i32>} : memref<128x128xf32, #tpu.memory_space<vmem>>, vector<16xf32>,
          tpu.vector_store %arg11[%parallel_loop3A_181, %parallel_loop3A_182], %parallel_loop3A_180 {strides = array<i32>} : memref<128x128xf32, #tpu.memory_space<vmem>>, vector<16xf32>,
          %parallel_loop3A_184 = arith.index_cast %parallel_loop3A_136 : i32 to index
          %parallel_loop3A_185 = arith.constant 96 : index
          %parallel_loop3A_186 = tpu.vector_load %arg11[%parallel_loop3A_184, %parallel_loop3A_185] {strides = array<i32>} : memref<128x128xf32, #tpu.memory_space<vmem>>, vector<16xf32>,
          %parallel_loop3A_187 = arith.mulf %parallel_loop3A_186, %parallel_loop3A_141 : vector<16xf32>
          %parallel_loop3A_188 = arith.index_cast %parallel_loop3A_136 : i32 to index
          %parallel_loop3A_189 = arith.constant 96 : index
          %parallel_loop3A_190 = tpu.vector_load %arg11[%parallel_loop3A_188, %parallel_loop3A_189] {strides = array<i32>} : memref<128x128xf32, #tpu.memory_space<vmem>>, vector<16xf32>,
          tpu.vector_store %arg11[%parallel_loop3A_188, %parallel_loop3A_189], %parallel_loop3A_187 {strides = array<i32>} : memref<128x128xf32, #tpu.memory_space<vmem>>, vector<16xf32>,
          %parallel_loop3A_191 = arith.index_cast %parallel_loop3A_136 : i32 to index
          %parallel_loop3A_192 = arith.constant 112 : index
          %parallel_loop3A_193 = tpu.vector_load %arg11[%parallel_loop3A_191, %parallel_loop3A_192] {strides = array<i32>} : memref<128x128xf32, #tpu.memory_space<vmem>>, vector<16xf32>,
          %parallel_loop3A_194 = arith.mulf %parallel_loop3A_193, %parallel_loop3A_141 : vector<16xf32>
          %parallel_loop3A_195 = arith.index_cast %parallel_loop3A_136 : i32 to index
          %parallel_loop3A_196 = arith.constant 112 : index
          %parallel_loop3A_197 = tpu.vector_load %arg11[%parallel_loop3A_195, %parallel_loop3A_196] {strides = array<i32>} : memref<128x128xf32, #tpu.memory_space<vmem>>, vector<16xf32>,
          tpu.vector_store %arg11[%parallel_loop3A_195, %parallel_loop3A_196], %parallel_loop3A_194 {strides = array<i32>} : memref<128x128xf32, #tpu.memory_space<vmem>>, vector<16xf32>,
        } {sc.loop_unroll_factor = 2 : i64, sc.parallel_access}
        %dma_start3A_106 = arith.constant 0 : i32
        %dma_start3A_107 = tpu.memref_slice %arg8[%add3A_83, %dma_start3A_106] : memref<16x128xi32, #tpu.memory_space<vmem>> -> memref<1x128xi32, #tpu.memory_space<vmem>>
        %dma_start3A_108 = tpu.memref_squeeze %dma_start3A_107 : memref<1x128xi32, #tpu.memory_space<vmem>> -> memref<128xi32, #tpu.memory_space<vmem>>
        %dma_start3A_109 = arith.constant 0 : i32
        %dma_start3A_110 = arith.constant 0 : i32
        %dma_start3A_111 = tpu.memref_slice %arg12[%dma_start3A_109, %dma_start3A_110] : memref<10240x128xf32, #tpu.memory_space<vmem_shared>> -> memref<10240x128xf32, #tpu.memory_space<vmem_shared>>
        tpu.enqueue_indirect_dma source(%arg11 : memref<128x128xf32, #tpu.memory_space<vmem>>) target(%dma_start3A_111 : memref<10240x128xf32, #tpu.memory_space<vmem_shared>>) offsets(%dma_start3A_108 : memref<128xi32, #tpu.memory_space<vmem>>) semaphore(%arg16 : memref<!tpu.dma_semaphore, #tpu.memory_space<semaphore_mem>>) {add = true}
        %dma_wait3A_112 = arith.constant 0 : i32
        %dma_wait3A_113 = tpu.memref_slice %arg8[%mul3A_81, %dma_wait3A_112] : memref<16x128xi32, #tpu.memory_space<vmem>> -> memref<1x128xi32, #tpu.memory_space<vmem>>
        %dma_wait3A_114 = tpu.memref_squeeze %dma_wait3A_113 : memref<1x128xi32, #tpu.memory_space<vmem>> -> memref<128xi32, #tpu.memory_space<vmem>>
        %dma_wait3A_115 = arith.constant 0 : i32
        %dma_wait3A_116 = arith.constant 0 : i32
        %dma_wait3A_117 = tpu.memref_slice %arg12[%dma_wait3A_115, %dma_wait3A_116] : memref<10240x128xf32, #tpu.memory_space<vmem_shared>> -> memref<10240x128xf32, #tpu.memory_space<vmem_shared>>
        tpu.wait_indirect_dma semaphore(%arg15 : memref<!tpu.dma_semaphore, #tpu.memory_space<semaphore_mem>>) src(%arg10 : memref<128x128xf32, #tpu.memory_space<vmem>>) dst(%dma_wait3A_117 : memref<10240x128xf32, #tpu.memory_space<vmem_shared>>)
        %add3A_118 = arith.constant 2 : i32
        %add3A_119 = arith.addi %mul3A_81, %add3A_118 : i32
        %lt3A = arith.constant 16 : i32
        %lt3A_120 = arith.cmpi slt, %add3A_119, %lt3A : i32
        %convert_element_type3A = arith.extui %lt3A_120 : i1 to i32
        %cond3A = arith.constant 0 : i32
        %cond3A_121 = arith.cmpi ne, %convert_element_type3A, %cond3A : i32
        scf.if %cond3A_121 {
          %add3A_136 = arith.constant 2 : i32
          %add3A_137 = arith.addi %mul3A_81, %add3A_136 : i32
          %dma_start3A_138 = arith.constant 0 : i32
          %dma_start3A_139 = tpu.memref_slice %arg7[%add3A_137, %dma_start3A_138] : memref<16x128xi32, #tpu.memory_space<vmem>> -> memref<1x128xi32, #tpu.memory_space<vmem>>
          %dma_start3A_140 = tpu.memref_squeeze %dma_start3A_139 : memref<1x128xi32, #tpu.memory_space<vmem>> -> memref<128xi32, #tpu.memory_space<vmem>>
          %dma_start3A_141 = arith.constant 0 : i32
          %dma_start3A_142 = arith.constant 0 : i32
          %dma_start3A_143 = tpu.memref_slice %arg5[%dma_start3A_141, %dma_start3A_142] : memref<10240x128xf32, #tpu.memory_space<hbm>> -> memref<10240x128xf32, #tpu.memory_space<hbm>>
          tpu.enqueue_indirect_dma source(%dma_start3A_143 : memref<10240x128xf32, #tpu.memory_space<hbm>>) target(%arg10 : memref<128x128xf32, #tpu.memory_space<vmem>>) offsets(%dma_start3A_140 : memref<128xi32, #tpu.memory_space<vmem>>) semaphore(%arg13 : memref<!tpu.dma_semaphore, #tpu.memory_space<semaphore_mem>>)
        } else {
        }
        %dma_wait3A_122 = arith.constant 0 : i32
        %dma_wait3A_123 = tpu.memref_slice %arg8[%add3A_83, %dma_wait3A_122] : memref<16x128xi32, #tpu.memory_space<vmem>> -> memref<1x128xi32, #tpu.memory_space<vmem>>
        %dma_wait3A_124 = tpu.memref_squeeze %dma_wait3A_123 : memref<1x128xi32, #tpu.memory_space<vmem>> -> memref<128xi32, #tpu.memory_space<vmem>>
        %dma_wait3A_125 = arith.constant 0 : i32
        %dma_wait3A_126 = arith.constant 0 : i32
        %dma_wait3A_127 = tpu.memref_slice %arg12[%dma_wait3A_125, %dma_wait3A_126] : memref<10240x128xf32, #tpu.memory_space<vmem_shared>> -> memref<10240x128xf32, #tpu.memory_space<vmem_shared>>
        tpu.wait_indirect_dma semaphore(%arg16 : memref<!tpu.dma_semaphore, #tpu.memory_space<semaphore_mem>>) src(%arg11 : memref<128x128xf32, #tpu.memory_space<vmem>>) dst(%dma_wait3A_127 : memref<10240x128xf32, #tpu.memory_space<vmem_shared>>)
        %add3A_128 = arith.constant 2 : i32
        %add3A_129 = arith.addi %add3A_83, %add3A_128 : i32
        %lt3A_130 = arith.constant 16 : i32
        %lt3A_131 = arith.cmpi slt, %add3A_129, %lt3A_130 : i32
        %convert_element_type3A_132 = arith.extui %lt3A_131 : i1 to i32
        %cond3A_133 = arith.constant 0 : i32
        %cond3A_134 = arith.cmpi ne, %convert_element_type3A_132, %cond3A_133 : i32
        scf.if %cond3A_134 {
          %add3A_136 = arith.constant 2 : i32
          %add3A_137 = arith.addi %add3A_83, %add3A_136 : i32
          %dma_start3A_138 = arith.constant 0 : i32
          %dma_start3A_139 = tpu.memref_slice %arg7[%add3A_137, %dma_start3A_138] : memref<16x128xi32, #tpu.memory_space<vmem>> -> memref<1x128xi32, #tpu.memory_space<vmem>>
          %dma_start3A_140 = tpu.memref_squeeze %dma_start3A_139 : memref<1x128xi32, #tpu.memory_space<vmem>> -> memref<128xi32, #tpu.memory_space<vmem>>
          %dma_start3A_141 = arith.constant 0 : i32
          %dma_start3A_142 = arith.constant 0 : i32
          %dma_start3A_143 = tpu.memref_slice %arg5[%dma_start3A_141, %dma_start3A_142] : memref<10240x128xf32, #tpu.memory_space<hbm>> -> memref<10240x128xf32, #tpu.memory_space<hbm>>
          tpu.enqueue_indirect_dma source(%dma_start3A_143 : memref<10240x128xf32, #tpu.memory_space<hbm>>) target(%arg11 : memref<128x128xf32, #tpu.memory_space<vmem>>) offsets(%dma_start3A_140 : memref<128xi32, #tpu.memory_space<vmem>>) semaphore(%arg14 : memref<!tpu.dma_semaphore, #tpu.memory_space<semaphore_mem>>)
        } else {
        }
        %scan3A_135 = arith.constant 0 : i32
        scf.yield %scan3A_135 : i32
      }
      %scan3A_76 = arith.constant 8 : i32
      %while3A_77 = arith.constant 0 : i32
      scf.yield %while3A_77 : i32
    }
    %while3A_45 = arith.constant 1 : i32
    %while3A_46 = scf.for %while3A_52 = %while3A_42 to %while3A_38 step %while3A_45 iter_args(%while3A_53 = %while3A_44) -> (i32)  : i32 {
      %mul3A_54 = arith.constant 16 : i32
      %mul3A_55 = arith.muli %while3A_52, %mul3A_54 : i32
      %add3A_56 = arith.addi %select_n3A, %mul3A_55 : i32
      "tpu.region"() ({
        %run_scoped3A = tpu.sem_alloc : memref<!tpu.dma_semaphore, #tpu.memory_space<semaphore_mem>>
        %dma_start3A_78 = arith.constant 0 : i32
        %dma_start3A_79 = tpu.memref_slice %arg2[%add3A_56, %dma_start3A_78] : memref<2560x128xi32, #tpu.memory_space<hbm>> -> memref<16x128xi32, #tpu.memory_space<hbm>>
        %dma_start3A_80 = arith.constant 0 : i32
        %dma_start3A_81 = tpu.memref_slice %arg2[%add3A_56, %dma_start3A_80] : memref<2560x128xi32, #tpu.memory_space<hbm>> -> memref<16x128xi32, #tpu.memory_space<hbm>>
        tpu.enqueue_dma source(%dma_start3A_81 : memref<16x128xi32, #tpu.memory_space<hbm>>) target(%arg7 : memref<16x128xi32, #tpu.memory_space<vmem>>) target_semaphore(%run_scoped3A : memref<!tpu.dma_semaphore, #tpu.memory_space<semaphore_mem>>)
        %dma_wait3A = arith.constant 0 : i32
        %dma_wait3A_82 = tpu.memref_slice %arg2[%add3A_56, %dma_wait3A] : memref<2560x128xi32, #tpu.memory_space<hbm>> -> memref<16x128xi32, #tpu.memory_space<hbm>>
        %dma_wait3A_83 = arith.constant 0 : i32
        %dma_wait3A_84 = tpu.memref_slice %arg2[%add3A_56, %dma_wait3A_83] : memref<2560x128xi32, #tpu.memory_space<hbm>> -> memref<16x128xi32, #tpu.memory_space<hbm>>
        tpu.wait_dma2 semaphore(%run_scoped3A : memref<!tpu.dma_semaphore, #tpu.memory_space<semaphore_mem>>) src(%dma_wait3A_84 : memref<16x128xi32, #tpu.memory_space<hbm>>) dst(%arg7 : memref<16x128xi32, #tpu.memory_space<vmem>>)
        tpu.yield
      }) : () -> ()
      "tpu.region"() ({
        %run_scoped3A = tpu.sem_alloc : memref<!tpu.dma_semaphore, #tpu.memory_space<semaphore_mem>>
        %dma_start3A_78 = arith.constant 0 : i32
        %dma_start3A_79 = tpu.memref_slice %arg3[%add3A_56, %dma_start3A_78] : memref<2560x128xi32, #tpu.memory_space<hbm>> -> memref<16x128xi32, #tpu.memory_space<hbm>>
        %dma_start3A_80 = arith.constant 0 : i32
        %dma_start3A_81 = tpu.memref_slice %arg3[%add3A_56, %dma_start3A_80] : memref<2560x128xi32, #tpu.memory_space<hbm>> -> memref<16x128xi32, #tpu.memory_space<hbm>>
        tpu.enqueue_dma source(%dma_start3A_81 : memref<16x128xi32, #tpu.memory_space<hbm>>) target(%arg8 : memref<16x128xi32, #tpu.memory_space<vmem>>) target_semaphore(%run_scoped3A : memref<!tpu.dma_semaphore, #tpu.memory_space<semaphore_mem>>)
        %dma_wait3A = arith.constant 0 : i32
        %dma_wait3A_82 = tpu.memref_slice %arg3[%add3A_56, %dma_wait3A] : memref<2560x128xi32, #tpu.memory_space<hbm>> -> memref<16x128xi32, #tpu.memory_space<hbm>>
        %dma_wait3A_83 = arith.constant 0 : i32
        %dma_wait3A_84 = tpu.memref_slice %arg3[%add3A_56, %dma_wait3A_83] : memref<2560x128xi32, #tpu.memory_space<hbm>> -> memref<16x128xi32, #tpu.memory_space<hbm>>
        tpu.wait_dma2 semaphore(%run_scoped3A : memref<!tpu.dma_semaphore, #tpu.memory_space<semaphore_mem>>) src(%dma_wait3A_84 : memref<16x128xi32, #tpu.memory_space<hbm>>) dst(%arg8 : memref<16x128xi32, #tpu.memory_space<vmem>>)
        tpu.yield
      }) : () -> ()
      "tpu.region"() ({
        %run_scoped3A = tpu.sem_alloc : memref<!tpu.dma_semaphore, #tpu.memory_space<semaphore_mem>>
        %dma_start3A_78 = arith.constant 0 : i32
        %dma_start3A_79 = tpu.memref_slice %arg4[%add3A_56, %dma_start3A_78] : memref<2560x128xf32, #tpu.memory_space<hbm>> -> memref<16x128xf32, #tpu.memory_space<hbm>>
        %dma_start3A_80 = arith.constant 0 : i32
        %dma_start3A_81 = tpu.memref_slice %arg4[%add3A_56, %dma_start3A_80] : memref<2560x128xf32, #tpu.memory_space<hbm>> -> memref<16x128xf32, #tpu.memory_space<hbm>>
        tpu.enqueue_dma source(%dma_start3A_81 : memref<16x128xf32, #tpu.memory_space<hbm>>) target(%arg9 : memref<16x128xf32, #tpu.memory_space<vmem>>) target_semaphore(%run_scoped3A : memref<!tpu.dma_semaphore, #tpu.memory_space<semaphore_mem>>)
        %dma_wait3A = arith.constant 0 : i32
        %dma_wait3A_82 = tpu.memref_slice %arg4[%add3A_56, %dma_wait3A] : memref<2560x128xf32, #tpu.memory_space<hbm>> -> memref<16x128xf32, #tpu.memory_space<hbm>>
        %dma_wait3A_83 = arith.constant 0 : i32
        %dma_wait3A_84 = tpu.memref_slice %arg4[%add3A_56, %dma_wait3A_83] : memref<2560x128xf32, #tpu.memory_space<hbm>> -> memref<16x128xf32, #tpu.memory_space<hbm>>
        tpu.wait_dma2 semaphore(%run_scoped3A : memref<!tpu.dma_semaphore, #tpu.memory_space<semaphore_mem>>) src(%dma_wait3A_84 : memref<16x128xf32, #tpu.memory_space<hbm>>) dst(%arg9 : memref<16x128xf32, #tpu.memory_space<vmem>>)
        tpu.yield
      }) : () -> ()
      %dma_start3A = arith.constant 0 : i32
      %dma_start3A_57 = arith.constant 0 : i32
      %dma_start3A_58 = tpu.memref_slice %arg7[%dma_start3A, %dma_start3A_57] : memref<16x128xi32, #tpu.memory_space<vmem>> -> memref<1x128xi32, #tpu.memory_space<vmem>>
      %dma_start3A_59 = tpu.memref_squeeze %dma_start3A_58 : memref<1x128xi32, #tpu.memory_space<vmem>> -> memref<128xi32, #tpu.memory_space<vmem>>
      %dma_start3A_60 = arith.constant 0 : i32
      %dma_start3A_61 = arith.constant 0 : i32
      %dma_start3A_62 = tpu.memref_slice %arg5[%dma_start3A_60, %dma_start3A_61] : memref<10240x128xf32, #tpu.memory_space<hbm>> -> memref<10240x128xf32, #tpu.memory_space<hbm>>
      tpu.enqueue_indirect_dma source(%dma_start3A_62 : memref<10240x128xf32, #tpu.memory_space<hbm>>) target(%arg10 : memref<128x128xf32, #tpu.memory_space<vmem>>) offsets(%dma_start3A_59 : memref<128xi32, #tpu.memory_space<vmem>>) semaphore(%arg13 : memref<!tpu.dma_semaphore, #tpu.memory_space<semaphore_mem>>)
      %dma_start3A_63 = arith.constant 1 : i32
      %dma_start3A_64 = arith.constant 0 : i32
      %dma_start3A_65 = tpu.memref_slice %arg7[%dma_start3A_63, %dma_start3A_64] : memref<16x128xi32, #tpu.memory_space<vmem>> -> memref<1x128xi32, #tpu.memory_space<vmem>>
      %dma_start3A_66 = tpu.memref_squeeze %dma_start3A_65 : memref<1x128xi32, #tpu.memory_space<vmem>> -> memref<128xi32, #tpu.memory_space<vmem>>
      %dma_start3A_67 = arith.constant 0 : i32
      %dma_start3A_68 = arith.constant 0 : i32
      %dma_start3A_69 = tpu.memref_slice %arg5[%dma_start3A_67, %dma_start3A_68] : memref<10240x128xf32, #tpu.memory_space<hbm>> -> memref<10240x128xf32, #tpu.memory_space<hbm>>
      tpu.enqueue_indirect_dma source(%dma_start3A_69 : memref<10240x128xf32, #tpu.memory_space<hbm>>) target(%arg11 : memref<128x128xf32, #tpu.memory_space<vmem>>) offsets(%dma_start3A_66 : memref<128xi32, #tpu.memory_space<vmem>>) semaphore(%arg14 : memref<!tpu.dma_semaphore, #tpu.memory_space<semaphore_mem>>)
      %scan3A_70 = arith.constant 0 : i32
      %scan3A_71 = arith.constant 0 : i32
      %scan3A_72 = arith.constant 8 : i32
      %scan3A_73 = arith.addi %scan3A_71, %scan3A_72 : i32
      %scan3A_74 = arith.constant 1 : i32
      %scan3A_75 = scf.for %scan3A_78 = %scan3A_71 to %scan3A_73 step %scan3A_74 iter_args(%scan3A_79 = %scan3A_70) -> (i32)  : i32 {
        %mul3A_80 = arith.constant 2 : i32
        %mul3A_81 = arith.muli %mul3A_80, %scan3A_78 : i32
        %add3A_82 = arith.constant 1 : i32
        %add3A_83 = arith.addi %mul3A_81, %add3A_82 : i32
        %dma_wait3A = arith.constant 0 : i32
        %dma_wait3A_84 = tpu.memref_slice %arg7[%mul3A_81, %dma_wait3A] : memref<16x128xi32, #tpu.memory_space<vmem>> -> memref<1x128xi32, #tpu.memory_space<vmem>>
        %dma_wait3A_85 = tpu.memref_squeeze %dma_wait3A_84 : memref<1x128xi32, #tpu.memory_space<vmem>> -> memref<128xi32, #tpu.memory_space<vmem>>
        %dma_wait3A_86 = arith.constant 0 : i32
        %dma_wait3A_87 = arith.constant 0 : i32
        %dma_wait3A_88 = tpu.memref_slice %arg5[%dma_wait3A_86, %dma_wait3A_87] : memref<10240x128xf32, #tpu.memory_space<hbm>> -> memref<10240x128xf32, #tpu.memory_space<hbm>>
        tpu.wait_indirect_dma semaphore(%arg13 : memref<!tpu.dma_semaphore, #tpu.memory_space<semaphore_mem>>) src(%dma_wait3A_88 : memref<10240x128xf32, #tpu.memory_space<hbm>>) dst(%arg10 : memref<128x128xf32, #tpu.memory_space<vmem>>)
        %parallel_loop3A = arith.constant 0 : i32
        %parallel_loop3A_89 = arith.constant 128 : i32
        %parallel_loop3A_90 = arith.constant 1 : i32
        scf.for %parallel_loop3A_136 = %parallel_loop3A to %parallel_loop3A_89 step %parallel_loop3A_90  : i32 {
          %parallel_loop3A_137 = vector.broadcast %parallel_loop3A_136 : i32 to vector<16xi32>
          %parallel_loop3A_138 = arith.constant 0 : i32
          %parallel_loop3A_139 = tpu.memref_slice %arg9[%mul3A_81, %parallel_loop3A_138] : memref<16x128xf32, #tpu.memory_space<vmem>> -> memref<1x128xf32, #tpu.memory_space<vmem>>
          %parallel_loop3A_140 = tpu.memref_squeeze %parallel_loop3A_139 : memref<1x128xf32, #tpu.memory_space<vmem>> -> memref<128xf32, #tpu.memory_space<vmem>>
          %parallel_loop3A_141 = tpu.vector_load_idx %parallel_loop3A_140[%parallel_loop3A_137] : memref<128xf32, #tpu.memory_space<vmem>>[vector<16xi32>], vector<16xf32>,
          %parallel_loop3A_142 = arith.index_cast %parallel_loop3A_136 : i32 to index
          %parallel_loop3A_143 = arith.constant 0 : index
          %parallel_loop3A_144 = tpu.vector_load %arg10[%parallel_loop3A_142, %parallel_loop3A_143] {strides = array<i32>} : memref<128x128xf32, #tpu.memory_space<vmem>>, vector<16xf32>,
          %parallel_loop3A_145 = arith.mulf %parallel_loop3A_144, %parallel_loop3A_141 : vector<16xf32>
          %parallel_loop3A_146 = arith.index_cast %parallel_loop3A_136 : i32 to index
          %parallel_loop3A_147 = arith.constant 0 : index
          %parallel_loop3A_148 = tpu.vector_load %arg10[%parallel_loop3A_146, %parallel_loop3A_147] {strides = array<i32>} : memref<128x128xf32, #tpu.memory_space<vmem>>, vector<16xf32>,
          tpu.vector_store %arg10[%parallel_loop3A_146, %parallel_loop3A_147], %parallel_loop3A_145 {strides = array<i32>} : memref<128x128xf32, #tpu.memory_space<vmem>>, vector<16xf32>,
          %parallel_loop3A_149 = arith.index_cast %parallel_loop3A_136 : i32 to index
          %parallel_loop3A_150 = arith.constant 16 : index
          %parallel_loop3A_151 = tpu.vector_load %arg10[%parallel_loop3A_149, %parallel_loop3A_150] {strides = array<i32>} : memref<128x128xf32, #tpu.memory_space<vmem>>, vector<16xf32>,
          %parallel_loop3A_152 = arith.mulf %parallel_loop3A_151, %parallel_loop3A_141 : vector<16xf32>
          %parallel_loop3A_153 = arith.index_cast %parallel_loop3A_136 : i32 to index
          %parallel_loop3A_154 = arith.constant 16 : index
          %parallel_loop3A_155 = tpu.vector_load %arg10[%parallel_loop3A_153, %parallel_loop3A_154] {strides = array<i32>} : memref<128x128xf32, #tpu.memory_space<vmem>>, vector<16xf32>,
          tpu.vector_store %arg10[%parallel_loop3A_153, %parallel_loop3A_154], %parallel_loop3A_152 {strides = array<i32>} : memref<128x128xf32, #tpu.memory_space<vmem>>, vector<16xf32>,
          %parallel_loop3A_156 = arith.index_cast %parallel_loop3A_136 : i32 to index
          %parallel_loop3A_157 = arith.constant 32 : index
          %parallel_loop3A_158 = tpu.vector_load %arg10[%parallel_loop3A_156, %parallel_loop3A_157] {strides = array<i32>} : memref<128x128xf32, #tpu.memory_space<vmem>>, vector<16xf32>,
          %parallel_loop3A_159 = arith.mulf %parallel_loop3A_158, %parallel_loop3A_141 : vector<16xf32>
          %parallel_loop3A_160 = arith.index_cast %parallel_loop3A_136 : i32 to index
          %parallel_loop3A_161 = arith.constant 32 : index
          %parallel_loop3A_162 = tpu.vector_load %arg10[%parallel_loop3A_160, %parallel_loop3A_161] {strides = array<i32>} : memref<128x128xf32, #tpu.memory_space<vmem>>, vector<16xf32>,
          tpu.vector_store %arg10[%parallel_loop3A_160, %parallel_loop3A_161], %parallel_loop3A_159 {strides = array<i32>} : memref<128x128xf32, #tpu.memory_space<vmem>>, vector<16xf32>,
          %parallel_loop3A_163 = arith.index_cast %parallel_loop3A_136 : i32 to index
          %parallel_loop3A_164 = arith.constant 48 : index
          %parallel_loop3A_165 = tpu.vector_load %arg10[%parallel_loop3A_163, %parallel_loop3A_164] {strides = array<i32>} : memref<128x128xf32, #tpu.memory_space<vmem>>, vector<16xf32>,
          %parallel_loop3A_166 = arith.mulf %parallel_loop3A_165, %parallel_loop3A_141 : vector<16xf32>
          %parallel_loop3A_167 = arith.index_cast %parallel_loop3A_136 : i32 to index
          %parallel_loop3A_168 = arith.constant 48 : index
          %parallel_loop3A_169 = tpu.vector_load %arg10[%parallel_loop3A_167, %parallel_loop3A_168] {strides = array<i32>} : memref<128x128xf32, #tpu.memory_space<vmem>>, vector<16xf32>,
          tpu.vector_store %arg10[%parallel_loop3A_167, %parallel_loop3A_168], %parallel_loop3A_166 {strides = array<i32>} : memref<128x128xf32, #tpu.memory_space<vmem>>, vector<16xf32>,
          %parallel_loop3A_170 = arith.index_cast %parallel_loop3A_136 : i32 to index
          %parallel_loop3A_171 = arith.constant 64 : index
          %parallel_loop3A_172 = tpu.vector_load %arg10[%parallel_loop3A_170, %parallel_loop3A_171] {strides = array<i32>} : memref<128x128xf32, #tpu.memory_space<vmem>>, vector<16xf32>,
          %parallel_loop3A_173 = arith.mulf %parallel_loop3A_172, %parallel_loop3A_141 : vector<16xf32>
          %parallel_loop3A_174 = arith.index_cast %parallel_loop3A_136 : i32 to index
          %parallel_loop3A_175 = arith.constant 64 : index
          %parallel_loop3A_176 = tpu.vector_load %arg10[%parallel_loop3A_174, %parallel_loop3A_175] {strides = array<i32>} : memref<128x128xf32, #tpu.memory_space<vmem>>, vector<16xf32>,
          tpu.vector_store %arg10[%parallel_loop3A_174, %parallel_loop3A_175], %parallel_loop3A_173 {strides = array<i32>} : memref<128x128xf32, #tpu.memory_space<vmem>>, vector<16xf32>,
          %parallel_loop3A_177 = arith.index_cast %parallel_loop3A_136 : i32 to index
          %parallel_loop3A_178 = arith.constant 80 : index
          %parallel_loop3A_179 = tpu.vector_load %arg10[%parallel_loop3A_177, %parallel_loop3A_178] {strides = array<i32>} : memref<128x128xf32, #tpu.memory_space<vmem>>, vector<16xf32>,
          %parallel_loop3A_180 = arith.mulf %parallel_loop3A_179, %parallel_loop3A_141 : vector<16xf32>
          %parallel_loop3A_181 = arith.index_cast %parallel_loop3A_136 : i32 to index
          %parallel_loop3A_182 = arith.constant 80 : index
          %parallel_loop3A_183 = tpu.vector_load %arg10[%parallel_loop3A_181, %parallel_loop3A_182] {strides = array<i32>} : memref<128x128xf32, #tpu.memory_space<vmem>>, vector<16xf32>,
          tpu.vector_store %arg10[%parallel_loop3A_181, %parallel_loop3A_182], %parallel_loop3A_180 {strides = array<i32>} : memref<128x128xf32, #tpu.memory_space<vmem>>, vector<16xf32>,
          %parallel_loop3A_184 = arith.index_cast %parallel_loop3A_136 : i32 to index
          %parallel_loop3A_185 = arith.constant 96 : index
          %parallel_loop3A_186 = tpu.vector_load %arg10[%parallel_loop3A_184, %parallel_loop3A_185] {strides = array<i32>} : memref<128x128xf32, #tpu.memory_space<vmem>>, vector<16xf32>,
          %parallel_loop3A_187 = arith.mulf %parallel_loop3A_186, %parallel_loop3A_141 : vector<16xf32>
          %parallel_loop3A_188 = arith.index_cast %parallel_loop3A_136 : i32 to index
          %parallel_loop3A_189 = arith.constant 96 : index
          %parallel_loop3A_190 = tpu.vector_load %arg10[%parallel_loop3A_188, %parallel_loop3A_189] {strides = array<i32>} : memref<128x128xf32, #tpu.memory_space<vmem>>, vector<16xf32>,
          tpu.vector_store %arg10[%parallel_loop3A_188, %parallel_loop3A_189], %parallel_loop3A_187 {strides = array<i32>} : memref<128x128xf32, #tpu.memory_space<vmem>>, vector<16xf32>,
          %parallel_loop3A_191 = arith.index_cast %parallel_loop3A_136 : i32 to index
          %parallel_loop3A_192 = arith.constant 112 : index
          %parallel_loop3A_193 = tpu.vector_load %arg10[%parallel_loop3A_191, %parallel_loop3A_192] {strides = array<i32>} : memref<128x128xf32, #tpu.memory_space<vmem>>, vector<16xf32>,
          %parallel_loop3A_194 = arith.mulf %parallel_loop3A_193, %parallel_loop3A_141 : vector<16xf32>
          %parallel_loop3A_195 = arith.index_cast %parallel_loop3A_136 : i32 to index
          %parallel_loop3A_196 = arith.constant 112 : index
          %parallel_loop3A_197 = tpu.vector_load %arg10[%parallel_loop3A_195, %parallel_loop3A_196] {strides = array<i32>} : memref<128x128xf32, #tpu.memory_space<vmem>>, vector<16xf32>,
          tpu.vector_store %arg10[%parallel_loop3A_195, %parallel_loop3A_196], %parallel_loop3A_194 {strides = array<i32>} : memref<128x128xf32, #tpu.memory_space<vmem>>, vector<16xf32>,
        } {sc.loop_unroll_factor = 2 : i64, sc.parallel_access}
        %dma_start3A_91 = arith.constant 0 : i32
        %dma_start3A_92 = tpu.memref_slice %arg8[%mul3A_81, %dma_start3A_91] : memref<16x128xi32, #tpu.memory_space<vmem>> -> memref<1x128xi32, #tpu.memory_space<vmem>>
        %dma_start3A_93 = tpu.memref_squeeze %dma_start3A_92 : memref<1x128xi32, #tpu.memory_space<vmem>> -> memref<128xi32, #tpu.memory_space<vmem>>
        %dma_start3A_94 = arith.constant 0 : i32
        %dma_start3A_95 = arith.constant 0 : i32
        %dma_start3A_96 = tpu.memref_slice %arg12[%dma_start3A_94, %dma_start3A_95] : memref<10240x128xf32, #tpu.memory_space<vmem_shared>> -> memref<10240x128xf32, #tpu.memory_space<vmem_shared>>
        tpu.enqueue_indirect_dma source(%arg10 : memref<128x128xf32, #tpu.memory_space<vmem>>) target(%dma_start3A_96 : memref<10240x128xf32, #tpu.memory_space<vmem_shared>>) offsets(%dma_start3A_93 : memref<128xi32, #tpu.memory_space<vmem>>) semaphore(%arg15 : memref<!tpu.dma_semaphore, #tpu.memory_space<semaphore_mem>>) {add = true}
        %dma_wait3A_97 = arith.constant 0 : i32
        %dma_wait3A_98 = tpu.memref_slice %arg7[%add3A_83, %dma_wait3A_97] : memref<16x128xi32, #tpu.memory_space<vmem>> -> memref<1x128xi32, #tpu.memory_space<vmem>>
        %dma_wait3A_99 = tpu.memref_squeeze %dma_wait3A_98 : memref<1x128xi32, #tpu.memory_space<vmem>> -> memref<128xi32, #tpu.memory_space<vmem>>
        %dma_wait3A_100 = arith.constant 0 : i32
        %dma_wait3A_101 = arith.constant 0 : i32
        %dma_wait3A_102 = tpu.memref_slice %arg5[%dma_wait3A_100, %dma_wait3A_101] : memref<10240x128xf32, #tpu.memory_space<hbm>> -> memref<10240x128xf32, #tpu.memory_space<hbm>>
        tpu.wait_indirect_dma semaphore(%arg14 : memref<!tpu.dma_semaphore, #tpu.memory_space<semaphore_mem>>) src(%dma_wait3A_102 : memref<10240x128xf32, #tpu.memory_space<hbm>>) dst(%arg11 : memref<128x128xf32, #tpu.memory_space<vmem>>)
        %parallel_loop3A_103 = arith.constant 0 : i32
        %parallel_loop3A_104 = arith.constant 128 : i32
        %parallel_loop3A_105 = arith.constant 1 : i32
        scf.for %parallel_loop3A_136 = %parallel_loop3A_103 to %parallel_loop3A_104 step %parallel_loop3A_105  : i32 {
          %parallel_loop3A_137 = vector.broadcast %parallel_loop3A_136 : i32 to vector<16xi32>
          %parallel_loop3A_138 = arith.constant 0 : i32
          %parallel_loop3A_139 = tpu.memref_slice %arg9[%add3A_83, %parallel_loop3A_138] : memref<16x128xf32, #tpu.memory_space<vmem>> -> memref<1x128xf32, #tpu.memory_space<vmem>>
          %parallel_loop3A_140 = tpu.memref_squeeze %parallel_loop3A_139 : memref<1x128xf32, #tpu.memory_space<vmem>> -> memref<128xf32, #tpu.memory_space<vmem>>
          %parallel_loop3A_141 = tpu.vector_load_idx %parallel_loop3A_140[%parallel_loop3A_137] : memref<128xf32, #tpu.memory_space<vmem>>[vector<16xi32>], vector<16xf32>,
          %parallel_loop3A_142 = arith.index_cast %parallel_loop3A_136 : i32 to index
          %parallel_loop3A_143 = arith.constant 0 : index
          %parallel_loop3A_144 = tpu.vector_load %arg11[%parallel_loop3A_142, %parallel_loop3A_143] {strides = array<i32>} : memref<128x128xf32, #tpu.memory_space<vmem>>, vector<16xf32>,
          %parallel_loop3A_145 = arith.mulf %parallel_loop3A_144, %parallel_loop3A_141 : vector<16xf32>
          %parallel_loop3A_146 = arith.index_cast %parallel_loop3A_136 : i32 to index
          %parallel_loop3A_147 = arith.constant 0 : index
          %parallel_loop3A_148 = tpu.vector_load %arg11[%parallel_loop3A_146, %parallel_loop3A_147] {strides = array<i32>} : memref<128x128xf32, #tpu.memory_space<vmem>>, vector<16xf32>,
          tpu.vector_store %arg11[%parallel_loop3A_146, %parallel_loop3A_147], %parallel_loop3A_145 {strides = array<i32>} : memref<128x128xf32, #tpu.memory_space<vmem>>, vector<16xf32>,
          %parallel_loop3A_149 = arith.index_cast %parallel_loop3A_136 : i32 to index
          %parallel_loop3A_150 = arith.constant 16 : index
          %parallel_loop3A_151 = tpu.vector_load %arg11[%parallel_loop3A_149, %parallel_loop3A_150] {strides = array<i32>} : memref<128x128xf32, #tpu.memory_space<vmem>>, vector<16xf32>,
          %parallel_loop3A_152 = arith.mulf %parallel_loop3A_151, %parallel_loop3A_141 : vector<16xf32>
          %parallel_loop3A_153 = arith.index_cast %parallel_loop3A_136 : i32 to index
          %parallel_loop3A_154 = arith.constant 16 : index
          %parallel_loop3A_155 = tpu.vector_load %arg11[%parallel_loop3A_153, %parallel_loop3A_154] {strides = array<i32>} : memref<128x128xf32, #tpu.memory_space<vmem>>, vector<16xf32>,
          tpu.vector_store %arg11[%parallel_loop3A_153, %parallel_loop3A_154], %parallel_loop3A_152 {strides = array<i32>} : memref<128x128xf32, #tpu.memory_space<vmem>>, vector<16xf32>,
          %parallel_loop3A_156 = arith.index_cast %parallel_loop3A_136 : i32 to index
          %parallel_loop3A_157 = arith.constant 32 : index
          %parallel_loop3A_158 = tpu.vector_load %arg11[%parallel_loop3A_156, %parallel_loop3A_157] {strides = array<i32>} : memref<128x128xf32, #tpu.memory_space<vmem>>, vector<16xf32>,
          %parallel_loop3A_159 = arith.mulf %parallel_loop3A_158, %parallel_loop3A_141 : vector<16xf32>
          %parallel_loop3A_160 = arith.index_cast %parallel_loop3A_136 : i32 to index
          %parallel_loop3A_161 = arith.constant 32 : index
          %parallel_loop3A_162 = tpu.vector_load %arg11[%parallel_loop3A_160, %parallel_loop3A_161] {strides = array<i32>} : memref<128x128xf32, #tpu.memory_space<vmem>>, vector<16xf32>,
          tpu.vector_store %arg11[%parallel_loop3A_160, %parallel_loop3A_161], %parallel_loop3A_159 {strides = array<i32>} : memref<128x128xf32, #tpu.memory_space<vmem>>, vector<16xf32>,
          %parallel_loop3A_163 = arith.index_cast %parallel_loop3A_136 : i32 to index
          %parallel_loop3A_164 = arith.constant 48 : index
          %parallel_loop3A_165 = tpu.vector_load %arg11[%parallel_loop3A_163, %parallel_loop3A_164] {strides = array<i32>} : memref<128x128xf32, #tpu.memory_space<vmem>>, vector<16xf32>,
          %parallel_loop3A_166 = arith.mulf %parallel_loop3A_165, %parallel_loop3A_141 : vector<16xf32>
          %parallel_loop3A_167 = arith.index_cast %parallel_loop3A_136 : i32 to index
          %parallel_loop3A_168 = arith.constant 48 : index
          %parallel_loop3A_169 = tpu.vector_load %arg11[%parallel_loop3A_167, %parallel_loop3A_168] {strides = array<i32>} : memref<128x128xf32, #tpu.memory_space<vmem>>, vector<16xf32>,
          tpu.vector_store %arg11[%parallel_loop3A_167, %parallel_loop3A_168], %parallel_loop3A_166 {strides = array<i32>} : memref<128x128xf32, #tpu.memory_space<vmem>>, vector<16xf32>,
          %parallel_loop3A_170 = arith.index_cast %parallel_loop3A_136 : i32 to index
          %parallel_loop3A_171 = arith.constant 64 : index
          %parallel_loop3A_172 = tpu.vector_load %arg11[%parallel_loop3A_170, %parallel_loop3A_171] {strides = array<i32>} : memref<128x128xf32, #tpu.memory_space<vmem>>, vector<16xf32>,
          %parallel_loop3A_173 = arith.mulf %parallel_loop3A_172, %parallel_loop3A_141 : vector<16xf32>
          %parallel_loop3A_174 = arith.index_cast %parallel_loop3A_136 : i32 to index
          %parallel_loop3A_175 = arith.constant 64 : index
          %parallel_loop3A_176 = tpu.vector_load %arg11[%parallel_loop3A_174, %parallel_loop3A_175] {strides = array<i32>} : memref<128x128xf32, #tpu.memory_space<vmem>>, vector<16xf32>,
          tpu.vector_store %arg11[%parallel_loop3A_174, %parallel_loop3A_175], %parallel_loop3A_173 {strides = array<i32>} : memref<128x128xf32, #tpu.memory_space<vmem>>, vector<16xf32>,
          %parallel_loop3A_177 = arith.index_cast %parallel_loop3A_136 : i32 to index
          %parallel_loop3A_178 = arith.constant 80 : index
          %parallel_loop3A_179 = tpu.vector_load %arg11[%parallel_loop3A_177, %parallel_loop3A_178] {strides = array<i32>} : memref<128x128xf32, #tpu.memory_space<vmem>>, vector<16xf32>,
          %parallel_loop3A_180 = arith.mulf %parallel_loop3A_179, %parallel_loop3A_141 : vector<16xf32>
          %parallel_loop3A_181 = arith.index_cast %parallel_loop3A_136 : i32 to index
          %parallel_loop3A_182 = arith.constant 80 : index
          %parallel_loop3A_183 = tpu.vector_load %arg11[%parallel_loop3A_181, %parallel_loop3A_182] {strides = array<i32>} : memref<128x128xf32, #tpu.memory_space<vmem>>, vector<16xf32>,
          tpu.vector_store %arg11[%parallel_loop3A_181, %parallel_loop3A_182], %parallel_loop3A_180 {strides = array<i32>} : memref<128x128xf32, #tpu.memory_space<vmem>>, vector<16xf32>,
          %parallel_loop3A_184 = arith.index_cast %parallel_loop3A_136 : i32 to index
          %parallel_loop3A_185 = arith.constant 96 : index
          %parallel_loop3A_186 = tpu.vector_load %arg11[%parallel_loop3A_184, %parallel_loop3A_185] {strides = array<i32>} : memref<128x128xf32, #tpu.memory_space<vmem>>, vector<16xf32>,
          %parallel_loop3A_187 = arith.mulf %parallel_loop3A_186, %parallel_loop3A_141 : vector<16xf32>
          %parallel_loop3A_188 = arith.index_cast %parallel_loop3A_136 : i32 to index
          %parallel_loop3A_189 = arith.constant 96 : index
          %parallel_loop3A_190 = tpu.vector_load %arg11[%parallel_loop3A_188, %parallel_loop3A_189] {strides = array<i32>} : memref<128x128xf32, #tpu.memory_space<vmem>>, vector<16xf32>,
          tpu.vector_store %arg11[%parallel_loop3A_188, %parallel_loop3A_189], %parallel_loop3A_187 {strides = array<i32>} : memref<128x128xf32, #tpu.memory_space<vmem>>, vector<16xf32>,
          %parallel_loop3A_191 = arith.index_cast %parallel_loop3A_136 : i32 to index
          %parallel_loop3A_192 = arith.constant 112 : index
          %parallel_loop3A_193 = tpu.vector_load %arg11[%parallel_loop3A_191, %parallel_loop3A_192] {strides = array<i32>} : memref<128x128xf32, #tpu.memory_space<vmem>>, vector<16xf32>,
          %parallel_loop3A_194 = arith.mulf %parallel_loop3A_193, %parallel_loop3A_141 : vector<16xf32>
          %parallel_loop3A_195 = arith.index_cast %parallel_loop3A_136 : i32 to index
          %parallel_loop3A_196 = arith.constant 112 : index
          %parallel_loop3A_197 = tpu.vector_load %arg11[%parallel_loop3A_195, %parallel_loop3A_196] {strides = array<i32>} : memref<128x128xf32, #tpu.memory_space<vmem>>, vector<16xf32>,
          tpu.vector_store %arg11[%parallel_loop3A_195, %parallel_loop3A_196], %parallel_loop3A_194 {strides = array<i32>} : memref<128x128xf32, #tpu.memory_space<vmem>>, vector<16xf32>,
        } {sc.loop_unroll_factor = 2 : i64, sc.parallel_access}
        %dma_start3A_106 = arith.constant 0 : i32
        %dma_start3A_107 = tpu.memref_slice %arg8[%add3A_83, %dma_start3A_106] : memref<16x128xi32, #tpu.memory_space<vmem>> -> memref<1x128xi32, #tpu.memory_space<vmem>>
        %dma_start3A_108 = tpu.memref_squeeze %dma_start3A_107 : memref<1x128xi32, #tpu.memory_space<vmem>> -> memref<128xi32, #tpu.memory_space<vmem>>
        %dma_start3A_109 = arith.constant 0 : i32
        %dma_start3A_110 = arith.constant 0 : i32
        %dma_start3A_111 = tpu.memref_slice %arg12[%dma_start3A_109, %dma_start3A_110] : memref<10240x128xf32, #tpu.memory_space<vmem_shared>> -> memref<10240x128xf32, #tpu.memory_space<vmem_shared>>
        tpu.enqueue_indirect_dma source(%arg11 : memref<128x128xf32, #tpu.memory_space<vmem>>) target(%dma_start3A_111 : memref<10240x128xf32, #tpu.memory_space<vmem_shared>>) offsets(%dma_start3A_108 : memref<128xi32, #tpu.memory_space<vmem>>) semaphore(%arg16 : memref<!tpu.dma_semaphore, #tpu.memory_space<semaphore_mem>>) {add = true}
        %dma_wait3A_112 = arith.constant 0 : i32
        %dma_wait3A_113 = tpu.memref_slice %arg8[%mul3A_81, %dma_wait3A_112] : memref<16x128xi32, #tpu.memory_space<vmem>> -> memref<1x128xi32, #tpu.memory_space<vmem>>
        %dma_wait3A_114 = tpu.memref_squeeze %dma_wait3A_113 : memref<1x128xi32, #tpu.memory_space<vmem>> -> memref<128xi32, #tpu.memory_space<vmem>>
        %dma_wait3A_115 = arith.constant 0 : i32
        %dma_wait3A_116 = arith.constant 0 : i32
        %dma_wait3A_117 = tpu.memref_slice %arg12[%dma_wait3A_115, %dma_wait3A_116] : memref<10240x128xf32, #tpu.memory_space<vmem_shared>> -> memref<10240x128xf32, #tpu.memory_space<vmem_shared>>
        tpu.wait_indirect_dma semaphore(%arg15 : memref<!tpu.dma_semaphore, #tpu.memory_space<semaphore_mem>>) src(%arg10 : memref<128x128xf32, #tpu.memory_space<vmem>>) dst(%dma_wait3A_117 : memref<10240x128xf32, #tpu.memory_space<vmem_shared>>)
        %add3A_118 = arith.constant 2 : i32
        %add3A_119 = arith.addi %mul3A_81, %add3A_118 : i32
        %lt3A = arith.constant 16 : i32
        %lt3A_120 = arith.cmpi slt, %add3A_119, %lt3A : i32
        %convert_element_type3A = arith.extui %lt3A_120 : i1 to i32
        %cond3A = arith.constant 0 : i32
        %cond3A_121 = arith.cmpi ne, %convert_element_type3A, %cond3A : i32
        scf.if %cond3A_121 {
          %add3A_136 = arith.constant 2 : i32
          %add3A_137 = arith.addi %mul3A_81, %add3A_136 : i32
          %dma_start3A_138 = arith.constant 0 : i32
          %dma_start3A_139 = tpu.memref_slice %arg7[%add3A_137, %dma_start3A_138] : memref<16x128xi32, #tpu.memory_space<vmem>> -> memref<1x128xi32, #tpu.memory_space<vmem>>
          %dma_start3A_140 = tpu.memref_squeeze %dma_start3A_139 : memref<1x128xi32, #tpu.memory_space<vmem>> -> memref<128xi32, #tpu.memory_space<vmem>>
          %dma_start3A_141 = arith.constant 0 : i32
          %dma_start3A_142 = arith.constant 0 : i32
          %dma_start3A_143 = tpu.memref_slice %arg5[%dma_start3A_141, %dma_start3A_142] : memref<10240x128xf32, #tpu.memory_space<hbm>> -> memref<10240x128xf32, #tpu.memory_space<hbm>>
          tpu.enqueue_indirect_dma source(%dma_start3A_143 : memref<10240x128xf32, #tpu.memory_space<hbm>>) target(%arg10 : memref<128x128xf32, #tpu.memory_space<vmem>>) offsets(%dma_start3A_140 : memref<128xi32, #tpu.memory_space<vmem>>) semaphore(%arg13 : memref<!tpu.dma_semaphore, #tpu.memory_space<semaphore_mem>>)
        } else {
        }
        %dma_wait3A_122 = arith.constant 0 : i32
        %dma_wait3A_123 = tpu.memref_slice %arg8[%add3A_83, %dma_wait3A_122] : memref<16x128xi32, #tpu.memory_space<vmem>> -> memref<1x128xi32, #tpu.memory_space<vmem>>
        %dma_wait3A_124 = tpu.memref_squeeze %dma_wait3A_123 : memref<1x128xi32, #tpu.memory_space<vmem>> -> memref<128xi32, #tpu.memory_space<vmem>>
        %dma_wait3A_125 = arith.constant 0 : i32
        %dma_wait3A_126 = arith.constant 0 : i32
        %dma_wait3A_127 = tpu.memref_slice %arg12[%dma_wait3A_125, %dma_wait3A_126] : memref<10240x128xf32, #tpu.memory_space<vmem_shared>> -> memref<10240x128xf32, #tpu.memory_space<vmem_shared>>
        tpu.wait_indirect_dma semaphore(%arg16 : memref<!tpu.dma_semaphore, #tpu.memory_space<semaphore_mem>>) src(%arg11 : memref<128x128xf32, #tpu.memory_space<vmem>>) dst(%dma_wait3A_127 : memref<10240x128xf32, #tpu.memory_space<vmem_shared>>)
        %add3A_128 = arith.constant 2 : i32
        %add3A_129 = arith.addi %add3A_83, %add3A_128 : i32
        %lt3A_130 = arith.constant 16 : i32
        %lt3A_131 = arith.cmpi slt, %add3A_129, %lt3A_130 : i32
        %convert_element_type3A_132 = arith.extui %lt3A_131 : i1 to i32
        %cond3A_133 = arith.constant 0 : i32
        %cond3A_134 = arith.cmpi ne, %convert_element_type3A_132, %cond3A_133 : i32
        scf.if %cond3A_134 {
          %add3A_136 = arith.constant 2 : i32
          %add3A_137 = arith.addi %add3A_83, %add3A_136 : i32
          %dma_start3A_138 = arith.constant 0 : i32
          %dma_start3A_139 = tpu.memref_slice %arg7[%add3A_137, %dma_start3A_138] : memref<16x128xi32, #tpu.memory_space<vmem>> -> memref<1x128xi32, #tpu.memory_space<vmem>>
          %dma_start3A_140 = tpu.memref_squeeze %dma_start3A_139 : memref<1x128xi32, #tpu.memory_space<vmem>> -> memref<128xi32, #tpu.memory_space<vmem>>
          %dma_start3A_141 = arith.constant 0 : i32
          %dma_start3A_142 = arith.constant 0 : i32
          %dma_start3A_143 = tpu.memref_slice %arg5[%dma_start3A_141, %dma_start3A_142] : memref<10240x128xf32, #tpu.memory_space<hbm>> -> memref<10240x128xf32, #tpu.memory_space<hbm>>
          tpu.enqueue_indirect_dma source(%dma_start3A_143 : memref<10240x128xf32, #tpu.memory_space<hbm>>) target(%arg11 : memref<128x128xf32, #tpu.memory_space<vmem>>) offsets(%dma_start3A_140 : memref<128xi32, #tpu.memory_space<vmem>>) semaphore(%arg14 : memref<!tpu.dma_semaphore, #tpu.memory_space<semaphore_mem>>)
        } else {
        }
        %scan3A_135 = arith.constant 0 : i32
        scf.yield %scan3A_135 : i32
      }
      %scan3A_76 = arith.constant 8 : i32
      %while3A_77 = arith.constant 0 : i32
      scf.yield %while3A_77 : i32
    }
    %barrier3A_47 = arith.constant 0 : index
    tpu.barrier barrier_id(%barrier3A_47)
    %mul3A_48 = arith.constant 640 : i32
    %mul3A_49 = arith.muli %arg1, %mul3A_48 : i32
    %mul3A_50 = arith.constant 640 : i32
    %mul3A_51 = arith.muli %arg1, %mul3A_50 : i32
    "tpu.region"() ({
      %run_scoped3A = tpu.sem_alloc : memref<!tpu.dma_semaphore, #tpu.memory_space<semaphore_mem>>
      %dma_start3A = arith.constant 0 : i32
      %dma_start3A_52 = tpu.memref_slice %arg6[%arg0, %mul3A_51, %dma_start3A] : memref<2x10240x128xf32, #tpu.memory_space<hbm>> -> memref<1x640x128xf32, #tpu.memory_space<hbm>>
      %dma_start3A_53 = tpu.memref_squeeze %dma_start3A_52 : memref<1x640x128xf32, #tpu.memory_space<hbm>> -> memref<640x128xf32, #tpu.memory_space<hbm>>
      %dma_start3A_54 = arith.constant 0 : i32
      %dma_start3A_55 = tpu.memref_slice %arg12[%mul3A_49, %dma_start3A_54] : memref<10240x128xf32, #tpu.memory_space<vmem_shared>> -> memref<640x128xf32, #tpu.memory_space<vmem_shared>>
      tpu.enqueue_dma source(%dma_start3A_55 : memref<640x128xf32, #tpu.memory_space<vmem_shared>>) target(%dma_start3A_53 : memref<640x128xf32, #tpu.memory_space<hbm>>) target_semaphore(%run_scoped3A : memref<!tpu.dma_semaphore, #tpu.memory_space<semaphore_mem>>)
      %dma_wait3A = arith.constant 0 : i32
      %dma_wait3A_56 = tpu.memref_slice %arg6[%arg0, %mul3A_51, %dma_wait3A] : memref<2x10240x128xf32, #tpu.memory_space<hbm>> -> memref<1x640x128xf32, #tpu.memory_space<hbm>>
      %dma_wait3A_57 = tpu.memref_squeeze %dma_wait3A_56 : memref<1x640x128xf32, #tpu.memory_space<hbm>> -> memref<640x128xf32, #tpu.memory_space<hbm>>
      %dma_wait3A_58 = arith.constant 0 : i32
      %dma_wait3A_59 = tpu.memref_slice %arg12[%mul3A_49, %dma_wait3A_58] : memref<10240x128xf32, #tpu.memory_space<vmem_shared>> -> memref<640x128xf32, #tpu.memory_space<vmem_shared>>
      tpu.wait_dma2 semaphore(%run_scoped3A : memref<!tpu.dma_semaphore, #tpu.memory_space<semaphore_mem>>) src(%dma_wait3A_59 : memref<640x128xf32, #tpu.memory_space<vmem_shared>>) dst(%dma_wait3A_57 : memref<640x128xf32, #tpu.memory_space<hbm>>)
      tpu.yield
    }) : () -> ()
    return
  }
}

module attributes {stable_mosaic.version = 14 : i64} {
  func.func @_tc1_body(%arg0: i32, %arg1: memref<512x128xf32, #tpu.memory_space<vmem>>, %arg2: memref<128x128xf32, #tpu.memory_space<vmem>>, %arg3: memref<512x1xf32, #tpu.memory_space<vmem>>, %arg4: memref<512x1xf32, #tpu.memory_space<vmem>>, %arg5: memref<512x128xf32, #tpu.memory_space<vmem>>) attributes {dimension_semantics = [#tpu.dimension_semantics<arbitrary>], iteration_bounds = array<i64: 20>, scalar_prefetch = 0 : i64, scratch_operands = 0 : i64, tpu.core_type = #tpu.core_type<tc>, window_params = [{transform_indices = @transform_0, window_bounds = array<i64: 512, 128>}, {pipeline_mode = #tpu.pipeline_mode<synchronous>, transform_indices = @transform_1, window_bounds = array<i64: 128, 128>}, {transform_indices = @transform_2, window_bounds = array<i64: 512, 1>}, {transform_indices = @transform_3, window_bounds = array<i64: 512, 1>}, {transform_indices = @transform_4, window_bounds = array<i64: 512, 128>}]} {
    %get3A = arith.constant 0 : index
    %get3A_0 = arith.constant 0 : index
    %get3A_1 = vector.load %arg3[%get3A, %get3A_0] : memref<512x1xf32, #tpu.memory_space<vmem>>, vector<512x1xf32>
    %get3A_2 = arith.constant 0 : index
    %get3A_3 = arith.constant 0 : index
    %get3A_4 = vector.load %arg4[%get3A_2, %get3A_3] : memref<512x1xf32, #tpu.memory_space<vmem>>, vector<512x1xf32>
    %add3A = arith.addf %get3A_1, %get3A_4 : vector<512x1xf32>
    %add3A_5 = arith.constant 1.000000e+00 : f32
    %add3A_6 = vector.broadcast %add3A_5 : f32 to vector<512x1xf32>
    %add3A_7 = arith.addf %add3A, %add3A_6 : vector<512x1xf32>
    %rsqrt3A = math.rsqrt %add3A_7 : vector<512x1xf32>
    %get3A_8 = arith.constant 0 : index
    %get3A_9 = arith.constant 0 : index
    %get3A_10 = vector.load %arg1[%get3A_8, %get3A_9] : memref<512x128xf32, #tpu.memory_space<vmem>>, vector<512x128xf32>
    %get3A_11 = arith.constant 0 : index
    %get3A_12 = arith.constant 0 : index
    %get3A_13 = vector.load %arg2[%get3A_11, %get3A_12] : memref<128x128xf32, #tpu.memory_space<vmem>>, vector<128x128xf32>
    %dot_general3A = arith.constant dense<0.000000e+00> : vector<512x128xf32>
    %dot_general3A_14 = tpu.matmul %get3A_10, %get3A_13, %dot_general3A {dimension_numbers = #tpu.dot_dimension_numbers<[1], [0], [0], [1], [0, 0, 1, 1], [], []>, transpose_lhs_hint = false} : vector<512x128xf32>, vector<128x128xf32>, vector<512x128xf32> -> vector<512x128xf32>
    %mul3A = vector.broadcast %rsqrt3A : vector<512x1xf32> to vector<512x128xf32>
    %mul3A_15 = arith.mulf %dot_general3A_14, %mul3A : vector<512x128xf32>
    %swap3A = arith.constant 0 : index
    %swap3A_16 = arith.constant 0 : index
    %swap3A_17 = vector.load %arg5[%swap3A, %swap3A_16] : memref<512x128xf32, #tpu.memory_space<vmem>>, vector<512x128xf32>
    tpu.vector_store %arg5[%swap3A, %swap3A_16], %mul3A_15 {strides = array<i32>} : memref<512x128xf32, #tpu.memory_space<vmem>>, vector<512x128xf32>,
    return
  }
  func.func @transform_0(%arg0: i32) -> (i32, i32) {
    %c0_i32 = arith.constant 0 : i32
    %c0_i32_0 = arith.constant 0 : i32
    return %arg0, %c0_i32 : i32, i32
  }
  func.func @transform_1(%arg0: i32) -> (i32, i32) {
    %c0_i32 = arith.constant 0 : i32
    %c0_i32_0 = arith.constant 0 : i32
    %c0_i32_1 = arith.constant 0 : i32
    return %c0_i32, %c0_i32_0 : i32, i32
  }
  func.func @transform_2(%arg0: i32) -> (i32, i32) {
    %c0_i32 = arith.constant 0 : i32
    %c0_i32_0 = arith.constant 0 : i32
    return %arg0, %c0_i32 : i32, i32
  }
  func.func @transform_3(%arg0: i32) -> (i32, i32) {
    %c0_i32 = arith.constant 0 : i32
    %c0_i32_0 = arith.constant 0 : i32
    return %arg0, %c0_i32 : i32, i32
  }
  func.func @transform_4(%arg0: i32) -> (i32, i32) {
    %c0_i32 = arith.constant 0 : i32
    %c0_i32_0 = arith.constant 0 : i32
    return %arg0, %c0_i32 : i32, i32
  }
}

module attributes {stable_mosaic.version = 14 : i64} {
  func.func @_tc2_body(%arg0: i32, %arg1: memref<512x128xf32, #tpu.memory_space<vmem>>, %arg2: memref<512x128xf32, #tpu.memory_space<vmem>>, %arg3: memref<512x128xf32, #tpu.memory_space<vmem>>, %arg4: memref<512x1xf32, #tpu.memory_space<vmem>>, %arg5: memref<512x1xf32, #tpu.memory_space<vmem>>, %arg6: memref<1x128xf32, #tpu.memory_space<vmem>>, %arg7: memref<128x128xf32, #tpu.memory_space<vmem>>, %arg8: memref<512x128xf32, #tpu.memory_space<vmem>>) attributes {dimension_semantics = [#tpu.dimension_semantics<arbitrary>], iteration_bounds = array<i64: 20>, scalar_prefetch = 0 : i64, scratch_operands = 0 : i64, tpu.core_type = #tpu.core_type<tc>, window_params = [{transform_indices = @transform_0, window_bounds = array<i64: 512, 128>}, {transform_indices = @transform_1, window_bounds = array<i64: 512, 128>}, {transform_indices = @transform_2, window_bounds = array<i64: 512, 128>}, {transform_indices = @transform_3, window_bounds = array<i64: 512, 1>}, {transform_indices = @transform_4, window_bounds = array<i64: 512, 1>}, {pipeline_mode = #tpu.pipeline_mode<synchronous>, transform_indices = @transform_5, window_bounds = array<i64: 1, 128>}, {pipeline_mode = #tpu.pipeline_mode<synchronous>, transform_indices = @transform_6, window_bounds = array<i64: 128, 128>}, {transform_indices = @transform_7, window_bounds = array<i64: 512, 128>}]} {
    %get3A = arith.constant 0 : index
    %get3A_0 = arith.constant 0 : index
    %get3A_1 = vector.load %arg4[%get3A, %get3A_0] : memref<512x1xf32, #tpu.memory_space<vmem>>, vector<512x1xf32>
    %get3A_2 = arith.constant 0 : index
    %get3A_3 = arith.constant 0 : index
    %get3A_4 = vector.load %arg5[%get3A_2, %get3A_3] : memref<512x1xf32, #tpu.memory_space<vmem>>, vector<512x1xf32>
    %add3A = arith.addf %get3A_1, %get3A_4 : vector<512x1xf32>
    %add3A_5 = arith.constant 1.000000e+00 : f32
    %add3A_6 = vector.broadcast %add3A_5 : f32 to vector<512x1xf32>
    %add3A_7 = arith.addf %add3A, %add3A_6 : vector<512x1xf32>
    %rsqrt3A = math.rsqrt %add3A_7 : vector<512x1xf32>
    %get3A_8 = arith.constant 0 : index
    %get3A_9 = arith.constant 0 : index
    %get3A_10 = vector.load %arg1[%get3A_8, %get3A_9] : memref<512x128xf32, #tpu.memory_space<vmem>>, vector<512x128xf32>
    %get3A_11 = arith.constant 0 : index
    %get3A_12 = arith.constant 0 : index
    %get3A_13 = vector.load %arg2[%get3A_11, %get3A_12] : memref<512x128xf32, #tpu.memory_space<vmem>>, vector<512x128xf32>
    %add3A_14 = arith.addf %get3A_10, %get3A_13 : vector<512x128xf32>
    %get3A_15 = arith.constant 0 : index
    %get3A_16 = arith.constant 0 : index
    %get3A_17 = vector.load %arg3[%get3A_15, %get3A_16] : memref<512x128xf32, #tpu.memory_space<vmem>>, vector<512x128xf32>
    %add3A_18 = arith.addf %add3A_14, %get3A_17 : vector<512x128xf32>
    %mul3A = vector.broadcast %rsqrt3A : vector<512x1xf32> to vector<512x128xf32>
    %mul3A_19 = arith.mulf %mul3A, %add3A_18 : vector<512x128xf32>
    %get3A_20 = arith.constant 0 : index
    %get3A_21 = arith.constant 0 : index
    %get3A_22 = vector.load %arg6[%get3A_20, %get3A_21] : memref<1x128xf32, #tpu.memory_space<vmem>>, vector<1x128xf32>
    %add3A_23 = vector.broadcast %get3A_22 : vector<1x128xf32> to vector<512x128xf32>
    %add3A_24 = arith.addf %mul3A_19, %add3A_23 : vector<512x128xf32>
    %max3A = arith.constant 0.000000e+00 : f32
    %max3A_25 = vector.broadcast %max3A : f32 to vector<512x128xf32>
    %max3A_26 = arith.maximumf %add3A_24, %max3A_25 : vector<512x128xf32>
    %get3A_27 = arith.constant 0 : index
    %get3A_28 = arith.constant 0 : index
    %get3A_29 = vector.load %arg7[%get3A_27, %get3A_28] : memref<128x128xf32, #tpu.memory_space<vmem>>, vector<128x128xf32>
    %dot_general3A = arith.constant dense<0.000000e+00> : vector<512x128xf32>
    %dot_general3A_30 = tpu.matmul %max3A_26, %get3A_29, %dot_general3A {dimension_numbers = #tpu.dot_dimension_numbers<[1], [0], [0], [1], [0, 0, 1, 1], [], []>, transpose_lhs_hint = false} : vector<512x128xf32>, vector<128x128xf32>, vector<512x128xf32> -> vector<512x128xf32>
    %mul3A_31 = vector.broadcast %rsqrt3A : vector<512x1xf32> to vector<512x128xf32>
    %mul3A_32 = arith.mulf %dot_general3A_30, %mul3A_31 : vector<512x128xf32>
    %swap3A = arith.constant 0 : index
    %swap3A_33 = arith.constant 0 : index
    %swap3A_34 = vector.load %arg8[%swap3A, %swap3A_33] : memref<512x128xf32, #tpu.memory_space<vmem>>, vector<512x128xf32>
    tpu.vector_store %arg8[%swap3A, %swap3A_33], %mul3A_32 {strides = array<i32>} : memref<512x128xf32, #tpu.memory_space<vmem>>, vector<512x128xf32>,
    return
  }
  func.func @transform_0(%arg0: i32) -> (i32, i32) {
    %c0_i32 = arith.constant 0 : i32
    %c0_i32_0 = arith.constant 0 : i32
    return %arg0, %c0_i32 : i32, i32
  }
  func.func @transform_1(%arg0: i32) -> (i32, i32) {
    %c0_i32 = arith.constant 0 : i32
    %c0_i32_0 = arith.constant 0 : i32
    return %arg0, %c0_i32 : i32, i32
  }
  func.func @transform_2(%arg0: i32) -> (i32, i32) {
    %c0_i32 = arith.constant 0 : i32
    %c0_i32_0 = arith.constant 0 : i32
    return %arg0, %c0_i32 : i32, i32
  }
  func.func @transform_3(%arg0: i32) -> (i32, i32) {
    %c0_i32 = arith.constant 0 : i32
    %c0_i32_0 = arith.constant 0 : i32
    return %arg0, %c0_i32 : i32, i32
  }
  func.func @transform_4(%arg0: i32) -> (i32, i32) {
    %c0_i32 = arith.constant 0 : i32
    %c0_i32_0 = arith.constant 0 : i32
    return %arg0, %c0_i32 : i32, i32
  }
  func.func @transform_5(%arg0: i32) -> (i32, i32) {
    %c0_i32 = arith.constant 0 : i32
    %c0_i32_0 = arith.constant 0 : i32
    %c0_i32_1 = arith.constant 0 : i32
    return %c0_i32, %c0_i32_0 : i32, i32
  }
  func.func @transform_6(%arg0: i32) -> (i32, i32) {
    %c0_i32 = arith.constant 0 : i32
    %c0_i32_0 = arith.constant 0 : i32
    %c0_i32_1 = arith.constant 0 : i32
    return %c0_i32, %c0_i32_0 : i32, i32
  }
  func.func @transform_7(%arg0: i32) -> (i32, i32) {
    %c0_i32 = arith.constant 0 : i32
    %c0_i32_0 = arith.constant 0 : i32
    return %arg0, %c0_i32 : i32, i32
  }
}

module attributes {stable_mosaic.version = 14 : i64} {
  func.func @_tc3_body(%arg0: i32, %arg1: memref<512x128xf32, #tpu.memory_space<vmem>>, %arg2: memref<512x128xf32, #tpu.memory_space<vmem>>, %arg3: memref<512x128xf32, #tpu.memory_space<vmem>>, %arg4: memref<512x1xf32, #tpu.memory_space<vmem>>, %arg5: memref<512x1xf32, #tpu.memory_space<vmem>>, %arg6: memref<1x128xf32, #tpu.memory_space<vmem>>, %arg7: memref<512x128xf32, #tpu.memory_space<vmem>>) attributes {dimension_semantics = [#tpu.dimension_semantics<arbitrary>], iteration_bounds = array<i64: 20>, scalar_prefetch = 0 : i64, scratch_operands = 0 : i64, tpu.core_type = #tpu.core_type<tc>, window_params = [{transform_indices = @transform_0, window_bounds = array<i64: 512, 128>}, {transform_indices = @transform_1, window_bounds = array<i64: 512, 128>}, {transform_indices = @transform_2, window_bounds = array<i64: 512, 128>}, {transform_indices = @transform_3, window_bounds = array<i64: 512, 1>}, {transform_indices = @transform_4, window_bounds = array<i64: 512, 1>}, {pipeline_mode = #tpu.pipeline_mode<synchronous>, transform_indices = @transform_5, window_bounds = array<i64: 1, 128>}, {transform_indices = @transform_6, window_bounds = array<i64: 512, 128>}]} {
    %get3A = arith.constant 0 : index
    %get3A_0 = arith.constant 0 : index
    %get3A_1 = vector.load %arg4[%get3A, %get3A_0] : memref<512x1xf32, #tpu.memory_space<vmem>>, vector<512x1xf32>
    %get3A_2 = arith.constant 0 : index
    %get3A_3 = arith.constant 0 : index
    %get3A_4 = vector.load %arg5[%get3A_2, %get3A_3] : memref<512x1xf32, #tpu.memory_space<vmem>>, vector<512x1xf32>
    %add3A = arith.addf %get3A_1, %get3A_4 : vector<512x1xf32>
    %add3A_5 = arith.constant 1.000000e+00 : f32
    %add3A_6 = vector.broadcast %add3A_5 : f32 to vector<512x1xf32>
    %add3A_7 = arith.addf %add3A, %add3A_6 : vector<512x1xf32>
    %rsqrt3A = math.rsqrt %add3A_7 : vector<512x1xf32>
    %get3A_8 = arith.constant 0 : index
    %get3A_9 = arith.constant 0 : index
    %get3A_10 = vector.load %arg1[%get3A_8, %get3A_9] : memref<512x128xf32, #tpu.memory_space<vmem>>, vector<512x128xf32>
    %get3A_11 = arith.constant 0 : index
    %get3A_12 = arith.constant 0 : index
    %get3A_13 = vector.load %arg2[%get3A_11, %get3A_12] : memref<512x128xf32, #tpu.memory_space<vmem>>, vector<512x128xf32>
    %add3A_14 = arith.addf %get3A_10, %get3A_13 : vector<512x128xf32>
    %get3A_15 = arith.constant 0 : index
    %get3A_16 = arith.constant 0 : index
    %get3A_17 = vector.load %arg3[%get3A_15, %get3A_16] : memref<512x128xf32, #tpu.memory_space<vmem>>, vector<512x128xf32>
    %add3A_18 = arith.addf %add3A_14, %get3A_17 : vector<512x128xf32>
    %mul3A = vector.broadcast %rsqrt3A : vector<512x1xf32> to vector<512x128xf32>
    %mul3A_19 = arith.mulf %mul3A, %add3A_18 : vector<512x128xf32>
    %get3A_20 = arith.constant 0 : index
    %get3A_21 = arith.constant 0 : index
    %get3A_22 = vector.load %arg6[%get3A_20, %get3A_21] : memref<1x128xf32, #tpu.memory_space<vmem>>, vector<1x128xf32>
    %add3A_23 = vector.broadcast %get3A_22 : vector<1x128xf32> to vector<512x128xf32>
    %add3A_24 = arith.addf %mul3A_19, %add3A_23 : vector<512x128xf32>
    %swap3A = arith.constant 0 : index
    %swap3A_25 = arith.constant 0 : index
    %swap3A_26 = vector.load %arg7[%swap3A, %swap3A_25] : memref<512x128xf32, #tpu.memory_space<vmem>>, vector<512x128xf32>
    tpu.vector_store %arg7[%swap3A, %swap3A_25], %add3A_24 {strides = array<i32>} : memref<512x128xf32, #tpu.memory_space<vmem>>, vector<512x128xf32>,
    return
  }
  func.func @transform_0(%arg0: i32) -> (i32, i32) {
    %c0_i32 = arith.constant 0 : i32
    %c0_i32_0 = arith.constant 0 : i32
    return %arg0, %c0_i32 : i32, i32
  }
  func.func @transform_1(%arg0: i32) -> (i32, i32) {
    %c0_i32 = arith.constant 0 : i32
    %c0_i32_0 = arith.constant 0 : i32
    return %arg0, %c0_i32 : i32, i32
  }
  func.func @transform_2(%arg0: i32) -> (i32, i32) {
    %c0_i32 = arith.constant 0 : i32
    %c0_i32_0 = arith.constant 0 : i32
    return %arg0, %c0_i32 : i32, i32
  }
  func.func @transform_3(%arg0: i32) -> (i32, i32) {
    %c0_i32 = arith.constant 0 : i32
    %c0_i32_0 = arith.constant 0 : i32
    return %arg0, %c0_i32 : i32, i32
  }
  func.func @transform_4(%arg0: i32) -> (i32, i32) {
    %c0_i32 = arith.constant 0 : i32
    %c0_i32_0 = arith.constant 0 : i32
    return %arg0, %c0_i32 : i32, i32
  }
  func.func @transform_5(%arg0: i32) -> (i32, i32) {
    %c0_i32 = arith.constant 0 : i32
    %c0_i32_0 = arith.constant 0 : i32
    %c0_i32_1 = arith.constant 0 : i32
    return %c0_i32, %c0_i32_0 : i32, i32
  }
  func.func @transform_6(%arg0: i32) -> (i32, i32) {
    %c0_i32 = arith.constant 0 : i32
    %c0_i32_0 = arith.constant 0 : i32
    return %arg0, %c0_i32 : i32, i32
  }
}

</mosaic_0001>

<sc_bundles>
// kernel: kernel.11.cloned.1.call-start
scs
__scs_entry_jumppad:
0x0: {  	(pc) =	sbr.rel $0x88, $3  }
0x1: {  	(tag) =	ssettag $0x0;
	lr =	simm.s32 $0x1  }
0x2: {  	[smem:$0x3F9A] =	sst lr;
	_ =	strace $0xD0000000  }
0x3: {  	_ = 	snop  }
0x4: {  	_ = 	snop  }
0x5: {  	_ = 	snop  }
0x6: {  	_ = 	snop  }
0x7: {  	_ = 	snop  }
__scs_overlays_trampoline_lowered:
0x8: {  	[smem:$0x3FA9] =	sst s0  }
0x9: {  	[smem:$0x3FAA] =	sst s1  }
0xa: {  	[smem:$0x3FAB] =	sst s2  }
0xb: {  	[smem:$0x3FAC] =	sst s3  }
0xc: {  	[smem:$0x3FAD] =	sst s4  }
0xd: {  	[smem:$0x3FAE] =	sst s5  }
0xe: {  	[smem:$0x3FAF] =	sst s6  }
0xf: {  	[smem:$0x3FB0] =	sst s7  }
0x10: {  	[smem:$0x3FB1] =	sst s8  }
0x11: {  	[smem:$0x3FB2] =	sst s9;
	s0 =	simm.s32 @!p0 $0x0  }
0x12: {  	s1 =	sld [smem:$0x3F98];
	s0 =	simm.s32 @p0 $0x1  }
0x13: {  	[smem:$0x3FB3] =	sst s0;
	s0 =	simm.s32 @!p1 $0x0  }
0x14: {  	s2 =	sld [smem:$0x3F97];
	s0 =	simm.s32 @p1 $0x1  }
0x15: {  	[smem:$0x3FB4] =	sst s0;
	s0 =	simm.s32 @!p2 $0x0  }
0x16: {  	s3 =	sld [smem:$0x3FDB];
	s0 =	simm.s32 @p2 $0x1  }
0x17: {  	s4 =	simm.s32 $0x1BF5;
	[smem:$0x3FB6] =	sst s0  }
0x18: {  	s0 =	sld [smem:$0x3F99];
	_ =	swait.ge [sflag:s4], $0x0  }
0x19: {  	s7 =	sld [smem:$0x3F9A]  }
0x1a: {  	s8 =	sadd.s32 $0xFFFFE003, lr  }
0x1b: {  	s9 =	sadd.s32 $0xFFFFFEF7, lr;
	s5 =	simm.s32 $0xFFFFFFFF;
	p2 =	slt.u32 s8, $0xFFFFF086  }
0x1c: {  	p1 =	slt.u32 s9, $0xF7A;
	s5 =	simm.s32 @!p2 $0x0  }
0x1d: {  	s5 =	simm.s32 @p1 $0x1;
	p0 =	seq.s32 s7, s2  }
0x1e: {  	s7 =	smul.u32 @!p0 $0xF7A, s2;
	p2 =	seq.s32 @!p0 s5, $0x0  }
0x1f: {  	s9 =	smul.u32 $0xF7A, s1;
	s8 =	simm.s32 @!p0 $0x1BF5;
	p2 =	por !p2, p0  }
0x20: {  	[sflag:s8] =	ssyncset.s32 @!p0 $0xFFFFF086;
	s6 =	sadd.s32 @!p0 s3, s7;
	s7 =	simm.s32 @!p0 $0x108  }
0x21: {  	s3 =	sadd.s32 s3, s9;
	s6 =	sadd.s32 @!p0 $0x88, s6;
	s7 =	simm.s32 @p2 $0x1082  }
0x22: {  	[simem:s7], [sflag:s8] =	dma.local @!p0 [hbm:s6], $0xF7A  }
0x23: {  	s9 =	sor.u32 $0xD0000000, s2;
	s6 =	simm.s32 $0x108;
	_ =	swait.ge @!p0 [sflag:s8], $0x0  }
0x24: {  	s3 =	sadd.s32 $0x88, s3;
	s6 =	simm.s32 @!p1 $0x1082;
	[sflag:s4] =	ssyncset.s32 $0xFFFFF086  }
0x25: {  	[simem:s6], [sflag:s4] =	dma.local [hbm:s3], $0xF7A  }
0x26: {  	[smem:$0x3F9A] =	sst s1;
	(tag) =	ssettag s2;
	_ =	strace s9  }
0x27: {  	s1 =	sld [smem:$0x3FAA]  }
0x28: {  	s2 =	sld [smem:$0x3FAB]  }
0x29: {  	s4 =	sld [smem:$0x3FAD]  }
0x2a: {  	p0 =	seq.s32 s5, $0x0;
	s5 =	sld [smem:$0x3FAE]  }
0x2b: {  	s6 =	sld [smem:$0x3FAF]  }
0x2c: {  	s7 =	sld [smem:$0x3FB0]  }
0x2d: {  	s3 =	simm.s32 $0x108;
	s8 =	sld [smem:$0x3FB1]  }
0x2e: {  	s3 =	simm.s32 @!p0 $0x1082;
	s9 =	sld [smem:$0x3FB2]  }
0x2f: {  	lr =	sadd.s32 s0, s3;
	s0 =	sld [smem:$0x3FA9]  }
0x30: {  	s3 =	sld [smem:$0x3FAC]  }
0x31: {  	[smem:$0x3FB5] =	sst s10  }
0x32: {  	s10 =	sld [smem:$0x3FB3];
	_ =	sdelay $0x3  }
0x33: {  	p0 =	seq.s32 s10, $0x1;
	s10 =	sld [smem:$0x3FB5];
	_ =	sdelay $0x3  }
0x34: {  	[smem:$0x3FB5] =	sst s10  }
0x35: {  	s10 =	sld [smem:$0x3FB4];
	_ =	sdelay $0x3  }
0x36: {  	p1 =	seq.s32 s10, $0x1;
	s10 =	sld [smem:$0x3FB5];
	_ =	sdelay $0x3  }
0x37: {  	[smem:$0x3FB5] =	sst s10  }
0x38: {  	s10 =	sld [smem:$0x3FB6]  }
0x39: {  	_ = 	snop;
	(pc) =	sbr.ind lr, $3  }
0x3a: {  	_ = 	snop  }
0x3b: {  	_ = 	snop  }
0x3c: {  	p2 =	seq.s32 s10, $0x1;
	s10 =	sld [smem:$0x3FB5]  }
0x3d: {  	_ =	shalt  }
0x3e: {  	_ =	shalt  }
0x3f: {  	_ =	shalt  }
0x40: {  	_ =	shalt  }
0x41: {  	_ =	shalt  }
0x42: {  	_ =	shalt  }
0x43: {  	_ =	shalt  }
0x44: {  	_ =	shalt  }
0x45: {  	_ =	shalt  }
0x46: {  	_ =	shalt  }
0x47: {  	_ =	shalt  }
0x48: {  	_ =	shalt  }
0x49: {  	_ =	shalt  }
0x4a: {  	_ =	shalt  }
0x4b: {  	_ =	shalt  }
0x4c: {  	_ =	shalt  }
0x4d: {  	_ =	shalt  }
0x4e: {  	_ =	shalt  }
0x4f: {  	_ =	shalt  }
0x50: {  	_ =	shalt  }
0x51: {  	_ =	shalt  }
0x52: {  	_ =	shalt  }
0x53: {  	_ =	shalt  }
0x54: {  	_ =	shalt  }
0x55: {  	_ =	shalt  }
0x56: {  	_ =	shalt  }
0x57: {  	_ =	shalt  }
0x58: {  	_ =	shalt  }
0x59: {  	_ =	shalt  }
0x5a: {  	_ =	shalt  }
0x5b: {  	_ =	shalt  }
0x5c: {  	_ =	shalt  }
0x5d: {  	_ =	shalt  }
0x5e: {  	_ =	shalt  }
0x5f: {  	_ =	shalt  }
0x60: {  	_ =	shalt  }
0x61: {  	_ =	shalt  }
0x62: {  	_ =	shalt  }
0x63: {  	_ =	shalt  }
0x64: {  	_ =	shalt  }
0x65: {  	_ =	shalt  }
0x66: {  	_ =	shalt  }
0x67: {  	_ =	shalt  }
0x68: {  	_ =	shalt  }
0x69: {  	_ =	shalt  }
0x6a: {  	_ =	shalt  }
0x6b: {  	_ =	shalt  }
0x6c: {  	_ =	shalt  }
0x6d: {  	_ =	shalt  }
0x6e: {  	_ =	shalt  }
0x6f: {  	_ =	shalt  }
0x70: {  	_ =	shalt  }
0x71: {  	_ =	shalt  }
0x72: {  	_ =	shalt  }
0x73: {  	_ =	shalt  }
0x74: {  	_ =	shalt  }
0x75: {  	_ =	shalt  }
0x76: {  	_ =	shalt  }
0x77: {  	_ =	shalt  }
0x78: {  	_ =	shalt  }
0x79: {  	_ =	shalt  }
0x7a: {  	_ =	shalt  }
0x7b: {  	_ =	shalt  }
0x7c: {  	_ =	shalt  }
0x7d: {  	_ =	shalt  }
0x7e: {  	_ =	shalt  }
0x7f: {  	_ =	shalt  }
0x80: {  	_ =	shalt  }
0x81: {  	_ =	shalt  }
0x82: {  	_ =	shalt  }
0x83: {  	_ =	shalt  }
0x84: {  	_ =	shalt  }
0x85: {  	_ =	shalt  }
0x86: {  	_ =	shalt  }
0x87: {  	_ =	shalt  }
.Lfunc_end0:
.L_simem_size_0:
called_computation.1_lowered:
.L_overlay_start_0:
0x88: {  	s2 =	sld [smem:$0x3FD9]  }
0x89: {  	s3 =	sld [smem:$0x3FFE];
	_ =	sdelay $0x1  }
0x8a: {  	s1 =	srdreg.scid  }
0x8b: {  	s0 =	sand.u32 $0x1, s1  }
0x8c: {  	s17 =	sshll.u32 s0, $0xA;
	s2 =	sadd.s32 s3, s2  }
0x8d: {  	s2 =	sadd.s32 s2, s17  }
0x8e: {  	[smem:$0x3FC1] =	sst s2  }
0x8f: {  	_ = 	snop  }
0x90: {  	s2 =	sld [smem:$0x3FD0];
	(tm) =	ssettm $0x1  }
0x91: {  	s18 =	sld [smem:$0x3FFB];
	_ =	sdelay $0x3  }
0x92: {  	_ =	strace s18  }
0x93: {  	s3 =	sld [smem:$0x3FFC];
	_ =	sdelay $0x3  }
0x94: {  	_ =	strace s3  }
0x95: {  	s3 =	sld [smem:$0x3FFD];
	_ =	sdelay $0x3  }
0x96: {  	_ =	strace s3  }
0x97: {  	_ =	strace $0x8FFFFFFF  }
0x98: {  	s19 =	sld [smem:$0x3FDB];
	_ =	sdelay $0x1  }
0x99: {  	s4 =	simm.s32 $_scs_section_size  }
0x9a: {  	s5 =	simm.s32 $_size__tile_overlayer_lowered;
	s6 =	simm.s32 $_tile_overlayer_lowered  }
0x9b: {  	s22 =	simm.s32 $0x1BFF;
	s21 =	sshll.u32 s6, $0x1;
	s3 =	sadd.s32 s4, s19  }
0x9c: {  	s7 =	simm.s32 $0x0;
	s20 =	sshll.u32 s5, $0x1;
	s5 =	sadd.s32 s21, s3  }
0x9d: {  	[timem:s7], [sflag:s22] =	dma.local [hbm:s5], s20  }
0x9e: {  	_ =	swait.ge [sflag:s22], s20  }
0x9f: {  	s4 =	ssub.s32 $0x0, s20;
	[sflag:s22] =	ssyncset.done $0x0  }
0xa0: {  	[sflag:s22] =	ssyncadd.s32 s4;
	_ =	sdelay $0x1  }
0xa1: {  	s23 =	simm.s32 $0x1B8B  }
0xa2: {  	_ =	swait.ge [sflag:s23], $0x1  }
0xa3: {  	[sflag:s23] =	ssyncset.done $0x0  }
0xa4: {  	s25 =	simm.s32 $0x1B8E;
	s24 =	sld [smem:$0x3FFE];
	[sflag:s23] =	ssyncadd.s32 $0xFFFFFFFF  }
0xa5: {  	s26 =	simm.s32 $execute0_lowered;
	[smem:$0x3FD2] =	sst s25  }
0xa6: {  	s5 =	sshll.u32 s26, $0x1;
	_ =	strace $0x80000049;
	[dreg:$0x1] =	wrdreg $0xFFFFFFFF  }
0xa7: {  	s28 =	simm.s32 $_size_execute0_lowered;
	s3 =	sadd.s32 s3, s5;
	[dreg:$0x0] =	wrdreg $0x0  }
0xa8: {  	s5 =	sshll.u32 s28, $0x1;
	[dreg:$0x2] =	wrdreg s3  }
0xa9: {  	[dreg:$0x3] =	wrdreg s5  }
0xaa: {  	[dreg:$0x4] =	wrdreg $0xC0  }
0xab: {  	_ =	task [dreg:s7], $0x5FFFF  }
0xac: {  	[dreg:$0x1] =	wrdreg $0xFFFFFFFF  }
0xad: {  	[dreg:$0x0] =	wrdreg $0x60  }
0xae: {  	[dreg:$0x2] =	wrdreg s2  }
0xaf: {  	[dreg:$0x3] =	wrdreg s24  }
0xb0: {  	[dreg:$0x4] =	wrdreg $0x98000  }
0xb1: {  	[dreg:$0x5] =	wrdreg $0x9  }
0xb2: {  	_ =	task.clear_ibuf [dreg:s7], $0x6FFFF;
	_ =	strace $0x90000049  }
0xb3: {  	s29 =	simm.s32 $0x9;
	_ =	strace $0x8000004B  }
0xb4: {  	_ =	swait.ge [sflag:s29], $0x1  }
0xb5: {  	[sflag:s29] =	ssyncadd.s32 $0xFFFFFFFF  }
0xb6: {  	_ =	strace $0x9000004B  }
0xb7: {  	_ =	sfence  }
0xb8: {  	s30 =	sld [smem:$0x0];
	_ =	sdelay $0x2  }
0xb9: {  	s31 =	sshll.u32 s1, $0xD;
	s1 =	sshrl.u32 s1, $0x2  }
0xba: {  	s3 =	sand.u32 $0x4000, s31;
	s1 =	sadd.s32 s1, s30  }
0xbb: {  	s0 =	sor.u32 s3, s0;
	s1 =	sshll.u32 s1, $0x11  }
0xbc: {  	s0 =	sor.u32 s1, s0  }
0xbd: {  	s0 =	sadd.s32 $0x8F2B, s0  }
0xbe: {  	[sflag:s0] =	ssyncadd.remote.s32 $0x1  }
0xbf: {  	_ =	sfence.sel $0xFFFF  }
0xc0: {  	[dreg:$0x0] =	wrdreg $0xFFFFFFFF;
	(pc) =	sbr.abs _section_cstart, $3  }
0xc1: {  	[dreg:$0x1] =	wrdreg $0xFFFFFFFF  }
0xc2: {  	_ =	task.clear_ibuf [dreg:s7], $0x2FFFF;
	_ =	strace $0x9FFFFFFF  }
0xc3: {  	(tm) =	ssettm $0x7FFFFFFF  }
tec
execute0_lowered:
.L_overlay_start_1:
0x0: {  	(tag) =	ssettag $0x1  }
0x1: {  	s1 =	rddreg [dreg:$0x0]  }
0x2: {  	s0 =	rddreg [dreg:$0x1]  }
0x3: {  	s2 =	rddreg [dreg:$0x2];
	s3 =	srdreg.scid  }
0x4: {  	s4 =	simm.s32 $0x0;
	s12 =	stileid.u32;
	s16 =	simm.s32 $0x1800  }
0x5: {  	s17 =	simm.s32 $0x5;
	s18 =	simm.s32 $0x800;
	s19 =	simm.s32 $0x1000  }
0x6: {  	s20 =	simm.s32 $0x80;
	s21 =	simm.s32 $0x5800;
	s22 =	simm.s32 $0x1  }
0x7: {  	s23 =	simm.s32 $0x2;
	s24 =	simm.s32 $0x3;
	s3 =	sand.u32 $0x1, s3  }
0x8: {  	[smem:$0x7FF] =	sst s4;
	s8 =	smul.u32 $0x14000, s12;
	s5 =	sadd.s32 $0x3200, s0  }
0x9: {  	s6 =	sadd.s32 $0x17200, s0;
	s10 =	smul.u32 $0x50000, s12;
	s26 =	sshll.u32 s12, $0x4  }
0xa: {  	s7 =	smul.u32 $0x140000, s3;
	_ =	strace $0x8000004A;
	s9 =	ssub.s32 $0x2, s3  }
0xb: {  	p0 =	seq.s32 s3, $0x0;
	s11 =	sshrl.u32 s9, $0x1;
	s25 =	sshrl.u32 s10, $0x2  }
0xc: {  	s10 =	smul.u32 $0x90, s12;
	s8 =	sadd.s32 s8, s7;
	s7 =	sadd.s32 $0x71200, s0  }
0xd: {  	s9 =	ssub.s32 s9, s11;
	s11 =	sor.u32 $0x900, s26;
	s8 =	sshrl.u32 s8, $0x3  }
0xe: {  	s26 =	simm.s32 $0x0;
	s0 =	sadd.s32 s8, s0;
	s8 =	sadd.s32 s25, s2  }
.Ltmp0:
0xf: {  	s11 =	smov.u32 @p0 s10;
	s28 =	sadd.s32 $0x4000, s8;
	(pc) =	sbr.rel .LBB2_1-.Ltmp0, $4  }
0x10: {  	s15 =	smax.u32 s9, $0x1;
	s29 =	sadd.s32 $0x8000, s8;
	[dreg:$0x4] =	wrdreg s28  }
0x11: {  	p0 =	sne.s32 s3, $0x0;
	s30 =	sadd.s32 $0xC000, s8;
	[dreg:$0x5] =	wrdreg s29  }
0x12: {  	s13 =	sshll.u32 s11, $0x7;
	s31 =	sadd.s32 $0x10000, s8;
	[dreg:$0x6] =	wrdreg s30  }
0x13: {  	v0 =	vimm.f32 $0.0e+00;
	s25 =	simm.s32 $0x4;
	s14 =	sadd.s32 $0x99200, s0;
	[dreg:$0x7] =	wrdreg s31  }
.LBB2_12:
0x14: {  	s0 =	stileid.u32;
	s4 =	sadd.s32 $0x1, s4  }
0x15: {  	[bflag:$0x0] =	sbarrier.arrive $0xFFFF;
	s0 =	sshll.u32 s0, $0x6;
	p1 =	sne.s32 s4, s15  }
.Ltmp1:
0x16: {  	s3 =	sshrl.u32 s8, $0x3;
	s0 =	sor.u32 $0x1C05, s0;
	(pc) =	sbr.rel @!p1 .LBB2_13-.Ltmp1, $4  }
0x17: {  	[hbm:s14], [sflag:s0] =	dma.local [spmem:s3], $0x2800  }
0x18: {  	_ =	swait.ge [sflag:s17], $0x2800  }
0x19: {  	[sflag:s17] =	ssyncset.done $0x0  }
0x1a: {  	[sflag:s17] =	ssyncadd.s32 $0xFFFFD800  }
.LBB2_1:
0x1b: {  	s0 =	simm.s32 $0x0;
	s3 =	simm.s32 $0x200  }
.LBB2_2:
0x1c: {  	p1 =	sne.s32 s3, $0xFE00;
	[tilespmem:s0+$0x1870] =	vst v0  }
0x1d: {  	[tilespmem:s0+$0x1800] =	vst v0  }
0x1e: {  	[tilespmem:s0+$0x1810] =	vst v0  }
.Ltmp2:
0x1f: {  	[tilespmem:s0+$0x1820] =	vst v0;
	(pc) =	sbr.rel @p1 .LBB2_2-.Ltmp2, $4  }
0x20: {  	[tilespmem:s0+$0x1830] =	vst v0  }
0x21: {  	[tilespmem:s0+$0x1840] =	vst v0  }
0x22: {  	[tilespmem:s0+$0x1850] =	vst v0  }
0x23: {  	[tilespmem:s0+$0x1860] =	vst v0;
	s0 =	sshra.s32 s3, $0x2;
	s3 =	sadd.s32 $0x200, s3  }
0x24: {  	[tilespmem:s0+$0x1870] =	vst v0  }
0x25: {  	[tilespmem:s0+$0x1800] =	vst v0  }
0x26: {  	[tilespmem:s0+$0x1810] =	vst v0  }
0x27: {  	[tilespmem:s0+$0x1820] =	vst v0  }
0x28: {  	[tilespmem:s0+$0x1830] =	vst v0  }
0x29: {  	[tilespmem:s0+$0x1840] =	vst v0  }
0x2a: {  	[tilespmem:s0+$0x1850] =	vst v0  }
0x2b: {  	[tilespmem:s0+$0x1860] =	vst v0  }
0x2c: {  	[spmem:s8] =	stream.linear.scatter [tilespmem:s16], [sflag:$0x5], $0x4000, $0x38;
	[tilespmem:$0x1D800] =	vst v63  }
0x2d: {  	_ =	swait.ge [sflag:s17], $0x4000  }
0x2e: {  	[sflag:s17] =	ssyncset.done $0x0  }
0x2f: {  	s12 =	rddreg [dreg:$0x4];
	[sflag:s17] =	ssyncadd.s32 $0xFFFFC000  }
0x30: {  	[spmem:s12] =	stream.linear.scatter [tilespmem:s16], [sflag:$0x5], $0x4000, $0x38;
	[tilespmem:$0x1D800] =	vst v63  }
0x31: {  	_ =	swait.ge [sflag:s17], $0x4000  }
0x32: {  	[sflag:s17] =	ssyncset.done $0x0  }
0x33: {  	s29 =	rddreg [dreg:$0x5];
	[sflag:s17] =	ssyncadd.s32 $0xFFFFC000  }
0x34: {  	[spmem:s29] =	stream.linear.scatter [tilespmem:s16], [sflag:$0x5], $0x4000, $0x38;
	[tilespmem:$0x1D800] =	vst v63  }
0x35: {  	_ =	swait.ge [sflag:s17], $0x4000  }
0x36: {  	[sflag:s17] =	ssyncset.done $0x0  }
0x37: {  	s30 =	rddreg [dreg:$0x6];
	[sflag:s17] =	ssyncadd.s32 $0xFFFFC000  }
0x38: {  	[spmem:s30] =	stream.linear.scatter [tilespmem:s16], [sflag:$0x5], $0x4000, $0x38;
	[tilespmem:$0x1D800] =	vst v63  }
0x39: {  	_ =	swait.ge [sflag:s17], $0x4000  }
0x3a: {  	[sflag:s17] =	ssyncset.done $0x0  }
0x3b: {  	s31 =	rddreg [dreg:$0x7];
	[sflag:s17] =	ssyncadd.s32 $0xFFFFC000  }
0x3c: {  	[spmem:s31] =	stream.linear.scatter [tilespmem:s16], [sflag:$0x5], $0x4000, $0x38;
	[tilespmem:$0x1D800] =	vst v63  }
.Ltmp3:
0x3d: {  	_ =	swait.ge [sflag:s17], $0x4000;
	(pc) =	sbr.rel .LBB2_4-.Ltmp3, $4  }
0x3e: {  	[sflag:s17] =	ssyncset.done $0x0  }
0x3f: {  	[sflag:s17] =	ssyncadd.s32 $0xFFFFC000  }
0x40: {  	[bflag:$0x0] =	sbarrier.arrive $0xFFFF  }
0x41: {  	s28 =	simm.s32 $0x0  }
.LBB2_11:
0x42: {  	p1 =	slt.u32 @!p0 s28, $0x8  }
0x43: {  	p1 =	por p0, !p1  }
.Ltmp4:
0x44: {  	_ = 	snop;
	(pc) =	sbr.rel @p1 .LBB2_12-.Ltmp4, $4  }
0x45: {  	_ = 	snop  }
0x46: {  	_ =	swait.ge [sflag:s25], $0x4000  }
0x47: {  	[sflag:s25] =	ssyncset.done $0x0  }
0x48: {  	s28 =	sadd.s32 $0x1, s28;
	[sflag:s25] =	ssyncadd.s32 $0xFFFFC000  }
.LBB2_4:
0x49: {  	s0 =	sshll.u32 s28, $0xB  }
0x4a: {  	s0 =	sadd.s32 s13, s0  }
0x4b: {  	s0 =	sshrl.u32 s0, $0x3  }
0x4c: {  	s3 =	sadd.s32 s1, s0  }
0x4d: {  	[tilespmem:s26], [sflag:$0x5] =	stream.linear.gather [hbm4b:s3+s26], $0x800, $0x38;
	[tilespmem:$0x1D800] =	vst v63  }
0x4e: {  	_ =	swait.ge [sflag:s17], $0x800  }
0x4f: {  	[sflag:s17] =	ssyncset.done $0x0  }
0x50: {  	s31 =	sadd.s32 s5, s0;
	[sflag:s17] =	ssyncadd.s32 $0xFFFFF800  }
0x51: {  	[tilespmem:s18], [sflag:$0x5] =	stream.linear.gather [hbm4b:s31+s26], $0x800, $0x38;
	[tilespmem:$0x1D800] =	vst v63  }
0x52: {  	_ =	swait.ge [sflag:s17], $0x800  }
0x53: {  	[sflag:s17] =	ssyncset.done $0x0  }
0x54: {  	s0 =	sadd.s32 s6, s0;
	[sflag:s17] =	ssyncadd.s32 $0xFFFFF800  }
0x55: {  	[tilespmem:s19], [sflag:$0x5] =	stream.linear.gather [hbm4b:s0+s26], $0x800, $0x38;
	[tilespmem:$0x1D800] =	vst v63  }
0x56: {  	_ =	swait.ge [sflag:s17], $0x800  }
0x57: {  	[sflag:s17] =	ssyncset.done $0x0  }
0x58: {  	[sflag:s17] =	ssyncadd.s32 $0xFFFFF800  }
0x59: {  	[tilespmem:s16], [sflag:$0x1] =	stream.indirect.gather [hbm4b:s7+s20], $0x80, s26, s20, $0xb8;
	[tilespmem:$0x1D800] =	vst v63  }
0x5a: {  	s29 =	simm.s32 $0x0  }
0x5b: {  	[tilespmem:s21], [sflag:$0x2] =	stream.indirect.gather [hbm4b:s7+s20], $0x80, s20, s20, $0xb8;
	[tilespmem:$0x1D800] =	vst v63  }
.LBB2_5:
0x5c: {  	s0 =	simm.s32 $0x0  }
0x5d: {  	v1 =	vmov s0  }
0x5e: {  	v1 =	vand.u32 $0xFFFFFFFE, v1  }
0x5f: {  	v1 =	vbroadcast v1, $0x0;
	_ =	sdelay $0x1  }
0x60: {  	_ =	swait.ge [sflag:s22], $0x4000  }
0x61: {  	s31 =	sshll.u32 s29, $0xA;
	[sflag:s22] =	ssyncset.done $0x0  }
0x62: {  	s30 =	sshra.s32 s31, $0x2;
	s0 =	simm.s32 $0x1880;
	[sflag:s22] =	ssyncadd.s32 $0xFFFFC000  }
0x63: {  	s3 =	sadd.s32 $0x1000, s30;
	v3 =	vld [tilespmem:s0+$0xFFFFFF80]  }
0x64: {  	v2 =	vld.idx.msk [tilespmem:v1+s3+$0x0], $0xffff  }
0x65: {  	v1 =	vld [tilespmem:s0+$0xFFFFFFF0]  }
0x66: {  	s9 =	simm.s32 $0x1;
	v6 =	vld [tilespmem:s0+$0xFFFFFF90]  }
0x67: {  	v7 =	vmov s9;
	v8 =	vld [tilespmem:s0+$0xFFFFFFA0]  }
0x68: {  	v11 =	vld [tilespmem:s0+$0xFFFFFFB0]  }
0x69: {  	v5 =	vld [tilespmem:s0+$0xFFFFFFC0]  }
0x6a: {  	v4 =	vld [tilespmem:s0+$0xFFFFFFD0];
	v9 =	vmul.f32 v1, v2  }
0x6b: {  	v10 =	vmul.f32 v3, v2;
	v3 =	vld [tilespmem:s0+$0xFFFFFFE0]  }
0x6c: {  	v1 =	vld.idx.msk [tilespmem:v7+s3+$0x0], $0xffff;
	v6 =	vmul.f32 v6, v2;
	[tilespmem:s0+$0xFFFFFFF0] =	vst v9  }
0x6d: {  	s10 =	simm.s32 $0x2;
	v7 =	vld [tilespmem:s0+$0x0];
	[tilespmem:s0+$0xFFFFFF80] =	vst v10;
	v9 =	vmul.f32 v8, v2  }
0x6e: {  	s11 =	simm.s32 $0x4;
	s9 =	simm.s32 $0x1880;
	v10 =	vmov s10;
	[tilespmem:s0+$0xFFFFFF90] =	vst v6;
	v8 =	vmul.f32 v11, v2;
	v6 =	vld [tilespmem:s0+$0x10]  }
.LBB2_6:
0x6f: {  	p1 =	slt.u32 s11, $0x7E;
	v10 =	vand.u32 $0xFFFFFFFE, v10;
	s12 =	sadd.s32 $0x1, s10;
	[tilespmem:s0+$0xFFFFFFA0] =	vst v9;
	v5 =	vmul.f32 v5, v2;
	v9 =	vld [tilespmem:s0+$0x20];
	s10 =	smov.u32 s11  }
0x70: {  	v10 =	vbroadcast v10, $0x0;
	v11 =	vmov s12;
	[tilespmem:s0+$0xFFFFFFB0] =	vst v8;
	v4 =	vmul.f32 v4, v2;
	v8 =	vld [tilespmem:s0+$0x30]  }
0x71: {  	[tilespmem:s0+$0xFFFFFFC0] =	vst v5;
	v2 =	vmul.f32 v3, v2;
	v3 =	vld [tilespmem:s0+$0x40]  }
0x72: {  	[tilespmem:s0+$0xFFFFFFD0] =	vst v4;
	v4 =	vmul.f32 v7, v1;
	v5 =	vld [tilespmem:s0+$0x50]  }
0x73: {  	[tilespmem:s0+$0xFFFFFFE0] =	vst v2;
	v2 =	vmul.f32 v6, v1;
	v6 =	vld [tilespmem:s0+$0x60]  }
0x74: {  	[tilespmem:s0+$0x0] =	vst v4;
	v4 =	vmul.f32 v9, v1;
	v7 =	vld [tilespmem:s0+$0x70]  }
0x75: {  	v9 =	vld.idx.msk [tilespmem:v11+s3+$0x0], $0xffff;
	[tilespmem:s0+$0x10] =	vst v2;
	v8 =	vmul.f32 v8, v1  }
0x76: {  	s0 =	sadd.s32 $0x100, s0;
	v2 =	vld.idx.msk [tilespmem:v10+s3+$0x0], $0xffff;
	[tilespmem:s9+$0x20] =	vst v4;
	v3 =	vmul.f32 v3, v1  }
0x77: {  	v4 =	vld [tilespmem:s0+$0xFFFFFFF0];
	[tilespmem:s9+$0x30] =	vst v8;
	v5 =	vmul.f32 v5, v1  }
0x78: {  	v8 =	vld [tilespmem:s0+$0xFFFFFF80];
	[tilespmem:s9+$0x40] =	vst v3;
	v3 =	vmul.f32 v6, v1  }
0x79: {  	v6 =	vld [tilespmem:s0+$0xFFFFFF90];
	[tilespmem:s9+$0x50] =	vst v5;
	v5 =	vmul.f32 v7, v1  }
0x7a: {  	v7 =	vld [tilespmem:s0+$0xFFFFFFA0];
	[tilespmem:s9+$0x60] =	vst v3  }
0x7b: {  	v1 =	vmov v9;
	v11 =	vld [tilespmem:s0+$0xFFFFFFB0];
	[tilespmem:s9+$0x70] =	vst v5;
	s9 =	smov.u32 s0  }
.Ltmp5:
0x7c: {  	v5 =	vld [tilespmem:s0+$0xFFFFFFC0];
	v9 =	vmul.f32 v4, v2;
	(pc) =	sbr.rel @p1 .LBB2_6-.Ltmp5, $4  }
0x7d: {  	v8 =	vmul.f32 v8, v2;
	v4 =	vld [tilespmem:s0+$0xFFFFFFD0]  }
0x7e: {  	v6 =	vmul.f32 v6, v2;
	v3 =	vld [tilespmem:s0+$0xFFFFFFE0];
	[tilespmem:s0+$0xFFFFFFF0] =	vst v9  }
0x7f: {  	[tilespmem:s0+$0xFFFFFF80] =	vst v8;
	v9 =	vmul.f32 v7, v2;
	v7 =	vld [tilespmem:s0+$0x0]  }
0x80: {  	s11 =	sadd.s32 $0x2, s11;
	v10 =	vmov s10;
	[tilespmem:s0+$0xFFFFFF90] =	vst v6;
	v8 =	vmul.f32 v11, v2;
	v6 =	vld [tilespmem:s0+$0x10]  }
0x81: {  	v11 =	vld [tilespmem:s0+$0x20]  }
0x82: {  	v10 =	vand.u32 $0xFFFFFFFE, v10;
	s10 =	sadd.s32 $0x1, s10;
	v12 =	vld [tilespmem:s0+$0x30]  }
0x83: {  	v14 =	vld [tilespmem:s0+$0x40];
	[tilespmem:s0+$0xFFFFFFA0] =	vst v9;
	v5 =	vmul.f32 v5, v2;
	v10 =	vbroadcast v10, $0x0;
	v13 =	vmov s10  }
0x84: {  	v9 =	vld [tilespmem:s0+$0x50];
	[tilespmem:s0+$0xFFFFFFB0] =	vst v8;
	v4 =	vmul.f32 v4, v2  }
0x85: {  	v8 =	vld [tilespmem:s0+$0x60];
	[tilespmem:s0+$0xFFFFFFC0] =	vst v5;
	v7 =	vmul.f32 v7, v1  }
0x86: {  	s12 =	sadd.s32 $0x100, s0;
	v2 =	vmul.f32 v3, v2;
	v3 =	vld [tilespmem:s0+$0x70];
	[tilespmem:s0+$0xFFFFFFD0] =	vst v4  }
0x87: {  	v4 =	vmul.f32 v6, v1;
	[tilespmem:s0+$0x0] =	vst v7;
	v7 =	vld [tilespmem:s12+$0xFFFFFFF0]  }
0x88: {  	[tilespmem:s0+$0xFFFFFFE0] =	vst v2;
	v2 =	vmul.f32 v11, v1;
	v5 =	vld.idx.msk [tilespmem:v13+s3+$0x0], $0xffff  }
0x89: {  	[tilespmem:s0+$0x10] =	vst v4;
	v4 =	vmul.f32 v12, v1;
	v6 =	vld.idx.msk [tilespmem:v10+s3+$0x0], $0xffff  }
0x8a: {  	[tilespmem:s9+$0x20] =	vst v2;
	v2 =	vmul.f32 v14, v1;
	v10 =	vld [tilespmem:s12+$0xFFFFFF80]  }
0x8b: {  	[tilespmem:s9+$0x30] =	vst v4;
	v4 =	vmul.f32 v9, v1;
	v9 =	vld [tilespmem:s12+$0xFFFFFF90]  }
0x8c: {  	[tilespmem:s9+$0x40] =	vst v2;
	v2 =	vmul.f32 v8, v1;
	v8 =	vld [tilespmem:s12+$0xFFFFFFA0]  }
0x8d: {  	v1 =	vmul.f32 v3, v1;
	v3 =	vld [tilespmem:s12+$0xFFFFFFB0];
	[tilespmem:s9+$0x50] =	vst v4  }
0x8e: {  	[tilespmem:s9+$0x60] =	vst v2;
	v2 =	vld [tilespmem:s12+$0xFFFFFFC0];
	v4 =	vmul.f32 v7, v6  }
0x8f: {  	[tilespmem:s9+$0x70] =	vst v1;
	v1 =	vmul.f32 v10, v6;
	v7 =	vld [tilespmem:s12+$0xFFFFFFD0]  }
0x90: {  	v10 =	vld [tilespmem:s12+$0xFFFFFFE0];
	v9 =	vmul.f32 v9, v6;
	[tilespmem:s12+$0xFFFFFFF0] =	vst v4  }
0x91: {  	[tilespmem:s12+$0xFFFFFF80] =	vst v1;
	v1 =	vmul.f32 v8, v6;
	v4 =	vld [tilespmem:s12+$0x0]  }
0x92: {  	v3 =	vmul.f32 v3, v6;
	v8 =	vld [tilespmem:s12+$0x10];
	[tilespmem:s12+$0xFFFFFF90] =	vst v9  }
0x93: {  	[tilespmem:s12+$0xFFFFFFA0] =	vst v1;
	v1 =	vmul.f32 v2, v6;
	v2 =	vld [tilespmem:s12+$0x20]  }
0x94: {  	[tilespmem:s12+$0xFFFFFFB0] =	vst v3;
	v3 =	vmul.f32 v7, v6;
	v7 =	vld [tilespmem:s12+$0x30]  }
0x95: {  	[tilespmem:s12+$0xFFFFFFC0] =	vst v1;
	v1 =	vmul.f32 v10, v6;
	v6 =	vld [tilespmem:s12+$0x40]  }
0x96: {  	[tilespmem:s12+$0xFFFFFFD0] =	vst v3;
	v3 =	vmul.f32 v4, v5;
	v4 =	vld [tilespmem:s12+$0x50]  }
0x97: {  	[tilespmem:s12+$0xFFFFFFE0] =	vst v1;
	v1 =	vmul.f32 v8, v5;
	v8 =	vld [tilespmem:s12+$0x60]  }
0x98: {  	[tilespmem:s12+$0x0] =	vst v3;
	v2 =	vmul.f32 v2, v5;
	v3 =	vld [tilespmem:s12+$0x70]  }
0x99: {  	[tilespmem:s12+$0x10] =	vst v1;
	v1 =	vmul.f32 v7, v5  }
0x9a: {  	[tilespmem:s12+$0x20] =	vst v2;
	v2 =	vmul.f32 v6, v5  }
0x9b: {  	s9 =	simm.s32 $0x0;
	[tilespmem:s12+$0x30] =	vst v1;
	v1 =	vmul.f32 v4, v5  }
0x9c: {  	v4 =	vmov s9;
	[tilespmem:s12+$0x40] =	vst v2;
	v2 =	vmul.f32 v8, v5  }
0x9d: {  	[tilespmem:s12+$0x50] =	vst v1;
	v1 =	vmul.f32 v3, v5;
	v3 =	vand.u32 $0xFFFFFFFE, v4  }
0x9e: {  	[tilespmem:s12+$0x60] =	vst v2;
	v2 =	vbroadcast v3, $0x0  }
0x9f: {  	s10 =	sadd.s32 $0x800, s30;
	[tilespmem:s12+$0x70] =	vst v1  }
0xa0: {  	[spmem:s2] =	stream.indirect.scatter.add.f32 [tilespmem:s16], [sflag:$0x3], $0x80, s10, s20, $0xb8;
	[tilespmem:$0x1D800] =	vst v63  }
0xa1: {  	s11 =	sor.u32 $0x200, s31;
	_ =	swait.ge [sflag:s23], $0x4000  }
0xa2: {  	s31 =	sshra.s32 s11, $0x2;
	[sflag:s23] =	ssyncset.done $0x0  }
0xa3: {  	s3 =	sadd.s32 $0x1000, s31;
	[sflag:s23] =	ssyncadd.s32 $0xFFFFC000  }
0xa4: {  	s0 =	simm.s32 $0x5880;
	v2 =	vld.idx.msk [tilespmem:v2+s3+$0x0], $0xffff  }
0xa5: {  	v1 =	vld [tilespmem:s0+$0xFFFFFFF0]  }
0xa6: {  	v3 =	vld [tilespmem:s0+$0xFFFFFF80]  }
0xa7: {  	s12 =	simm.s32 $0x1;
	v6 =	vld [tilespmem:s0+$0xFFFFFF90]  }
0xa8: {  	v7 =	vmov s12;
	v8 =	vld [tilespmem:s0+$0xFFFFFFA0]  }
0xa9: {  	v11 =	vld [tilespmem:s0+$0xFFFFFFB0]  }
0xaa: {  	v5 =	vld [tilespmem:s0+$0xFFFFFFC0]  }
0xab: {  	v4 =	vld [tilespmem:s0+$0xFFFFFFD0];
	v9 =	vmul.f32 v1, v2  }
0xac: {  	v10 =	vmul.f32 v3, v2;
	v3 =	vld [tilespmem:s0+$0xFFFFFFE0]  }
0xad: {  	v1 =	vld.idx.msk [tilespmem:v7+s3+$0x0], $0xffff;
	v6 =	vmul.f32 v6, v2;
	[tilespmem:s0+$0xFFFFFFF0] =	vst v9  }
0xae: {  	s10 =	simm.s32 $0x2;
	v7 =	vld [tilespmem:s0+$0x0];
	[tilespmem:s0+$0xFFFFFF80] =	vst v10;
	v9 =	vmul.f32 v8, v2  }
0xaf: {  	s11 =	simm.s32 $0x4;
	s9 =	simm.s32 $0x5880;
	v10 =	vmov s10;
	[tilespmem:s0+$0xFFFFFF90] =	vst v6;
	v8 =	vmul.f32 v11, v2;
	v6 =	vld [tilespmem:s0+$0x10]  }
.LBB2_8:
0xb0: {  	p1 =	slt.u32 s11, $0x7E;
	v10 =	vand.u32 $0xFFFFFFFE, v10;
	s12 =	sadd.s32 $0x1, s10;
	[tilespmem:s0+$0xFFFFFFA0] =	vst v9;
	v5 =	vmul.f32 v5, v2;
	v9 =	vld [tilespmem:s0+$0x20];
	s10 =	smov.u32 s11  }
0xb1: {  	v10 =	vbroadcast v10, $0x0;
	v11 =	vmov s12;
	[tilespmem:s0+$0xFFFFFFB0] =	vst v8;
	v4 =	vmul.f32 v4, v2;
	v8 =	vld [tilespmem:s0+$0x30]  }
0xb2: {  	[tilespmem:s0+$0xFFFFFFC0] =	vst v5;
	v2 =	vmul.f32 v3, v2;
	v3 =	vld [tilespmem:s0+$0x40]  }
0xb3: {  	[tilespmem:s0+$0xFFFFFFD0] =	vst v4;
	v4 =	vmul.f32 v7, v1;
	v5 =	vld [tilespmem:s0+$0x50]  }
0xb4: {  	[tilespmem:s0+$0xFFFFFFE0] =	vst v2;
	v2 =	vmul.f32 v6, v1;
	v6 =	vld [tilespmem:s0+$0x60]  }
0xb5: {  	[tilespmem:s0+$0x0] =	vst v4;
	v4 =	vmul.f32 v9, v1;
	v7 =	vld [tilespmem:s0+$0x70]  }
0xb6: {  	v9 =	vld.idx.msk [tilespmem:v11+s3+$0x0], $0xffff;
	[tilespmem:s0+$0x10] =	vst v2;
	v8 =	vmul.f32 v8, v1  }
0xb7: {  	s0 =	sadd.s32 $0x100, s0;
	v2 =	vld.idx.msk [tilespmem:v10+s3+$0x0], $0xffff;
	[tilespmem:s9+$0x20] =	vst v4;
	v3 =	vmul.f32 v3, v1  }
0xb8: {  	v4 =	vld [tilespmem:s0+$0xFFFFFFF0];
	[tilespmem:s9+$0x30] =	vst v8;
	v5 =	vmul.f32 v5, v1  }
0xb9: {  	v8 =	vld [tilespmem:s0+$0xFFFFFF80];
	[tilespmem:s9+$0x40] =	vst v3;
	v3 =	vmul.f32 v6, v1  }
0xba: {  	v6 =	vld [tilespmem:s0+$0xFFFFFF90];
	[tilespmem:s9+$0x50] =	vst v5;
	v5 =	vmul.f32 v7, v1  }
0xbb: {  	v7 =	vld [tilespmem:s0+$0xFFFFFFA0];
	[tilespmem:s9+$0x60] =	vst v3  }
0xbc: {  	v1 =	vmov v9;
	v11 =	vld [tilespmem:s0+$0xFFFFFFB0];
	[tilespmem:s9+$0x70] =	vst v5;
	s9 =	smov.u32 s0  }
.Ltmp6:
0xbd: {  	v5 =	vld [tilespmem:s0+$0xFFFFFFC0];
	v9 =	vmul.f32 v4, v2;
	(pc) =	sbr.rel @p1 .LBB2_8-.Ltmp6, $4  }
0xbe: {  	v8 =	vmul.f32 v8, v2;
	v4 =	vld [tilespmem:s0+$0xFFFFFFD0]  }
0xbf: {  	v6 =	vmul.f32 v6, v2;
	v3 =	vld [tilespmem:s0+$0xFFFFFFE0];
	[tilespmem:s0+$0xFFFFFFF0] =	vst v9  }
0xc0: {  	[tilespmem:s0+$0xFFFFFF80] =	vst v8;
	v9 =	vmul.f32 v7, v2;
	v7 =	vld [tilespmem:s0+$0x0]  }
0xc1: {  	s11 =	sadd.s32 $0x2, s11;
	v10 =	vmov s10;
	[tilespmem:s0+$0xFFFFFF90] =	vst v6;
	v8 =	vmul.f32 v11, v2;
	v6 =	vld [tilespmem:s0+$0x10]  }
0xc2: {  	v11 =	vld [tilespmem:s0+$0x20]  }
0xc3: {  	v10 =	vand.u32 $0xFFFFFFFE, v10;
	v12 =	vld [tilespmem:s0+$0x30]  }
0xc4: {  	v14 =	vld [tilespmem:s0+$0x40];
	[tilespmem:s0+$0xFFFFFFA0] =	vst v9;
	v5 =	vmul.f32 v5, v2;
	v10 =	vbroadcast v10, $0x0  }
0xc5: {  	v44 =	vld [tilespmem:s0+$0x50];
	[tilespmem:s0+$0xFFFFFFB0] =	vst v8;
	v4 =	vmul.f32 v4, v2  }
0xc6: {  	v45 =	vld [tilespmem:s0+$0x60];
	s12 =	sadd.s32 $0x100, s0;
	[tilespmem:s0+$0xFFFFFFC0] =	vst v5;
	v2 =	vmul.f32 v3, v2  }
0xc7: {  	v50 =	vld [tilespmem:s12+$0xFFFFFFF0];
	v7 =	vmul.f32 v7, v1;
	[tilespmem:s0+$0xFFFFFFD0] =	vst v4  }
0xc8: {  	v51 =	vld [tilespmem:s12+$0xFFFFFF80];
	v46 =	vmul.f32 v6, v1;
	[tilespmem:s0+$0xFFFFFFE0] =	vst v2  }
0xc9: {  	v3 =	vld [tilespmem:s0+$0x70];
	[tilespmem:s0+$0x0] =	vst v7;
	v2 =	vmul.f32 v11, v1  }
0xca: {  	v49 =	vmul.f32 v12, v1;
	[tilespmem:s0+$0x10] =	vst v46;
	v48 =	vld.idx.msk [tilespmem:v10+s3+$0x0], $0xffff  }
0xcb: {  	v53 =	vld [tilespmem:s12+$0xFFFFFF90];
	[tilespmem:s9+$0x20] =	vst v2;
	v2 =	vmul.f32 v14, v1  }
0xcc: {  	s10 =	sadd.s32 $0x1, s10;
	v54 =	vld [tilespmem:s12+$0xFFFFFFA0];
	v52 =	vmul.f32 v44, v1;
	[tilespmem:s9+$0x30] =	vst v49  }
0xcd: {  	v13 =	vmov s10;
	v56 =	vld [tilespmem:s12+$0xFFFFFFD0];
	[tilespmem:s9+$0x40] =	vst v2;
	v2 =	vmul.f32 v45, v1  }
0xce: {  	[tilespmem:s9+$0x50] =	vst v52;
	v1 =	vmul.f32 v3, v1;
	v3 =	vld [tilespmem:s12+$0xFFFFFFB0]  }
0xcf: {  	[tilespmem:s9+$0x60] =	vst v2;
	v2 =	vld [tilespmem:s12+$0xFFFFFFC0];
	v55 =	vmul.f32 v50, v48  }
0xd0: {  	v57 =	vld [tilespmem:s12+$0xFFFFFFE0];
	[tilespmem:s9+$0x70] =	vst v1;
	v1 =	vmul.f32 v51, v48  }
0xd1: {  	v58 =	vld [tilespmem:s12+$0x0];
	v9 =	vmul.f32 v53, v48;
	[tilespmem:s12+$0xFFFFFFF0] =	vst v55  }
0xd2: {  	v47 =	vld.idx.msk [tilespmem:v13+s3+$0x0], $0xffff;
	[tilespmem:s12+$0xFFFFFF80] =	vst v1;
	v1 =	vmul.f32 v54, v48  }
0xd3: {  	v59 =	vld [tilespmem:s12+$0x10];
	[tilespmem:s12+$0xFFFFFF90] =	vst v9;
	v3 =	vmul.f32 v3, v48  }
0xd4: {  	[tilespmem:s12+$0xFFFFFFA0] =	vst v1;
	v1 =	vmul.f32 v2, v48;
	v2 =	vld [tilespmem:s12+$0x20]  }
0xd5: {  	v60 =	vld [tilespmem:s12+$0x30];
	[tilespmem:s12+$0xFFFFFFB0] =	vst v3;
	v3 =	vmul.f32 v56, v48  }
0xd6: {  	v61 =	vld [tilespmem:s12+$0x40];
	[tilespmem:s12+$0xFFFFFFC0] =	vst v1;
	v1 =	vmul.f32 v57, v48  }
0xd7: {  	v62 =	vld [tilespmem:s12+$0x50];
	[tilespmem:s12+$0xFFFFFFD0] =	vst v3;
	v3 =	vmul.f32 v58, v47  }
0xd8: {  	v63 =	vld [tilespmem:s12+$0x60];
	[tilespmem:s12+$0xFFFFFFE0] =	vst v1;
	v1 =	vmul.f32 v59, v47  }
0xd9: {  	[tilespmem:s12+$0x0] =	vst v3;
	v3 =	vld [tilespmem:s12+$0x70];
	v2 =	vmul.f32 v2, v47  }
0xda: {  	[tilespmem:s12+$0x10] =	vst v1;
	v1 =	vmul.f32 v60, v47  }
0xdb: {  	[tilespmem:s12+$0x20] =	vst v2;
	v2 =	vmul.f32 v61, v47  }
0xdc: {  	[tilespmem:s12+$0x30] =	vst v1;
	v1 =	vmul.f32 v62, v47  }
0xdd: {  	[tilespmem:s12+$0x40] =	vst v2;
	v2 =	vmul.f32 v63, v47  }
0xde: {  	[tilespmem:s12+$0x50] =	vst v1;
	v1 =	vmul.f32 v3, v47  }
0xdf: {  	p1 =	seq.s32 s29, $0x7;
	[tilespmem:s12+$0x60] =	vst v2  }
.Ltmp7:
0xe0: {  	s31 =	sadd.s32 $0x800, s31;
	[tilespmem:s12+$0x70] =	vst v1;
	(pc) =	sbr.rel @p1 .LBB2_11-.Ltmp7, $4  }
0xe1: {  	[spmem:s2] =	stream.indirect.scatter.add.f32 [tilespmem:s21], [sflag:$0x4], $0x80, s31, s20, $0xb8;
	[tilespmem:$0x1D800] =	vst v63  }
0xe2: {  	_ =	swait.ge [sflag:s24], $0x4000  }
0xe3: {  	[sflag:s24] =	ssyncset.done $0x0  }
0xe4: {  	[sflag:s24] =	ssyncadd.s32 $0xFFFFC000  }
0xe5: {  	s0 =	sadd.s32 $0x100, s30  }
0xe6: {  	[tilespmem:s16], [sflag:$0x1] =	stream.indirect.gather [hbm4b:s7+s20], $0x80, s0, s20, $0xb8;
	[tilespmem:$0x1D800] =	vst v63  }
.Ltmp8:
0xe7: {  	_ = 	snop;
	(pc) =	sbr.rel .LBB2_5-.Ltmp8, $4  }
0xe8: {  	_ =	swait.ge [sflag:s25], $0x4000  }
0xe9: {  	[sflag:s25] =	ssyncset.done $0x0  }
0xea: {  	s31 =	sadd.s32 $0x180, s30;
	s29 =	sadd.s32 $0x1, s29;
	[sflag:s25] =	ssyncadd.s32 $0xFFFFC000  }
0xeb: {  	[tilespmem:s21], [sflag:$0x2] =	stream.indirect.gather [hbm4b:s7+s20], $0x80, s31, s20, $0xb8;
	[tilespmem:$0x1D800] =	vst v63  }
.LBB2_13:
0xec: {  	_ =	sfence.sel $0x180000  }
0xed: {  	[bflag:$0x0] =	sbarrier.arrive $0xFFFF  }
0xee: {  	_ =	strace $0x9000004A  }
0xef: {  	s0 =	stileid.u32;
	[bflag:$0x2] =	sbarrier.arrive $0xFFFF  }
0xf0: {  	p0 =	sne.s32 s0, $0x0;
	s0 =	rddreg [dreg:$0x3]  }
0xf1: {  	s0 =	sadd.s32 @!p0 $0x100000, s0  }
0xf2: {  	[sflag:s0] =	ssyncadd.tile.s32 @!p0 $0x1;
	_ =	shalt  }
.Lfunc_end2:
_tile_overlayer_lowered:
.L_overlay_start_2:
0xf3: {  	(tag) =	ssettag $0x2  }
0xf4: {  	s0 =	rddreg [dreg:$0x0];
	s2 =	stileid.u32  }
0xf5: {  	s1 =	rddreg [dreg:$0x1];
	p0 =	sne.s32 s2, $0x0  }
0xf6: {  	s3 =	rddreg [dreg:$0x2];
	[bflag:$0x3] =	sbarrier.arrive $0xFFFF;
	s2 =	simm.s32 @!p0 $0x1C05  }
0xf7: {  	[timem:s3], [sflag:s2] =	dma.local @!p0 [hbm:s0], s1  }
0xf8: {  	s0 =	simm.s32 @!p0 $0x5  }
0xf9: {  	_ =	swait.ge @!p0 [sflag:s0], s1  }
0xfa: {  	s1 =	ssub.s32 @!p0 $0x0, s1;
	[sflag:s0] =	ssyncset.done @!p0 $0x0  }
0xfb: {  	[sflag:s0] =	ssyncadd.s32 @!p0 s1  }
0xfc: {  	[bflag:$0x3] =	sbarrier.arrive $0xFFFF  }
0xfd: {  	_ =	shalt  }

// kernel: kernel.14.cloned.1.call-start
scs
__scs_entry_jumppad:
0x0: {  	(pc) =	sbr.rel $0x88, $3  }
0x1: {  	(tag) =	ssettag $0x0;
	lr =	simm.s32 $0x1  }
0x2: {  	[smem:$0x3F9A] =	sst lr;
	_ =	strace $0xD0000000  }
0x3: {  	_ = 	snop  }
0x4: {  	_ = 	snop  }
0x5: {  	_ = 	snop  }
0x6: {  	_ = 	snop  }
0x7: {  	_ = 	snop  }
__scs_overlays_trampoline_lowered:
0x8: {  	[smem:$0x3FA9] =	sst s0  }
0x9: {  	[smem:$0x3FAA] =	sst s1  }
0xa: {  	[smem:$0x3FAB] =	sst s2  }
0xb: {  	[smem:$0x3FAC] =	sst s3  }
0xc: {  	[smem:$0x3FAD] =	sst s4  }
0xd: {  	[smem:$0x3FAE] =	sst s5  }
0xe: {  	[smem:$0x3FAF] =	sst s6  }
0xf: {  	[smem:$0x3FB0] =	sst s7  }
0x10: {  	[smem:$0x3FB1] =	sst s8  }
0x11: {  	[smem:$0x3FB2] =	sst s9;
	s0 =	simm.s32 @!p0 $0x0  }
0x12: {  	s1 =	sld [smem:$0x3F98];
	s0 =	simm.s32 @p0 $0x1  }
0x13: {  	[smem:$0x3FB3] =	sst s0;
	s0 =	simm.s32 @!p1 $0x0  }
0x14: {  	s2 =	sld [smem:$0x3F97];
	s0 =	simm.s32 @p1 $0x1  }
0x15: {  	[smem:$0x3FB4] =	sst s0;
	s0 =	simm.s32 @!p2 $0x0  }
0x16: {  	s3 =	sld [smem:$0x3FDB];
	s0 =	simm.s32 @p2 $0x1  }
0x17: {  	s4 =	simm.s32 $0x1BF5;
	[smem:$0x3FB6] =	sst s0  }
0x18: {  	s0 =	sld [smem:$0x3F99];
	_ =	swait.ge [sflag:s4], $0x0  }
0x19: {  	s7 =	sld [smem:$0x3F9A]  }
0x1a: {  	s8 =	sadd.s32 $0xFFFFE003, lr  }
0x1b: {  	s9 =	sadd.s32 $0xFFFFFEF7, lr;
	s5 =	simm.s32 $0xFFFFFFFF;
	p2 =	slt.u32 s8, $0xFFFFF086  }
0x1c: {  	p1 =	slt.u32 s9, $0xF7A;
	s5 =	simm.s32 @!p2 $0x0  }
0x1d: {  	s5 =	simm.s32 @p1 $0x1;
	p0 =	seq.s32 s7, s2  }
0x1e: {  	s7 =	smul.u32 @!p0 $0xF7A, s2;
	p2 =	seq.s32 @!p0 s5, $0x0  }
0x1f: {  	s9 =	smul.u32 $0xF7A, s1;
	s8 =	simm.s32 @!p0 $0x1BF5;
	p2 =	por !p2, p0  }
0x20: {  	[sflag:s8] =	ssyncset.s32 @!p0 $0xFFFFF086;
	s6 =	sadd.s32 @!p0 s3, s7;
	s7 =	simm.s32 @!p0 $0x108  }
0x21: {  	s3 =	sadd.s32 s3, s9;
	s6 =	sadd.s32 @!p0 $0x88, s6;
	s7 =	simm.s32 @p2 $0x1082  }
0x22: {  	[simem:s7], [sflag:s8] =	dma.local @!p0 [hbm:s6], $0xF7A  }
0x23: {  	s9 =	sor.u32 $0xD0000000, s2;
	s6 =	simm.s32 $0x108;
	_ =	swait.ge @!p0 [sflag:s8], $0x0  }
0x24: {  	s3 =	sadd.s32 $0x88, s3;
	s6 =	simm.s32 @!p1 $0x1082;
	[sflag:s4] =	ssyncset.s32 $0xFFFFF086  }
0x25: {  	[simem:s6], [sflag:s4] =	dma.local [hbm:s3], $0xF7A  }
0x26: {  	[smem:$0x3F9A] =	sst s1;
	(tag) =	ssettag s2;
	_ =	strace s9  }
0x27: {  	s1 =	sld [smem:$0x3FAA]  }
0x28: {  	s2 =	sld [smem:$0x3FAB]  }
0x29: {  	s4 =	sld [smem:$0x3FAD]  }
0x2a: {  	p0 =	seq.s32 s5, $0x0;
	s5 =	sld [smem:$0x3FAE]  }
0x2b: {  	s6 =	sld [smem:$0x3FAF]  }
0x2c: {  	s7 =	sld [smem:$0x3FB0]  }
0x2d: {  	s3 =	simm.s32 $0x108;
	s8 =	sld [smem:$0x3FB1]  }
0x2e: {  	s3 =	simm.s32 @!p0 $0x1082;
	s9 =	sld [smem:$0x3FB2]  }
0x2f: {  	lr =	sadd.s32 s0, s3;
	s0 =	sld [smem:$0x3FA9]  }
0x30: {  	s3 =	sld [smem:$0x3FAC]  }
0x31: {  	[smem:$0x3FB5] =	sst s10  }
0x32: {  	s10 =	sld [smem:$0x3FB3];
	_ =	sdelay $0x3  }
0x33: {  	p0 =	seq.s32 s10, $0x1;
	s10 =	sld [smem:$0x3FB5];
	_ =	sdelay $0x3  }
0x34: {  	[smem:$0x3FB5] =	sst s10  }
0x35: {  	s10 =	sld [smem:$0x3FB4];
	_ =	sdelay $0x3  }
0x36: {  	p1 =	seq.s32 s10, $0x1;
	s10 =	sld [smem:$0x3FB5];
	_ =	sdelay $0x3  }
0x37: {  	[smem:$0x3FB5] =	sst s10  }
0x38: {  	s10 =	sld [smem:$0x3FB6]  }
0x39: {  	_ = 	snop;
	(pc) =	sbr.ind lr, $3  }
0x3a: {  	_ = 	snop  }
0x3b: {  	_ = 	snop  }
0x3c: {  	p2 =	seq.s32 s10, $0x1;
	s10 =	sld [smem:$0x3FB5]  }
0x3d: {  	_ =	shalt  }
0x3e: {  	_ =	shalt  }
0x3f: {  	_ =	shalt  }
0x40: {  	_ =	shalt  }
0x41: {  	_ =	shalt  }
0x42: {  	_ =	shalt  }
0x43: {  	_ =	shalt  }
0x44: {  	_ =	shalt  }
0x45: {  	_ =	shalt  }
0x46: {  	_ =	shalt  }
0x47: {  	_ =	shalt  }
0x48: {  	_ =	shalt  }
0x49: {  	_ =	shalt  }
0x4a: {  	_ =	shalt  }
0x4b: {  	_ =	shalt  }
0x4c: {  	_ =	shalt  }
0x4d: {  	_ =	shalt  }
0x4e: {  	_ =	shalt  }
0x4f: {  	_ =	shalt  }
0x50: {  	_ =	shalt  }
0x51: {  	_ =	shalt  }
0x52: {  	_ =	shalt  }
0x53: {  	_ =	shalt  }
0x54: {  	_ =	shalt  }
0x55: {  	_ =	shalt  }
0x56: {  	_ =	shalt  }
0x57: {  	_ =	shalt  }
0x58: {  	_ =	shalt  }
0x59: {  	_ =	shalt  }
0x5a: {  	_ =	shalt  }
0x5b: {  	_ =	shalt  }
0x5c: {  	_ =	shalt  }
0x5d: {  	_ =	shalt  }
0x5e: {  	_ =	shalt  }
0x5f: {  	_ =	shalt  }
0x60: {  	_ =	shalt  }
0x61: {  	_ =	shalt  }
0x62: {  	_ =	shalt  }
0x63: {  	_ =	shalt  }
0x64: {  	_ =	shalt  }
0x65: {  	_ =	shalt  }
0x66: {  	_ =	shalt  }
0x67: {  	_ =	shalt  }
0x68: {  	_ =	shalt  }
0x69: {  	_ =	shalt  }
0x6a: {  	_ =	shalt  }
0x6b: {  	_ =	shalt  }
0x6c: {  	_ =	shalt  }
0x6d: {  	_ =	shalt  }
0x6e: {  	_ =	shalt  }
0x6f: {  	_ =	shalt  }
0x70: {  	_ =	shalt  }
0x71: {  	_ =	shalt  }
0x72: {  	_ =	shalt  }
0x73: {  	_ =	shalt  }
0x74: {  	_ =	shalt  }
0x75: {  	_ =	shalt  }
0x76: {  	_ =	shalt  }
0x77: {  	_ =	shalt  }
0x78: {  	_ =	shalt  }
0x79: {  	_ =	shalt  }
0x7a: {  	_ =	shalt  }
0x7b: {  	_ =	shalt  }
0x7c: {  	_ =	shalt  }
0x7d: {  	_ =	shalt  }
0x7e: {  	_ =	shalt  }
0x7f: {  	_ =	shalt  }
0x80: {  	_ =	shalt  }
0x81: {  	_ =	shalt  }
0x82: {  	_ =	shalt  }
0x83: {  	_ =	shalt  }
0x84: {  	_ =	shalt  }
0x85: {  	_ =	shalt  }
0x86: {  	_ =	shalt  }
0x87: {  	_ =	shalt  }
.Lfunc_end0:
.L_simem_size_0:
called_computation.2_lowered:
.L_overlay_start_0:
0x88: {  	s2 =	sld [smem:$0x3FD9]  }
0x89: {  	s3 =	sld [smem:$0x3FFE];
	_ =	sdelay $0x1  }
0x8a: {  	s1 =	srdreg.scid  }
0x8b: {  	s0 =	sand.u32 $0x1, s1  }
0x8c: {  	s17 =	sshll.u32 s0, $0xA;
	s2 =	sadd.s32 s3, s2  }
0x8d: {  	s2 =	sadd.s32 s2, s17  }
0x8e: {  	[smem:$0x3FC1] =	sst s2  }
0x8f: {  	_ = 	snop  }
0x90: {  	s2 =	sld [smem:$0x3FD0];
	(tm) =	ssettm $0x1  }
0x91: {  	s18 =	sld [smem:$0x3FFB];
	_ =	sdelay $0x3  }
0x92: {  	_ =	strace s18  }
0x93: {  	s3 =	sld [smem:$0x3FFC];
	_ =	sdelay $0x3  }
0x94: {  	_ =	strace s3  }
0x95: {  	s3 =	sld [smem:$0x3FFD];
	_ =	sdelay $0x3  }
0x96: {  	_ =	strace s3  }
0x97: {  	_ =	strace $0x8FFFFFFF  }
0x98: {  	s19 =	sld [smem:$0x3FDB];
	_ =	sdelay $0x1  }
0x99: {  	s4 =	simm.s32 $_scs_section_size  }
0x9a: {  	s5 =	simm.s32 $_size__tile_overlayer_lowered;
	s6 =	simm.s32 $_tile_overlayer_lowered  }
0x9b: {  	s22 =	simm.s32 $0x1BFF;
	s21 =	sshll.u32 s6, $0x1;
	s3 =	sadd.s32 s4, s19  }
0x9c: {  	s7 =	simm.s32 $0x0;
	s20 =	sshll.u32 s5, $0x1;
	s5 =	sadd.s32 s21, s3  }
0x9d: {  	[timem:s7], [sflag:s22] =	dma.local [hbm:s5], s20  }
0x9e: {  	_ =	swait.ge [sflag:s22], s20  }
0x9f: {  	s4 =	ssub.s32 $0x0, s20;
	[sflag:s22] =	ssyncset.done $0x0  }
0xa0: {  	[sflag:s22] =	ssyncadd.s32 s4;
	_ =	sdelay $0x1  }
0xa1: {  	s23 =	simm.s32 $0x1B8B  }
0xa2: {  	_ =	swait.ge [sflag:s23], $0x1  }
0xa3: {  	[sflag:s23] =	ssyncset.done $0x0  }
0xa4: {  	s25 =	simm.s32 $0x1B8E;
	s24 =	sld [smem:$0x3FFE];
	[sflag:s23] =	ssyncadd.s32 $0xFFFFFFFF  }
0xa5: {  	s26 =	simm.s32 $execute0_lowered;
	[smem:$0x3FD2] =	sst s25  }
0xa6: {  	s5 =	sshll.u32 s26, $0x1;
	_ =	strace $0x8000004C;
	[dreg:$0x1] =	wrdreg $0xFFFFFFFF  }
0xa7: {  	s28 =	simm.s32 $_size_execute0_lowered;
	s3 =	sadd.s32 s3, s5;
	[dreg:$0x0] =	wrdreg $0x0  }
0xa8: {  	s5 =	sshll.u32 s28, $0x1;
	[dreg:$0x2] =	wrdreg s3  }
0xa9: {  	[dreg:$0x3] =	wrdreg s5  }
0xaa: {  	[dreg:$0x4] =	wrdreg $0xC0  }
0xab: {  	_ =	task [dreg:s7], $0x5FFFF  }
0xac: {  	[dreg:$0x1] =	wrdreg $0xFFFFFFFF  }
0xad: {  	[dreg:$0x0] =	wrdreg $0x60  }
0xae: {  	[dreg:$0x2] =	wrdreg s2  }
0xaf: {  	[dreg:$0x3] =	wrdreg s24  }
0xb0: {  	[dreg:$0x4] =	wrdreg $0x98000  }
0xb1: {  	[dreg:$0x5] =	wrdreg $0x9  }
0xb2: {  	_ =	task.clear_ibuf [dreg:s7], $0x6FFFF;
	_ =	strace $0x9000004C  }
0xb3: {  	s29 =	simm.s32 $0x9;
	_ =	strace $0x8000004E  }
0xb4: {  	_ =	swait.ge [sflag:s29], $0x1  }
0xb5: {  	[sflag:s29] =	ssyncadd.s32 $0xFFFFFFFF  }
0xb6: {  	_ =	strace $0x9000004E  }
0xb7: {  	_ =	sfence  }
0xb8: {  	s30 =	sld [smem:$0x0];
	_ =	sdelay $0x2  }
0xb9: {  	s31 =	sshll.u32 s1, $0xD;
	s1 =	sshrl.u32 s1, $0x2  }
0xba: {  	s3 =	sand.u32 $0x4000, s31;
	s1 =	sadd.s32 s1, s30  }
0xbb: {  	s0 =	sor.u32 s3, s0;
	s1 =	sshll.u32 s1, $0x11  }
0xbc: {  	s0 =	sor.u32 s1, s0  }
0xbd: {  	s0 =	sadd.s32 $0x8F2B, s0  }
0xbe: {  	[sflag:s0] =	ssyncadd.remote.s32 $0x1  }
0xbf: {  	_ =	sfence.sel $0xFFFF  }
0xc0: {  	[dreg:$0x0] =	wrdreg $0xFFFFFFFF;
	(pc) =	sbr.abs _section_cstart, $3  }
0xc1: {  	[dreg:$0x1] =	wrdreg $0xFFFFFFFF  }
0xc2: {  	_ =	task.clear_ibuf [dreg:s7], $0x2FFFF;
	_ =	strace $0x9FFFFFFF  }
0xc3: {  	(tm) =	ssettm $0x7FFFFFFF  }
tec
execute0_lowered:
.L_overlay_start_1:
0x0: {  	(tag) =	ssettag $0x1  }
0x1: {  	s1 =	rddreg [dreg:$0x0]  }
0x2: {  	s0 =	rddreg [dreg:$0x1]  }
0x3: {  	s2 =	rddreg [dreg:$0x2];
	s3 =	srdreg.scid  }
0x4: {  	s4 =	simm.s32 $0x0;
	s12 =	stileid.u32;
	s16 =	simm.s32 $0x1800  }
0x5: {  	s17 =	simm.s32 $0x5;
	s18 =	simm.s32 $0x800;
	s19 =	simm.s32 $0x1000  }
0x6: {  	s20 =	simm.s32 $0x80;
	s21 =	simm.s32 $0x5800;
	s22 =	simm.s32 $0x1  }
0x7: {  	s23 =	simm.s32 $0x2;
	s24 =	simm.s32 $0x3;
	s3 =	sand.u32 $0x1, s3  }
0x8: {  	[smem:$0x7FF] =	sst s4;
	s8 =	smul.u32 $0x14000, s12;
	s5 =	sadd.s32 $0x3200, s0  }
0x9: {  	s6 =	sadd.s32 $0x17200, s0;
	s10 =	smul.u32 $0x50000, s12;
	s26 =	sshll.u32 s12, $0x4  }
0xa: {  	s7 =	smul.u32 $0x140000, s3;
	_ =	strace $0x8000004D;
	s9 =	ssub.s32 $0x2, s3  }
0xb: {  	p0 =	seq.s32 s3, $0x0;
	s11 =	sshrl.u32 s9, $0x1;
	s25 =	sshrl.u32 s10, $0x2  }
0xc: {  	s10 =	smul.u32 $0x90, s12;
	s8 =	sadd.s32 s8, s7;
	s7 =	sadd.s32 $0x71200, s0  }
0xd: {  	s9 =	ssub.s32 s9, s11;
	s11 =	sor.u32 $0x900, s26;
	s8 =	sshrl.u32 s8, $0x3  }
0xe: {  	s26 =	simm.s32 $0x0;
	s0 =	sadd.s32 s8, s0;
	s8 =	sadd.s32 s25, s2  }
.Ltmp0:
0xf: {  	s11 =	smov.u32 @p0 s10;
	s28 =	sadd.s32 $0x4000, s8;
	(pc) =	sbr.rel .LBB2_1-.Ltmp0, $4  }
0x10: {  	s15 =	smax.u32 s9, $0x1;
	s29 =	sadd.s32 $0x8000, s8;
	[dreg:$0x4] =	wrdreg s28  }
0x11: {  	p0 =	sne.s32 s3, $0x0;
	s30 =	sadd.s32 $0xC000, s8;
	[dreg:$0x5] =	wrdreg s29  }
0x12: {  	s13 =	sshll.u32 s11, $0x7;
	s31 =	sadd.s32 $0x10000, s8;
	[dreg:$0x6] =	wrdreg s30  }
0x13: {  	v0 =	vimm.f32 $0.0e+00;
	s25 =	simm.s32 $0x4;
	s14 =	sadd.s32 $0x99200, s0;
	[dreg:$0x7] =	wrdreg s31  }
.LBB2_12:
0x14: {  	s0 =	stileid.u32;
	s4 =	sadd.s32 $0x1, s4  }
0x15: {  	[bflag:$0x0] =	sbarrier.arrive $0xFFFF;
	s0 =	sshll.u32 s0, $0x6;
	p1 =	sne.s32 s4, s15  }
.Ltmp1:
0x16: {  	s3 =	sshrl.u32 s8, $0x3;
	s0 =	sor.u32 $0x1C05, s0;
	(pc) =	sbr.rel @!p1 .LBB2_13-.Ltmp1, $4  }
0x17: {  	[hbm:s14], [sflag:s0] =	dma.local [spmem:s3], $0x2800  }
0x18: {  	_ =	swait.ge [sflag:s17], $0x2800  }
0x19: {  	[sflag:s17] =	ssyncset.done $0x0  }
0x1a: {  	[sflag:s17] =	ssyncadd.s32 $0xFFFFD800  }
.LBB2_1:
0x1b: {  	s0 =	simm.s32 $0x0;
	s3 =	simm.s32 $0x200  }
.LBB2_2:
0x1c: {  	p1 =	sne.s32 s3, $0xFE00;
	[tilespmem:s0+$0x1870] =	vst v0  }
0x1d: {  	[tilespmem:s0+$0x1800] =	vst v0  }
0x1e: {  	[tilespmem:s0+$0x1810] =	vst v0  }
.Ltmp2:
0x1f: {  	[tilespmem:s0+$0x1820] =	vst v0;
	(pc) =	sbr.rel @p1 .LBB2_2-.Ltmp2, $4  }
0x20: {  	[tilespmem:s0+$0x1830] =	vst v0  }
0x21: {  	[tilespmem:s0+$0x1840] =	vst v0  }
0x22: {  	[tilespmem:s0+$0x1850] =	vst v0  }
0x23: {  	[tilespmem:s0+$0x1860] =	vst v0;
	s0 =	sshra.s32 s3, $0x2;
	s3 =	sadd.s32 $0x200, s3  }
0x24: {  	[tilespmem:s0+$0x1870] =	vst v0  }
0x25: {  	[tilespmem:s0+$0x1800] =	vst v0  }
0x26: {  	[tilespmem:s0+$0x1810] =	vst v0  }
0x27: {  	[tilespmem:s0+$0x1820] =	vst v0  }
0x28: {  	[tilespmem:s0+$0x1830] =	vst v0  }
0x29: {  	[tilespmem:s0+$0x1840] =	vst v0  }
0x2a: {  	[tilespmem:s0+$0x1850] =	vst v0  }
0x2b: {  	[tilespmem:s0+$0x1860] =	vst v0  }
0x2c: {  	[spmem:s8] =	stream.linear.scatter [tilespmem:s16], [sflag:$0x5], $0x4000, $0x38;
	[tilespmem:$0x1D800] =	vst v63  }
0x2d: {  	_ =	swait.ge [sflag:s17], $0x4000  }
0x2e: {  	[sflag:s17] =	ssyncset.done $0x0  }
0x2f: {  	s12 =	rddreg [dreg:$0x4];
	[sflag:s17] =	ssyncadd.s32 $0xFFFFC000  }
0x30: {  	[spmem:s12] =	stream.linear.scatter [tilespmem:s16], [sflag:$0x5], $0x4000, $0x38;
	[tilespmem:$0x1D800] =	vst v63  }
0x31: {  	_ =	swait.ge [sflag:s17], $0x4000  }
0x32: {  	[sflag:s17] =	ssyncset.done $0x0  }
0x33: {  	s29 =	rddreg [dreg:$0x5];
	[sflag:s17] =	ssyncadd.s32 $0xFFFFC000  }
0x34: {  	[spmem:s29] =	stream.linear.scatter [tilespmem:s16], [sflag:$0x5], $0x4000, $0x38;
	[tilespmem:$0x1D800] =	vst v63  }
0x35: {  	_ =	swait.ge [sflag:s17], $0x4000  }
0x36: {  	[sflag:s17] =	ssyncset.done $0x0  }
0x37: {  	s30 =	rddreg [dreg:$0x6];
	[sflag:s17] =	ssyncadd.s32 $0xFFFFC000  }
0x38: {  	[spmem:s30] =	stream.linear.scatter [tilespmem:s16], [sflag:$0x5], $0x4000, $0x38;
	[tilespmem:$0x1D800] =	vst v63  }
0x39: {  	_ =	swait.ge [sflag:s17], $0x4000  }
0x3a: {  	[sflag:s17] =	ssyncset.done $0x0  }
0x3b: {  	s31 =	rddreg [dreg:$0x7];
	[sflag:s17] =	ssyncadd.s32 $0xFFFFC000  }
0x3c: {  	[spmem:s31] =	stream.linear.scatter [tilespmem:s16], [sflag:$0x5], $0x4000, $0x38;
	[tilespmem:$0x1D800] =	vst v63  }
.Ltmp3:
0x3d: {  	_ =	swait.ge [sflag:s17], $0x4000;
	(pc) =	sbr.rel .LBB2_4-.Ltmp3, $4  }
0x3e: {  	[sflag:s17] =	ssyncset.done $0x0  }
0x3f: {  	[sflag:s17] =	ssyncadd.s32 $0xFFFFC000  }
0x40: {  	[bflag:$0x0] =	sbarrier.arrive $0xFFFF  }
0x41: {  	s28 =	simm.s32 $0x0  }
.LBB2_11:
0x42: {  	p1 =	slt.u32 @!p0 s28, $0x8  }
0x43: {  	p1 =	por p0, !p1  }
.Ltmp4:
0x44: {  	_ = 	snop;
	(pc) =	sbr.rel @p1 .LBB2_12-.Ltmp4, $4  }
0x45: {  	_ = 	snop  }
0x46: {  	_ =	swait.ge [sflag:s25], $0x4000  }
0x47: {  	[sflag:s25] =	ssyncset.done $0x0  }
0x48: {  	s28 =	sadd.s32 $0x1, s28;
	[sflag:s25] =	ssyncadd.s32 $0xFFFFC000  }
.LBB2_4:
0x49: {  	s0 =	sshll.u32 s28, $0xB  }
0x4a: {  	s0 =	sadd.s32 s13, s0  }
0x4b: {  	s0 =	sshrl.u32 s0, $0x3  }
0x4c: {  	s3 =	sadd.s32 s1, s0  }
0x4d: {  	[tilespmem:s26], [sflag:$0x5] =	stream.linear.gather [hbm4b:s3+s26], $0x800, $0x38;
	[tilespmem:$0x1D800] =	vst v63  }
0x4e: {  	_ =	swait.ge [sflag:s17], $0x800  }
0x4f: {  	[sflag:s17] =	ssyncset.done $0x0  }
0x50: {  	s31 =	sadd.s32 s5, s0;
	[sflag:s17] =	ssyncadd.s32 $0xFFFFF800  }
0x51: {  	[tilespmem:s18], [sflag:$0x5] =	stream.linear.gather [hbm4b:s31+s26], $0x800, $0x38;
	[tilespmem:$0x1D800] =	vst v63  }
0x52: {  	_ =	swait.ge [sflag:s17], $0x800  }
0x53: {  	[sflag:s17] =	ssyncset.done $0x0  }
0x54: {  	s0 =	sadd.s32 s6, s0;
	[sflag:s17] =	ssyncadd.s32 $0xFFFFF800  }
0x55: {  	[tilespmem:s19], [sflag:$0x5] =	stream.linear.gather [hbm4b:s0+s26], $0x800, $0x38;
	[tilespmem:$0x1D800] =	vst v63  }
0x56: {  	_ =	swait.ge [sflag:s17], $0x800  }
0x57: {  	[sflag:s17] =	ssyncset.done $0x0  }
0x58: {  	[sflag:s17] =	ssyncadd.s32 $0xFFFFF800  }
0x59: {  	[tilespmem:s16], [sflag:$0x1] =	stream.indirect.gather [hbm4b:s7+s20], $0x80, s26, s20, $0xb8;
	[tilespmem:$0x1D800] =	vst v63  }
0x5a: {  	s29 =	simm.s32 $0x0  }
0x5b: {  	[tilespmem:s21], [sflag:$0x2] =	stream.indirect.gather [hbm4b:s7+s20], $0x80, s20, s20, $0xb8;
	[tilespmem:$0x1D800] =	vst v63  }
.LBB2_5:
0x5c: {  	s0 =	simm.s32 $0x0  }
0x5d: {  	v1 =	vmov s0  }
0x5e: {  	v1 =	vand.u32 $0xFFFFFFFE, v1  }
0x5f: {  	v1 =	vbroadcast v1, $0x0;
	_ =	sdelay $0x1  }
0x60: {  	_ =	swait.ge [sflag:s22], $0x4000  }
0x61: {  	s31 =	sshll.u32 s29, $0xA;
	[sflag:s22] =	ssyncset.done $0x0  }
0x62: {  	s30 =	sshra.s32 s31, $0x2;
	s0 =	simm.s32 $0x1880;
	[sflag:s22] =	ssyncadd.s32 $0xFFFFC000  }
0x63: {  	s3 =	sadd.s32 $0x1000, s30;
	v3 =	vld [tilespmem:s0+$0xFFFFFF80]  }
0x64: {  	v2 =	vld.idx.msk [tilespmem:v1+s3+$0x0], $0xffff  }
0x65: {  	v1 =	vld [tilespmem:s0+$0xFFFFFFF0]  }
0x66: {  	s9 =	simm.s32 $0x1;
	v6 =	vld [tilespmem:s0+$0xFFFFFF90]  }
0x67: {  	v7 =	vmov s9;
	v8 =	vld [tilespmem:s0+$0xFFFFFFA0]  }
0x68: {  	v11 =	vld [tilespmem:s0+$0xFFFFFFB0]  }
0x69: {  	v5 =	vld [tilespmem:s0+$0xFFFFFFC0]  }
0x6a: {  	v4 =	vld [tilespmem:s0+$0xFFFFFFD0];
	v9 =	vmul.f32 v1, v2  }
0x6b: {  	v10 =	vmul.f32 v3, v2;
	v3 =	vld [tilespmem:s0+$0xFFFFFFE0]  }
0x6c: {  	v1 =	vld.idx.msk [tilespmem:v7+s3+$0x0], $0xffff;
	v6 =	vmul.f32 v6, v2;
	[tilespmem:s0+$0xFFFFFFF0] =	vst v9  }
0x6d: {  	s10 =	simm.s32 $0x2;
	v7 =	vld [tilespmem:s0+$0x0];
	[tilespmem:s0+$0xFFFFFF80] =	vst v10;
	v9 =	vmul.f32 v8, v2  }
0x6e: {  	s11 =	simm.s32 $0x4;
	s9 =	simm.s32 $0x1880;
	v10 =	vmov s10;
	[tilespmem:s0+$0xFFFFFF90] =	vst v6;
	v8 =	vmul.f32 v11, v2;
	v6 =	vld [tilespmem:s0+$0x10]  }
.LBB2_6:
0x6f: {  	p1 =	slt.u32 s11, $0x7E;
	v10 =	vand.u32 $0xFFFFFFFE, v10;
	s12 =	sadd.s32 $0x1, s10;
	[tilespmem:s0+$0xFFFFFFA0] =	vst v9;
	v5 =	vmul.f32 v5, v2;
	v9 =	vld [tilespmem:s0+$0x20];
	s10 =	smov.u32 s11  }
0x70: {  	v10 =	vbroadcast v10, $0x0;
	v11 =	vmov s12;
	[tilespmem:s0+$0xFFFFFFB0] =	vst v8;
	v4 =	vmul.f32 v4, v2;
	v8 =	vld [tilespmem:s0+$0x30]  }
0x71: {  	[tilespmem:s0+$0xFFFFFFC0] =	vst v5;
	v2 =	vmul.f32 v3, v2;
	v3 =	vld [tilespmem:s0+$0x40]  }
0x72: {  	[tilespmem:s0+$0xFFFFFFD0] =	vst v4;
	v4 =	vmul.f32 v7, v1;
	v5 =	vld [tilespmem:s0+$0x50]  }
0x73: {  	[tilespmem:s0+$0xFFFFFFE0] =	vst v2;
	v2 =	vmul.f32 v6, v1;
	v6 =	vld [tilespmem:s0+$0x60]  }
0x74: {  	[tilespmem:s0+$0x0] =	vst v4;
	v4 =	vmul.f32 v9, v1;
	v7 =	vld [tilespmem:s0+$0x70]  }
0x75: {  	v9 =	vld.idx.msk [tilespmem:v11+s3+$0x0], $0xffff;
	[tilespmem:s0+$0x10] =	vst v2;
	v8 =	vmul.f32 v8, v1  }
0x76: {  	s0 =	sadd.s32 $0x100, s0;
	v2 =	vld.idx.msk [tilespmem:v10+s3+$0x0], $0xffff;
	[tilespmem:s9+$0x20] =	vst v4;
	v3 =	vmul.f32 v3, v1  }
0x77: {  	v4 =	vld [tilespmem:s0+$0xFFFFFFF0];
	[tilespmem:s9+$0x30] =	vst v8;
	v5 =	vmul.f32 v5, v1  }
0x78: {  	v8 =	vld [tilespmem:s0+$0xFFFFFF80];
	[tilespmem:s9+$0x40] =	vst v3;
	v3 =	vmul.f32 v6, v1  }
0x79: {  	v6 =	vld [tilespmem:s0+$0xFFFFFF90];
	[tilespmem:s9+$0x50] =	vst v5;
	v5 =	vmul.f32 v7, v1  }
0x7a: {  	v7 =	vld [tilespmem:s0+$0xFFFFFFA0];
	[tilespmem:s9+$0x60] =	vst v3  }
0x7b: {  	v1 =	vmov v9;
	v11 =	vld [tilespmem:s0+$0xFFFFFFB0];
	[tilespmem:s9+$0x70] =	vst v5;
	s9 =	smov.u32 s0  }
.Ltmp5:
0x7c: {  	v5 =	vld [tilespmem:s0+$0xFFFFFFC0];
	v9 =	vmul.f32 v4, v2;
	(pc) =	sbr.rel @p1 .LBB2_6-.Ltmp5, $4  }
0x7d: {  	v8 =	vmul.f32 v8, v2;
	v4 =	vld [tilespmem:s0+$0xFFFFFFD0]  }
0x7e: {  	v6 =	vmul.f32 v6, v2;
	v3 =	vld [tilespmem:s0+$0xFFFFFFE0];
	[tilespmem:s0+$0xFFFFFFF0] =	vst v9  }
0x7f: {  	[tilespmem:s0+$0xFFFFFF80] =	vst v8;
	v9 =	vmul.f32 v7, v2;
	v7 =	vld [tilespmem:s0+$0x0]  }
0x80: {  	s11 =	sadd.s32 $0x2, s11;
	v10 =	vmov s10;
	[tilespmem:s0+$0xFFFFFF90] =	vst v6;
	v8 =	vmul.f32 v11, v2;
	v6 =	vld [tilespmem:s0+$0x10]  }
0x81: {  	v11 =	vld [tilespmem:s0+$0x20]  }
0x82: {  	v10 =	vand.u32 $0xFFFFFFFE, v10;
	s10 =	sadd.s32 $0x1, s10;
	v12 =	vld [tilespmem:s0+$0x30]  }
0x83: {  	v14 =	vld [tilespmem:s0+$0x40];
	[tilespmem:s0+$0xFFFFFFA0] =	vst v9;
	v5 =	vmul.f32 v5, v2;
	v10 =	vbroadcast v10, $0x0;
	v13 =	vmov s10  }
0x84: {  	v9 =	vld [tilespmem:s0+$0x50];
	[tilespmem:s0+$0xFFFFFFB0] =	vst v8;
	v4 =	vmul.f32 v4, v2  }
0x85: {  	v8 =	vld [tilespmem:s0+$0x60];
	[tilespmem:s0+$0xFFFFFFC0] =	vst v5;
	v7 =	vmul.f32 v7, v1  }
0x86: {  	s12 =	sadd.s32 $0x100, s0;
	v2 =	vmul.f32 v3, v2;
	v3 =	vld [tilespmem:s0+$0x70];
	[tilespmem:s0+$0xFFFFFFD0] =	vst v4  }
0x87: {  	v4 =	vmul.f32 v6, v1;
	[tilespmem:s0+$0x0] =	vst v7;
	v7 =	vld [tilespmem:s12+$0xFFFFFFF0]  }
0x88: {  	[tilespmem:s0+$0xFFFFFFE0] =	vst v2;
	v2 =	vmul.f32 v11, v1;
	v5 =	vld.idx.msk [tilespmem:v13+s3+$0x0], $0xffff  }
0x89: {  	[tilespmem:s0+$0x10] =	vst v4;
	v4 =	vmul.f32 v12, v1;
	v6 =	vld.idx.msk [tilespmem:v10+s3+$0x0], $0xffff  }
0x8a: {  	[tilespmem:s9+$0x20] =	vst v2;
	v2 =	vmul.f32 v14, v1;
	v10 =	vld [tilespmem:s12+$0xFFFFFF80]  }
0x8b: {  	[tilespmem:s9+$0x30] =	vst v4;
	v4 =	vmul.f32 v9, v1;
	v9 =	vld [tilespmem:s12+$0xFFFFFF90]  }
0x8c: {  	[tilespmem:s9+$0x40] =	vst v2;
	v2 =	vmul.f32 v8, v1;
	v8 =	vld [tilespmem:s12+$0xFFFFFFA0]  }
0x8d: {  	v1 =	vmul.f32 v3, v1;
	v3 =	vld [tilespmem:s12+$0xFFFFFFB0];
	[tilespmem:s9+$0x50] =	vst v4  }
0x8e: {  	[tilespmem:s9+$0x60] =	vst v2;
	v2 =	vld [tilespmem:s12+$0xFFFFFFC0];
	v4 =	vmul.f32 v7, v6  }
0x8f: {  	[tilespmem:s9+$0x70] =	vst v1;
	v1 =	vmul.f32 v10, v6;
	v7 =	vld [tilespmem:s12+$0xFFFFFFD0]  }
0x90: {  	v10 =	vld [tilespmem:s12+$0xFFFFFFE0];
	v9 =	vmul.f32 v9, v6;
	[tilespmem:s12+$0xFFFFFFF0] =	vst v4  }
0x91: {  	[tilespmem:s12+$0xFFFFFF80] =	vst v1;
	v1 =	vmul.f32 v8, v6;
	v4 =	vld [tilespmem:s12+$0x0]  }
0x92: {  	v3 =	vmul.f32 v3, v6;
	v8 =	vld [tilespmem:s12+$0x10];
	[tilespmem:s12+$0xFFFFFF90] =	vst v9  }
0x93: {  	[tilespmem:s12+$0xFFFFFFA0] =	vst v1;
	v1 =	vmul.f32 v2, v6;
	v2 =	vld [tilespmem:s12+$0x20]  }
0x94: {  	[tilespmem:s12+$0xFFFFFFB0] =	vst v3;
	v3 =	vmul.f32 v7, v6;
	v7 =	vld [tilespmem:s12+$0x30]  }
0x95: {  	[tilespmem:s12+$0xFFFFFFC0] =	vst v1;
	v1 =	vmul.f32 v10, v6;
	v6 =	vld [tilespmem:s12+$0x40]  }
0x96: {  	[tilespmem:s12+$0xFFFFFFD0] =	vst v3;
	v3 =	vmul.f32 v4, v5;
	v4 =	vld [tilespmem:s12+$0x50]  }
0x97: {  	[tilespmem:s12+$0xFFFFFFE0] =	vst v1;
	v1 =	vmul.f32 v8, v5;
	v8 =	vld [tilespmem:s12+$0x60]  }
0x98: {  	[tilespmem:s12+$0x0] =	vst v3;
	v2 =	vmul.f32 v2, v5;
	v3 =	vld [tilespmem:s12+$0x70]  }
0x99: {  	[tilespmem:s12+$0x10] =	vst v1;
	v1 =	vmul.f32 v7, v5  }
0x9a: {  	[tilespmem:s12+$0x20] =	vst v2;
	v2 =	vmul.f32 v6, v5  }
0x9b: {  	s9 =	simm.s32 $0x0;
	[tilespmem:s12+$0x30] =	vst v1;
	v1 =	vmul.f32 v4, v5  }
0x9c: {  	v4 =	vmov s9;
	[tilespmem:s12+$0x40] =	vst v2;
	v2 =	vmul.f32 v8, v5  }
0x9d: {  	[tilespmem:s12+$0x50] =	vst v1;
	v1 =	vmul.f32 v3, v5;
	v3 =	vand.u32 $0xFFFFFFFE, v4  }
0x9e: {  	[tilespmem:s12+$0x60] =	vst v2;
	v2 =	vbroadcast v3, $0x0  }
0x9f: {  	s10 =	sadd.s32 $0x800, s30;
	[tilespmem:s12+$0x70] =	vst v1  }
0xa0: {  	[spmem:s2] =	stream.indirect.scatter.add.f32 [tilespmem:s16], [sflag:$0x3], $0x80, s10, s20, $0xb8;
	[tilespmem:$0x1D800] =	vst v63  }
0xa1: {  	s11 =	sor.u32 $0x200, s31;
	_ =	swait.ge [sflag:s23], $0x4000  }
0xa2: {  	s31 =	sshra.s32 s11, $0x2;
	[sflag:s23] =	ssyncset.done $0x0  }
0xa3: {  	s3 =	sadd.s32 $0x1000, s31;
	[sflag:s23] =	ssyncadd.s32 $0xFFFFC000  }
0xa4: {  	s0 =	simm.s32 $0x5880;
	v2 =	vld.idx.msk [tilespmem:v2+s3+$0x0], $0xffff  }
0xa5: {  	v1 =	vld [tilespmem:s0+$0xFFFFFFF0]  }
0xa6: {  	v3 =	vld [tilespmem:s0+$0xFFFFFF80]  }
0xa7: {  	s12 =	simm.s32 $0x1;
	v6 =	vld [tilespmem:s0+$0xFFFFFF90]  }
0xa8: {  	v7 =	vmov s12;
	v8 =	vld [tilespmem:s0+$0xFFFFFFA0]  }
0xa9: {  	v11 =	vld [tilespmem:s0+$0xFFFFFFB0]  }
0xaa: {  	v5 =	vld [tilespmem:s0+$0xFFFFFFC0]  }
0xab: {  	v4 =	vld [tilespmem:s0+$0xFFFFFFD0];
	v9 =	vmul.f32 v1, v2  }
0xac: {  	v10 =	vmul.f32 v3, v2;
	v3 =	vld [tilespmem:s0+$0xFFFFFFE0]  }
0xad: {  	v1 =	vld.idx.msk [tilespmem:v7+s3+$0x0], $0xffff;
	v6 =	vmul.f32 v6, v2;
	[tilespmem:s0+$0xFFFFFFF0] =	vst v9  }
0xae: {  	s10 =	simm.s32 $0x2;
	v7 =	vld [tilespmem:s0+$0x0];
	[tilespmem:s0+$0xFFFFFF80] =	vst v10;
	v9 =	vmul.f32 v8, v2  }
0xaf: {  	s11 =	simm.s32 $0x4;
	s9 =	simm.s32 $0x5880;
	v10 =	vmov s10;
	[tilespmem:s0+$0xFFFFFF90] =	vst v6;
	v8 =	vmul.f32 v11, v2;
	v6 =	vld [tilespmem:s0+$0x10]  }
.LBB2_8:
0xb0: {  	p1 =	slt.u32 s11, $0x7E;
	v10 =	vand.u32 $0xFFFFFFFE, v10;
	s12 =	sadd.s32 $0x1, s10;
	[tilespmem:s0+$0xFFFFFFA0] =	vst v9;
	v5 =	vmul.f32 v5, v2;
	v9 =	vld [tilespmem:s0+$0x20];
	s10 =	smov.u32 s11  }
0xb1: {  	v10 =	vbroadcast v10, $0x0;
	v11 =	vmov s12;
	[tilespmem:s0+$0xFFFFFFB0] =	vst v8;
	v4 =	vmul.f32 v4, v2;
	v8 =	vld [tilespmem:s0+$0x30]  }
0xb2: {  	[tilespmem:s0+$0xFFFFFFC0] =	vst v5;
	v2 =	vmul.f32 v3, v2;
	v3 =	vld [tilespmem:s0+$0x40]  }
0xb3: {  	[tilespmem:s0+$0xFFFFFFD0] =	vst v4;
	v4 =	vmul.f32 v7, v1;
	v5 =	vld [tilespmem:s0+$0x50]  }
0xb4: {  	[tilespmem:s0+$0xFFFFFFE0] =	vst v2;
	v2 =	vmul.f32 v6, v1;
	v6 =	vld [tilespmem:s0+$0x60]  }
0xb5: {  	[tilespmem:s0+$0x0] =	vst v4;
	v4 =	vmul.f32 v9, v1;
	v7 =	vld [tilespmem:s0+$0x70]  }
0xb6: {  	v9 =	vld.idx.msk [tilespmem:v11+s3+$0x0], $0xffff;
	[tilespmem:s0+$0x10] =	vst v2;
	v8 =	vmul.f32 v8, v1  }
0xb7: {  	s0 =	sadd.s32 $0x100, s0;
	v2 =	vld.idx.msk [tilespmem:v10+s3+$0x0], $0xffff;
	[tilespmem:s9+$0x20] =	vst v4;
	v3 =	vmul.f32 v3, v1  }
0xb8: {  	v4 =	vld [tilespmem:s0+$0xFFFFFFF0];
	[tilespmem:s9+$0x30] =	vst v8;
	v5 =	vmul.f32 v5, v1  }
0xb9: {  	v8 =	vld [tilespmem:s0+$0xFFFFFF80];
	[tilespmem:s9+$0x40] =	vst v3;
	v3 =	vmul.f32 v6, v1  }
0xba: {  	v6 =	vld [tilespmem:s0+$0xFFFFFF90];
	[tilespmem:s9+$0x50] =	vst v5;
	v5 =	vmul.f32 v7, v1  }
0xbb: {  	v7 =	vld [tilespmem:s0+$0xFFFFFFA0];
	[tilespmem:s9+$0x60] =	vst v3  }
0xbc: {  	v1 =	vmov v9;
	v11 =	vld [tilespmem:s0+$0xFFFFFFB0];
	[tilespmem:s9+$0x70] =	vst v5;
	s9 =	smov.u32 s0  }
.Ltmp6:
0xbd: {  	v5 =	vld [tilespmem:s0+$0xFFFFFFC0];
	v9 =	vmul.f32 v4, v2;
	(pc) =	sbr.rel @p1 .LBB2_8-.Ltmp6, $4  }
0xbe: {  	v8 =	vmul.f32 v8, v2;
	v4 =	vld [tilespmem:s0+$0xFFFFFFD0]  }
0xbf: {  	v6 =	vmul.f32 v6, v2;
	v3 =	vld [tilespmem:s0+$0xFFFFFFE0];
	[tilespmem:s0+$0xFFFFFFF0] =	vst v9  }
0xc0: {  	[tilespmem:s0+$0xFFFFFF80] =	vst v8;
	v9 =	vmul.f32 v7, v2;
	v7 =	vld [tilespmem:s0+$0x0]  }
0xc1: {  	s11 =	sadd.s32 $0x2, s11;
	v10 =	vmov s10;
	[tilespmem:s0+$0xFFFFFF90] =	vst v6;
	v8 =	vmul.f32 v11, v2;
	v6 =	vld [tilespmem:s0+$0x10]  }
0xc2: {  	v11 =	vld [tilespmem:s0+$0x20]  }
0xc3: {  	v10 =	vand.u32 $0xFFFFFFFE, v10;
	v12 =	vld [tilespmem:s0+$0x30]  }
0xc4: {  	v14 =	vld [tilespmem:s0+$0x40];
	[tilespmem:s0+$0xFFFFFFA0] =	vst v9;
	v5 =	vmul.f32 v5, v2;
	v10 =	vbroadcast v10, $0x0  }
0xc5: {  	v44 =	vld [tilespmem:s0+$0x50];
	[tilespmem:s0+$0xFFFFFFB0] =	vst v8;
	v4 =	vmul.f32 v4, v2  }
0xc6: {  	v45 =	vld [tilespmem:s0+$0x60];
	s12 =	sadd.s32 $0x100, s0;
	[tilespmem:s0+$0xFFFFFFC0] =	vst v5;
	v2 =	vmul.f32 v3, v2  }
0xc7: {  	v50 =	vld [tilespmem:s12+$0xFFFFFFF0];
	v7 =	vmul.f32 v7, v1;
	[tilespmem:s0+$0xFFFFFFD0] =	vst v4  }
0xc8: {  	v51 =	vld [tilespmem:s12+$0xFFFFFF80];
	v46 =	vmul.f32 v6, v1;
	[tilespmem:s0+$0xFFFFFFE0] =	vst v2  }
0xc9: {  	v3 =	vld [tilespmem:s0+$0x70];
	[tilespmem:s0+$0x0] =	vst v7;
	v2 =	vmul.f32 v11, v1  }
0xca: {  	v49 =	vmul.f32 v12, v1;
	[tilespmem:s0+$0x10] =	vst v46;
	v48 =	vld.idx.msk [tilespmem:v10+s3+$0x0], $0xffff  }
0xcb: {  	v53 =	vld [tilespmem:s12+$0xFFFFFF90];
	[tilespmem:s9+$0x20] =	vst v2;
	v2 =	vmul.f32 v14, v1  }
0xcc: {  	s10 =	sadd.s32 $0x1, s10;
	v54 =	vld [tilespmem:s12+$0xFFFFFFA0];
	v52 =	vmul.f32 v44, v1;
	[tilespmem:s9+$0x30] =	vst v49  }
0xcd: {  	v13 =	vmov s10;
	v56 =	vld [tilespmem:s12+$0xFFFFFFD0];
	[tilespmem:s9+$0x40] =	vst v2;
	v2 =	vmul.f32 v45, v1  }
0xce: {  	[tilespmem:s9+$0x50] =	vst v52;
	v1 =	vmul.f32 v3, v1;
	v3 =	vld [tilespmem:s12+$0xFFFFFFB0]  }
0xcf: {  	[tilespmem:s9+$0x60] =	vst v2;
	v2 =	vld [tilespmem:s12+$0xFFFFFFC0];
	v55 =	vmul.f32 v50, v48  }
0xd0: {  	v57 =	vld [tilespmem:s12+$0xFFFFFFE0];
	[tilespmem:s9+$0x70] =	vst v1;
	v1 =	vmul.f32 v51, v48  }
0xd1: {  	v58 =	vld [tilespmem:s12+$0x0];
	v9 =	vmul.f32 v53, v48;
	[tilespmem:s12+$0xFFFFFFF0] =	vst v55  }
0xd2: {  	v47 =	vld.idx.msk [tilespmem:v13+s3+$0x0], $0xffff;
	[tilespmem:s12+$0xFFFFFF80] =	vst v1;
	v1 =	vmul.f32 v54, v48  }
0xd3: {  	v59 =	vld [tilespmem:s12+$0x10];
	[tilespmem:s12+$0xFFFFFF90] =	vst v9;
	v3 =	vmul.f32 v3, v48  }
0xd4: {  	[tilespmem:s12+$0xFFFFFFA0] =	vst v1;
	v1 =	vmul.f32 v2, v48;
	v2 =	vld [tilespmem:s12+$0x20]  }
0xd5: {  	v60 =	vld [tilespmem:s12+$0x30];
	[tilespmem:s12+$0xFFFFFFB0] =	vst v3;
	v3 =	vmul.f32 v56, v48  }
0xd6: {  	v61 =	vld [tilespmem:s12+$0x40];
	[tilespmem:s12+$0xFFFFFFC0] =	vst v1;
	v1 =	vmul.f32 v57, v48  }
0xd7: {  	v62 =	vld [tilespmem:s12+$0x50];
	[tilespmem:s12+$0xFFFFFFD0] =	vst v3;
	v3 =	vmul.f32 v58, v47  }
0xd8: {  	v63 =	vld [tilespmem:s12+$0x60];
	[tilespmem:s12+$0xFFFFFFE0] =	vst v1;
	v1 =	vmul.f32 v59, v47  }
0xd9: {  	[tilespmem:s12+$0x0] =	vst v3;
	v3 =	vld [tilespmem:s12+$0x70];
	v2 =	vmul.f32 v2, v47  }
0xda: {  	[tilespmem:s12+$0x10] =	vst v1;
	v1 =	vmul.f32 v60, v47  }
0xdb: {  	[tilespmem:s12+$0x20] =	vst v2;
	v2 =	vmul.f32 v61, v47  }
0xdc: {  	[tilespmem:s12+$0x30] =	vst v1;
	v1 =	vmul.f32 v62, v47  }
0xdd: {  	[tilespmem:s12+$0x40] =	vst v2;
	v2 =	vmul.f32 v63, v47  }
0xde: {  	[tilespmem:s12+$0x50] =	vst v1;
	v1 =	vmul.f32 v3, v47  }
0xdf: {  	p1 =	seq.s32 s29, $0x7;
	[tilespmem:s12+$0x60] =	vst v2  }
.Ltmp7:
0xe0: {  	s31 =	sadd.s32 $0x800, s31;
	[tilespmem:s12+$0x70] =	vst v1;
	(pc) =	sbr.rel @p1 .LBB2_11-.Ltmp7, $4  }
0xe1: {  	[spmem:s2] =	stream.indirect.scatter.add.f32 [tilespmem:s21], [sflag:$0x4], $0x80, s31, s20, $0xb8;
	[tilespmem:$0x1D800] =	vst v63  }
0xe2: {  	_ =	swait.ge [sflag:s24], $0x4000  }
0xe3: {  	[sflag:s24] =	ssyncset.done $0x0  }
0xe4: {  	[sflag:s24] =	ssyncadd.s32 $0xFFFFC000  }
0xe5: {  	s0 =	sadd.s32 $0x100, s30  }
0xe6: {  	[tilespmem:s16], [sflag:$0x1] =	stream.indirect.gather [hbm4b:s7+s20], $0x80, s0, s20, $0xb8;
	[tilespmem:$0x1D800] =	vst v63  }
.Ltmp8:
0xe7: {  	_ = 	snop;
	(pc) =	sbr.rel .LBB2_5-.Ltmp8, $4  }
0xe8: {  	_ =	swait.ge [sflag:s25], $0x4000  }
0xe9: {  	[sflag:s25] =	ssyncset.done $0x0  }
0xea: {  	s31 =	sadd.s32 $0x180, s30;
	s29 =	sadd.s32 $0x1, s29;
	[sflag:s25] =	ssyncadd.s32 $0xFFFFC000  }
0xeb: {  	[tilespmem:s21], [sflag:$0x2] =	stream.indirect.gather [hbm4b:s7+s20], $0x80, s31, s20, $0xb8;
	[tilespmem:$0x1D800] =	vst v63  }
.LBB2_13:
0xec: {  	_ =	sfence.sel $0x180000  }
0xed: {  	[bflag:$0x0] =	sbarrier.arrive $0xFFFF  }
0xee: {  	_ =	strace $0x9000004D  }
0xef: {  	s0 =	stileid.u32;
	[bflag:$0x2] =	sbarrier.arrive $0xFFFF  }
0xf0: {  	p0 =	sne.s32 s0, $0x0;
	s0 =	rddreg [dreg:$0x3]  }
0xf1: {  	s0 =	sadd.s32 @!p0 $0x100000, s0  }
0xf2: {  	[sflag:s0] =	ssyncadd.tile.s32 @!p0 $0x1;
	_ =	shalt  }
.Lfunc_end2:
_tile_overlayer_lowered:
.L_overlay_start_2:
0xf3: {  	(tag) =	ssettag $0x2  }
0xf4: {  	s0 =	rddreg [dreg:$0x0];
	s2 =	stileid.u32  }
0xf5: {  	s1 =	rddreg [dreg:$0x1];
	p0 =	sne.s32 s2, $0x0  }
0xf6: {  	s3 =	rddreg [dreg:$0x2];
	[bflag:$0x3] =	sbarrier.arrive $0xFFFF;
	s2 =	simm.s32 @!p0 $0x1C05  }
0xf7: {  	[timem:s3], [sflag:s2] =	dma.local @!p0 [hbm:s0], s1  }
0xf8: {  	s0 =	simm.s32 @!p0 $0x5  }
0xf9: {  	_ =	swait.ge @!p0 [sflag:s0], s1  }
0xfa: {  	s1 =	ssub.s32 @!p0 $0x0, s1;
	[sflag:s0] =	ssyncset.done @!p0 $0x0  }
0xfb: {  	[sflag:s0] =	ssyncadd.s32 @!p0 s1  }
0xfc: {  	[bflag:$0x3] =	sbarrier.arrive $0xFFFF  }
0xfd: {  	_ =	shalt  }

// kernel: kernel.8.cloned.1.call-start
scs
__scs_entry_jumppad:
0x0: {  	(pc) =	sbr.rel $0x88, $3  }
0x1: {  	(tag) =	ssettag $0x0;
	lr =	simm.s32 $0x1  }
0x2: {  	[smem:$0x3F9A] =	sst lr;
	_ =	strace $0xD0000000  }
0x3: {  	_ = 	snop  }
0x4: {  	_ = 	snop  }
0x5: {  	_ = 	snop  }
0x6: {  	_ = 	snop  }
0x7: {  	_ = 	snop  }
__scs_overlays_trampoline_lowered:
0x8: {  	[smem:$0x3FA9] =	sst s0  }
0x9: {  	[smem:$0x3FAA] =	sst s1  }
0xa: {  	[smem:$0x3FAB] =	sst s2  }
0xb: {  	[smem:$0x3FAC] =	sst s3  }
0xc: {  	[smem:$0x3FAD] =	sst s4  }
0xd: {  	[smem:$0x3FAE] =	sst s5  }
0xe: {  	[smem:$0x3FAF] =	sst s6  }
0xf: {  	[smem:$0x3FB0] =	sst s7  }
0x10: {  	[smem:$0x3FB1] =	sst s8  }
0x11: {  	[smem:$0x3FB2] =	sst s9;
	s0 =	simm.s32 @!p0 $0x0  }
0x12: {  	s1 =	sld [smem:$0x3F98];
	s0 =	simm.s32 @p0 $0x1  }
0x13: {  	[smem:$0x3FB3] =	sst s0;
	s0 =	simm.s32 @!p1 $0x0  }
0x14: {  	s2 =	sld [smem:$0x3F97];
	s0 =	simm.s32 @p1 $0x1  }
0x15: {  	[smem:$0x3FB4] =	sst s0;
	s0 =	simm.s32 @!p2 $0x0  }
0x16: {  	s3 =	sld [smem:$0x3FDB];
	s0 =	simm.s32 @p2 $0x1  }
0x17: {  	s4 =	simm.s32 $0x1BF5;
	[smem:$0x3FB6] =	sst s0  }
0x18: {  	s0 =	sld [smem:$0x3F99];
	_ =	swait.ge [sflag:s4], $0x0  }
0x19: {  	s7 =	sld [smem:$0x3F9A]  }
0x1a: {  	s8 =	sadd.s32 $0xFFFFE003, lr  }
0x1b: {  	s9 =	sadd.s32 $0xFFFFFEF7, lr;
	s5 =	simm.s32 $0xFFFFFFFF;
	p2 =	slt.u32 s8, $0xFFFFF086  }
0x1c: {  	p1 =	slt.u32 s9, $0xF7A;
	s5 =	simm.s32 @!p2 $0x0  }
0x1d: {  	s5 =	simm.s32 @p1 $0x1;
	p0 =	seq.s32 s7, s2  }
0x1e: {  	s7 =	smul.u32 @!p0 $0xF7A, s2;
	p2 =	seq.s32 @!p0 s5, $0x0  }
0x1f: {  	s9 =	smul.u32 $0xF7A, s1;
	s8 =	simm.s32 @!p0 $0x1BF5;
	p2 =	por !p2, p0  }
0x20: {  	[sflag:s8] =	ssyncset.s32 @!p0 $0xFFFFF086;
	s6 =	sadd.s32 @!p0 s3, s7;
	s7 =	simm.s32 @!p0 $0x108  }
0x21: {  	s3 =	sadd.s32 s3, s9;
	s6 =	sadd.s32 @!p0 $0x88, s6;
	s7 =	simm.s32 @p2 $0x1082  }
0x22: {  	[simem:s7], [sflag:s8] =	dma.local @!p0 [hbm:s6], $0xF7A  }
0x23: {  	s9 =	sor.u32 $0xD0000000, s2;
	s6 =	simm.s32 $0x108;
	_ =	swait.ge @!p0 [sflag:s8], $0x0  }
0x24: {  	s3 =	sadd.s32 $0x88, s3;
	s6 =	simm.s32 @!p1 $0x1082;
	[sflag:s4] =	ssyncset.s32 $0xFFFFF086  }
0x25: {  	[simem:s6], [sflag:s4] =	dma.local [hbm:s3], $0xF7A  }
0x26: {  	[smem:$0x3F9A] =	sst s1;
	(tag) =	ssettag s2;
	_ =	strace s9  }
0x27: {  	s1 =	sld [smem:$0x3FAA]  }
0x28: {  	s2 =	sld [smem:$0x3FAB]  }
0x29: {  	s4 =	sld [smem:$0x3FAD]  }
0x2a: {  	p0 =	seq.s32 s5, $0x0;
	s5 =	sld [smem:$0x3FAE]  }
0x2b: {  	s6 =	sld [smem:$0x3FAF]  }
0x2c: {  	s7 =	sld [smem:$0x3FB0]  }
0x2d: {  	s3 =	simm.s32 $0x108;
	s8 =	sld [smem:$0x3FB1]  }
0x2e: {  	s3 =	simm.s32 @!p0 $0x1082;
	s9 =	sld [smem:$0x3FB2]  }
0x2f: {  	lr =	sadd.s32 s0, s3;
	s0 =	sld [smem:$0x3FA9]  }
0x30: {  	s3 =	sld [smem:$0x3FAC]  }
0x31: {  	[smem:$0x3FB5] =	sst s10  }
0x32: {  	s10 =	sld [smem:$0x3FB3];
	_ =	sdelay $0x3  }
0x33: {  	p0 =	seq.s32 s10, $0x1;
	s10 =	sld [smem:$0x3FB5];
	_ =	sdelay $0x3  }
0x34: {  	[smem:$0x3FB5] =	sst s10  }
0x35: {  	s10 =	sld [smem:$0x3FB4];
	_ =	sdelay $0x3  }
0x36: {  	p1 =	seq.s32 s10, $0x1;
	s10 =	sld [smem:$0x3FB5];
	_ =	sdelay $0x3  }
0x37: {  	[smem:$0x3FB5] =	sst s10  }
0x38: {  	s10 =	sld [smem:$0x3FB6]  }
0x39: {  	_ = 	snop;
	(pc) =	sbr.ind lr, $3  }
0x3a: {  	_ = 	snop  }
0x3b: {  	_ = 	snop  }
0x3c: {  	p2 =	seq.s32 s10, $0x1;
	s10 =	sld [smem:$0x3FB5]  }
0x3d: {  	_ =	shalt  }
0x3e: {  	_ =	shalt  }
0x3f: {  	_ =	shalt  }
0x40: {  	_ =	shalt  }
0x41: {  	_ =	shalt  }
0x42: {  	_ =	shalt  }
0x43: {  	_ =	shalt  }
0x44: {  	_ =	shalt  }
0x45: {  	_ =	shalt  }
0x46: {  	_ =	shalt  }
0x47: {  	_ =	shalt  }
0x48: {  	_ =	shalt  }
0x49: {  	_ =	shalt  }
0x4a: {  	_ =	shalt  }
0x4b: {  	_ =	shalt  }
0x4c: {  	_ =	shalt  }
0x4d: {  	_ =	shalt  }
0x4e: {  	_ =	shalt  }
0x4f: {  	_ =	shalt  }
0x50: {  	_ =	shalt  }
0x51: {  	_ =	shalt  }
0x52: {  	_ =	shalt  }
0x53: {  	_ =	shalt  }
0x54: {  	_ =	shalt  }
0x55: {  	_ =	shalt  }
0x56: {  	_ =	shalt  }
0x57: {  	_ =	shalt  }
0x58: {  	_ =	shalt  }
0x59: {  	_ =	shalt  }
0x5a: {  	_ =	shalt  }
0x5b: {  	_ =	shalt  }
0x5c: {  	_ =	shalt  }
0x5d: {  	_ =	shalt  }
0x5e: {  	_ =	shalt  }
0x5f: {  	_ =	shalt  }
0x60: {  	_ =	shalt  }
0x61: {  	_ =	shalt  }
0x62: {  	_ =	shalt  }
0x63: {  	_ =	shalt  }
0x64: {  	_ =	shalt  }
0x65: {  	_ =	shalt  }
0x66: {  	_ =	shalt  }
0x67: {  	_ =	shalt  }
0x68: {  	_ =	shalt  }
0x69: {  	_ =	shalt  }
0x6a: {  	_ =	shalt  }
0x6b: {  	_ =	shalt  }
0x6c: {  	_ =	shalt  }
0x6d: {  	_ =	shalt  }
0x6e: {  	_ =	shalt  }
0x6f: {  	_ =	shalt  }
0x70: {  	_ =	shalt  }
0x71: {  	_ =	shalt  }
0x72: {  	_ =	shalt  }
0x73: {  	_ =	shalt  }
0x74: {  	_ =	shalt  }
0x75: {  	_ =	shalt  }
0x76: {  	_ =	shalt  }
0x77: {  	_ =	shalt  }
0x78: {  	_ =	shalt  }
0x79: {  	_ =	shalt  }
0x7a: {  	_ =	shalt  }
0x7b: {  	_ =	shalt  }
0x7c: {  	_ =	shalt  }
0x7d: {  	_ =	shalt  }
0x7e: {  	_ =	shalt  }
0x7f: {  	_ =	shalt  }
0x80: {  	_ =	shalt  }
0x81: {  	_ =	shalt  }
0x82: {  	_ =	shalt  }
0x83: {  	_ =	shalt  }
0x84: {  	_ =	shalt  }
0x85: {  	_ =	shalt  }
0x86: {  	_ =	shalt  }
0x87: {  	_ =	shalt  }
.Lfunc_end0:
.L_simem_size_0:
called_computation_lowered:
.L_overlay_start_0:
0x88: {  	s2 =	sld [smem:$0x3FD9]  }
0x89: {  	s3 =	sld [smem:$0x3FFE];
	_ =	sdelay $0x1  }
0x8a: {  	s1 =	srdreg.scid  }
0x8b: {  	s0 =	sand.u32 $0x1, s1  }
0x8c: {  	s16 =	sshll.u32 s0, $0xA;
	s2 =	sadd.s32 s3, s2  }
0x8d: {  	s2 =	sadd.s32 s2, s16  }
0x8e: {  	[smem:$0x3FC1] =	sst s2  }
0x8f: {  	_ = 	snop  }
0x90: {  	(tm) =	ssettm $0x1  }
0x91: {  	s17 =	sld [smem:$0x3FFB];
	_ =	sdelay $0x3  }
0x92: {  	_ =	strace s17  }
0x93: {  	s2 =	sld [smem:$0x3FFC];
	_ =	sdelay $0x3  }
0x94: {  	_ =	strace s2  }
0x95: {  	s2 =	sld [smem:$0x3FFD];
	_ =	sdelay $0x3  }
0x96: {  	_ =	strace s2  }
0x97: {  	_ =	strace $0x8FFFFFFF  }
0x98: {  	s18 =	sld [smem:$0x3FDB];
	_ =	sdelay $0x1  }
0x99: {  	s19 =	simm.s32 $_scs_section_size  }
0x9a: {  	s4 =	simm.s32 $_size__tile_overlayer_lowered;
	s5 =	simm.s32 $_tile_overlayer_lowered  }
0x9b: {  	s22 =	simm.s32 $0x1BFF;
	s21 =	sshll.u32 s5, $0x1;
	s2 =	sadd.s32 s19, s18  }
0x9c: {  	s6 =	simm.s32 $0x0;
	s20 =	sshll.u32 s4, $0x1;
	s4 =	sadd.s32 s21, s2  }
0x9d: {  	[timem:s6], [sflag:s22] =	dma.local [hbm:s4], s20  }
0x9e: {  	_ =	swait.ge [sflag:s22], s20  }
0x9f: {  	s3 =	ssub.s32 $0x0, s20;
	[sflag:s22] =	ssyncset.done $0x0  }
0xa0: {  	[sflag:s22] =	ssyncadd.s32 s3;
	_ =	sdelay $0x1  }
0xa1: {  	s23 =	simm.s32 $0x1B8B  }
0xa2: {  	_ =	swait.ge [sflag:s23], $0x1  }
0xa3: {  	[sflag:s23] =	ssyncset.done $0x0  }
0xa4: {  	s25 =	simm.s32 $0x1B8E;
	s24 =	sld [smem:$0x3FFE];
	[sflag:s23] =	ssyncadd.s32 $0xFFFFFFFF  }
0xa5: {  	s26 =	simm.s32 $execute0_lowered;
	[smem:$0x3FD2] =	sst s25  }
0xa6: {  	s4 =	sshll.u32 s26, $0x1;
	_ =	strace $0x80000046;
	[dreg:$0x1] =	wrdreg $0xFFFFFFFF  }
0xa7: {  	s28 =	simm.s32 $_size_execute0_lowered;
	s2 =	sadd.s32 s2, s4;
	[dreg:$0x0] =	wrdreg $0x0  }
0xa8: {  	s4 =	sshll.u32 s28, $0x1;
	[dreg:$0x2] =	wrdreg s2  }
0xa9: {  	[dreg:$0x3] =	wrdreg s4  }
0xaa: {  	[dreg:$0x4] =	wrdreg $0xC0  }
0xab: {  	_ =	task [dreg:s6], $0x5FFFF  }
0xac: {  	[dreg:$0x1] =	wrdreg $0xFFFFFFFF  }
0xad: {  	[dreg:$0x0] =	wrdreg $0x60  }
0xae: {  	[dreg:$0x2] =	wrdreg s24  }
0xaf: {  	[dreg:$0x3] =	wrdreg $0xA2800  }
0xb0: {  	[dreg:$0x4] =	wrdreg $0x9  }
0xb1: {  	_ =	task.clear_ibuf [dreg:s6], $0x5FFFF;
	_ =	strace $0x90000046  }
0xb2: {  	s29 =	simm.s32 $0x9;
	_ =	strace $0x80000048  }
0xb3: {  	_ =	swait.ge [sflag:s29], $0x1  }
0xb4: {  	[sflag:s29] =	ssyncadd.s32 $0xFFFFFFFF  }
0xb5: {  	_ =	strace $0x90000048  }
0xb6: {  	_ =	sfence  }
0xb7: {  	s30 =	sld [smem:$0x0];
	_ =	sdelay $0x2  }
0xb8: {  	s31 =	sshll.u32 s1, $0xD;
	s1 =	sshrl.u32 s1, $0x2  }
0xb9: {  	s3 =	sand.u32 $0x4000, s31;
	s1 =	sadd.s32 s1, s30  }
0xba: {  	s0 =	sor.u32 s3, s0;
	s1 =	sshll.u32 s1, $0x11  }
0xbb: {  	s0 =	sor.u32 s1, s0  }
0xbc: {  	s0 =	sadd.s32 $0x8F2B, s0  }
0xbd: {  	[sflag:s0] =	ssyncadd.remote.s32 $0x1  }
0xbe: {  	_ =	sfence.sel $0xFFFF  }
0xbf: {  	[dreg:$0x0] =	wrdreg $0xFFFFFFFF;
	(pc) =	sbr.abs _section_cstart, $3  }
0xc0: {  	[dreg:$0x1] =	wrdreg $0xFFFFFFFF  }
0xc1: {  	_ =	task.clear_ibuf [dreg:s6], $0x2FFFF;
	_ =	strace $0x9FFFFFFF  }
0xc2: {  	(tm) =	ssettm $0x7FFFFFFF  }
0xc3: {  	_ =	shalt  }
tec
execute0_lowered:
.L_overlay_start_1:
0x0: {  	(tag) =	ssettag $0x1  }
0x1: {  	s0 =	srdreg.scid  }
0x2: {  	s1 =	rddreg [dreg:$0x0];
	s8 =	stileid.u32  }
0x3: {  	s3 =	rddreg [dreg:$0x1];
	s4 =	simm.s32 $0x0;
	s0 =	sand.u32 $0x1, s0  }
0x4: {  	[smem:$0x7FF] =	sst s4;
	s25 =	sshll.u32 s8, $0x7;
	s26 =	smul.u32 $0x500, s8  }
0x5: {  	s7 =	sshrl.u32 s8, $0x3;
	s9 =	smul.u32 $0x5000, s8;
	s2 =	sshll.u32 s0, $0x4  }
0x6: {  	_ =	strace $0x80000047;
	s5 =	sand.u32 $0x380, s25;
	s2 =	sor.u32 s8, s2  }
0x7: {  	s6 =	sshll.u32 s0, $0x7;
	s7 =	smul.u32 $0x50000, s7;
	s2 =	sshrl.u32 s2, $0x3  }
0x8: {  	s0 =	ssub.s32 $0x2, s0;
	s4 =	sor.u32 s6, s26;
	s2 =	smul.u32 $0x14000, s2  }
0x9: {  	s10 =	sshrl.u32 s0, $0x1;
	s12 =	sshrl.u32 s9, $0x2;
	s4 =	sshrl.u32 s4, $0x3  }
0xa: {  	s0 =	ssub.s32 s0, s10;
	s11 =	sshrl.u32 s7, $0x2;
	s2 =	sor.u32 s5, s2  }
0xb: {  	s14 =	sadd.s32 s11, s3;
	s0 =	smax.u32 s0, $0x1;
	s2 =	sshrl.u32 s2, $0x3  }
0xc: {  	s15 =	sadd.s32 s5, s14;
	[dreg:$0x16] =	wrdreg s0;
	s2 =	sadd.s32 s2, s1  }
0xd: {  	[dreg:$0x5] =	wrdreg s15;
	s1 =	sadd.s32 s4, s1;
	s13 =	sadd.s32 $0xD200, s2  }
0xe: {  	s4 =	sadd.s32 s12, s3;
	s2 =	sadd.s32 $0x21200, s2;
	[dreg:$0x3] =	wrdreg s13  }
0xf: {  	s16 =	sadd.s32 $0x80, s4;
	[dreg:$0x4] =	wrdreg s2  }
0x10: {  	s17 =	sadd.s32 $0x100, s4;
	[dreg:$0x6] =	wrdreg s16  }
0x11: {  	s18 =	sadd.s32 $0x180, s4;
	[dreg:$0x7] =	wrdreg s17  }
0x12: {  	s19 =	sadd.s32 $0x200, s4;
	[dreg:$0x8] =	wrdreg s18  }
0x13: {  	s20 =	sadd.s32 $0x280, s4;
	[dreg:$0x9] =	wrdreg s19  }
0x14: {  	s21 =	sadd.s32 $0x300, s4;
	[dreg:$0xa] =	wrdreg s20  }
0x15: {  	s22 =	sadd.s32 $0x380, s4;
	[dreg:$0xb] =	wrdreg s21  }
0x16: {  	s23 =	sadd.s32 $0x14000, s4;
	[dreg:$0xc] =	wrdreg s22  }
0x17: {  	s24 =	sadd.s32 $0x14080, s4;
	[dreg:$0xd] =	wrdreg s23  }
0x18: {  	s25 =	sadd.s32 $0x14100, s4;
	[dreg:$0xe] =	wrdreg s24  }
0x19: {  	s26 =	sadd.s32 $0x14180, s4;
	[dreg:$0xf] =	wrdreg s25  }
0x1a: {  	s3 =	sadd.s32 $0x14200, s4;
	[dreg:$0x10] =	wrdreg s26  }
0x1b: {  	s5 =	sadd.s32 $0x14280, s4;
	[dreg:$0x11] =	wrdreg s3  }
0x1c: {  	s6 =	sadd.s32 $0x14300, s4;
	[dreg:$0x12] =	wrdreg s5  }
0x1d: {  	s7 =	sadd.s32 $0x14380, s4;
	[dreg:$0x13] =	wrdreg s6  }
0x1e: {  	s1 =	sadd.s32 $0x2B200, s1;
	[dreg:$0x14] =	wrdreg s7  }
0x1f: {  	s8 =	sadd.s32 $0x400, s4;
	[dreg:$0x15] =	wrdreg s1  }
0x20: {  	s9 =	sadd.s32 $0x800, s4;
	[dreg:$0x17] =	wrdreg s8  }
0x21: {  	s10 =	sadd.s32 $0xC00, s4;
	[dreg:$0x18] =	wrdreg s9  }
0x22: {  	s11 =	sadd.s32 $0x1000, s4;
	[dreg:$0x19] =	wrdreg s10  }
0x23: {  	s12 =	sadd.s32 $0x480, s4;
	[dreg:$0x1a] =	wrdreg s11  }
0x24: {  	s14 =	sadd.s32 $0xC80, s4;
	[dreg:$0x1b] =	wrdreg s12  }
0x25: {  	s15 =	sadd.s32 $0x1080, s4;
	[dreg:$0x1d] =	wrdreg s14  }
0x26: {  	s13 =	sadd.s32 $0x880, s4;
	[dreg:$0x1e] =	wrdreg s15  }
0x27: {  	s16 =	sadd.s32 $0x500, s4;
	[dreg:$0x1c] =	wrdreg s13  }
0x28: {  	s17 =	sadd.s32 $0x900, s4;
	[dreg:$0x1f] =	wrdreg s16  }
0x29: {  	s18 =	sadd.s32 $0xD00, s4;
	[smem:$0x7DB] =	sst s17  }
0x2a: {  	s19 =	sadd.s32 $0x1100, s4;
	[smem:$0x7DC] =	sst s18  }
0x2b: {  	s20 =	sadd.s32 $0x580, s4;
	[smem:$0x7DD] =	sst s19  }
0x2c: {  	s21 =	sadd.s32 $0x980, s4;
	[smem:$0x7DE] =	sst s20  }
0x2d: {  	s22 =	sadd.s32 $0xD80, s4;
	[smem:$0x7DF] =	sst s21  }
0x2e: {  	s23 =	sadd.s32 $0x1180, s4;
	[smem:$0x7E0] =	sst s22  }
0x2f: {  	s24 =	sadd.s32 $0x600, s4;
	[smem:$0x7E1] =	sst s23  }
0x30: {  	s25 =	sadd.s32 $0xA00, s4;
	[smem:$0x7E2] =	sst s24  }
0x31: {  	s26 =	sadd.s32 $0xE00, s4;
	[smem:$0x7E3] =	sst s25  }
0x32: {  	s1 =	sadd.s32 $0x1200, s4;
	[smem:$0x7E4] =	sst s26  }
0x33: {  	s2 =	sadd.s32 $0x680, s4;
	[smem:$0x7E5] =	sst s1  }
0x34: {  	s3 =	sadd.s32 $0xA80, s4;
	[smem:$0x7E6] =	sst s2  }
0x35: {  	s5 =	sadd.s32 $0xE80, s4;
	[smem:$0x7E7] =	sst s3  }
0x36: {  	s6 =	sadd.s32 $0x1280, s4;
	[smem:$0x7E8] =	sst s5  }
0x37: {  	s7 =	sadd.s32 $0x700, s4;
	[smem:$0x7E9] =	sst s6  }
0x38: {  	s8 =	sadd.s32 $0xB00, s4;
	[smem:$0x7EA] =	sst s7  }
0x39: {  	s9 =	sadd.s32 $0xF00, s4;
	[smem:$0x7EB] =	sst s8  }
0x3a: {  	s10 =	sadd.s32 $0x1300, s4;
	[smem:$0x7EC] =	sst s9  }
0x3b: {  	s11 =	sadd.s32 $0x780, s4;
	[smem:$0x7ED] =	sst s10  }
0x3c: {  	s12 =	sadd.s32 $0xB80, s4;
	[smem:$0x7EE] =	sst s11  }
0x3d: {  	s14 =	sadd.s32 $0x1380, s4;
	[smem:$0x7EF] =	sst s12  }
0x3e: {  	s15 =	sadd.s32 $0x14400, s4;
	[smem:$0x7F1] =	sst s14  }
0x3f: {  	s13 =	sadd.s32 $0xF80, s4;
	[smem:$0x7F2] =	sst s15  }
0x40: {  	s29 =	simm.s32 $0x80;
	s16 =	sadd.s32 $0x14800, s4;
	[smem:$0x7F0] =	sst s13  }
0x41: {  	s30 =	simm.s32 $0x400;
	s17 =	sadd.s32 $0x14C00, s4;
	[smem:$0x7F3] =	sst s16  }
0x42: {  	s31 =	simm.s32 $0x1;
	s18 =	sadd.s32 $0x15000, s4;
	[smem:$0x7F4] =	sst s17  }
0x43: {  	s0 =	simm.s32 $0x0;
	s19 =	sadd.s32 $0x14480, s4;
	[smem:$0x7F5] =	sst s18  }
0x44: {  	s28 =	sadd.s32 $0x15380, s4;
	s20 =	sadd.s32 $0x14880, s4;
	[smem:$0x7F6] =	sst s19  }
0x45: {  	s21 =	sadd.s32 $0x14C80, s4;
	s22 =	sadd.s32 $0x15080, s4;
	[smem:$0x7F7] =	sst s20  }
0x46: {  	s23 =	sadd.s32 $0x14500, s4;
	s24 =	sadd.s32 $0x14900, s4;
	[smem:$0x7F8] =	sst s21  }
0x47: {  	s25 =	sadd.s32 $0x14D00, s4;
	s26 =	sadd.s32 $0x15100, s4;
	[smem:$0x7F9] =	sst s22  }
0x48: {  	s8 =	sadd.s32 $0x14580, s4;
	s9 =	sadd.s32 $0x14980, s4;
	[smem:$0x7FA] =	sst s23  }
0x49: {  	s10 =	sadd.s32 $0x14D80, s4;
	s11 =	sadd.s32 $0x15180, s4;
	[smem:$0x7FB] =	sst s24  }
0x4a: {  	s12 =	sadd.s32 $0x14600, s4;
	s14 =	sadd.s32 $0x14E00, s4;
	[smem:$0x7FC] =	sst s25  }
0x4b: {  	s15 =	sadd.s32 $0x15200, s4;
	s1 =	simm.s32 $0x5000;
	[smem:$0x7FD] =	sst s26  }
0x4c: {  	s13 =	sadd.s32 $0x14A00, s4;
	s16 =	sadd.s32 $0x14680, s4;
	s17 =	sadd.s32 $0x14A80, s4  }
0x4d: {  	s18 =	sadd.s32 $0x14E80, s4;
	s19 =	sadd.s32 $0x15280, s4;
	s20 =	sadd.s32 $0x14700, s4  }
0x4e: {  	s21 =	sadd.s32 $0x14B00, s4;
	s22 =	sadd.s32 $0x14F00, s4;
	s23 =	sadd.s32 $0x15300, s4  }
0x4f: {  	v0 =	vimm.f32 $0.0e+00;
	s24 =	sadd.s32 $0x14780, s4;
	s25 =	sadd.s32 $0x14B80, s4;
	s26 =	sadd.s32 $0x14F80, s4  }
.LBB2_1:
0x50: {  	s2 =	simm.s32 $0x0;
	s3 =	rddreg [dreg:$0x3]  }
0x51: {  	[tilespmem:s2], [sflag:$0x1] =	stream.strided.gather [hbm4b:s3+s29], $0x2800, s30, s29, $0x38;
	[tilespmem:$0xCA80] =	vst v63  }
0x52: {  	_ =	swait.ge [sflag:s31], $0x2800  }
0x53: {  	[sflag:s31] =	ssyncset.done $0x0  }
0x54: {  	s7 =	simm.s32 $0x2800;
	s6 =	rddreg [dreg:$0x4];
	[sflag:s31] =	ssyncadd.s32 $0xFFFFD800  }
0x55: {  	[tilespmem:s7], [sflag:$0x1] =	stream.strided.gather [hbm4b:s6+s29], $0x2800, s30, s29, $0x38;
	[tilespmem:$0xCA80] =	vst v63  }
0x56: {  	_ =	swait.ge [sflag:s31], $0x2800  }
0x57: {  	[sflag:s31] =	ssyncset.done $0x0  }
0x58: {  	s2 =	simm.s32 $0x0;
	[sflag:s31] =	ssyncadd.s32 $0xFFFFD800  }
.LBB2_2:
0x59: {  	p0 =	sne.s32 s2, $0x9FC0  }
.Ltmp0:
0x5a: {  	_ = 	snop;
	(pc) =	sbr.rel @p0 .LBB2_2-.Ltmp0, $3  }
0x5b: {  	_ =	sdelay $0x1  }
0x5c: {  	s3 =	sshra.s32 s2, $0x2  }
0x5d: {  	s2 =	sadd.s32 $0x40, s2;
	[tilespmem:s3+$0x5000] =	vst v0  }
0x5e: {  	s3 =	simm.s32 $0x0;
	s2 =	simm.s32 $0x40  }
.LBB2_4:
0x5f: {  	p0 =	sne.s32 s2, $0x9FC0;
	v1 =	vld [tilespmem:s3+$0x0];
	_ =	sdelay $0x2  }
0x60: {  	v2 =	vld [tilespmem:s3+$0x2800]  }
.Ltmp1:
0x61: {  	(pc) =	sbr.rel @p0 .LBB2_4-.Ltmp1, $2  }
0x62: {  	_ =	sdelay $0x2  }
0x63: {  	s3 =	sshra.s32 s2, $0x2;
	s2 =	sadd.s32 $0x40, s2;
	[tilespmem:v1+s1+$0x0] =	vst.idx.add.f32.msk $0xffff, v2  }
0x64: {  	v1 =	vld [tilespmem:s3+$0x0];
	_ =	sdelay $0x2  }
0x65: {  	v2 =	vld [tilespmem:s3+$0x2800];
	_ =	sdelay $0x4  }
0x66: {  	s2 =	rddreg [dreg:$0x5];
	[tilespmem:v1+s1+$0x0] =	vst.idx.add.f32.msk $0xffff, v2  }
0x67: {  	[spmem:s2] =	stream.strided.scatter [tilespmem:s1], [sflag:$0x1], $0x2800, s30, s29, $0x38;
	[tilespmem:$0xCA80] =	vst v63  }
0x68: {  	_ =	swait.ge [sflag:s31], $0x2800  }
0x69: {  	[sflag:s31] =	ssyncset.done $0x0  }
0x6a: {  	[sflag:s31] =	ssyncadd.s32 $0xFFFFD800  }
0x6b: {  	s5 =	simm.s32 $0x7800;
	[bflag:$0x0] =	sbarrier.arrive $0xFFFF  }
0x6c: {  	[tilespmem:s5], [sflag:$0x1] =	stream.linear.gather [spmem:s4], $0x80, $0x38;
	[tilespmem:$0xCA80] =	vst v63  }
0x6d: {  	s7 =	simm.s32 $0x7C00;
	s6 =	rddreg [dreg:$0x17]  }
0x6e: {  	[tilespmem:s7], [sflag:$0x1] =	stream.linear.gather [spmem:s6], $0x80, $0x38;
	[tilespmem:$0xCA80] =	vst v63  }
0x6f: {  	s3 =	rddreg [dreg:$0x18];
	s5 =	simm.s32 $0x8000  }
0x70: {  	[tilespmem:s5], [sflag:$0x1] =	stream.linear.gather [spmem:s3], $0x80, $0x38;
	[tilespmem:$0xCA80] =	vst v63  }
0x71: {  	s6 =	rddreg [dreg:$0x19];
	s7 =	simm.s32 $0x8400  }
0x72: {  	[tilespmem:s7], [sflag:$0x1] =	stream.linear.gather [spmem:s6], $0x80, $0x38;
	[tilespmem:$0xCA80] =	vst v63  }
0x73: {  	s3 =	rddreg [dreg:$0x1a];
	s5 =	simm.s32 $0x8800  }
0x74: {  	[tilespmem:s5], [sflag:$0x1] =	stream.linear.gather [spmem:s3], $0x80, $0x38;
	[tilespmem:$0xCA80] =	vst v63  }
0x75: {  	_ =	swait.ge [sflag:s31], $0x280  }
0x76: {  	[sflag:s31] =	ssyncset.done $0x0  }
0x77: {  	s7 =	simm.s32 $0x7880;
	s6 =	rddreg [dreg:$0x6];
	[sflag:s31] =	ssyncadd.s32 $0xFFFFFD80  }
0x78: {  	[tilespmem:s7], [sflag:$0x1] =	stream.linear.gather [spmem:s6], $0x80, $0x38;
	[tilespmem:$0xCA80] =	vst v63  }
0x79: {  	s5 =	simm.s32 $0x7C80;
	s3 =	rddreg [dreg:$0x1b]  }
0x7a: {  	[tilespmem:s5], [sflag:$0x1] =	stream.linear.gather [spmem:s3], $0x80, $0x38;
	[tilespmem:$0xCA80] =	vst v63  }
0x7b: {  	s6 =	rddreg [dreg:$0x1c];
	s7 =	simm.s32 $0x8080  }
0x7c: {  	[tilespmem:s7], [sflag:$0x1] =	stream.linear.gather [spmem:s6], $0x80, $0x38;
	[tilespmem:$0xCA80] =	vst v63  }
0x7d: {  	s3 =	rddreg [dreg:$0x1d];
	s5 =	simm.s32 $0x8480  }
0x7e: {  	[tilespmem:s5], [sflag:$0x1] =	stream.linear.gather [spmem:s3], $0x80, $0x38;
	[tilespmem:$0xCA80] =	vst v63  }
0x7f: {  	s6 =	rddreg [dreg:$0x1e];
	s7 =	simm.s32 $0x8880  }
0x80: {  	[tilespmem:s7], [sflag:$0x1] =	stream.linear.gather [spmem:s6], $0x80, $0x38;
	[tilespmem:$0xCA80] =	vst v63  }
0x81: {  	_ =	swait.ge [sflag:s31], $0x280  }
0x82: {  	[sflag:s31] =	ssyncset.done $0x0;
	s3 =	rddreg [dreg:$0x7]  }
0x83: {  	s5 =	simm.s32 $0x7900;
	s6 =	rddreg [dreg:$0x1f];
	[sflag:s31] =	ssyncadd.s32 $0xFFFFFD80  }
0x84: {  	[tilespmem:s5], [sflag:$0x1] =	stream.linear.gather [spmem:s3], $0x80, $0x38;
	[tilespmem:$0xCA80] =	vst v63  }
0x85: {  	s7 =	simm.s32 $0x7D00;
	s3 =	sld [smem:$0x7DB]  }
0x86: {  	[tilespmem:s7], [sflag:$0x1] =	stream.linear.gather [spmem:s6], $0x80, $0x38;
	[tilespmem:$0xCA80] =	vst v63  }
0x87: {  	s5 =	simm.s32 $0x8100;
	s6 =	sld [smem:$0x7DC]  }
0x88: {  	[tilespmem:s5], [sflag:$0x1] =	stream.linear.gather [spmem:s3], $0x80, $0x38;
	[tilespmem:$0xCA80] =	vst v63  }
0x89: {  	s7 =	simm.s32 $0x8500;
	s3 =	sld [smem:$0x7DD]  }
0x8a: {  	[tilespmem:s7], [sflag:$0x1] =	stream.linear.gather [spmem:s6], $0x80, $0x38;
	[tilespmem:$0xCA80] =	vst v63  }
0x8b: {  	s5 =	simm.s32 $0x8900  }
0x8c: {  	[tilespmem:s5], [sflag:$0x1] =	stream.linear.gather [spmem:s3], $0x80, $0x38;
	[tilespmem:$0xCA80] =	vst v63  }
0x8d: {  	_ =	swait.ge [sflag:s31], $0x280  }
0x8e: {  	[sflag:s31] =	ssyncset.done $0x0;
	s6 =	rddreg [dreg:$0x8]  }
0x8f: {  	s7 =	simm.s32 $0x7980;
	s3 =	sld [smem:$0x7DE];
	[sflag:s31] =	ssyncadd.s32 $0xFFFFFD80  }
0x90: {  	[tilespmem:s7], [sflag:$0x1] =	stream.linear.gather [spmem:s6], $0x80, $0x38;
	[tilespmem:$0xCA80] =	vst v63  }
0x91: {  	s5 =	simm.s32 $0x7D80;
	s6 =	sld [smem:$0x7DF]  }
0x92: {  	[tilespmem:s5], [sflag:$0x1] =	stream.linear.gather [spmem:s3], $0x80, $0x38;
	[tilespmem:$0xCA80] =	vst v63  }
0x93: {  	s7 =	simm.s32 $0x8180;
	s3 =	sld [smem:$0x7E0]  }
0x94: {  	[tilespmem:s7], [sflag:$0x1] =	stream.linear.gather [spmem:s6], $0x80, $0x38;
	[tilespmem:$0xCA80] =	vst v63  }
0x95: {  	s5 =	simm.s32 $0x8580;
	s6 =	sld [smem:$0x7E1]  }
0x96: {  	[tilespmem:s5], [sflag:$0x1] =	stream.linear.gather [spmem:s3], $0x80, $0x38;
	[tilespmem:$0xCA80] =	vst v63  }
0x97: {  	s7 =	simm.s32 $0x8980  }
0x98: {  	[tilespmem:s7], [sflag:$0x1] =	stream.linear.gather [spmem:s6], $0x80, $0x38;
	[tilespmem:$0xCA80] =	vst v63  }
0x99: {  	_ =	swait.ge [sflag:s31], $0x280  }
0x9a: {  	[sflag:s31] =	ssyncset.done $0x0;
	s3 =	rddreg [dreg:$0x9]  }
0x9b: {  	s5 =	simm.s32 $0x7A00;
	s6 =	sld [smem:$0x7E2];
	[sflag:s31] =	ssyncadd.s32 $0xFFFFFD80  }
0x9c: {  	[tilespmem:s5], [sflag:$0x1] =	stream.linear.gather [spmem:s3], $0x80, $0x38;
	[tilespmem:$0xCA80] =	vst v63  }
0x9d: {  	s7 =	simm.s32 $0x7E00;
	s3 =	sld [smem:$0x7E3]  }
0x9e: {  	[tilespmem:s7], [sflag:$0x1] =	stream.linear.gather [spmem:s6], $0x80, $0x38;
	[tilespmem:$0xCA80] =	vst v63  }
0x9f: {  	s5 =	simm.s32 $0x8200;
	s6 =	sld [smem:$0x7E4]  }
0xa0: {  	[tilespmem:s5], [sflag:$0x1] =	stream.linear.gather [spmem:s3], $0x80, $0x38;
	[tilespmem:$0xCA80] =	vst v63  }
0xa1: {  	s7 =	simm.s32 $0x8600;
	s3 =	sld [smem:$0x7E5]  }
0xa2: {  	[tilespmem:s7], [sflag:$0x1] =	stream.linear.gather [spmem:s6], $0x80, $0x38;
	[tilespmem:$0xCA80] =	vst v63  }
0xa3: {  	s5 =	simm.s32 $0x8A00  }
0xa4: {  	[tilespmem:s5], [sflag:$0x1] =	stream.linear.gather [spmem:s3], $0x80, $0x38;
	[tilespmem:$0xCA80] =	vst v63  }
0xa5: {  	_ =	swait.ge [sflag:s31], $0x280  }
0xa6: {  	[sflag:s31] =	ssyncset.done $0x0;
	s6 =	rddreg [dreg:$0xa]  }
0xa7: {  	s7 =	simm.s32 $0x7A80;
	s3 =	sld [smem:$0x7E6];
	[sflag:s31] =	ssyncadd.s32 $0xFFFFFD80  }
0xa8: {  	[tilespmem:s7], [sflag:$0x1] =	stream.linear.gather [spmem:s6], $0x80, $0x38;
	[tilespmem:$0xCA80] =	vst v63  }
0xa9: {  	s5 =	simm.s32 $0x7E80;
	s6 =	sld [smem:$0x7E7]  }
0xaa: {  	[tilespmem:s5], [sflag:$0x1] =	stream.linear.gather [spmem:s3], $0x80, $0x38;
	[tilespmem:$0xCA80] =	vst v63  }
0xab: {  	s7 =	simm.s32 $0x8280;
	s3 =	sld [smem:$0x7E8]  }
0xac: {  	[tilespmem:s7], [sflag:$0x1] =	stream.linear.gather [spmem:s6], $0x80, $0x38;
	[tilespmem:$0xCA80] =	vst v63  }
0xad: {  	s5 =	simm.s32 $0x8680;
	s6 =	sld [smem:$0x7E9]  }
0xae: {  	[tilespmem:s5], [sflag:$0x1] =	stream.linear.gather [spmem:s3], $0x80, $0x38;
	[tilespmem:$0xCA80] =	vst v63  }
0xaf: {  	s7 =	simm.s32 $0x8A80  }
0xb0: {  	[tilespmem:s7], [sflag:$0x1] =	stream.linear.gather [spmem:s6], $0x80, $0x38;
	[tilespmem:$0xCA80] =	vst v63  }
0xb1: {  	_ =	swait.ge [sflag:s31], $0x280  }
0xb2: {  	[sflag:s31] =	ssyncset.done $0x0;
	s3 =	rddreg [dreg:$0xb]  }
0xb3: {  	s5 =	simm.s32 $0x7B00;
	s6 =	sld [smem:$0x7EA];
	[sflag:s31] =	ssyncadd.s32 $0xFFFFFD80  }
0xb4: {  	[tilespmem:s5], [sflag:$0x1] =	stream.linear.gather [spmem:s3], $0x80, $0x38;
	[tilespmem:$0xCA80] =	vst v63  }
0xb5: {  	s7 =	simm.s32 $0x7F00;
	s3 =	sld [smem:$0x7EB]  }
0xb6: {  	[tilespmem:s7], [sflag:$0x1] =	stream.linear.gather [spmem:s6], $0x80, $0x38;
	[tilespmem:$0xCA80] =	vst v63  }
0xb7: {  	s5 =	simm.s32 $0x8300;
	s6 =	sld [smem:$0x7EC]  }
0xb8: {  	[tilespmem:s5], [sflag:$0x1] =	stream.linear.gather [spmem:s3], $0x80, $0x38;
	[tilespmem:$0xCA80] =	vst v63  }
0xb9: {  	s7 =	simm.s32 $0x8700;
	s3 =	sld [smem:$0x7ED]  }
0xba: {  	[tilespmem:s7], [sflag:$0x1] =	stream.linear.gather [spmem:s6], $0x80, $0x38;
	[tilespmem:$0xCA80] =	vst v63  }
0xbb: {  	s5 =	simm.s32 $0x8B00  }
0xbc: {  	[tilespmem:s5], [sflag:$0x1] =	stream.linear.gather [spmem:s3], $0x80, $0x38;
	[tilespmem:$0xCA80] =	vst v63  }
0xbd: {  	_ =	swait.ge [sflag:s31], $0x280  }
0xbe: {  	[sflag:s31] =	ssyncset.done $0x0;
	s6 =	rddreg [dreg:$0xc]  }
0xbf: {  	s7 =	simm.s32 $0x7B80;
	s3 =	sld [smem:$0x7EE];
	[sflag:s31] =	ssyncadd.s32 $0xFFFFFD80  }
0xc0: {  	[tilespmem:s7], [sflag:$0x1] =	stream.linear.gather [spmem:s6], $0x80, $0x38;
	[tilespmem:$0xCA80] =	vst v63  }
0xc1: {  	s5 =	simm.s32 $0x7F80;
	s6 =	sld [smem:$0x7EF]  }
0xc2: {  	[tilespmem:s5], [sflag:$0x1] =	stream.linear.gather [spmem:s3], $0x80, $0x38;
	[tilespmem:$0xCA80] =	vst v63  }
0xc3: {  	s7 =	simm.s32 $0x8380;
	s3 =	sld [smem:$0x7F0]  }
0xc4: {  	[tilespmem:s7], [sflag:$0x1] =	stream.linear.gather [spmem:s6], $0x80, $0x38;
	[tilespmem:$0xCA80] =	vst v63  }
0xc5: {  	s5 =	simm.s32 $0x8780;
	s6 =	sld [smem:$0x7F1]  }
0xc6: {  	[tilespmem:s5], [sflag:$0x1] =	stream.linear.gather [spmem:s3], $0x80, $0x38;
	[tilespmem:$0xCA80] =	vst v63  }
0xc7: {  	s7 =	simm.s32 $0x8B80  }
0xc8: {  	[tilespmem:s7], [sflag:$0x1] =	stream.linear.gather [spmem:s6], $0x80, $0x38;
	[tilespmem:$0xCA80] =	vst v63  }
0xc9: {  	_ =	swait.ge [sflag:s31], $0x280  }
0xca: {  	[sflag:s31] =	ssyncset.done $0x0;
	s3 =	rddreg [dreg:$0xd]  }
0xcb: {  	s5 =	simm.s32 $0x8C00;
	s6 =	sld [smem:$0x7F2];
	[sflag:s31] =	ssyncadd.s32 $0xFFFFFD80  }
0xcc: {  	[tilespmem:s5], [sflag:$0x1] =	stream.linear.gather [spmem:s3], $0x80, $0x38;
	[tilespmem:$0xCA80] =	vst v63  }
0xcd: {  	s7 =	simm.s32 $0x9000;
	s3 =	sld [smem:$0x7F3]  }
0xce: {  	[tilespmem:s7], [sflag:$0x1] =	stream.linear.gather [spmem:s6], $0x80, $0x38;
	[tilespmem:$0xCA80] =	vst v63  }
0xcf: {  	s5 =	simm.s32 $0x9400;
	s6 =	sld [smem:$0x7F4]  }
0xd0: {  	[tilespmem:s5], [sflag:$0x1] =	stream.linear.gather [spmem:s3], $0x80, $0x38;
	[tilespmem:$0xCA80] =	vst v63  }
0xd1: {  	s7 =	simm.s32 $0x9800;
	s3 =	sld [smem:$0x7F5]  }
0xd2: {  	[tilespmem:s7], [sflag:$0x1] =	stream.linear.gather [spmem:s6], $0x80, $0x38;
	[tilespmem:$0xCA80] =	vst v63  }
0xd3: {  	s5 =	simm.s32 $0x9C00  }
0xd4: {  	[tilespmem:s5], [sflag:$0x1] =	stream.linear.gather [spmem:s3], $0x80, $0x38;
	[tilespmem:$0xCA80] =	vst v63  }
0xd5: {  	_ =	swait.ge [sflag:s31], $0x280  }
0xd6: {  	[sflag:s31] =	ssyncset.done $0x0;
	s6 =	rddreg [dreg:$0xe]  }
0xd7: {  	s7 =	simm.s32 $0x8C80;
	s3 =	sld [smem:$0x7F6];
	[sflag:s31] =	ssyncadd.s32 $0xFFFFFD80  }
0xd8: {  	[tilespmem:s7], [sflag:$0x1] =	stream.linear.gather [spmem:s6], $0x80, $0x38;
	[tilespmem:$0xCA80] =	vst v63  }
0xd9: {  	s5 =	simm.s32 $0x9080;
	s6 =	sld [smem:$0x7F7]  }
0xda: {  	[tilespmem:s5], [sflag:$0x1] =	stream.linear.gather [spmem:s3], $0x80, $0x38;
	[tilespmem:$0xCA80] =	vst v63  }
0xdb: {  	s7 =	simm.s32 $0x9480;
	s3 =	sld [smem:$0x7F8]  }
0xdc: {  	[tilespmem:s7], [sflag:$0x1] =	stream.linear.gather [spmem:s6], $0x80, $0x38;
	[tilespmem:$0xCA80] =	vst v63  }
0xdd: {  	s5 =	simm.s32 $0x9880;
	s6 =	sld [smem:$0x7F9]  }
0xde: {  	[tilespmem:s5], [sflag:$0x1] =	stream.linear.gather [spmem:s3], $0x80, $0x38;
	[tilespmem:$0xCA80] =	vst v63  }
0xdf: {  	s7 =	simm.s32 $0x9C80  }
0xe0: {  	[tilespmem:s7], [sflag:$0x1] =	stream.linear.gather [spmem:s6], $0x80, $0x38;
	[tilespmem:$0xCA80] =	vst v63  }
0xe1: {  	_ =	swait.ge [sflag:s31], $0x280  }
0xe2: {  	[sflag:s31] =	ssyncset.done $0x0;
	s3 =	rddreg [dreg:$0xf]  }
0xe3: {  	s5 =	simm.s32 $0x8D00;
	s6 =	sld [smem:$0x7FA];
	[sflag:s31] =	ssyncadd.s32 $0xFFFFFD80  }
0xe4: {  	[tilespmem:s5], [sflag:$0x1] =	stream.linear.gather [spmem:s3], $0x80, $0x38;
	[tilespmem:$0xCA80] =	vst v63  }
0xe5: {  	s7 =	simm.s32 $0x9100;
	s3 =	sld [smem:$0x7FB]  }
0xe6: {  	[tilespmem:s7], [sflag:$0x1] =	stream.linear.gather [spmem:s6], $0x80, $0x38;
	[tilespmem:$0xCA80] =	vst v63  }
0xe7: {  	s5 =	simm.s32 $0x9500;
	s6 =	sld [smem:$0x7FC]  }
0xe8: {  	[tilespmem:s5], [sflag:$0x1] =	stream.linear.gather [spmem:s3], $0x80, $0x38;
	[tilespmem:$0xCA80] =	vst v63  }
0xe9: {  	s7 =	simm.s32 $0x9900;
	s3 =	sld [smem:$0x7FD]  }
0xea: {  	[tilespmem:s7], [sflag:$0x1] =	stream.linear.gather [spmem:s6], $0x80, $0x38;
	[tilespmem:$0xCA80] =	vst v63  }
0xeb: {  	s5 =	simm.s32 $0x9D00  }
0xec: {  	[tilespmem:s5], [sflag:$0x1] =	stream.linear.gather [spmem:s3], $0x80, $0x38;
	[tilespmem:$0xCA80] =	vst v63  }
0xed: {  	_ =	swait.ge [sflag:s31], $0x280  }
0xee: {  	[sflag:s31] =	ssyncset.done $0x0  }
0xef: {  	s7 =	simm.s32 $0x8D80;
	s6 =	rddreg [dreg:$0x10];
	[sflag:s31] =	ssyncadd.s32 $0xFFFFFD80  }
0xf0: {  	[tilespmem:s7], [sflag:$0x1] =	stream.linear.gather [spmem:s6], $0x80, $0x38;
	[tilespmem:$0xCA80] =	vst v63  }
0xf1: {  	s3 =	simm.s32 $0x9180  }
0xf2: {  	[tilespmem:s3], [sflag:$0x1] =	stream.linear.gather [spmem:s8], $0x80, $0x38;
	[tilespmem:$0xCA80] =	vst v63  }
0xf3: {  	s5 =	simm.s32 $0x9580  }
0xf4: {  	[tilespmem:s5], [sflag:$0x1] =	stream.linear.gather [spmem:s9], $0x80, $0x38;
	[tilespmem:$0xCA80] =	vst v63  }
0xf5: {  	s6 =	simm.s32 $0x9980  }
0xf6: {  	[tilespmem:s6], [sflag:$0x1] =	stream.linear.gather [spmem:s10], $0x80, $0x38;
	[tilespmem:$0xCA80] =	vst v63  }
0xf7: {  	s7 =	simm.s32 $0x9D80  }
0xf8: {  	[tilespmem:s7], [sflag:$0x1] =	stream.linear.gather [spmem:s11], $0x80, $0x38;
	[tilespmem:$0xCA80] =	vst v63  }
0xf9: {  	_ =	swait.ge [sflag:s31], $0x280  }
0xfa: {  	[sflag:s31] =	ssyncset.done $0x0  }
0xfb: {  	s5 =	simm.s32 $0x8E00;
	s3 =	rddreg [dreg:$0x11];
	[sflag:s31] =	ssyncadd.s32 $0xFFFFFD80  }
0xfc: {  	[tilespmem:s5], [sflag:$0x1] =	stream.linear.gather [spmem:s3], $0x80, $0x38;
	[tilespmem:$0xCA80] =	vst v63  }
0xfd: {  	s6 =	simm.s32 $0x9200  }
0xfe: {  	[tilespmem:s6], [sflag:$0x1] =	stream.linear.gather [spmem:s12], $0x80, $0x38;
	[tilespmem:$0xCA80] =	vst v63  }
0xff: {  	s7 =	simm.s32 $0x9600  }
0x100: {  	[tilespmem:s7], [sflag:$0x1] =	stream.linear.gather [spmem:s13], $0x80, $0x38;
	[tilespmem:$0xCA80] =	vst v63  }
0x101: {  	s3 =	simm.s32 $0x9A00  }
0x102: {  	[tilespmem:s3], [sflag:$0x1] =	stream.linear.gather [spmem:s14], $0x80, $0x38;
	[tilespmem:$0xCA80] =	vst v63  }
0x103: {  	s5 =	simm.s32 $0x9E00  }
0x104: {  	[tilespmem:s5], [sflag:$0x1] =	stream.linear.gather [spmem:s15], $0x80, $0x38;
	[tilespmem:$0xCA80] =	vst v63  }
0x105: {  	_ =	swait.ge [sflag:s31], $0x280  }
0x106: {  	[sflag:s31] =	ssyncset.done $0x0  }
0x107: {  	s7 =	simm.s32 $0x8E80;
	s6 =	rddreg [dreg:$0x12];
	[sflag:s31] =	ssyncadd.s32 $0xFFFFFD80  }
0x108: {  	[tilespmem:s7], [sflag:$0x1] =	stream.linear.gather [spmem:s6], $0x80, $0x38;
	[tilespmem:$0xCA80] =	vst v63  }
0x109: {  	s3 =	simm.s32 $0x9280  }
0x10a: {  	[tilespmem:s3], [sflag:$0x1] =	stream.linear.gather [spmem:s16], $0x80, $0x38;
	[tilespmem:$0xCA80] =	vst v63  }
0x10b: {  	s5 =	simm.s32 $0x9680  }
0x10c: {  	[tilespmem:s5], [sflag:$0x1] =	stream.linear.gather [spmem:s17], $0x80, $0x38;
	[tilespmem:$0xCA80] =	vst v63  }
0x10d: {  	s6 =	simm.s32 $0x9A80  }
0x10e: {  	[tilespmem:s6], [sflag:$0x1] =	stream.linear.gather [spmem:s18], $0x80, $0x38;
	[tilespmem:$0xCA80] =	vst v63  }
0x10f: {  	s7 =	simm.s32 $0x9E80  }
0x110: {  	[tilespmem:s7], [sflag:$0x1] =	stream.linear.gather [spmem:s19], $0x80, $0x38;
	[tilespmem:$0xCA80] =	vst v63  }
0x111: {  	_ =	swait.ge [sflag:s31], $0x280  }
0x112: {  	[sflag:s31] =	ssyncset.done $0x0  }
0x113: {  	s5 =	simm.s32 $0x8F00;
	s3 =	rddreg [dreg:$0x13];
	[sflag:s31] =	ssyncadd.s32 $0xFFFFFD80  }
0x114: {  	[tilespmem:s5], [sflag:$0x1] =	stream.linear.gather [spmem:s3], $0x80, $0x38;
	[tilespmem:$0xCA80] =	vst v63  }
0x115: {  	s6 =	simm.s32 $0x9300  }
0x116: {  	[tilespmem:s6], [sflag:$0x1] =	stream.linear.gather [spmem:s20], $0x80, $0x38;
	[tilespmem:$0xCA80] =	vst v63  }
0x117: {  	s7 =	simm.s32 $0x9700  }
0x118: {  	[tilespmem:s7], [sflag:$0x1] =	stream.linear.gather [spmem:s21], $0x80, $0x38;
	[tilespmem:$0xCA80] =	vst v63  }
0x119: {  	s3 =	simm.s32 $0x9B00  }
0x11a: {  	[tilespmem:s3], [sflag:$0x1] =	stream.linear.gather [spmem:s22], $0x80, $0x38;
	[tilespmem:$0xCA80] =	vst v63  }
0x11b: {  	s5 =	simm.s32 $0x9F00  }
0x11c: {  	[tilespmem:s5], [sflag:$0x1] =	stream.linear.gather [spmem:s23], $0x80, $0x38;
	[tilespmem:$0xCA80] =	vst v63  }
0x11d: {  	_ =	swait.ge [sflag:s31], $0x280  }
0x11e: {  	[sflag:s31] =	ssyncset.done $0x0  }
0x11f: {  	s7 =	simm.s32 $0x8F80;
	s6 =	rddreg [dreg:$0x14];
	[sflag:s31] =	ssyncadd.s32 $0xFFFFFD80  }
0x120: {  	[tilespmem:s7], [sflag:$0x1] =	stream.linear.gather [spmem:s6], $0x80, $0x38;
	[tilespmem:$0xCA80] =	vst v63  }
0x121: {  	s5 =	simm.s32 $0x9380  }
0x122: {  	[tilespmem:s5], [sflag:$0x1] =	stream.linear.gather [spmem:s24], $0x80, $0x38;
	[tilespmem:$0xCA80] =	vst v63  }
0x123: {  	s6 =	simm.s32 $0x9780  }
0x124: {  	[tilespmem:s6], [sflag:$0x1] =	stream.linear.gather [spmem:s25], $0x80, $0x38;
	[tilespmem:$0xCA80] =	vst v63  }
0x125: {  	s7 =	simm.s32 $0x9B80  }
0x126: {  	[tilespmem:s7], [sflag:$0x1] =	stream.linear.gather [spmem:s26], $0x80, $0x38;
	[tilespmem:$0xCA80] =	vst v63  }
0x127: {  	s3 =	simm.s32 $0x9F80  }
0x128: {  	[tilespmem:s3], [sflag:$0x1] =	stream.linear.gather [spmem:s28], $0x80, $0x38;
	[tilespmem:$0xCA80] =	vst v63  }
0x129: {  	s5 =	simm.s32 $0x0;
	_ =	swait.ge [sflag:s31], $0x280  }
0x12a: {  	s2 =	sand.u32 $0x1C00, s5;
	s6 =	sand.u32 $0x70, s5;
	[sflag:s31] =	ssyncset.done $0x0  }
0x12b: {  	s2 =	sor.u32 s6, s2;
	[sflag:s31] =	ssyncadd.s32 $0xFFFFFD80  }
0x12c: {  	v1 =	vld [tilespmem:s2+$0x7880]  }
0x12d: {  	v2 =	vld [tilespmem:s2+$0x7800];
	_ =	sdelay $0x1  }
0x12e: {  	v3 =	vld [tilespmem:s2+$0x7900];
	_ =	sdelay $0x1  }
0x12f: {  	v4 =	vld [tilespmem:s2+$0x7980]  }
0x130: {  	v1 =	vadd.f32 v1, v2  }
0x131: {  	v2 =	vld [tilespmem:s2+$0x7A00]  }
0x132: {  	v1 =	vadd.f32 v3, v1  }
0x133: {  	v3 =	vld [tilespmem:s2+$0x7A80]  }
0x134: {  	v1 =	vadd.f32 v4, v1  }
0x135: {  	v60 =	vld [tilespmem:s2+$0x7B00]  }
0x136: {  	v1 =	vadd.f32 v2, v1  }
0x137: {  	v2 =	vld [tilespmem:s2+$0x7B80]  }
0x138: {  	v1 =	vadd.f32 v3, v1  }
0x139: {  	v3 =	vld [tilespmem:s2+$0x8C00]  }
0x13a: {  	v1 =	vadd.f32 v60, v1  }
0x13b: {  	v61 =	vld [tilespmem:s2+$0x8C80]  }
0x13c: {  	v1 =	vadd.f32 v2, v1  }
0x13d: {  	v2 =	vld [tilespmem:s2+$0x8D00]  }
0x13e: {  	v1 =	vadd.f32 v3, v1  }
0x13f: {  	v3 =	vld [tilespmem:s2+$0x8D80]  }
0x140: {  	v1 =	vadd.f32 v61, v1  }
0x141: {  	v62 =	vld [tilespmem:s2+$0x8E00]  }
0x142: {  	v1 =	vadd.f32 v2, v1  }
0x143: {  	v2 =	vld [tilespmem:s2+$0x8E80]  }
0x144: {  	v1 =	vadd.f32 v3, v1  }
0x145: {  	v3 =	vld [tilespmem:s2+$0x8F00]  }
0x146: {  	v1 =	vadd.f32 v62, v1  }
0x147: {  	v63 =	vld [tilespmem:s2+$0x8F80]  }
0x148: {  	v1 =	vadd.f32 v2, v1;
	_ =	sdelay $0x1  }
0x149: {  	v1 =	vadd.f32 v3, v1;
	_ =	sdelay $0x1  }
0x14a: {  	s5 =	simm.s32 $0x80;
	s7 =	simm.s32 $0x10;
	v1 =	vadd.f32 v63, v1  }
0x14b: {  	s6 =	sand.u32 $0x1C00, s5;
	s3 =	sand.u32 $0x70, s7;
	s2 =	simm.s32 $0xA000  }
0x14c: {  	s3 =	sor.u32 s3, s6;
	s6 =	simm.s32 $0x20;
	[tilespmem:s2+$0x0] =	vst v1  }
.LBB2_6:
0x14d: {  	p0 =	sne.s32 s6, $0x270;
	v1 =	vld [tilespmem:s3+$0x7880]  }
0x14e: {  	v2 =	vld [tilespmem:s3+$0x7800];
	_ =	sdelay $0x1  }
0x14f: {  	v3 =	vld [tilespmem:s3+$0x7900];
	_ =	sdelay $0x1  }
0x150: {  	v4 =	vld [tilespmem:s3+$0x7980]  }
0x151: {  	v1 =	vadd.f32 v1, v2  }
0x152: {  	v2 =	vld [tilespmem:s3+$0x7A00]  }
0x153: {  	v1 =	vadd.f32 v3, v1  }
0x154: {  	v3 =	vld [tilespmem:s3+$0x7A80]  }
0x155: {  	v1 =	vadd.f32 v4, v1  }
0x156: {  	v4 =	vld [tilespmem:s3+$0x7B00]  }
0x157: {  	v1 =	vadd.f32 v2, v1  }
0x158: {  	v2 =	vld [tilespmem:s3+$0x7B80]  }
0x159: {  	v1 =	vadd.f32 v3, v1  }
0x15a: {  	v3 =	vld [tilespmem:s3+$0x8C00]  }
0x15b: {  	v1 =	vadd.f32 v4, v1  }
0x15c: {  	v4 =	vld [tilespmem:s3+$0x8C80]  }
0x15d: {  	v1 =	vadd.f32 v2, v1  }
0x15e: {  	v2 =	vld [tilespmem:s3+$0x8D00]  }
0x15f: {  	v1 =	vadd.f32 v3, v1  }
0x160: {  	v3 =	vld [tilespmem:s3+$0x8D80]  }
0x161: {  	v1 =	vadd.f32 v4, v1  }
0x162: {  	v4 =	vld [tilespmem:s3+$0x8E00]  }
0x163: {  	v1 =	vadd.f32 v2, v1  }
0x164: {  	v2 =	vld [tilespmem:s3+$0x8E80]  }
0x165: {  	v1 =	vadd.f32 v3, v1  }
0x166: {  	v3 =	vld [tilespmem:s3+$0x8F00]  }
0x167: {  	v1 =	vadd.f32 v4, v1  }
0x168: {  	v4 =	vld [tilespmem:s3+$0x8F80]  }
0x169: {  	v1 =	vadd.f32 v2, v1;
	_ =	sdelay $0x1  }
.Ltmp2:
0x16a: {  	v1 =	vadd.f32 v3, v1;
	(pc) =	sbr.rel @p0 .LBB2_6-.Ltmp2, $4  }
0x16b: {  	_ = 	snop  }
0x16c: {  	s5 =	sadd.s32 $0x80, s5;
	v1 =	vadd.f32 v4, v1  }
0x16d: {  	s2 =	sadd.s32 $0x10, s2;
	s7 =	sand.u32 $0x1C00, s5;
	s3 =	sand.u32 $0x70, s6  }
0x16e: {  	s6 =	sadd.s32 $0x10, s6;
	s3 =	sor.u32 s3, s7;
	[tilespmem:s2+$0x0] =	vst v1  }
0x16f: {  	v1 =	vld [tilespmem:s3+$0x7880]  }
0x170: {  	v2 =	vld [tilespmem:s3+$0x7800];
	_ =	sdelay $0x1  }
0x171: {  	v3 =	vld [tilespmem:s3+$0x7900];
	_ =	sdelay $0x1  }
0x172: {  	v4 =	vld [tilespmem:s3+$0x7980]  }
0x173: {  	v1 =	vadd.f32 v1, v2  }
0x174: {  	v2 =	vld [tilespmem:s3+$0x7A00]  }
0x175: {  	v1 =	vadd.f32 v3, v1  }
0x176: {  	v3 =	vld [tilespmem:s3+$0x7A80]  }
0x177: {  	v1 =	vadd.f32 v4, v1  }
0x178: {  	v60 =	vld [tilespmem:s3+$0x7B00]  }
0x179: {  	v1 =	vadd.f32 v2, v1  }
0x17a: {  	v2 =	vld [tilespmem:s3+$0x7B80]  }
0x17b: {  	v1 =	vadd.f32 v3, v1  }
0x17c: {  	v3 =	vld [tilespmem:s3+$0x8C00]  }
0x17d: {  	v1 =	vadd.f32 v60, v1  }
0x17e: {  	v61 =	vld [tilespmem:s3+$0x8C80]  }
0x17f: {  	v1 =	vadd.f32 v2, v1  }
0x180: {  	v2 =	vld [tilespmem:s3+$0x8D00]  }
0x181: {  	v1 =	vadd.f32 v3, v1  }
0x182: {  	v3 =	vld [tilespmem:s3+$0x8D80]  }
0x183: {  	v1 =	vadd.f32 v61, v1  }
0x184: {  	v62 =	vld [tilespmem:s3+$0x8E00]  }
0x185: {  	v1 =	vadd.f32 v2, v1  }
0x186: {  	v2 =	vld [tilespmem:s3+$0x8E80]  }
0x187: {  	v1 =	vadd.f32 v3, v1  }
0x188: {  	v3 =	vld [tilespmem:s3+$0x8F00]  }
0x189: {  	v1 =	vadd.f32 v62, v1  }
0x18a: {  	v63 =	vld [tilespmem:s3+$0x8F80]  }
0x18b: {  	v1 =	vadd.f32 v2, v1;
	_ =	sdelay $0x1  }
0x18c: {  	v1 =	vadd.f32 v3, v1;
	_ =	sdelay $0x1  }
0x18d: {  	v1 =	vadd.f32 v63, v1  }
0x18e: {  	s2 =	sadd.s32 $0x10, s2  }
0x18f: {  	s6 =	simm.s32 $0x100;
	s5 =	simm.s32 $0xA000;
	s3 =	rddreg [dreg:$0x15];
	[tilespmem:s2+$0x0] =	vst v1  }
0x190: {  	[hbm4b:s3+s29] =	stream.strided.scatter [tilespmem:s5], [sflag:$0x1], $0x280, s6, s29, $0x38;
	[tilespmem:$0xCA80] =	vst v63  }
0x191: {  	_ =	swait.ge [sflag:s31], $0x280  }
0x192: {  	s0 =	sadd.s32 $0x1, s0;
	s7 =	rddreg [dreg:$0x16]  }
0x193: {  	p0 =	sne.s32 s0, s7  }
.Ltmp3:
0x194: {  	_ = 	snop;
	(pc) =	sbr.rel @p0 .LBB2_1-.Ltmp3, $3  }
0x195: {  	_ =	sdelay $0x1  }
0x196: {  	[sflag:s31] =	ssyncset.done $0x0  }
0x197: {  	[sflag:s31] =	ssyncadd.s32 $0xFFFFFD80  }
0x198: {  	_ =	sfence.sel $0x180000  }
0x199: {  	[bflag:$0x0] =	sbarrier.arrive $0xFFFF  }
0x19a: {  	_ =	strace $0x90000047  }
0x19b: {  	s0 =	stileid.u32;
	[bflag:$0x2] =	sbarrier.arrive $0xFFFF  }
0x19c: {  	p0 =	sne.s32 s0, $0x0;
	s0 =	rddreg [dreg:$0x2]  }
0x19d: {  	s0 =	sadd.s32 @!p0 $0x100000, s0  }
0x19e: {  	[sflag:s0] =	ssyncadd.tile.s32 @!p0 $0x1;
	_ =	shalt  }
.Lfunc_end2:
_tile_overlayer_lowered:
.L_overlay_start_2:
0x19f: {  	(tag) =	ssettag $0x2  }
0x1a0: {  	s0 =	rddreg [dreg:$0x0];
	s2 =	stileid.u32  }
0x1a1: {  	s1 =	rddreg [dreg:$0x1];
	p0 =	sne.s32 s2, $0x0  }
0x1a2: {  	s3 =	rddreg [dreg:$0x2];
	[bflag:$0x3] =	sbarrier.arrive $0xFFFF;
	s2 =	simm.s32 @!p0 $0x1C01  }
0x1a3: {  	[timem:s3], [sflag:s2] =	dma.local @!p0 [hbm:s0], s1  }
0x1a4: {  	s0 =	simm.s32 @!p0 $0x1  }
0x1a5: {  	_ =	swait.ge @!p0 [sflag:s0], s1  }
0x1a6: {  	s1 =	ssub.s32 @!p0 $0x0, s1;
	[sflag:s0] =	ssyncset.done @!p0 $0x0  }
0x1a7: {  	[sflag:s0] =	ssyncadd.s32 @!p0 s1  }
0x1a8: {  	[bflag:$0x3] =	sbarrier.arrive $0xFFFF  }
0x1a9: {  	_ =	shalt  }

</sc_bundles>
